<compile_context>
chip_gen: v7x
topology: tpu7x:2x2x1
jax: 0.10.2.dev20260603
libtpu: 0.0.44.dev20260713+nightly
codegen_flags: <defaults>
</compile_context>

<pallas_src>
import functools

import jax
import jax.numpy as jnp
from jax import lax
from jax.experimental import pallas as pl
from jax.experimental.pallas import tpu as pltpu
from jax.experimental.pallas import tpu_sc as plsc

NUM_LAYER = 5
EMB = 128
N = 10000
E = 320000

NC = 2
NS = 16
NW = NC * NS
CH = 128
NP = 10240
NCH_E = 80
EPAD = NW * CH * NCH_E
NCH_N = NP // CH
RPT = NP // NS

_MESH = plsc.VectorSubcoreMesh(core_axis_name="c", subcore_axis_name="s")


def _sc_spmm(nch, width):

  stage = nch // 2

  @functools.partial(
      pl.kernel,
      out_type=jax.ShapeDtypeStruct((NC, NP, width), jnp.float32),
      mesh=_MESH,
      scratch_types=[
          pltpu.VMEM((stage, CH), jnp.int32),
          pltpu.VMEM((stage, CH), jnp.int32),
          pltpu.VMEM((CH, width), jnp.float32),
          pltpu.VMEM((CH, width), jnp.float32),
          pltpu.VMEM_SHARED((NP, width), jnp.float32),
          pltpu.SemaphoreType.DMA,
          pltpu.SemaphoreType.DMA,
      ],
  )
  def k(tbl_hbm, src_hbm, dst_hbm, zeros_hbm, out_hbm, srcv, dstv, rows0,
        rows1, acc, sem0, sem1):
    c = lax.axis_index("c")
    s = lax.axis_index("s")
    w = c * NS + s
    pltpu.sync_copy(zeros_hbm, acc.at[pl.ds(s * RPT, RPT)])
    plsc.subcore_barrier()

    for hh in range(2):
      pltpu.sync_copy(src_hbm.at[w, pl.ds(hh * stage, stage)], srcv)
      pltpu.sync_copy(dst_hbm.at[w, pl.ds(hh * stage, stage)], dstv)
      pltpu.async_copy(tbl_hbm.at[srcv.at[0]], rows0, sem0)

      def body(g, carry):
        j0 = 2 * g
        j1 = j0 + 1
        pltpu.async_copy(tbl_hbm.at[srcv.at[j1]], rows1, sem1)
        pltpu.make_async_copy(tbl_hbm.at[srcv.at[j0]], rows0, sem0).wait()
        pltpu.sync_copy(rows0, acc.at[dstv.at[j0]], add=True)

        @pl.when(j1 + 1 < stage)
        def _():
          pltpu.async_copy(tbl_hbm.at[srcv.at[j1 + 1]], rows0, sem0)

        pltpu.make_async_copy(tbl_hbm.at[srcv.at[j1]], rows1, sem1).wait()
        pltpu.sync_copy(rows1, acc.at[dstv.at[j1]], add=True)
        return carry

      lax.fori_loop(0, stage // 2, body, 0)

    plsc.subcore_barrier()
    pltpu.sync_copy(acc.at[pl.ds(s * RPT, RPT)],
                    out_hbm.at[c, pl.ds(s * RPT, RPT)])

  return k


def _sc_embed():
  per_w = (NCH_N + NW - 1) // NW

  @functools.partial(
      pl.kernel,
      out_type=jax.ShapeDtypeStruct((NP, EMB), jnp.float32),
      mesh=_MESH,
      scratch_types=[
          pltpu.VMEM((CH,), jnp.int32),
          pltpu.VMEM((CH, EMB), jnp.float32),
          pltpu.SemaphoreType.DMA,
      ],
  )
  def k(tbl_hbm, c0_hbm, out_hbm, c0v, rows, sem):
    c = lax.axis_index("c")
    s = lax.axis_index("s")
    w = c * NS + s

    def body(t, carry):
      jj = w + t * NW

      @pl.when(jj < NCH_N)
      def _():
        pltpu.sync_copy(c0_hbm.at[jj], c0v)
        pltpu.async_copy(tbl_hbm.at[c0v], rows, sem).wait()
        pltpu.sync_copy(rows, out_hbm.at[pl.ds(jj * CH, CH)])

      return carry

    lax.fori_loop(0, per_w, body, 0)

  return k


def _tc_layer(relu):
  def body(h_ref, pa_ref, pb_ref, ca_ref, cb_ref, T_ref, Wt_ref, s_ref,
           b2_ref, o_ref):
    agg = h_ref[...] + pa_ref[...] + pb_ref[...]
    cnt = ca_ref[...] + cb_ref[...]
    agg = agg + jnp.dot(cnt, T_ref[...], preferred_element_type=jnp.float32)
    y = jnp.dot(agg, Wt_ref[...], preferred_element_type=jnp.float32)
    y = y * s_ref[...] + b2_ref[...]
    if relu:
      y = jnp.maximum(y, 0.0)
    o_ref[...] = y

  return body


def _run_tc_layer(h, pa, pb, ca, cb, T, Wt, svec, b2, relu):
  blk = 1024
  grid = NP // blk
  row = lambda i: (i, 0)
  full = lambda i: (0, 0)
  return pl.pallas_call(
      _tc_layer(relu),
      grid=(grid,),
      in_specs=[
          pl.BlockSpec((blk, EMB), row),
          pl.BlockSpec((blk, EMB), row),
          pl.BlockSpec((blk, EMB), row),
          pl.BlockSpec((blk, 32), row),
          pl.BlockSpec((blk, 32), row),
          pl.BlockSpec((32, EMB), full),
          pl.BlockSpec((EMB, EMB), full),
          pl.BlockSpec((1, EMB), full),
          pl.BlockSpec((1, EMB), full),
      ],
      out_specs=pl.BlockSpec((blk, EMB), row),
      out_shape=jax.ShapeDtypeStruct((NP, EMB), jnp.float32),
  )(h, pa, pb, ca, cb, T, Wt, svec, b2)


def kernel(x, edge_index, edge_attr, Xemb1, Xemb2, W, b, Ee1, Ee2, gamma, beta):
  i32 = jnp.int32
  src = edge_index[0].astype(i32)
  dst = edge_index[1].astype(i32)
  combo = (edge_attr[:, 0] * 4 + edge_attr[:, 1]).astype(i32)

  pad = EPAD - E
  ar = jnp.arange(pad, dtype=i32)
  src_p = jnp.concatenate([src, ar % N]).reshape(NW, NCH_E, CH)
  dst_p = jnp.concatenate([dst, N + ar % (NP - N)]).reshape(NW, NCH_E, CH)
  cmb_p = jnp.concatenate([combo, jnp.zeros((pad,), i32)]).reshape(NW, NCH_E, CH)
  cmb_p = cmb_p + 32 * jnp.arange(CH, dtype=i32)[None, None, :]

  NCOMB = 480
  REP = 8
  etab = (Xemb1[:, None, :] + Xemb2[None, :, :]).reshape(NCOMB, EMB)
  etab = jnp.tile(etab, (REP, 1))
  c0 = x[:, 0].astype(i32) * 4 + x[:, 1].astype(i32)
  c0 = jnp.concatenate([c0, jnp.zeros((NP - N,), i32)])
  c0 = c0 + NCOMB * (jnp.arange(NP, dtype=i32) % REP)
  c0 = c0.reshape(NCH_N, CH)

  onehot = jnp.tile(jnp.eye(32, EMB, dtype=jnp.float32), (CH, 1))

  zeros_w = jnp.zeros((RPT, EMB), jnp.float32)

  cidx = jnp.arange(32)
  bn_inv = 1.0 / jnp.sqrt(1.0 + 1e-5)
  Ts, Wts, svecs, b2s = [], [], [], []
  for l in range(NUM_LAYER):
    T = Ee1[l][jnp.clip(cidx // 4, 0, 6)] + Ee2[l][cidx % 4]
    t16 = Ee1[l][4] + Ee2[l][0]
    Wt = W[l].T
    svec = (bn_inv * gamma[l]).reshape(1, EMB)
    b2 = ((b[l] + t16 @ Wt) * svec[0] + beta[l]).reshape(1, EMB)
    Ts.append(T)
    Wts.append(Wt)
    svecs.append(svec)
    b2s.append(b2)

  h = _sc_embed()(etab, c0)
  spmm = _sc_spmm(NCH_E, EMB)
  cacc = spmm(onehot, cmb_p, dst_p, zeros_w)
  ca, cb = cacc[0, :, :32], cacc[1, :, :32]
  for l in range(NUM_LAYER):
    acc = spmm(h, src_p, dst_p, zeros_w)
    h = _run_tc_layer(h, acc[0], acc[1], ca, cb, Ts[l], Wts[l], svecs[l],
                      b2s[l], relu=l < NUM_LAYER - 1)

  return h[:N]

# --- scband reference (transcript-rebuilt; emitter-appended) ---
"""Pipeline reference for scband-gnn-57595511439398 (READ-ONLY COPY).

The authoritative reference and input builder live on the scoring server;
editing this copy changes nothing except your own understanding.
"""

import jax, jax.numpy as jnp
import numpy as np

NUM_LAYER = 5
EMB = 128
N = 10000
E = 320000
NUM_ATOM_TYPE = 120
NUM_CHIRALITY = 4
NUM_BOND_TYPE = 7
NUM_BOND_DIR = 4


def setup_inputs(seed: int = 0) -> dict:
    key = jax.random.key(seed)
    ks = jax.random.split(key, 12)
    x = jax.random.randint(ks[0], (N, 2), 0, 4)
    edge_index = jax.random.randint(ks[1], (2, E), 0, N)
    edge_attr = jax.random.randint(ks[2], (E, 2), 0, 4)
    s = 1.0 / np.sqrt(EMB)
    Xemb1 = jax.random.normal(ks[3], (NUM_ATOM_TYPE, EMB), dtype=jnp.float32) * s
    Xemb2 = jax.random.normal(ks[4], (NUM_CHIRALITY, EMB), dtype=jnp.float32) * s
    W = jax.random.normal(ks[5], (NUM_LAYER, EMB, EMB), dtype=jnp.float32) * s
    b = jnp.zeros((NUM_LAYER, EMB), dtype=jnp.float32)
    Ee1 = jax.random.normal(ks[6], (NUM_LAYER, NUM_BOND_TYPE, EMB), dtype=jnp.float32) * s
    Ee2 = jax.random.normal(ks[7], (NUM_LAYER, NUM_BOND_DIR, EMB), dtype=jnp.float32) * s
    gamma = jnp.ones((NUM_LAYER, EMB), dtype=jnp.float32)
    beta = jnp.zeros((NUM_LAYER, EMB), dtype=jnp.float32)
    return {"x": x, "edge_index": edge_index, "edge_attr": edge_attr,
            "Xemb1": Xemb1, "Xemb2": Xemb2, "W": W, "b": b,
            "Ee1": Ee1, "Ee2": Ee2, "gamma": gamma, "beta": beta}


def reference(x, edge_index, edge_attr, Xemb1, Xemb2, W, b, Ee1, Ee2, gamma, beta):
    n = x.shape[0]
    loop = jnp.arange(n, dtype=edge_index.dtype)
    src = jnp.concatenate([edge_index[0], loop])
    dst = jnp.concatenate([edge_index[1], loop])
    self_loop_attr = jnp.zeros((n, 2), dtype=edge_attr.dtype).at[:, 0].set(4)
    ea = jnp.concatenate([edge_attr, self_loop_attr], axis=0)
    # input atom embeddings: x_embedding1(x[:,0]) + x_embedding2(x[:,1])
    h = Xemb1[x[:, 0]] + Xemb2[x[:, 1]]
    bn_inv = 1.0 / jnp.sqrt(1.0 + 1e-5)  # BatchNorm1d eval: running_mean=0, running_var=1
    for l in range(NUM_LAYER):
        # GINLayer: edge embedding, gather messages along src, scatter-add to dst, then mlp
        ee = Ee1[l][ea[:, 0]] + Ee2[l][ea[:, 1]]
        msg = h[src] + ee
        agg = jax.ops.segment_sum(msg, dst, num_segments=n)
        h = agg @ W[l].T + b[l]
        # BatchNorm1d (eval mode)
        h = h * bn_inv * gamma[l] + beta[l]
        # dropout is identity in eval; ReLU on all but last layer (JK='last')
        if l < NUM_LAYER - 1:
            h = jax.nn.relu(h)
    return h

if __name__ == "__main__":
    import jax
    _d = setup_inputs()
    print(jax.jit(kernel)(*tuple(_d.values())))

</pallas_src>

<mosaic_0001>
#map = affine_map<(d0, d1) -> (0, 0)>
#map1 = affine_map<(d0, d1) -> (0, 0, 0)>
module attributes {stable_mosaic.version = 14 : i64} {
  func.func @k(%arg0: i32, %arg1: i32, %arg2: memref<10240x128xf32, #tpu.memory_space<hbm>>, %arg3: memref<32x80x128xi32, #tpu.memory_space<hbm>>, %arg4: memref<32x80x128xi32, #tpu.memory_space<hbm>>, %arg5: memref<640x128xf32, #tpu.memory_space<hbm>>, %arg6: memref<2x10240x128xf32, #tpu.memory_space<hbm>>, %arg7: memref<40x128xi32, #tpu.memory_space<vmem>>, %arg8: memref<40x128xi32, #tpu.memory_space<vmem>>, %arg9: memref<128x128xf32, #tpu.memory_space<vmem>>, %arg10: memref<128x128xf32, #tpu.memory_space<vmem>>, %arg11: memref<10240x128xf32, #tpu.memory_space<vmem_shared>>, %arg12: memref<!tpu.dma_semaphore, #tpu.memory_space<semaphore_mem>>, %arg13: memref<!tpu.dma_semaphore, #tpu.memory_space<semaphore_mem>>) attributes {dimension_semantics = [#tpu.dimension_semantics<core_parallel>, #tpu.dimension_semantics<subcore_parallel>], iteration_bounds = array<i64: 2, 16>, scalar_prefetch = 0 : i64, scratch_operands = 7 : i64, tpu.core_type = #tpu.core_type<sc_vector_subcore>, window_params = [{transform_indices = #map}, {transform_indices = #map1}, {transform_indices = #map1}, {transform_indices = #map}, {transform_indices = #map1}]} {
    %mul3A = arith.constant 16 : i32
    %mul3A_0 = arith.muli %arg0, %mul3A : i32
    %add3A = arith.addi %mul3A_0, %arg1 : i32
    %mul3A_1 = arith.constant 640 : i32
    %mul3A_2 = arith.muli %arg1, %mul3A_1 : i32
    "tpu.region"() ({
      %run_scoped3A = tpu.sem_alloc : memref<!tpu.dma_semaphore, #tpu.memory_space<semaphore_mem>>
      %dma_start3A_32 = arith.constant 0 : i32
      %dma_start3A_33 = tpu.memref_slice %arg11[%mul3A_2, %dma_start3A_32] : memref<10240x128xf32, #tpu.memory_space<vmem_shared>> -> memref<640x128xf32, #tpu.memory_space<vmem_shared>>
      tpu.enqueue_dma source(%arg5 : memref<640x128xf32, #tpu.memory_space<hbm>>) target(%dma_start3A_33 : memref<640x128xf32, #tpu.memory_space<vmem_shared>>) target_semaphore(%run_scoped3A : memref<!tpu.dma_semaphore, #tpu.memory_space<semaphore_mem>>)
      %dma_wait3A = arith.constant 0 : i32
      %dma_wait3A_34 = tpu.memref_slice %arg11[%mul3A_2, %dma_wait3A] : memref<10240x128xf32, #tpu.memory_space<vmem_shared>> -> memref<640x128xf32, #tpu.memory_space<vmem_shared>>
      tpu.wait_dma2 semaphore(%run_scoped3A : memref<!tpu.dma_semaphore, #tpu.memory_space<semaphore_mem>>) src(%arg5 : memref<640x128xf32, #tpu.memory_space<hbm>>) dst(%dma_wait3A_34 : memref<640x128xf32, #tpu.memory_space<vmem_shared>>)
      tpu.yield
    }) : () -> ()
    %barrier3A = arith.constant 0 : index
    tpu.barrier barrier_id(%barrier3A)
    "tpu.region"() ({
      %run_scoped3A = tpu.sem_alloc : memref<!tpu.dma_semaphore, #tpu.memory_space<semaphore_mem>>
      %dma_start3A_32 = arith.constant 0 : i32
      %dma_start3A_33 = arith.constant 0 : i32
      %dma_start3A_34 = tpu.memref_slice %arg3[%add3A, %dma_start3A_32, %dma_start3A_33] : memref<32x80x128xi32, #tpu.memory_space<hbm>> -> memref<1x40x128xi32, #tpu.memory_space<hbm>>
      %dma_start3A_35 = tpu.memref_squeeze %dma_start3A_34 : memref<1x40x128xi32, #tpu.memory_space<hbm>> -> memref<40x128xi32, #tpu.memory_space<hbm>>
      %dma_start3A_36 = arith.constant 0 : i32
      %dma_start3A_37 = arith.constant 0 : i32
      %dma_start3A_38 = tpu.memref_slice %arg3[%add3A, %dma_start3A_36, %dma_start3A_37] : memref<32x80x128xi32, #tpu.memory_space<hbm>> -> memref<1x40x128xi32, #tpu.memory_space<hbm>>
      %dma_start3A_39 = tpu.memref_squeeze %dma_start3A_38 : memref<1x40x128xi32, #tpu.memory_space<hbm>> -> memref<40x128xi32, #tpu.memory_space<hbm>>
      tpu.enqueue_dma source(%dma_start3A_39 : memref<40x128xi32, #tpu.memory_space<hbm>>) target(%arg7 : memref<40x128xi32, #tpu.memory_space<vmem>>) target_semaphore(%run_scoped3A : memref<!tpu.dma_semaphore, #tpu.memory_space<semaphore_mem>>)
      %dma_wait3A = arith.constant 0 : i32
      %dma_wait3A_40 = arith.constant 0 : i32
      %dma_wait3A_41 = tpu.memref_slice %arg3[%add3A, %dma_wait3A, %dma_wait3A_40] : memref<32x80x128xi32, #tpu.memory_space<hbm>> -> memref<1x40x128xi32, #tpu.memory_space<hbm>>
      %dma_wait3A_42 = tpu.memref_squeeze %dma_wait3A_41 : memref<1x40x128xi32, #tpu.memory_space<hbm>> -> memref<40x128xi32, #tpu.memory_space<hbm>>
      %dma_wait3A_43 = arith.constant 0 : i32
      %dma_wait3A_44 = arith.constant 0 : i32
      %dma_wait3A_45 = tpu.memref_slice %arg3[%add3A, %dma_wait3A_43, %dma_wait3A_44] : memref<32x80x128xi32, #tpu.memory_space<hbm>> -> memref<1x40x128xi32, #tpu.memory_space<hbm>>
      %dma_wait3A_46 = tpu.memref_squeeze %dma_wait3A_45 : memref<1x40x128xi32, #tpu.memory_space<hbm>> -> memref<40x128xi32, #tpu.memory_space<hbm>>
      tpu.wait_dma2 semaphore(%run_scoped3A : memref<!tpu.dma_semaphore, #tpu.memory_space<semaphore_mem>>) src(%dma_wait3A_46 : memref<40x128xi32, #tpu.memory_space<hbm>>) dst(%arg7 : memref<40x128xi32, #tpu.memory_space<vmem>>)
      tpu.yield
    }) : () -> ()
    "tpu.region"() ({
      %run_scoped3A = tpu.sem_alloc : memref<!tpu.dma_semaphore, #tpu.memory_space<semaphore_mem>>
      %dma_start3A_32 = arith.constant 0 : i32
      %dma_start3A_33 = arith.constant 0 : i32
      %dma_start3A_34 = tpu.memref_slice %arg4[%add3A, %dma_start3A_32, %dma_start3A_33] : memref<32x80x128xi32, #tpu.memory_space<hbm>> -> memref<1x40x128xi32, #tpu.memory_space<hbm>>
      %dma_start3A_35 = tpu.memref_squeeze %dma_start3A_34 : memref<1x40x128xi32, #tpu.memory_space<hbm>> -> memref<40x128xi32, #tpu.memory_space<hbm>>
      %dma_start3A_36 = arith.constant 0 : i32
      %dma_start3A_37 = arith.constant 0 : i32
      %dma_start3A_38 = tpu.memref_slice %arg4[%add3A, %dma_start3A_36, %dma_start3A_37] : memref<32x80x128xi32, #tpu.memory_space<hbm>> -> memref<1x40x128xi32, #tpu.memory_space<hbm>>
      %dma_start3A_39 = tpu.memref_squeeze %dma_start3A_38 : memref<1x40x128xi32, #tpu.memory_space<hbm>> -> memref<40x128xi32, #tpu.memory_space<hbm>>
      tpu.enqueue_dma source(%dma_start3A_39 : memref<40x128xi32, #tpu.memory_space<hbm>>) target(%arg8 : memref<40x128xi32, #tpu.memory_space<vmem>>) target_semaphore(%run_scoped3A : memref<!tpu.dma_semaphore, #tpu.memory_space<semaphore_mem>>)
      %dma_wait3A = arith.constant 0 : i32
      %dma_wait3A_40 = arith.constant 0 : i32
      %dma_wait3A_41 = tpu.memref_slice %arg4[%add3A, %dma_wait3A, %dma_wait3A_40] : memref<32x80x128xi32, #tpu.memory_space<hbm>> -> memref<1x40x128xi32, #tpu.memory_space<hbm>>
      %dma_wait3A_42 = tpu.memref_squeeze %dma_wait3A_41 : memref<1x40x128xi32, #tpu.memory_space<hbm>> -> memref<40x128xi32, #tpu.memory_space<hbm>>
      %dma_wait3A_43 = arith.constant 0 : i32
      %dma_wait3A_44 = arith.constant 0 : i32
      %dma_wait3A_45 = tpu.memref_slice %arg4[%add3A, %dma_wait3A_43, %dma_wait3A_44] : memref<32x80x128xi32, #tpu.memory_space<hbm>> -> memref<1x40x128xi32, #tpu.memory_space<hbm>>
      %dma_wait3A_46 = tpu.memref_squeeze %dma_wait3A_45 : memref<1x40x128xi32, #tpu.memory_space<hbm>> -> memref<40x128xi32, #tpu.memory_space<hbm>>
      tpu.wait_dma2 semaphore(%run_scoped3A : memref<!tpu.dma_semaphore, #tpu.memory_space<semaphore_mem>>) src(%dma_wait3A_46 : memref<40x128xi32, #tpu.memory_space<hbm>>) dst(%arg8 : memref<40x128xi32, #tpu.memory_space<vmem>>)
      tpu.yield
    }) : () -> ()
    %dma_start3A = arith.constant 0 : i32
    %dma_start3A_3 = arith.constant 0 : i32
    %dma_start3A_4 = tpu.memref_slice %arg7[%dma_start3A, %dma_start3A_3] : memref<40x128xi32, #tpu.memory_space<vmem>> -> memref<1x128xi32, #tpu.memory_space<vmem>>
    %dma_start3A_5 = tpu.memref_squeeze %dma_start3A_4 : memref<1x128xi32, #tpu.memory_space<vmem>> -> memref<128xi32, #tpu.memory_space<vmem>>
    %dma_start3A_6 = arith.constant 0 : i32
    %dma_start3A_7 = arith.constant 0 : i32
    %dma_start3A_8 = tpu.memref_slice %arg2[%dma_start3A_6, %dma_start3A_7] : memref<10240x128xf32, #tpu.memory_space<hbm>> -> memref<10240x128xf32, #tpu.memory_space<hbm>>
    tpu.enqueue_indirect_dma source(%dma_start3A_8 : memref<10240x128xf32, #tpu.memory_space<hbm>>) target(%arg9 : memref<128x128xf32, #tpu.memory_space<vmem>>) offsets(%dma_start3A_5 : memref<128xi32, #tpu.memory_space<vmem>>) semaphore(%arg12 : memref<!tpu.dma_semaphore, #tpu.memory_space<semaphore_mem>>)
    %scan3A = arith.constant 0 : i32
    %scan3A_9 = arith.constant 0 : i32
    %scan3A_10 = arith.constant 20 : i32
    %scan3A_11 = arith.addi %scan3A_9, %scan3A_10 : i32
    %scan3A_12 = arith.constant 1 : i32
    scf.for %scan3A_32 = %scan3A_9 to %scan3A_11 step %scan3A_12  : i32 {
      %mul3A_33 = arith.constant 2 : i32
      %mul3A_34 = arith.muli %mul3A_33, %scan3A_32 : i32
      %add3A_35 = arith.constant 1 : i32
      %add3A_36 = arith.addi %mul3A_34, %add3A_35 : i32
      %dma_start3A_37 = arith.constant 0 : i32
      %dma_start3A_38 = tpu.memref_slice %arg7[%add3A_36, %dma_start3A_37] : memref<40x128xi32, #tpu.memory_space<vmem>> -> memref<1x128xi32, #tpu.memory_space<vmem>>
      %dma_start3A_39 = tpu.memref_squeeze %dma_start3A_38 : memref<1x128xi32, #tpu.memory_space<vmem>> -> memref<128xi32, #tpu.memory_space<vmem>>
      %dma_start3A_40 = arith.constant 0 : i32
      %dma_start3A_41 = arith.constant 0 : i32
      %dma_start3A_42 = tpu.memref_slice %arg2[%dma_start3A_40, %dma_start3A_41] : memref<10240x128xf32, #tpu.memory_space<hbm>> -> memref<10240x128xf32, #tpu.memory_space<hbm>>
      tpu.enqueue_indirect_dma source(%dma_start3A_42 : memref<10240x128xf32, #tpu.memory_space<hbm>>) target(%arg10 : memref<128x128xf32, #tpu.memory_space<vmem>>) offsets(%dma_start3A_39 : memref<128xi32, #tpu.memory_space<vmem>>) semaphore(%arg13 : memref<!tpu.dma_semaphore, #tpu.memory_space<semaphore_mem>>)
      %dma_wait3A = arith.constant 0 : i32
      %dma_wait3A_43 = tpu.memref_slice %arg7[%mul3A_34, %dma_wait3A] : memref<40x128xi32, #tpu.memory_space<vmem>> -> memref<1x128xi32, #tpu.memory_space<vmem>>
      %dma_wait3A_44 = tpu.memref_squeeze %dma_wait3A_43 : memref<1x128xi32, #tpu.memory_space<vmem>> -> memref<128xi32, #tpu.memory_space<vmem>>
      %dma_wait3A_45 = arith.constant 0 : i32
      %dma_wait3A_46 = arith.constant 0 : i32
      %dma_wait3A_47 = tpu.memref_slice %arg2[%dma_wait3A_45, %dma_wait3A_46] : memref<10240x128xf32, #tpu.memory_space<hbm>> -> memref<10240x128xf32, #tpu.memory_space<hbm>>
      tpu.wait_indirect_dma semaphore(%arg12 : memref<!tpu.dma_semaphore, #tpu.memory_space<semaphore_mem>>) src(%dma_wait3A_47 : memref<10240x128xf32, #tpu.memory_space<hbm>>) dst(%arg9 : memref<128x128xf32, #tpu.memory_space<vmem>>)
      "tpu.region"() ({
        %run_scoped3A = tpu.sem_alloc : memref<!tpu.dma_semaphore, #tpu.memory_space<semaphore_mem>>
        %dma_start3A_58 = arith.constant 0 : i32
        %dma_start3A_59 = tpu.memref_slice %arg8[%mul3A_34, %dma_start3A_58] : memref<40x128xi32, #tpu.memory_space<vmem>> -> memref<1x128xi32, #tpu.memory_space<vmem>>
        %dma_start3A_60 = tpu.memref_squeeze %dma_start3A_59 : memref<1x128xi32, #tpu.memory_space<vmem>> -> memref<128xi32, #tpu.memory_space<vmem>>
        %dma_start3A_61 = arith.constant 0 : i32
        %dma_start3A_62 = arith.constant 0 : i32
        %dma_start3A_63 = tpu.memref_slice %arg11[%dma_start3A_61, %dma_start3A_62] : memref<10240x128xf32, #tpu.memory_space<vmem_shared>> -> memref<10240x128xf32, #tpu.memory_space<vmem_shared>>
        tpu.enqueue_indirect_dma source(%arg9 : memref<128x128xf32, #tpu.memory_space<vmem>>) target(%dma_start3A_63 : memref<10240x128xf32, #tpu.memory_space<vmem_shared>>) offsets(%dma_start3A_60 : memref<128xi32, #tpu.memory_space<vmem>>) semaphore(%run_scoped3A : memref<!tpu.dma_semaphore, #tpu.memory_space<semaphore_mem>>) {add = true}
        %dma_wait3A_64 = arith.constant 0 : i32
        %dma_wait3A_65 = tpu.memref_slice %arg8[%mul3A_34, %dma_wait3A_64] : memref<40x128xi32, #tpu.memory_space<vmem>> -> memref<1x128xi32, #tpu.memory_space<vmem>>
        %dma_wait3A_66 = tpu.memref_squeeze %dma_wait3A_65 : memref<1x128xi32, #tpu.memory_space<vmem>> -> memref<128xi32, #tpu.memory_space<vmem>>
        %dma_wait3A_67 = arith.constant 0 : i32
        %dma_wait3A_68 = arith.constant 0 : i32
        %dma_wait3A_69 = tpu.memref_slice %arg11[%dma_wait3A_67, %dma_wait3A_68] : memref<10240x128xf32, #tpu.memory_space<vmem_shared>> -> memref<10240x128xf32, #tpu.memory_space<vmem_shared>>
        tpu.wait_indirect_dma semaphore(%run_scoped3A : memref<!tpu.dma_semaphore, #tpu.memory_space<semaphore_mem>>) src(%arg9 : memref<128x128xf32, #tpu.memory_space<vmem>>) dst(%dma_wait3A_69 : memref<10240x128xf32, #tpu.memory_space<vmem_shared>>)
        tpu.yield
      }) : () -> ()
      %add3A_48 = arith.constant 1 : i32
      %add3A_49 = arith.addi %add3A_36, %add3A_48 : i32
      %lt3A = arith.constant 40 : i32
      %lt3A_50 = arith.cmpi slt, %add3A_49, %lt3A : i32
      %convert_element_type3A = arith.extui %lt3A_50 : i1 to i32
      %cond3A = arith.constant 0 : i32
      %cond3A_51 = arith.cmpi ne, %convert_element_type3A, %cond3A : i32
      scf.if %cond3A_51 {
        %add3A_58 = arith.constant 1 : i32
        %add3A_59 = arith.addi %add3A_36, %add3A_58 : i32
        %dma_start3A_60 = arith.constant 0 : i32
        %dma_start3A_61 = tpu.memref_slice %arg7[%add3A_59, %dma_start3A_60] : memref<40x128xi32, #tpu.memory_space<vmem>> -> memref<1x128xi32, #tpu.memory_space<vmem>>
        %dma_start3A_62 = tpu.memref_squeeze %dma_start3A_61 : memref<1x128xi32, #tpu.memory_space<vmem>> -> memref<128xi32, #tpu.memory_space<vmem>>
        %dma_start3A_63 = arith.constant 0 : i32
        %dma_start3A_64 = arith.constant 0 : i32
        %dma_start3A_65 = tpu.memref_slice %arg2[%dma_start3A_63, %dma_start3A_64] : memref<10240x128xf32, #tpu.memory_space<hbm>> -> memref<10240x128xf32, #tpu.memory_space<hbm>>
        tpu.enqueue_indirect_dma source(%dma_start3A_65 : memref<10240x128xf32, #tpu.memory_space<hbm>>) target(%arg9 : memref<128x128xf32, #tpu.memory_space<vmem>>) offsets(%dma_start3A_62 : memref<128xi32, #tpu.memory_space<vmem>>) semaphore(%arg12 : memref<!tpu.dma_semaphore, #tpu.memory_space<semaphore_mem>>)
      } else {
      }
      %dma_wait3A_52 = arith.constant 0 : i32
      %dma_wait3A_53 = tpu.memref_slice %arg7[%add3A_36, %dma_wait3A_52] : memref<40x128xi32, #tpu.memory_space<vmem>> -> memref<1x128xi32, #tpu.memory_space<vmem>>
      %dma_wait3A_54 = tpu.memref_squeeze %dma_wait3A_53 : memref<1x128xi32, #tpu.memory_space<vmem>> -> memref<128xi32, #tpu.memory_space<vmem>>
      %dma_wait3A_55 = arith.constant 0 : i32
      %dma_wait3A_56 = arith.constant 0 : i32
      %dma_wait3A_57 = tpu.memref_slice %arg2[%dma_wait3A_55, %dma_wait3A_56] : memref<10240x128xf32, #tpu.memory_space<hbm>> -> memref<10240x128xf32, #tpu.memory_space<hbm>>
      tpu.wait_indirect_dma semaphore(%arg13 : memref<!tpu.dma_semaphore, #tpu.memory_space<semaphore_mem>>) src(%dma_wait3A_57 : memref<10240x128xf32, #tpu.memory_space<hbm>>) dst(%arg10 : memref<128x128xf32, #tpu.memory_space<vmem>>)
      "tpu.region"() ({
        %run_scoped3A = tpu.sem_alloc : memref<!tpu.dma_semaphore, #tpu.memory_space<semaphore_mem>>
        %dma_start3A_58 = arith.constant 0 : i32
        %dma_start3A_59 = tpu.memref_slice %arg8[%add3A_36, %dma_start3A_58] : memref<40x128xi32, #tpu.memory_space<vmem>> -> memref<1x128xi32, #tpu.memory_space<vmem>>
        %dma_start3A_60 = tpu.memref_squeeze %dma_start3A_59 : memref<1x128xi32, #tpu.memory_space<vmem>> -> memref<128xi32, #tpu.memory_space<vmem>>
        %dma_start3A_61 = arith.constant 0 : i32
        %dma_start3A_62 = arith.constant 0 : i32
        %dma_start3A_63 = tpu.memref_slice %arg11[%dma_start3A_61, %dma_start3A_62] : memref<10240x128xf32, #tpu.memory_space<vmem_shared>> -> memref<10240x128xf32, #tpu.memory_space<vmem_shared>>
        tpu.enqueue_indirect_dma source(%arg10 : memref<128x128xf32, #tpu.memory_space<vmem>>) target(%dma_start3A_63 : memref<10240x128xf32, #tpu.memory_space<vmem_shared>>) offsets(%dma_start3A_60 : memref<128xi32, #tpu.memory_space<vmem>>) semaphore(%run_scoped3A : memref<!tpu.dma_semaphore, #tpu.memory_space<semaphore_mem>>) {add = true}
        %dma_wait3A_64 = arith.constant 0 : i32
        %dma_wait3A_65 = tpu.memref_slice %arg8[%add3A_36, %dma_wait3A_64] : memref<40x128xi32, #tpu.memory_space<vmem>> -> memref<1x128xi32, #tpu.memory_space<vmem>>
        %dma_wait3A_66 = tpu.memref_squeeze %dma_wait3A_65 : memref<1x128xi32, #tpu.memory_space<vmem>> -> memref<128xi32, #tpu.memory_space<vmem>>
        %dma_wait3A_67 = arith.constant 0 : i32
        %dma_wait3A_68 = arith.constant 0 : i32
        %dma_wait3A_69 = tpu.memref_slice %arg11[%dma_wait3A_67, %dma_wait3A_68] : memref<10240x128xf32, #tpu.memory_space<vmem_shared>> -> memref<10240x128xf32, #tpu.memory_space<vmem_shared>>
        tpu.wait_indirect_dma semaphore(%run_scoped3A : memref<!tpu.dma_semaphore, #tpu.memory_space<semaphore_mem>>) src(%arg10 : memref<128x128xf32, #tpu.memory_space<vmem>>) dst(%dma_wait3A_69 : memref<10240x128xf32, #tpu.memory_space<vmem_shared>>)
        tpu.yield
      }) : () -> ()
    }
    %scan3A_13 = arith.constant 20 : i32
    "tpu.region"() ({
      %run_scoped3A = tpu.sem_alloc : memref<!tpu.dma_semaphore, #tpu.memory_space<semaphore_mem>>
      %dma_start3A_32 = arith.constant 40 : i32
      %dma_start3A_33 = arith.constant 0 : i32
      %dma_start3A_34 = tpu.memref_slice %arg3[%add3A, %dma_start3A_32, %dma_start3A_33] : memref<32x80x128xi32, #tpu.memory_space<hbm>> -> memref<1x40x128xi32, #tpu.memory_space<hbm>>
      %dma_start3A_35 = tpu.memref_squeeze %dma_start3A_34 : memref<1x40x128xi32, #tpu.memory_space<hbm>> -> memref<40x128xi32, #tpu.memory_space<hbm>>
      %dma_start3A_36 = arith.constant 40 : i32
      %dma_start3A_37 = arith.constant 0 : i32
      %dma_start3A_38 = tpu.memref_slice %arg3[%add3A, %dma_start3A_36, %dma_start3A_37] : memref<32x80x128xi32, #tpu.memory_space<hbm>> -> memref<1x40x128xi32, #tpu.memory_space<hbm>>
      %dma_start3A_39 = tpu.memref_squeeze %dma_start3A_38 : memref<1x40x128xi32, #tpu.memory_space<hbm>> -> memref<40x128xi32, #tpu.memory_space<hbm>>
      tpu.enqueue_dma source(%dma_start3A_39 : memref<40x128xi32, #tpu.memory_space<hbm>>) target(%arg7 : memref<40x128xi32, #tpu.memory_space<vmem>>) target_semaphore(%run_scoped3A : memref<!tpu.dma_semaphore, #tpu.memory_space<semaphore_mem>>)
      %dma_wait3A = arith.constant 40 : i32
      %dma_wait3A_40 = arith.constant 0 : i32
      %dma_wait3A_41 = tpu.memref_slice %arg3[%add3A, %dma_wait3A, %dma_wait3A_40] : memref<32x80x128xi32, #tpu.memory_space<hbm>> -> memref<1x40x128xi32, #tpu.memory_space<hbm>>
      %dma_wait3A_42 = tpu.memref_squeeze %dma_wait3A_41 : memref<1x40x128xi32, #tpu.memory_space<hbm>> -> memref<40x128xi32, #tpu.memory_space<hbm>>
      %dma_wait3A_43 = arith.constant 40 : i32
      %dma_wait3A_44 = arith.constant 0 : i32
      %dma_wait3A_45 = tpu.memref_slice %arg3[%add3A, %dma_wait3A_43, %dma_wait3A_44] : memref<32x80x128xi32, #tpu.memory_space<hbm>> -> memref<1x40x128xi32, #tpu.memory_space<hbm>>
      %dma_wait3A_46 = tpu.memref_squeeze %dma_wait3A_45 : memref<1x40x128xi32, #tpu.memory_space<hbm>> -> memref<40x128xi32, #tpu.memory_space<hbm>>
      tpu.wait_dma2 semaphore(%run_scoped3A : memref<!tpu.dma_semaphore, #tpu.memory_space<semaphore_mem>>) src(%dma_wait3A_46 : memref<40x128xi32, #tpu.memory_space<hbm>>) dst(%arg7 : memref<40x128xi32, #tpu.memory_space<vmem>>)
      tpu.yield
    }) : () -> ()
    "tpu.region"() ({
      %run_scoped3A = tpu.sem_alloc : memref<!tpu.dma_semaphore, #tpu.memory_space<semaphore_mem>>
      %dma_start3A_32 = arith.constant 40 : i32
      %dma_start3A_33 = arith.constant 0 : i32
      %dma_start3A_34 = tpu.memref_slice %arg4[%add3A, %dma_start3A_32, %dma_start3A_33] : memref<32x80x128xi32, #tpu.memory_space<hbm>> -> memref<1x40x128xi32, #tpu.memory_space<hbm>>
      %dma_start3A_35 = tpu.memref_squeeze %dma_start3A_34 : memref<1x40x128xi32, #tpu.memory_space<hbm>> -> memref<40x128xi32, #tpu.memory_space<hbm>>
      %dma_start3A_36 = arith.constant 40 : i32
      %dma_start3A_37 = arith.constant 0 : i32
      %dma_start3A_38 = tpu.memref_slice %arg4[%add3A, %dma_start3A_36, %dma_start3A_37] : memref<32x80x128xi32, #tpu.memory_space<hbm>> -> memref<1x40x128xi32, #tpu.memory_space<hbm>>
      %dma_start3A_39 = tpu.memref_squeeze %dma_start3A_38 : memref<1x40x128xi32, #tpu.memory_space<hbm>> -> memref<40x128xi32, #tpu.memory_space<hbm>>
      tpu.enqueue_dma source(%dma_start3A_39 : memref<40x128xi32, #tpu.memory_space<hbm>>) target(%arg8 : memref<40x128xi32, #tpu.memory_space<vmem>>) target_semaphore(%run_scoped3A : memref<!tpu.dma_semaphore, #tpu.memory_space<semaphore_mem>>)
      %dma_wait3A = arith.constant 40 : i32
      %dma_wait3A_40 = arith.constant 0 : i32
      %dma_wait3A_41 = tpu.memref_slice %arg4[%add3A, %dma_wait3A, %dma_wait3A_40] : memref<32x80x128xi32, #tpu.memory_space<hbm>> -> memref<1x40x128xi32, #tpu.memory_space<hbm>>
      %dma_wait3A_42 = tpu.memref_squeeze %dma_wait3A_41 : memref<1x40x128xi32, #tpu.memory_space<hbm>> -> memref<40x128xi32, #tpu.memory_space<hbm>>
      %dma_wait3A_43 = arith.constant 40 : i32
      %dma_wait3A_44 = arith.constant 0 : i32
      %dma_wait3A_45 = tpu.memref_slice %arg4[%add3A, %dma_wait3A_43, %dma_wait3A_44] : memref<32x80x128xi32, #tpu.memory_space<hbm>> -> memref<1x40x128xi32, #tpu.memory_space<hbm>>
      %dma_wait3A_46 = tpu.memref_squeeze %dma_wait3A_45 : memref<1x40x128xi32, #tpu.memory_space<hbm>> -> memref<40x128xi32, #tpu.memory_space<hbm>>
      tpu.wait_dma2 semaphore(%run_scoped3A : memref<!tpu.dma_semaphore, #tpu.memory_space<semaphore_mem>>) src(%dma_wait3A_46 : memref<40x128xi32, #tpu.memory_space<hbm>>) dst(%arg8 : memref<40x128xi32, #tpu.memory_space<vmem>>)
      tpu.yield
    }) : () -> ()
    %dma_start3A_14 = arith.constant 0 : i32
    %dma_start3A_15 = arith.constant 0 : i32
    %dma_start3A_16 = tpu.memref_slice %arg7[%dma_start3A_14, %dma_start3A_15] : memref<40x128xi32, #tpu.memory_space<vmem>> -> memref<1x128xi32, #tpu.memory_space<vmem>>
    %dma_start3A_17 = tpu.memref_squeeze %dma_start3A_16 : memref<1x128xi32, #tpu.memory_space<vmem>> -> memref<128xi32, #tpu.memory_space<vmem>>
    %dma_start3A_18 = arith.constant 0 : i32
    %dma_start3A_19 = arith.constant 0 : i32
    %dma_start3A_20 = tpu.memref_slice %arg2[%dma_start3A_18, %dma_start3A_19] : memref<10240x128xf32, #tpu.memory_space<hbm>> -> memref<10240x128xf32, #tpu.memory_space<hbm>>
    tpu.enqueue_indirect_dma source(%dma_start3A_20 : memref<10240x128xf32, #tpu.memory_space<hbm>>) target(%arg9 : memref<128x128xf32, #tpu.memory_space<vmem>>) offsets(%dma_start3A_17 : memref<128xi32, #tpu.memory_space<vmem>>) semaphore(%arg12 : memref<!tpu.dma_semaphore, #tpu.memory_space<semaphore_mem>>)
    %scan3A_21 = arith.constant 0 : i32
    %scan3A_22 = arith.constant 0 : i32
    %scan3A_23 = arith.constant 20 : i32
    %scan3A_24 = arith.addi %scan3A_22, %scan3A_23 : i32
    %scan3A_25 = arith.constant 1 : i32
    scf.for %scan3A_32 = %scan3A_22 to %scan3A_24 step %scan3A_25  : i32 {
      %mul3A_33 = arith.constant 2 : i32
      %mul3A_34 = arith.muli %mul3A_33, %scan3A_32 : i32
      %add3A_35 = arith.constant 1 : i32
      %add3A_36 = arith.addi %mul3A_34, %add3A_35 : i32
      %dma_start3A_37 = arith.constant 0 : i32
      %dma_start3A_38 = tpu.memref_slice %arg7[%add3A_36, %dma_start3A_37] : memref<40x128xi32, #tpu.memory_space<vmem>> -> memref<1x128xi32, #tpu.memory_space<vmem>>
      %dma_start3A_39 = tpu.memref_squeeze %dma_start3A_38 : memref<1x128xi32, #tpu.memory_space<vmem>> -> memref<128xi32, #tpu.memory_space<vmem>>
      %dma_start3A_40 = arith.constant 0 : i32
      %dma_start3A_41 = arith.constant 0 : i32
      %dma_start3A_42 = tpu.memref_slice %arg2[%dma_start3A_40, %dma_start3A_41] : memref<10240x128xf32, #tpu.memory_space<hbm>> -> memref<10240x128xf32, #tpu.memory_space<hbm>>
      tpu.enqueue_indirect_dma source(%dma_start3A_42 : memref<10240x128xf32, #tpu.memory_space<hbm>>) target(%arg10 : memref<128x128xf32, #tpu.memory_space<vmem>>) offsets(%dma_start3A_39 : memref<128xi32, #tpu.memory_space<vmem>>) semaphore(%arg13 : memref<!tpu.dma_semaphore, #tpu.memory_space<semaphore_mem>>)
      %dma_wait3A = arith.constant 0 : i32
      %dma_wait3A_43 = tpu.memref_slice %arg7[%mul3A_34, %dma_wait3A] : memref<40x128xi32, #tpu.memory_space<vmem>> -> memref<1x128xi32, #tpu.memory_space<vmem>>
      %dma_wait3A_44 = tpu.memref_squeeze %dma_wait3A_43 : memref<1x128xi32, #tpu.memory_space<vmem>> -> memref<128xi32, #tpu.memory_space<vmem>>
      %dma_wait3A_45 = arith.constant 0 : i32
      %dma_wait3A_46 = arith.constant 0 : i32
      %dma_wait3A_47 = tpu.memref_slice %arg2[%dma_wait3A_45, %dma_wait3A_46] : memref<10240x128xf32, #tpu.memory_space<hbm>> -> memref<10240x128xf32, #tpu.memory_space<hbm>>
      tpu.wait_indirect_dma semaphore(%arg12 : memref<!tpu.dma_semaphore, #tpu.memory_space<semaphore_mem>>) src(%dma_wait3A_47 : memref<10240x128xf32, #tpu.memory_space<hbm>>) dst(%arg9 : memref<128x128xf32, #tpu.memory_space<vmem>>)
      "tpu.region"() ({
        %run_scoped3A = tpu.sem_alloc : memref<!tpu.dma_semaphore, #tpu.memory_space<semaphore_mem>>
        %dma_start3A_58 = arith.constant 0 : i32
        %dma_start3A_59 = tpu.memref_slice %arg8[%mul3A_34, %dma_start3A_58] : memref<40x128xi32, #tpu.memory_space<vmem>> -> memref<1x128xi32, #tpu.memory_space<vmem>>
        %dma_start3A_60 = tpu.memref_squeeze %dma_start3A_59 : memref<1x128xi32, #tpu.memory_space<vmem>> -> memref<128xi32, #tpu.memory_space<vmem>>
        %dma_start3A_61 = arith.constant 0 : i32
        %dma_start3A_62 = arith.constant 0 : i32
        %dma_start3A_63 = tpu.memref_slice %arg11[%dma_start3A_61, %dma_start3A_62] : memref<10240x128xf32, #tpu.memory_space<vmem_shared>> -> memref<10240x128xf32, #tpu.memory_space<vmem_shared>>
        tpu.enqueue_indirect_dma source(%arg9 : memref<128x128xf32, #tpu.memory_space<vmem>>) target(%dma_start3A_63 : memref<10240x128xf32, #tpu.memory_space<vmem_shared>>) offsets(%dma_start3A_60 : memref<128xi32, #tpu.memory_space<vmem>>) semaphore(%run_scoped3A : memref<!tpu.dma_semaphore, #tpu.memory_space<semaphore_mem>>) {add = true}
        %dma_wait3A_64 = arith.constant 0 : i32
        %dma_wait3A_65 = tpu.memref_slice %arg8[%mul3A_34, %dma_wait3A_64] : memref<40x128xi32, #tpu.memory_space<vmem>> -> memref<1x128xi32, #tpu.memory_space<vmem>>
        %dma_wait3A_66 = tpu.memref_squeeze %dma_wait3A_65 : memref<1x128xi32, #tpu.memory_space<vmem>> -> memref<128xi32, #tpu.memory_space<vmem>>
        %dma_wait3A_67 = arith.constant 0 : i32
        %dma_wait3A_68 = arith.constant 0 : i32
        %dma_wait3A_69 = tpu.memref_slice %arg11[%dma_wait3A_67, %dma_wait3A_68] : memref<10240x128xf32, #tpu.memory_space<vmem_shared>> -> memref<10240x128xf32, #tpu.memory_space<vmem_shared>>
        tpu.wait_indirect_dma semaphore(%run_scoped3A : memref<!tpu.dma_semaphore, #tpu.memory_space<semaphore_mem>>) src(%arg9 : memref<128x128xf32, #tpu.memory_space<vmem>>) dst(%dma_wait3A_69 : memref<10240x128xf32, #tpu.memory_space<vmem_shared>>)
        tpu.yield
      }) : () -> ()
      %add3A_48 = arith.constant 1 : i32
      %add3A_49 = arith.addi %add3A_36, %add3A_48 : i32
      %lt3A = arith.constant 40 : i32
      %lt3A_50 = arith.cmpi slt, %add3A_49, %lt3A : i32
      %convert_element_type3A = arith.extui %lt3A_50 : i1 to i32
      %cond3A = arith.constant 0 : i32
      %cond3A_51 = arith.cmpi ne, %convert_element_type3A, %cond3A : i32
      scf.if %cond3A_51 {
        %add3A_58 = arith.constant 1 : i32
        %add3A_59 = arith.addi %add3A_36, %add3A_58 : i32
        %dma_start3A_60 = arith.constant 0 : i32
        %dma_start3A_61 = tpu.memref_slice %arg7[%add3A_59, %dma_start3A_60] : memref<40x128xi32, #tpu.memory_space<vmem>> -> memref<1x128xi32, #tpu.memory_space<vmem>>
        %dma_start3A_62 = tpu.memref_squeeze %dma_start3A_61 : memref<1x128xi32, #tpu.memory_space<vmem>> -> memref<128xi32, #tpu.memory_space<vmem>>
        %dma_start3A_63 = arith.constant 0 : i32
        %dma_start3A_64 = arith.constant 0 : i32
        %dma_start3A_65 = tpu.memref_slice %arg2[%dma_start3A_63, %dma_start3A_64] : memref<10240x128xf32, #tpu.memory_space<hbm>> -> memref<10240x128xf32, #tpu.memory_space<hbm>>
        tpu.enqueue_indirect_dma source(%dma_start3A_65 : memref<10240x128xf32, #tpu.memory_space<hbm>>) target(%arg9 : memref<128x128xf32, #tpu.memory_space<vmem>>) offsets(%dma_start3A_62 : memref<128xi32, #tpu.memory_space<vmem>>) semaphore(%arg12 : memref<!tpu.dma_semaphore, #tpu.memory_space<semaphore_mem>>)
      } else {
      }
      %dma_wait3A_52 = arith.constant 0 : i32
      %dma_wait3A_53 = tpu.memref_slice %arg7[%add3A_36, %dma_wait3A_52] : memref<40x128xi32, #tpu.memory_space<vmem>> -> memref<1x128xi32, #tpu.memory_space<vmem>>
      %dma_wait3A_54 = tpu.memref_squeeze %dma_wait3A_53 : memref<1x128xi32, #tpu.memory_space<vmem>> -> memref<128xi32, #tpu.memory_space<vmem>>
      %dma_wait3A_55 = arith.constant 0 : i32
      %dma_wait3A_56 = arith.constant 0 : i32
      %dma_wait3A_57 = tpu.memref_slice %arg2[%dma_wait3A_55, %dma_wait3A_56] : memref<10240x128xf32, #tpu.memory_space<hbm>> -> memref<10240x128xf32, #tpu.memory_space<hbm>>
      tpu.wait_indirect_dma semaphore(%arg13 : memref<!tpu.dma_semaphore, #tpu.memory_space<semaphore_mem>>) src(%dma_wait3A_57 : memref<10240x128xf32, #tpu.memory_space<hbm>>) dst(%arg10 : memref<128x128xf32, #tpu.memory_space<vmem>>)
      "tpu.region"() ({
        %run_scoped3A = tpu.sem_alloc : memref<!tpu.dma_semaphore, #tpu.memory_space<semaphore_mem>>
        %dma_start3A_58 = arith.constant 0 : i32
        %dma_start3A_59 = tpu.memref_slice %arg8[%add3A_36, %dma_start3A_58] : memref<40x128xi32, #tpu.memory_space<vmem>> -> memref<1x128xi32, #tpu.memory_space<vmem>>
        %dma_start3A_60 = tpu.memref_squeeze %dma_start3A_59 : memref<1x128xi32, #tpu.memory_space<vmem>> -> memref<128xi32, #tpu.memory_space<vmem>>
        %dma_start3A_61 = arith.constant 0 : i32
        %dma_start3A_62 = arith.constant 0 : i32
        %dma_start3A_63 = tpu.memref_slice %arg11[%dma_start3A_61, %dma_start3A_62] : memref<10240x128xf32, #tpu.memory_space<vmem_shared>> -> memref<10240x128xf32, #tpu.memory_space<vmem_shared>>
        tpu.enqueue_indirect_dma source(%arg10 : memref<128x128xf32, #tpu.memory_space<vmem>>) target(%dma_start3A_63 : memref<10240x128xf32, #tpu.memory_space<vmem_shared>>) offsets(%dma_start3A_60 : memref<128xi32, #tpu.memory_space<vmem>>) semaphore(%run_scoped3A : memref<!tpu.dma_semaphore, #tpu.memory_space<semaphore_mem>>) {add = true}
        %dma_wait3A_64 = arith.constant 0 : i32
        %dma_wait3A_65 = tpu.memref_slice %arg8[%add3A_36, %dma_wait3A_64] : memref<40x128xi32, #tpu.memory_space<vmem>> -> memref<1x128xi32, #tpu.memory_space<vmem>>
        %dma_wait3A_66 = tpu.memref_squeeze %dma_wait3A_65 : memref<1x128xi32, #tpu.memory_space<vmem>> -> memref<128xi32, #tpu.memory_space<vmem>>
        %dma_wait3A_67 = arith.constant 0 : i32
        %dma_wait3A_68 = arith.constant 0 : i32
        %dma_wait3A_69 = tpu.memref_slice %arg11[%dma_wait3A_67, %dma_wait3A_68] : memref<10240x128xf32, #tpu.memory_space<vmem_shared>> -> memref<10240x128xf32, #tpu.memory_space<vmem_shared>>
        tpu.wait_indirect_dma semaphore(%run_scoped3A : memref<!tpu.dma_semaphore, #tpu.memory_space<semaphore_mem>>) src(%arg10 : memref<128x128xf32, #tpu.memory_space<vmem>>) dst(%dma_wait3A_69 : memref<10240x128xf32, #tpu.memory_space<vmem_shared>>)
        tpu.yield
      }) : () -> ()
    }
    %scan3A_26 = arith.constant 20 : i32
    %barrier3A_27 = arith.constant 0 : index
    tpu.barrier barrier_id(%barrier3A_27)
    %mul3A_28 = arith.constant 640 : i32
    %mul3A_29 = arith.muli %arg1, %mul3A_28 : i32
    %mul3A_30 = arith.constant 640 : i32
    %mul3A_31 = arith.muli %arg1, %mul3A_30 : i32
    "tpu.region"() ({
      %run_scoped3A = tpu.sem_alloc : memref<!tpu.dma_semaphore, #tpu.memory_space<semaphore_mem>>
      %dma_start3A_32 = arith.constant 0 : i32
      %dma_start3A_33 = tpu.memref_slice %arg6[%arg0, %mul3A_31, %dma_start3A_32] : memref<2x10240x128xf32, #tpu.memory_space<hbm>> -> memref<1x640x128xf32, #tpu.memory_space<hbm>>
      %dma_start3A_34 = tpu.memref_squeeze %dma_start3A_33 : memref<1x640x128xf32, #tpu.memory_space<hbm>> -> memref<640x128xf32, #tpu.memory_space<hbm>>
      %dma_start3A_35 = arith.constant 0 : i32
      %dma_start3A_36 = tpu.memref_slice %arg11[%mul3A_29, %dma_start3A_35] : memref<10240x128xf32, #tpu.memory_space<vmem_shared>> -> memref<640x128xf32, #tpu.memory_space<vmem_shared>>
      tpu.enqueue_dma source(%dma_start3A_36 : memref<640x128xf32, #tpu.memory_space<vmem_shared>>) target(%dma_start3A_34 : memref<640x128xf32, #tpu.memory_space<hbm>>) target_semaphore(%run_scoped3A : memref<!tpu.dma_semaphore, #tpu.memory_space<semaphore_mem>>)
      %dma_wait3A = arith.constant 0 : i32
      %dma_wait3A_37 = tpu.memref_slice %arg6[%arg0, %mul3A_31, %dma_wait3A] : memref<2x10240x128xf32, #tpu.memory_space<hbm>> -> memref<1x640x128xf32, #tpu.memory_space<hbm>>
      %dma_wait3A_38 = tpu.memref_squeeze %dma_wait3A_37 : memref<1x640x128xf32, #tpu.memory_space<hbm>> -> memref<640x128xf32, #tpu.memory_space<hbm>>
      %dma_wait3A_39 = arith.constant 0 : i32
      %dma_wait3A_40 = tpu.memref_slice %arg11[%mul3A_29, %dma_wait3A_39] : memref<10240x128xf32, #tpu.memory_space<vmem_shared>> -> memref<640x128xf32, #tpu.memory_space<vmem_shared>>
      tpu.wait_dma2 semaphore(%run_scoped3A : memref<!tpu.dma_semaphore, #tpu.memory_space<semaphore_mem>>) src(%dma_wait3A_40 : memref<640x128xf32, #tpu.memory_space<vmem_shared>>) dst(%dma_wait3A_38 : memref<640x128xf32, #tpu.memory_space<hbm>>)
      tpu.yield
    }) : () -> ()
    return
  }
}

#map = affine_map<(d0, d1) -> (0, 0)>
module attributes {stable_mosaic.version = 14 : i64} {
  func.func @k(%arg0: i32, %arg1: i32, %arg2: memref<3840x128xf32, #tpu.memory_space<hbm>>, %arg3: memref<80x128xi32, #tpu.memory_space<hbm>>, %arg4: memref<10240x128xf32, #tpu.memory_space<hbm>>, %arg5: memref<128xi32, #tpu.memory_space<vmem>>, %arg6: memref<128x128xf32, #tpu.memory_space<vmem>>, %arg7: memref<!tpu.dma_semaphore, #tpu.memory_space<semaphore_mem>>) attributes {dimension_semantics = [#tpu.dimension_semantics<core_parallel>, #tpu.dimension_semantics<subcore_parallel>], iteration_bounds = array<i64: 2, 16>, scalar_prefetch = 0 : i64, scratch_operands = 3 : i64, tpu.core_type = #tpu.core_type<sc_vector_subcore>, window_params = [{transform_indices = #map}, {transform_indices = #map}, {transform_indices = #map}]} {
    %mul3A = arith.constant 16 : i32
    %mul3A_0 = arith.muli %arg0, %mul3A : i32
    %add3A = arith.addi %mul3A_0, %arg1 : i32
    %scan3A = arith.constant 0 : i32
    %scan3A_1 = arith.constant 0 : i32
    %scan3A_2 = arith.constant 3 : i32
    %scan3A_3 = arith.addi %scan3A_1, %scan3A_2 : i32
    %scan3A_4 = arith.constant 1 : i32
    scf.for %scan3A_6 = %scan3A_1 to %scan3A_3 step %scan3A_4  : i32 {
      %mul3A_7 = arith.constant 32 : i32
      %mul3A_8 = arith.muli %scan3A_6, %mul3A_7 : i32
      %add3A_9 = arith.addi %add3A, %mul3A_8 : i32
      %lt3A = arith.constant 80 : i32
      %lt3A_10 = arith.cmpi slt, %add3A_9, %lt3A : i32
      %convert_element_type3A = arith.extui %lt3A_10 : i1 to i32
      %cond3A = arith.constant 0 : i32
      %cond3A_11 = arith.cmpi ne, %convert_element_type3A, %cond3A : i32
      scf.if %cond3A_11 {
        "tpu.region"() ({
          %run_scoped3A = tpu.sem_alloc : memref<!tpu.dma_semaphore, #tpu.memory_space<semaphore_mem>>
          %dma_start3A_18 = arith.constant 0 : i32
          %dma_start3A_19 = tpu.memref_slice %arg3[%add3A_9, %dma_start3A_18] : memref<80x128xi32, #tpu.memory_space<hbm>> -> memref<1x128xi32, #tpu.memory_space<hbm>>
          %dma_start3A_20 = tpu.memref_squeeze %dma_start3A_19 : memref<1x128xi32, #tpu.memory_space<hbm>> -> memref<128xi32, #tpu.memory_space<hbm>>
          %dma_start3A_21 = arith.constant 0 : i32
          %dma_start3A_22 = tpu.memref_slice %arg3[%add3A_9, %dma_start3A_21] : memref<80x128xi32, #tpu.memory_space<hbm>> -> memref<1x128xi32, #tpu.memory_space<hbm>>
          %dma_start3A_23 = tpu.memref_squeeze %dma_start3A_22 : memref<1x128xi32, #tpu.memory_space<hbm>> -> memref<128xi32, #tpu.memory_space<hbm>>
          tpu.enqueue_dma source(%dma_start3A_23 : memref<128xi32, #tpu.memory_space<hbm>>) target(%arg5 : memref<128xi32, #tpu.memory_space<vmem>>) target_semaphore(%run_scoped3A : memref<!tpu.dma_semaphore, #tpu.memory_space<semaphore_mem>>)
          %dma_wait3A_24 = arith.constant 0 : i32
          %dma_wait3A_25 = tpu.memref_slice %arg3[%add3A_9, %dma_wait3A_24] : memref<80x128xi32, #tpu.memory_space<hbm>> -> memref<1x128xi32, #tpu.memory_space<hbm>>
          %dma_wait3A_26 = tpu.memref_squeeze %dma_wait3A_25 : memref<1x128xi32, #tpu.memory_space<hbm>> -> memref<128xi32, #tpu.memory_space<hbm>>
          %dma_wait3A_27 = arith.constant 0 : i32
          %dma_wait3A_28 = tpu.memref_slice %arg3[%add3A_9, %dma_wait3A_27] : memref<80x128xi32, #tpu.memory_space<hbm>> -> memref<1x128xi32, #tpu.memory_space<hbm>>
          %dma_wait3A_29 = tpu.memref_squeeze %dma_wait3A_28 : memref<1x128xi32, #tpu.memory_space<hbm>> -> memref<128xi32, #tpu.memory_space<hbm>>
          tpu.wait_dma2 semaphore(%run_scoped3A : memref<!tpu.dma_semaphore, #tpu.memory_space<semaphore_mem>>) src(%dma_wait3A_29 : memref<128xi32, #tpu.memory_space<hbm>>) dst(%arg5 : memref<128xi32, #tpu.memory_space<vmem>>)
          tpu.yield
        }) : () -> ()
        %dma_start3A = arith.constant 0 : i32
        %dma_start3A_12 = arith.constant 0 : i32
        %dma_start3A_13 = tpu.memref_slice %arg2[%dma_start3A, %dma_start3A_12] : memref<3840x128xf32, #tpu.memory_space<hbm>> -> memref<3840x128xf32, #tpu.memory_space<hbm>>
        tpu.enqueue_indirect_dma source(%dma_start3A_13 : memref<3840x128xf32, #tpu.memory_space<hbm>>) target(%arg6 : memref<128x128xf32, #tpu.memory_space<vmem>>) offsets(%arg5 : memref<128xi32, #tpu.memory_space<vmem>>) semaphore(%arg7 : memref<!tpu.dma_semaphore, #tpu.memory_space<semaphore_mem>>)
        %dma_wait3A = arith.constant 0 : i32
        %dma_wait3A_14 = arith.constant 0 : i32
        %dma_wait3A_15 = tpu.memref_slice %arg2[%dma_wait3A, %dma_wait3A_14] : memref<3840x128xf32, #tpu.memory_space<hbm>> -> memref<3840x128xf32, #tpu.memory_space<hbm>>
        tpu.wait_indirect_dma semaphore(%arg7 : memref<!tpu.dma_semaphore, #tpu.memory_space<semaphore_mem>>) src(%dma_wait3A_15 : memref<3840x128xf32, #tpu.memory_space<hbm>>) dst(%arg6 : memref<128x128xf32, #tpu.memory_space<vmem>>)
        %mul3A_16 = arith.constant 128 : i32
        %mul3A_17 = arith.muli %add3A_9, %mul3A_16 : i32
        "tpu.region"() ({
          %run_scoped3A = tpu.sem_alloc : memref<!tpu.dma_semaphore, #tpu.memory_space<semaphore_mem>>
          %dma_start3A_18 = arith.constant 0 : i32
          %dma_start3A_19 = tpu.memref_slice %arg4[%mul3A_17, %dma_start3A_18] : memref<10240x128xf32, #tpu.memory_space<hbm>> -> memref<128x128xf32, #tpu.memory_space<hbm>>
          %dma_start3A_20 = arith.constant 0 : i32
          %dma_start3A_21 = tpu.memref_slice %arg4[%mul3A_17, %dma_start3A_20] : memref<10240x128xf32, #tpu.memory_space<hbm>> -> memref<128x128xf32, #tpu.memory_space<hbm>>
          tpu.enqueue_dma source(%arg6 : memref<128x128xf32, #tpu.memory_space<vmem>>) target(%dma_start3A_21 : memref<128x128xf32, #tpu.memory_space<hbm>>) target_semaphore(%run_scoped3A : memref<!tpu.dma_semaphore, #tpu.memory_space<semaphore_mem>>)
          %dma_wait3A_22 = arith.constant 0 : i32
          %dma_wait3A_23 = tpu.memref_slice %arg4[%mul3A_17, %dma_wait3A_22] : memref<10240x128xf32, #tpu.memory_space<hbm>> -> memref<128x128xf32, #tpu.memory_space<hbm>>
          %dma_wait3A_24 = arith.constant 0 : i32
          %dma_wait3A_25 = tpu.memref_slice %arg4[%mul3A_17, %dma_wait3A_24] : memref<10240x128xf32, #tpu.memory_space<hbm>> -> memref<128x128xf32, #tpu.memory_space<hbm>>
          tpu.wait_dma2 semaphore(%run_scoped3A : memref<!tpu.dma_semaphore, #tpu.memory_space<semaphore_mem>>) src(%arg6 : memref<128x128xf32, #tpu.memory_space<vmem>>) dst(%dma_wait3A_25 : memref<128x128xf32, #tpu.memory_space<hbm>>)
          tpu.yield
        }) : () -> ()
      } else {
      }
    }
    %scan3A_5 = arith.constant 3 : i32
    return
  }
}

#map = affine_map<(d0, d1) -> (0, 0)>
#map1 = affine_map<(d0, d1) -> (0, 0, 0)>
module attributes {stable_mosaic.version = 14 : i64} {
  func.func @k(%arg0: i32, %arg1: i32, %arg2: memref<4096x128xf32, #tpu.memory_space<hbm>>, %arg3: memref<32x80x128xi32, #tpu.memory_space<hbm>>, %arg4: memref<32x80x128xi32, #tpu.memory_space<hbm>>, %arg5: memref<640x128xf32, #tpu.memory_space<hbm>>, %arg6: memref<2x10240x128xf32, #tpu.memory_space<hbm>>, %arg7: memref<40x128xi32, #tpu.memory_space<vmem>>, %arg8: memref<40x128xi32, #tpu.memory_space<vmem>>, %arg9: memref<128x128xf32, #tpu.memory_space<vmem>>, %arg10: memref<128x128xf32, #tpu.memory_space<vmem>>, %arg11: memref<10240x128xf32, #tpu.memory_space<vmem_shared>>, %arg12: memref<!tpu.dma_semaphore, #tpu.memory_space<semaphore_mem>>, %arg13: memref<!tpu.dma_semaphore, #tpu.memory_space<semaphore_mem>>) attributes {dimension_semantics = [#tpu.dimension_semantics<core_parallel>, #tpu.dimension_semantics<subcore_parallel>], iteration_bounds = array<i64: 2, 16>, scalar_prefetch = 0 : i64, scratch_operands = 7 : i64, tpu.core_type = #tpu.core_type<sc_vector_subcore>, window_params = [{transform_indices = #map}, {transform_indices = #map1}, {transform_indices = #map1}, {transform_indices = #map}, {transform_indices = #map1}]} {
    %mul3A = arith.constant 16 : i32
    %mul3A_0 = arith.muli %arg0, %mul3A : i32
    %add3A = arith.addi %mul3A_0, %arg1 : i32
    %mul3A_1 = arith.constant 640 : i32
    %mul3A_2 = arith.muli %arg1, %mul3A_1 : i32
    "tpu.region"() ({
      %run_scoped3A = tpu.sem_alloc : memref<!tpu.dma_semaphore, #tpu.memory_space<semaphore_mem>>
      %dma_start3A_32 = arith.constant 0 : i32
      %dma_start3A_33 = tpu.memref_slice %arg11[%mul3A_2, %dma_start3A_32] : memref<10240x128xf32, #tpu.memory_space<vmem_shared>> -> memref<640x128xf32, #tpu.memory_space<vmem_shared>>
      tpu.enqueue_dma source(%arg5 : memref<640x128xf32, #tpu.memory_space<hbm>>) target(%dma_start3A_33 : memref<640x128xf32, #tpu.memory_space<vmem_shared>>) target_semaphore(%run_scoped3A : memref<!tpu.dma_semaphore, #tpu.memory_space<semaphore_mem>>)
      %dma_wait3A = arith.constant 0 : i32
      %dma_wait3A_34 = tpu.memref_slice %arg11[%mul3A_2, %dma_wait3A] : memref<10240x128xf32, #tpu.memory_space<vmem_shared>> -> memref<640x128xf32, #tpu.memory_space<vmem_shared>>
      tpu.wait_dma2 semaphore(%run_scoped3A : memref<!tpu.dma_semaphore, #tpu.memory_space<semaphore_mem>>) src(%arg5 : memref<640x128xf32, #tpu.memory_space<hbm>>) dst(%dma_wait3A_34 : memref<640x128xf32, #tpu.memory_space<vmem_shared>>)
      tpu.yield
    }) : () -> ()
    %barrier3A = arith.constant 0 : index
    tpu.barrier barrier_id(%barrier3A)
    "tpu.region"() ({
      %run_scoped3A = tpu.sem_alloc : memref<!tpu.dma_semaphore, #tpu.memory_space<semaphore_mem>>
      %dma_start3A_32 = arith.constant 0 : i32
      %dma_start3A_33 = arith.constant 0 : i32
      %dma_start3A_34 = tpu.memref_slice %arg3[%add3A, %dma_start3A_32, %dma_start3A_33] : memref<32x80x128xi32, #tpu.memory_space<hbm>> -> memref<1x40x128xi32, #tpu.memory_space<hbm>>
      %dma_start3A_35 = tpu.memref_squeeze %dma_start3A_34 : memref<1x40x128xi32, #tpu.memory_space<hbm>> -> memref<40x128xi32, #tpu.memory_space<hbm>>
      %dma_start3A_36 = arith.constant 0 : i32
      %dma_start3A_37 = arith.constant 0 : i32
      %dma_start3A_38 = tpu.memref_slice %arg3[%add3A, %dma_start3A_36, %dma_start3A_37] : memref<32x80x128xi32, #tpu.memory_space<hbm>> -> memref<1x40x128xi32, #tpu.memory_space<hbm>>
      %dma_start3A_39 = tpu.memref_squeeze %dma_start3A_38 : memref<1x40x128xi32, #tpu.memory_space<hbm>> -> memref<40x128xi32, #tpu.memory_space<hbm>>
      tpu.enqueue_dma source(%dma_start3A_39 : memref<40x128xi32, #tpu.memory_space<hbm>>) target(%arg7 : memref<40x128xi32, #tpu.memory_space<vmem>>) target_semaphore(%run_scoped3A : memref<!tpu.dma_semaphore, #tpu.memory_space<semaphore_mem>>)
      %dma_wait3A = arith.constant 0 : i32
      %dma_wait3A_40 = arith.constant 0 : i32
      %dma_wait3A_41 = tpu.memref_slice %arg3[%add3A, %dma_wait3A, %dma_wait3A_40] : memref<32x80x128xi32, #tpu.memory_space<hbm>> -> memref<1x40x128xi32, #tpu.memory_space<hbm>>
      %dma_wait3A_42 = tpu.memref_squeeze %dma_wait3A_41 : memref<1x40x128xi32, #tpu.memory_space<hbm>> -> memref<40x128xi32, #tpu.memory_space<hbm>>
      %dma_wait3A_43 = arith.constant 0 : i32
      %dma_wait3A_44 = arith.constant 0 : i32
      %dma_wait3A_45 = tpu.memref_slice %arg3[%add3A, %dma_wait3A_43, %dma_wait3A_44] : memref<32x80x128xi32, #tpu.memory_space<hbm>> -> memref<1x40x128xi32, #tpu.memory_space<hbm>>
      %dma_wait3A_46 = tpu.memref_squeeze %dma_wait3A_45 : memref<1x40x128xi32, #tpu.memory_space<hbm>> -> memref<40x128xi32, #tpu.memory_space<hbm>>
      tpu.wait_dma2 semaphore(%run_scoped3A : memref<!tpu.dma_semaphore, #tpu.memory_space<semaphore_mem>>) src(%dma_wait3A_46 : memref<40x128xi32, #tpu.memory_space<hbm>>) dst(%arg7 : memref<40x128xi32, #tpu.memory_space<vmem>>)
      tpu.yield
    }) : () -> ()
    "tpu.region"() ({
      %run_scoped3A = tpu.sem_alloc : memref<!tpu.dma_semaphore, #tpu.memory_space<semaphore_mem>>
      %dma_start3A_32 = arith.constant 0 : i32
      %dma_start3A_33 = arith.constant 0 : i32
      %dma_start3A_34 = tpu.memref_slice %arg4[%add3A, %dma_start3A_32, %dma_start3A_33] : memref<32x80x128xi32, #tpu.memory_space<hbm>> -> memref<1x40x128xi32, #tpu.memory_space<hbm>>
      %dma_start3A_35 = tpu.memref_squeeze %dma_start3A_34 : memref<1x40x128xi32, #tpu.memory_space<hbm>> -> memref<40x128xi32, #tpu.memory_space<hbm>>
      %dma_start3A_36 = arith.constant 0 : i32
      %dma_start3A_37 = arith.constant 0 : i32
      %dma_start3A_38 = tpu.memref_slice %arg4[%add3A, %dma_start3A_36, %dma_start3A_37] : memref<32x80x128xi32, #tpu.memory_space<hbm>> -> memref<1x40x128xi32, #tpu.memory_space<hbm>>
      %dma_start3A_39 = tpu.memref_squeeze %dma_start3A_38 : memref<1x40x128xi32, #tpu.memory_space<hbm>> -> memref<40x128xi32, #tpu.memory_space<hbm>>
      tpu.enqueue_dma source(%dma_start3A_39 : memref<40x128xi32, #tpu.memory_space<hbm>>) target(%arg8 : memref<40x128xi32, #tpu.memory_space<vmem>>) target_semaphore(%run_scoped3A : memref<!tpu.dma_semaphore, #tpu.memory_space<semaphore_mem>>)
      %dma_wait3A = arith.constant 0 : i32
      %dma_wait3A_40 = arith.constant 0 : i32
      %dma_wait3A_41 = tpu.memref_slice %arg4[%add3A, %dma_wait3A, %dma_wait3A_40] : memref<32x80x128xi32, #tpu.memory_space<hbm>> -> memref<1x40x128xi32, #tpu.memory_space<hbm>>
      %dma_wait3A_42 = tpu.memref_squeeze %dma_wait3A_41 : memref<1x40x128xi32, #tpu.memory_space<hbm>> -> memref<40x128xi32, #tpu.memory_space<hbm>>
      %dma_wait3A_43 = arith.constant 0 : i32
      %dma_wait3A_44 = arith.constant 0 : i32
      %dma_wait3A_45 = tpu.memref_slice %arg4[%add3A, %dma_wait3A_43, %dma_wait3A_44] : memref<32x80x128xi32, #tpu.memory_space<hbm>> -> memref<1x40x128xi32, #tpu.memory_space<hbm>>
      %dma_wait3A_46 = tpu.memref_squeeze %dma_wait3A_45 : memref<1x40x128xi32, #tpu.memory_space<hbm>> -> memref<40x128xi32, #tpu.memory_space<hbm>>
      tpu.wait_dma2 semaphore(%run_scoped3A : memref<!tpu.dma_semaphore, #tpu.memory_space<semaphore_mem>>) src(%dma_wait3A_46 : memref<40x128xi32, #tpu.memory_space<hbm>>) dst(%arg8 : memref<40x128xi32, #tpu.memory_space<vmem>>)
      tpu.yield
    }) : () -> ()
    %dma_start3A = arith.constant 0 : i32
    %dma_start3A_3 = arith.constant 0 : i32
    %dma_start3A_4 = tpu.memref_slice %arg7[%dma_start3A, %dma_start3A_3] : memref<40x128xi32, #tpu.memory_space<vmem>> -> memref<1x128xi32, #tpu.memory_space<vmem>>
    %dma_start3A_5 = tpu.memref_squeeze %dma_start3A_4 : memref<1x128xi32, #tpu.memory_space<vmem>> -> memref<128xi32, #tpu.memory_space<vmem>>
    %dma_start3A_6 = arith.constant 0 : i32
    %dma_start3A_7 = arith.constant 0 : i32
    %dma_start3A_8 = tpu.memref_slice %arg2[%dma_start3A_6, %dma_start3A_7] : memref<4096x128xf32, #tpu.memory_space<hbm>> -> memref<4096x128xf32, #tpu.memory_space<hbm>>
    tpu.enqueue_indirect_dma source(%dma_start3A_8 : memref<4096x128xf32, #tpu.memory_space<hbm>>) target(%arg9 : memref<128x128xf32, #tpu.memory_space<vmem>>) offsets(%dma_start3A_5 : memref<128xi32, #tpu.memory_space<vmem>>) semaphore(%arg12 : memref<!tpu.dma_semaphore, #tpu.memory_space<semaphore_mem>>)
    %scan3A = arith.constant 0 : i32
    %scan3A_9 = arith.constant 0 : i32
    %scan3A_10 = arith.constant 20 : i32
    %scan3A_11 = arith.addi %scan3A_9, %scan3A_10 : i32
    %scan3A_12 = arith.constant 1 : i32
    scf.for %scan3A_32 = %scan3A_9 to %scan3A_11 step %scan3A_12  : i32 {
      %mul3A_33 = arith.constant 2 : i32
      %mul3A_34 = arith.muli %mul3A_33, %scan3A_32 : i32
      %add3A_35 = arith.constant 1 : i32
      %add3A_36 = arith.addi %mul3A_34, %add3A_35 : i32
      %dma_start3A_37 = arith.constant 0 : i32
      %dma_start3A_38 = tpu.memref_slice %arg7[%add3A_36, %dma_start3A_37] : memref<40x128xi32, #tpu.memory_space<vmem>> -> memref<1x128xi32, #tpu.memory_space<vmem>>
      %dma_start3A_39 = tpu.memref_squeeze %dma_start3A_38 : memref<1x128xi32, #tpu.memory_space<vmem>> -> memref<128xi32, #tpu.memory_space<vmem>>
      %dma_start3A_40 = arith.constant 0 : i32
      %dma_start3A_41 = arith.constant 0 : i32
      %dma_start3A_42 = tpu.memref_slice %arg2[%dma_start3A_40, %dma_start3A_41] : memref<4096x128xf32, #tpu.memory_space<hbm>> -> memref<4096x128xf32, #tpu.memory_space<hbm>>
      tpu.enqueue_indirect_dma source(%dma_start3A_42 : memref<4096x128xf32, #tpu.memory_space<hbm>>) target(%arg10 : memref<128x128xf32, #tpu.memory_space<vmem>>) offsets(%dma_start3A_39 : memref<128xi32, #tpu.memory_space<vmem>>) semaphore(%arg13 : memref<!tpu.dma_semaphore, #tpu.memory_space<semaphore_mem>>)
      %dma_wait3A = arith.constant 0 : i32
      %dma_wait3A_43 = tpu.memref_slice %arg7[%mul3A_34, %dma_wait3A] : memref<40x128xi32, #tpu.memory_space<vmem>> -> memref<1x128xi32, #tpu.memory_space<vmem>>
      %dma_wait3A_44 = tpu.memref_squeeze %dma_wait3A_43 : memref<1x128xi32, #tpu.memory_space<vmem>> -> memref<128xi32, #tpu.memory_space<vmem>>
      %dma_wait3A_45 = arith.constant 0 : i32
      %dma_wait3A_46 = arith.constant 0 : i32
      %dma_wait3A_47 = tpu.memref_slice %arg2[%dma_wait3A_45, %dma_wait3A_46] : memref<4096x128xf32, #tpu.memory_space<hbm>> -> memref<4096x128xf32, #tpu.memory_space<hbm>>
      tpu.wait_indirect_dma semaphore(%arg12 : memref<!tpu.dma_semaphore, #tpu.memory_space<semaphore_mem>>) src(%dma_wait3A_47 : memref<4096x128xf32, #tpu.memory_space<hbm>>) dst(%arg9 : memref<128x128xf32, #tpu.memory_space<vmem>>)
      "tpu.region"() ({
        %run_scoped3A = tpu.sem_alloc : memref<!tpu.dma_semaphore, #tpu.memory_space<semaphore_mem>>
        %dma_start3A_58 = arith.constant 0 : i32
        %dma_start3A_59 = tpu.memref_slice %arg8[%mul3A_34, %dma_start3A_58] : memref<40x128xi32, #tpu.memory_space<vmem>> -> memref<1x128xi32, #tpu.memory_space<vmem>>
        %dma_start3A_60 = tpu.memref_squeeze %dma_start3A_59 : memref<1x128xi32, #tpu.memory_space<vmem>> -> memref<128xi32, #tpu.memory_space<vmem>>
        %dma_start3A_61 = arith.constant 0 : i32
        %dma_start3A_62 = arith.constant 0 : i32
        %dma_start3A_63 = tpu.memref_slice %arg11[%dma_start3A_61, %dma_start3A_62] : memref<10240x128xf32, #tpu.memory_space<vmem_shared>> -> memref<10240x128xf32, #tpu.memory_space<vmem_shared>>
        tpu.enqueue_indirect_dma source(%arg9 : memref<128x128xf32, #tpu.memory_space<vmem>>) target(%dma_start3A_63 : memref<10240x128xf32, #tpu.memory_space<vmem_shared>>) offsets(%dma_start3A_60 : memref<128xi32, #tpu.memory_space<vmem>>) semaphore(%run_scoped3A : memref<!tpu.dma_semaphore, #tpu.memory_space<semaphore_mem>>) {add = true}
        %dma_wait3A_64 = arith.constant 0 : i32
        %dma_wait3A_65 = tpu.memref_slice %arg8[%mul3A_34, %dma_wait3A_64] : memref<40x128xi32, #tpu.memory_space<vmem>> -> memref<1x128xi32, #tpu.memory_space<vmem>>
        %dma_wait3A_66 = tpu.memref_squeeze %dma_wait3A_65 : memref<1x128xi32, #tpu.memory_space<vmem>> -> memref<128xi32, #tpu.memory_space<vmem>>
        %dma_wait3A_67 = arith.constant 0 : i32
        %dma_wait3A_68 = arith.constant 0 : i32
        %dma_wait3A_69 = tpu.memref_slice %arg11[%dma_wait3A_67, %dma_wait3A_68] : memref<10240x128xf32, #tpu.memory_space<vmem_shared>> -> memref<10240x128xf32, #tpu.memory_space<vmem_shared>>
        tpu.wait_indirect_dma semaphore(%run_scoped3A : memref<!tpu.dma_semaphore, #tpu.memory_space<semaphore_mem>>) src(%arg9 : memref<128x128xf32, #tpu.memory_space<vmem>>) dst(%dma_wait3A_69 : memref<10240x128xf32, #tpu.memory_space<vmem_shared>>)
        tpu.yield
      }) : () -> ()
      %add3A_48 = arith.constant 1 : i32
      %add3A_49 = arith.addi %add3A_36, %add3A_48 : i32
      %lt3A = arith.constant 40 : i32
      %lt3A_50 = arith.cmpi slt, %add3A_49, %lt3A : i32
      %convert_element_type3A = arith.extui %lt3A_50 : i1 to i32
      %cond3A = arith.constant 0 : i32
      %cond3A_51 = arith.cmpi ne, %convert_element_type3A, %cond3A : i32
      scf.if %cond3A_51 {
        %add3A_58 = arith.constant 1 : i32
        %add3A_59 = arith.addi %add3A_36, %add3A_58 : i32
        %dma_start3A_60 = arith.constant 0 : i32
        %dma_start3A_61 = tpu.memref_slice %arg7[%add3A_59, %dma_start3A_60] : memref<40x128xi32, #tpu.memory_space<vmem>> -> memref<1x128xi32, #tpu.memory_space<vmem>>
        %dma_start3A_62 = tpu.memref_squeeze %dma_start3A_61 : memref<1x128xi32, #tpu.memory_space<vmem>> -> memref<128xi32, #tpu.memory_space<vmem>>
        %dma_start3A_63 = arith.constant 0 : i32
        %dma_start3A_64 = arith.constant 0 : i32
        %dma_start3A_65 = tpu.memref_slice %arg2[%dma_start3A_63, %dma_start3A_64] : memref<4096x128xf32, #tpu.memory_space<hbm>> -> memref<4096x128xf32, #tpu.memory_space<hbm>>
        tpu.enqueue_indirect_dma source(%dma_start3A_65 : memref<4096x128xf32, #tpu.memory_space<hbm>>) target(%arg9 : memref<128x128xf32, #tpu.memory_space<vmem>>) offsets(%dma_start3A_62 : memref<128xi32, #tpu.memory_space<vmem>>) semaphore(%arg12 : memref<!tpu.dma_semaphore, #tpu.memory_space<semaphore_mem>>)
      } else {
      }
      %dma_wait3A_52 = arith.constant 0 : i32
      %dma_wait3A_53 = tpu.memref_slice %arg7[%add3A_36, %dma_wait3A_52] : memref<40x128xi32, #tpu.memory_space<vmem>> -> memref<1x128xi32, #tpu.memory_space<vmem>>
      %dma_wait3A_54 = tpu.memref_squeeze %dma_wait3A_53 : memref<1x128xi32, #tpu.memory_space<vmem>> -> memref<128xi32, #tpu.memory_space<vmem>>
      %dma_wait3A_55 = arith.constant 0 : i32
      %dma_wait3A_56 = arith.constant 0 : i32
      %dma_wait3A_57 = tpu.memref_slice %arg2[%dma_wait3A_55, %dma_wait3A_56] : memref<4096x128xf32, #tpu.memory_space<hbm>> -> memref<4096x128xf32, #tpu.memory_space<hbm>>
      tpu.wait_indirect_dma semaphore(%arg13 : memref<!tpu.dma_semaphore, #tpu.memory_space<semaphore_mem>>) src(%dma_wait3A_57 : memref<4096x128xf32, #tpu.memory_space<hbm>>) dst(%arg10 : memref<128x128xf32, #tpu.memory_space<vmem>>)
      "tpu.region"() ({
        %run_scoped3A = tpu.sem_alloc : memref<!tpu.dma_semaphore, #tpu.memory_space<semaphore_mem>>
        %dma_start3A_58 = arith.constant 0 : i32
        %dma_start3A_59 = tpu.memref_slice %arg8[%add3A_36, %dma_start3A_58] : memref<40x128xi32, #tpu.memory_space<vmem>> -> memref<1x128xi32, #tpu.memory_space<vmem>>
        %dma_start3A_60 = tpu.memref_squeeze %dma_start3A_59 : memref<1x128xi32, #tpu.memory_space<vmem>> -> memref<128xi32, #tpu.memory_space<vmem>>
        %dma_start3A_61 = arith.constant 0 : i32
        %dma_start3A_62 = arith.constant 0 : i32
        %dma_start3A_63 = tpu.memref_slice %arg11[%dma_start3A_61, %dma_start3A_62] : memref<10240x128xf32, #tpu.memory_space<vmem_shared>> -> memref<10240x128xf32, #tpu.memory_space<vmem_shared>>
        tpu.enqueue_indirect_dma source(%arg10 : memref<128x128xf32, #tpu.memory_space<vmem>>) target(%dma_start3A_63 : memref<10240x128xf32, #tpu.memory_space<vmem_shared>>) offsets(%dma_start3A_60 : memref<128xi32, #tpu.memory_space<vmem>>) semaphore(%run_scoped3A : memref<!tpu.dma_semaphore, #tpu.memory_space<semaphore_mem>>) {add = true}
        %dma_wait3A_64 = arith.constant 0 : i32
        %dma_wait3A_65 = tpu.memref_slice %arg8[%add3A_36, %dma_wait3A_64] : memref<40x128xi32, #tpu.memory_space<vmem>> -> memref<1x128xi32, #tpu.memory_space<vmem>>
        %dma_wait3A_66 = tpu.memref_squeeze %dma_wait3A_65 : memref<1x128xi32, #tpu.memory_space<vmem>> -> memref<128xi32, #tpu.memory_space<vmem>>
        %dma_wait3A_67 = arith.constant 0 : i32
        %dma_wait3A_68 = arith.constant 0 : i32
        %dma_wait3A_69 = tpu.memref_slice %arg11[%dma_wait3A_67, %dma_wait3A_68] : memref<10240x128xf32, #tpu.memory_space<vmem_shared>> -> memref<10240x128xf32, #tpu.memory_space<vmem_shared>>
        tpu.wait_indirect_dma semaphore(%run_scoped3A : memref<!tpu.dma_semaphore, #tpu.memory_space<semaphore_mem>>) src(%arg10 : memref<128x128xf32, #tpu.memory_space<vmem>>) dst(%dma_wait3A_69 : memref<10240x128xf32, #tpu.memory_space<vmem_shared>>)
        tpu.yield
      }) : () -> ()
    }
    %scan3A_13 = arith.constant 20 : i32
    "tpu.region"() ({
      %run_scoped3A = tpu.sem_alloc : memref<!tpu.dma_semaphore, #tpu.memory_space<semaphore_mem>>
      %dma_start3A_32 = arith.constant 40 : i32
      %dma_start3A_33 = arith.constant 0 : i32
      %dma_start3A_34 = tpu.memref_slice %arg3[%add3A, %dma_start3A_32, %dma_start3A_33] : memref<32x80x128xi32, #tpu.memory_space<hbm>> -> memref<1x40x128xi32, #tpu.memory_space<hbm>>
      %dma_start3A_35 = tpu.memref_squeeze %dma_start3A_34 : memref<1x40x128xi32, #tpu.memory_space<hbm>> -> memref<40x128xi32, #tpu.memory_space<hbm>>
      %dma_start3A_36 = arith.constant 40 : i32
      %dma_start3A_37 = arith.constant 0 : i32
      %dma_start3A_38 = tpu.memref_slice %arg3[%add3A, %dma_start3A_36, %dma_start3A_37] : memref<32x80x128xi32, #tpu.memory_space<hbm>> -> memref<1x40x128xi32, #tpu.memory_space<hbm>>
      %dma_start3A_39 = tpu.memref_squeeze %dma_start3A_38 : memref<1x40x128xi32, #tpu.memory_space<hbm>> -> memref<40x128xi32, #tpu.memory_space<hbm>>
      tpu.enqueue_dma source(%dma_start3A_39 : memref<40x128xi32, #tpu.memory_space<hbm>>) target(%arg7 : memref<40x128xi32, #tpu.memory_space<vmem>>) target_semaphore(%run_scoped3A : memref<!tpu.dma_semaphore, #tpu.memory_space<semaphore_mem>>)
      %dma_wait3A = arith.constant 40 : i32
      %dma_wait3A_40 = arith.constant 0 : i32
      %dma_wait3A_41 = tpu.memref_slice %arg3[%add3A, %dma_wait3A, %dma_wait3A_40] : memref<32x80x128xi32, #tpu.memory_space<hbm>> -> memref<1x40x128xi32, #tpu.memory_space<hbm>>
      %dma_wait3A_42 = tpu.memref_squeeze %dma_wait3A_41 : memref<1x40x128xi32, #tpu.memory_space<hbm>> -> memref<40x128xi32, #tpu.memory_space<hbm>>
      %dma_wait3A_43 = arith.constant 40 : i32
      %dma_wait3A_44 = arith.constant 0 : i32
      %dma_wait3A_45 = tpu.memref_slice %arg3[%add3A, %dma_wait3A_43, %dma_wait3A_44] : memref<32x80x128xi32, #tpu.memory_space<hbm>> -> memref<1x40x128xi32, #tpu.memory_space<hbm>>
      %dma_wait3A_46 = tpu.memref_squeeze %dma_wait3A_45 : memref<1x40x128xi32, #tpu.memory_space<hbm>> -> memref<40x128xi32, #tpu.memory_space<hbm>>
      tpu.wait_dma2 semaphore(%run_scoped3A : memref<!tpu.dma_semaphore, #tpu.memory_space<semaphore_mem>>) src(%dma_wait3A_46 : memref<40x128xi32, #tpu.memory_space<hbm>>) dst(%arg7 : memref<40x128xi32, #tpu.memory_space<vmem>>)
      tpu.yield
    }) : () -> ()
    "tpu.region"() ({
      %run_scoped3A = tpu.sem_alloc : memref<!tpu.dma_semaphore, #tpu.memory_space<semaphore_mem>>
      %dma_start3A_32 = arith.constant 40 : i32
      %dma_start3A_33 = arith.constant 0 : i32
      %dma_start3A_34 = tpu.memref_slice %arg4[%add3A, %dma_start3A_32, %dma_start3A_33] : memref<32x80x128xi32, #tpu.memory_space<hbm>> -> memref<1x40x128xi32, #tpu.memory_space<hbm>>
      %dma_start3A_35 = tpu.memref_squeeze %dma_start3A_34 : memref<1x40x128xi32, #tpu.memory_space<hbm>> -> memref<40x128xi32, #tpu.memory_space<hbm>>
      %dma_start3A_36 = arith.constant 40 : i32
      %dma_start3A_37 = arith.constant 0 : i32
      %dma_start3A_38 = tpu.memref_slice %arg4[%add3A, %dma_start3A_36, %dma_start3A_37] : memref<32x80x128xi32, #tpu.memory_space<hbm>> -> memref<1x40x128xi32, #tpu.memory_space<hbm>>
      %dma_start3A_39 = tpu.memref_squeeze %dma_start3A_38 : memref<1x40x128xi32, #tpu.memory_space<hbm>> -> memref<40x128xi32, #tpu.memory_space<hbm>>
      tpu.enqueue_dma source(%dma_start3A_39 : memref<40x128xi32, #tpu.memory_space<hbm>>) target(%arg8 : memref<40x128xi32, #tpu.memory_space<vmem>>) target_semaphore(%run_scoped3A : memref<!tpu.dma_semaphore, #tpu.memory_space<semaphore_mem>>)
      %dma_wait3A = arith.constant 40 : i32
      %dma_wait3A_40 = arith.constant 0 : i32
      %dma_wait3A_41 = tpu.memref_slice %arg4[%add3A, %dma_wait3A, %dma_wait3A_40] : memref<32x80x128xi32, #tpu.memory_space<hbm>> -> memref<1x40x128xi32, #tpu.memory_space<hbm>>
      %dma_wait3A_42 = tpu.memref_squeeze %dma_wait3A_41 : memref<1x40x128xi32, #tpu.memory_space<hbm>> -> memref<40x128xi32, #tpu.memory_space<hbm>>
      %dma_wait3A_43 = arith.constant 40 : i32
      %dma_wait3A_44 = arith.constant 0 : i32
      %dma_wait3A_45 = tpu.memref_slice %arg4[%add3A, %dma_wait3A_43, %dma_wait3A_44] : memref<32x80x128xi32, #tpu.memory_space<hbm>> -> memref<1x40x128xi32, #tpu.memory_space<hbm>>
      %dma_wait3A_46 = tpu.memref_squeeze %dma_wait3A_45 : memref<1x40x128xi32, #tpu.memory_space<hbm>> -> memref<40x128xi32, #tpu.memory_space<hbm>>
      tpu.wait_dma2 semaphore(%run_scoped3A : memref<!tpu.dma_semaphore, #tpu.memory_space<semaphore_mem>>) src(%dma_wait3A_46 : memref<40x128xi32, #tpu.memory_space<hbm>>) dst(%arg8 : memref<40x128xi32, #tpu.memory_space<vmem>>)
      tpu.yield
    }) : () -> ()
    %dma_start3A_14 = arith.constant 0 : i32
    %dma_start3A_15 = arith.constant 0 : i32
    %dma_start3A_16 = tpu.memref_slice %arg7[%dma_start3A_14, %dma_start3A_15] : memref<40x128xi32, #tpu.memory_space<vmem>> -> memref<1x128xi32, #tpu.memory_space<vmem>>
    %dma_start3A_17 = tpu.memref_squeeze %dma_start3A_16 : memref<1x128xi32, #tpu.memory_space<vmem>> -> memref<128xi32, #tpu.memory_space<vmem>>
    %dma_start3A_18 = arith.constant 0 : i32
    %dma_start3A_19 = arith.constant 0 : i32
    %dma_start3A_20 = tpu.memref_slice %arg2[%dma_start3A_18, %dma_start3A_19] : memref<4096x128xf32, #tpu.memory_space<hbm>> -> memref<4096x128xf32, #tpu.memory_space<hbm>>
    tpu.enqueue_indirect_dma source(%dma_start3A_20 : memref<4096x128xf32, #tpu.memory_space<hbm>>) target(%arg9 : memref<128x128xf32, #tpu.memory_space<vmem>>) offsets(%dma_start3A_17 : memref<128xi32, #tpu.memory_space<vmem>>) semaphore(%arg12 : memref<!tpu.dma_semaphore, #tpu.memory_space<semaphore_mem>>)
    %scan3A_21 = arith.constant 0 : i32
    %scan3A_22 = arith.constant 0 : i32
    %scan3A_23 = arith.constant 20 : i32
    %scan3A_24 = arith.addi %scan3A_22, %scan3A_23 : i32
    %scan3A_25 = arith.constant 1 : i32
    scf.for %scan3A_32 = %scan3A_22 to %scan3A_24 step %scan3A_25  : i32 {
      %mul3A_33 = arith.constant 2 : i32
      %mul3A_34 = arith.muli %mul3A_33, %scan3A_32 : i32
      %add3A_35 = arith.constant 1 : i32
      %add3A_36 = arith.addi %mul3A_34, %add3A_35 : i32
      %dma_start3A_37 = arith.constant 0 : i32
      %dma_start3A_38 = tpu.memref_slice %arg7[%add3A_36, %dma_start3A_37] : memref<40x128xi32, #tpu.memory_space<vmem>> -> memref<1x128xi32, #tpu.memory_space<vmem>>
      %dma_start3A_39 = tpu.memref_squeeze %dma_start3A_38 : memref<1x128xi32, #tpu.memory_space<vmem>> -> memref<128xi32, #tpu.memory_space<vmem>>
      %dma_start3A_40 = arith.constant 0 : i32
      %dma_start3A_41 = arith.constant 0 : i32
      %dma_start3A_42 = tpu.memref_slice %arg2[%dma_start3A_40, %dma_start3A_41] : memref<4096x128xf32, #tpu.memory_space<hbm>> -> memref<4096x128xf32, #tpu.memory_space<hbm>>
      tpu.enqueue_indirect_dma source(%dma_start3A_42 : memref<4096x128xf32, #tpu.memory_space<hbm>>) target(%arg10 : memref<128x128xf32, #tpu.memory_space<vmem>>) offsets(%dma_start3A_39 : memref<128xi32, #tpu.memory_space<vmem>>) semaphore(%arg13 : memref<!tpu.dma_semaphore, #tpu.memory_space<semaphore_mem>>)
      %dma_wait3A = arith.constant 0 : i32
      %dma_wait3A_43 = tpu.memref_slice %arg7[%mul3A_34, %dma_wait3A] : memref<40x128xi32, #tpu.memory_space<vmem>> -> memref<1x128xi32, #tpu.memory_space<vmem>>
      %dma_wait3A_44 = tpu.memref_squeeze %dma_wait3A_43 : memref<1x128xi32, #tpu.memory_space<vmem>> -> memref<128xi32, #tpu.memory_space<vmem>>
      %dma_wait3A_45 = arith.constant 0 : i32
      %dma_wait3A_46 = arith.constant 0 : i32
      %dma_wait3A_47 = tpu.memref_slice %arg2[%dma_wait3A_45, %dma_wait3A_46] : memref<4096x128xf32, #tpu.memory_space<hbm>> -> memref<4096x128xf32, #tpu.memory_space<hbm>>
      tpu.wait_indirect_dma semaphore(%arg12 : memref<!tpu.dma_semaphore, #tpu.memory_space<semaphore_mem>>) src(%dma_wait3A_47 : memref<4096x128xf32, #tpu.memory_space<hbm>>) dst(%arg9 : memref<128x128xf32, #tpu.memory_space<vmem>>)
      "tpu.region"() ({
        %run_scoped3A = tpu.sem_alloc : memref<!tpu.dma_semaphore, #tpu.memory_space<semaphore_mem>>
        %dma_start3A_58 = arith.constant 0 : i32
        %dma_start3A_59 = tpu.memref_slice %arg8[%mul3A_34, %dma_start3A_58] : memref<40x128xi32, #tpu.memory_space<vmem>> -> memref<1x128xi32, #tpu.memory_space<vmem>>
        %dma_start3A_60 = tpu.memref_squeeze %dma_start3A_59 : memref<1x128xi32, #tpu.memory_space<vmem>> -> memref<128xi32, #tpu.memory_space<vmem>>
        %dma_start3A_61 = arith.constant 0 : i32
        %dma_start3A_62 = arith.constant 0 : i32
        %dma_start3A_63 = tpu.memref_slice %arg11[%dma_start3A_61, %dma_start3A_62] : memref<10240x128xf32, #tpu.memory_space<vmem_shared>> -> memref<10240x128xf32, #tpu.memory_space<vmem_shared>>
        tpu.enqueue_indirect_dma source(%arg9 : memref<128x128xf32, #tpu.memory_space<vmem>>) target(%dma_start3A_63 : memref<10240x128xf32, #tpu.memory_space<vmem_shared>>) offsets(%dma_start3A_60 : memref<128xi32, #tpu.memory_space<vmem>>) semaphore(%run_scoped3A : memref<!tpu.dma_semaphore, #tpu.memory_space<semaphore_mem>>) {add = true}
        %dma_wait3A_64 = arith.constant 0 : i32
        %dma_wait3A_65 = tpu.memref_slice %arg8[%mul3A_34, %dma_wait3A_64] : memref<40x128xi32, #tpu.memory_space<vmem>> -> memref<1x128xi32, #tpu.memory_space<vmem>>
        %dma_wait3A_66 = tpu.memref_squeeze %dma_wait3A_65 : memref<1x128xi32, #tpu.memory_space<vmem>> -> memref<128xi32, #tpu.memory_space<vmem>>
        %dma_wait3A_67 = arith.constant 0 : i32
        %dma_wait3A_68 = arith.constant 0 : i32
        %dma_wait3A_69 = tpu.memref_slice %arg11[%dma_wait3A_67, %dma_wait3A_68] : memref<10240x128xf32, #tpu.memory_space<vmem_shared>> -> memref<10240x128xf32, #tpu.memory_space<vmem_shared>>
        tpu.wait_indirect_dma semaphore(%run_scoped3A : memref<!tpu.dma_semaphore, #tpu.memory_space<semaphore_mem>>) src(%arg9 : memref<128x128xf32, #tpu.memory_space<vmem>>) dst(%dma_wait3A_69 : memref<10240x128xf32, #tpu.memory_space<vmem_shared>>)
        tpu.yield
      }) : () -> ()
      %add3A_48 = arith.constant 1 : i32
      %add3A_49 = arith.addi %add3A_36, %add3A_48 : i32
      %lt3A = arith.constant 40 : i32
      %lt3A_50 = arith.cmpi slt, %add3A_49, %lt3A : i32
      %convert_element_type3A = arith.extui %lt3A_50 : i1 to i32
      %cond3A = arith.constant 0 : i32
      %cond3A_51 = arith.cmpi ne, %convert_element_type3A, %cond3A : i32
      scf.if %cond3A_51 {
        %add3A_58 = arith.constant 1 : i32
        %add3A_59 = arith.addi %add3A_36, %add3A_58 : i32
        %dma_start3A_60 = arith.constant 0 : i32
        %dma_start3A_61 = tpu.memref_slice %arg7[%add3A_59, %dma_start3A_60] : memref<40x128xi32, #tpu.memory_space<vmem>> -> memref<1x128xi32, #tpu.memory_space<vmem>>
        %dma_start3A_62 = tpu.memref_squeeze %dma_start3A_61 : memref<1x128xi32, #tpu.memory_space<vmem>> -> memref<128xi32, #tpu.memory_space<vmem>>
        %dma_start3A_63 = arith.constant 0 : i32
        %dma_start3A_64 = arith.constant 0 : i32
        %dma_start3A_65 = tpu.memref_slice %arg2[%dma_start3A_63, %dma_start3A_64] : memref<4096x128xf32, #tpu.memory_space<hbm>> -> memref<4096x128xf32, #tpu.memory_space<hbm>>
        tpu.enqueue_indirect_dma source(%dma_start3A_65 : memref<4096x128xf32, #tpu.memory_space<hbm>>) target(%arg9 : memref<128x128xf32, #tpu.memory_space<vmem>>) offsets(%dma_start3A_62 : memref<128xi32, #tpu.memory_space<vmem>>) semaphore(%arg12 : memref<!tpu.dma_semaphore, #tpu.memory_space<semaphore_mem>>)
      } else {
      }
      %dma_wait3A_52 = arith.constant 0 : i32
      %dma_wait3A_53 = tpu.memref_slice %arg7[%add3A_36, %dma_wait3A_52] : memref<40x128xi32, #tpu.memory_space<vmem>> -> memref<1x128xi32, #tpu.memory_space<vmem>>
      %dma_wait3A_54 = tpu.memref_squeeze %dma_wait3A_53 : memref<1x128xi32, #tpu.memory_space<vmem>> -> memref<128xi32, #tpu.memory_space<vmem>>
      %dma_wait3A_55 = arith.constant 0 : i32
      %dma_wait3A_56 = arith.constant 0 : i32
      %dma_wait3A_57 = tpu.memref_slice %arg2[%dma_wait3A_55, %dma_wait3A_56] : memref<4096x128xf32, #tpu.memory_space<hbm>> -> memref<4096x128xf32, #tpu.memory_space<hbm>>
      tpu.wait_indirect_dma semaphore(%arg13 : memref<!tpu.dma_semaphore, #tpu.memory_space<semaphore_mem>>) src(%dma_wait3A_57 : memref<4096x128xf32, #tpu.memory_space<hbm>>) dst(%arg10 : memref<128x128xf32, #tpu.memory_space<vmem>>)
      "tpu.region"() ({
        %run_scoped3A = tpu.sem_alloc : memref<!tpu.dma_semaphore, #tpu.memory_space<semaphore_mem>>
        %dma_start3A_58 = arith.constant 0 : i32
        %dma_start3A_59 = tpu.memref_slice %arg8[%add3A_36, %dma_start3A_58] : memref<40x128xi32, #tpu.memory_space<vmem>> -> memref<1x128xi32, #tpu.memory_space<vmem>>
        %dma_start3A_60 = tpu.memref_squeeze %dma_start3A_59 : memref<1x128xi32, #tpu.memory_space<vmem>> -> memref<128xi32, #tpu.memory_space<vmem>>
        %dma_start3A_61 = arith.constant 0 : i32
        %dma_start3A_62 = arith.constant 0 : i32
        %dma_start3A_63 = tpu.memref_slice %arg11[%dma_start3A_61, %dma_start3A_62] : memref<10240x128xf32, #tpu.memory_space<vmem_shared>> -> memref<10240x128xf32, #tpu.memory_space<vmem_shared>>
        tpu.enqueue_indirect_dma source(%arg10 : memref<128x128xf32, #tpu.memory_space<vmem>>) target(%dma_start3A_63 : memref<10240x128xf32, #tpu.memory_space<vmem_shared>>) offsets(%dma_start3A_60 : memref<128xi32, #tpu.memory_space<vmem>>) semaphore(%run_scoped3A : memref<!tpu.dma_semaphore, #tpu.memory_space<semaphore_mem>>) {add = true}
        %dma_wait3A_64 = arith.constant 0 : i32
        %dma_wait3A_65 = tpu.memref_slice %arg8[%add3A_36, %dma_wait3A_64] : memref<40x128xi32, #tpu.memory_space<vmem>> -> memref<1x128xi32, #tpu.memory_space<vmem>>
        %dma_wait3A_66 = tpu.memref_squeeze %dma_wait3A_65 : memref<1x128xi32, #tpu.memory_space<vmem>> -> memref<128xi32, #tpu.memory_space<vmem>>
        %dma_wait3A_67 = arith.constant 0 : i32
        %dma_wait3A_68 = arith.constant 0 : i32
        %dma_wait3A_69 = tpu.memref_slice %arg11[%dma_wait3A_67, %dma_wait3A_68] : memref<10240x128xf32, #tpu.memory_space<vmem_shared>> -> memref<10240x128xf32, #tpu.memory_space<vmem_shared>>
        tpu.wait_indirect_dma semaphore(%run_scoped3A : memref<!tpu.dma_semaphore, #tpu.memory_space<semaphore_mem>>) src(%arg10 : memref<128x128xf32, #tpu.memory_space<vmem>>) dst(%dma_wait3A_69 : memref<10240x128xf32, #tpu.memory_space<vmem_shared>>)
        tpu.yield
      }) : () -> ()
    }
    %scan3A_26 = arith.constant 20 : i32
    %barrier3A_27 = arith.constant 0 : index
    tpu.barrier barrier_id(%barrier3A_27)
    %mul3A_28 = arith.constant 640 : i32
    %mul3A_29 = arith.muli %arg1, %mul3A_28 : i32
    %mul3A_30 = arith.constant 640 : i32
    %mul3A_31 = arith.muli %arg1, %mul3A_30 : i32
    "tpu.region"() ({
      %run_scoped3A = tpu.sem_alloc : memref<!tpu.dma_semaphore, #tpu.memory_space<semaphore_mem>>
      %dma_start3A_32 = arith.constant 0 : i32
      %dma_start3A_33 = tpu.memref_slice %arg6[%arg0, %mul3A_31, %dma_start3A_32] : memref<2x10240x128xf32, #tpu.memory_space<hbm>> -> memref<1x640x128xf32, #tpu.memory_space<hbm>>
      %dma_start3A_34 = tpu.memref_squeeze %dma_start3A_33 : memref<1x640x128xf32, #tpu.memory_space<hbm>> -> memref<640x128xf32, #tpu.memory_space<hbm>>
      %dma_start3A_35 = arith.constant 0 : i32
      %dma_start3A_36 = tpu.memref_slice %arg11[%mul3A_29, %dma_start3A_35] : memref<10240x128xf32, #tpu.memory_space<vmem_shared>> -> memref<640x128xf32, #tpu.memory_space<vmem_shared>>
      tpu.enqueue_dma source(%dma_start3A_36 : memref<640x128xf32, #tpu.memory_space<vmem_shared>>) target(%dma_start3A_34 : memref<640x128xf32, #tpu.memory_space<hbm>>) target_semaphore(%run_scoped3A : memref<!tpu.dma_semaphore, #tpu.memory_space<semaphore_mem>>)
      %dma_wait3A = arith.constant 0 : i32
      %dma_wait3A_37 = tpu.memref_slice %arg6[%arg0, %mul3A_31, %dma_wait3A] : memref<2x10240x128xf32, #tpu.memory_space<hbm>> -> memref<1x640x128xf32, #tpu.memory_space<hbm>>
      %dma_wait3A_38 = tpu.memref_squeeze %dma_wait3A_37 : memref<1x640x128xf32, #tpu.memory_space<hbm>> -> memref<640x128xf32, #tpu.memory_space<hbm>>
      %dma_wait3A_39 = arith.constant 0 : i32
      %dma_wait3A_40 = tpu.memref_slice %arg11[%mul3A_29, %dma_wait3A_39] : memref<10240x128xf32, #tpu.memory_space<vmem_shared>> -> memref<640x128xf32, #tpu.memory_space<vmem_shared>>
      tpu.wait_dma2 semaphore(%run_scoped3A : memref<!tpu.dma_semaphore, #tpu.memory_space<semaphore_mem>>) src(%dma_wait3A_40 : memref<640x128xf32, #tpu.memory_space<vmem_shared>>) dst(%dma_wait3A_38 : memref<640x128xf32, #tpu.memory_space<hbm>>)
      tpu.yield
    }) : () -> ()
    return
  }
}

#map = affine_map<(d0, d1) -> (0, 0)>
#map1 = affine_map<(d0, d1) -> (0, 0, 0)>
module attributes {stable_mosaic.version = 14 : i64} {
  func.func @k(%arg0: i32, %arg1: i32, %arg2: memref<10240x128xf32, #tpu.memory_space<hbm>>, %arg3: memref<32x80x128xi32, #tpu.memory_space<hbm>>, %arg4: memref<32x80x128xi32, #tpu.memory_space<hbm>>, %arg5: memref<640x128xf32, #tpu.memory_space<hbm>>, %arg6: memref<2x10240x128xf32, #tpu.memory_space<hbm>>, %arg7: memref<40x128xi32, #tpu.memory_space<vmem>>, %arg8: memref<40x128xi32, #tpu.memory_space<vmem>>, %arg9: memref<128x128xf32, #tpu.memory_space<vmem>>, %arg10: memref<128x128xf32, #tpu.memory_space<vmem>>, %arg11: memref<10240x128xf32, #tpu.memory_space<vmem_shared>>, %arg12: memref<!tpu.dma_semaphore, #tpu.memory_space<semaphore_mem>>, %arg13: memref<!tpu.dma_semaphore, #tpu.memory_space<semaphore_mem>>) attributes {dimension_semantics = [#tpu.dimension_semantics<core_parallel>, #tpu.dimension_semantics<subcore_parallel>], iteration_bounds = array<i64: 2, 16>, scalar_prefetch = 0 : i64, scratch_operands = 7 : i64, tpu.core_type = #tpu.core_type<sc_vector_subcore>, window_params = [{transform_indices = #map}, {transform_indices = #map1}, {transform_indices = #map1}, {transform_indices = #map}, {transform_indices = #map1}]} {
    %mul3A = arith.constant 16 : i32
    %mul3A_0 = arith.muli %arg0, %mul3A : i32
    %add3A = arith.addi %mul3A_0, %arg1 : i32
    %mul3A_1 = arith.constant 640 : i32
    %mul3A_2 = arith.muli %arg1, %mul3A_1 : i32
    "tpu.region"() ({
      %run_scoped3A = tpu.sem_alloc : memref<!tpu.dma_semaphore, #tpu.memory_space<semaphore_mem>>
      %dma_start3A_32 = arith.constant 0 : i32
      %dma_start3A_33 = tpu.memref_slice %arg11[%mul3A_2, %dma_start3A_32] : memref<10240x128xf32, #tpu.memory_space<vmem_shared>> -> memref<640x128xf32, #tpu.memory_space<vmem_shared>>
      tpu.enqueue_dma source(%arg5 : memref<640x128xf32, #tpu.memory_space<hbm>>) target(%dma_start3A_33 : memref<640x128xf32, #tpu.memory_space<vmem_shared>>) target_semaphore(%run_scoped3A : memref<!tpu.dma_semaphore, #tpu.memory_space<semaphore_mem>>)
      %dma_wait3A = arith.constant 0 : i32
      %dma_wait3A_34 = tpu.memref_slice %arg11[%mul3A_2, %dma_wait3A] : memref<10240x128xf32, #tpu.memory_space<vmem_shared>> -> memref<640x128xf32, #tpu.memory_space<vmem_shared>>
      tpu.wait_dma2 semaphore(%run_scoped3A : memref<!tpu.dma_semaphore, #tpu.memory_space<semaphore_mem>>) src(%arg5 : memref<640x128xf32, #tpu.memory_space<hbm>>) dst(%dma_wait3A_34 : memref<640x128xf32, #tpu.memory_space<vmem_shared>>)
      tpu.yield
    }) : () -> ()
    %barrier3A = arith.constant 0 : index
    tpu.barrier barrier_id(%barrier3A)
    "tpu.region"() ({
      %run_scoped3A = tpu.sem_alloc : memref<!tpu.dma_semaphore, #tpu.memory_space<semaphore_mem>>
      %dma_start3A_32 = arith.constant 0 : i32
      %dma_start3A_33 = arith.constant 0 : i32
      %dma_start3A_34 = tpu.memref_slice %arg3[%add3A, %dma_start3A_32, %dma_start3A_33] : memref<32x80x128xi32, #tpu.memory_space<hbm>> -> memref<1x40x128xi32, #tpu.memory_space<hbm>>
      %dma_start3A_35 = tpu.memref_squeeze %dma_start3A_34 : memref<1x40x128xi32, #tpu.memory_space<hbm>> -> memref<40x128xi32, #tpu.memory_space<hbm>>
      %dma_start3A_36 = arith.constant 0 : i32
      %dma_start3A_37 = arith.constant 0 : i32
      %dma_start3A_38 = tpu.memref_slice %arg3[%add3A, %dma_start3A_36, %dma_start3A_37] : memref<32x80x128xi32, #tpu.memory_space<hbm>> -> memref<1x40x128xi32, #tpu.memory_space<hbm>>
      %dma_start3A_39 = tpu.memref_squeeze %dma_start3A_38 : memref<1x40x128xi32, #tpu.memory_space<hbm>> -> memref<40x128xi32, #tpu.memory_space<hbm>>
      tpu.enqueue_dma source(%dma_start3A_39 : memref<40x128xi32, #tpu.memory_space<hbm>>) target(%arg7 : memref<40x128xi32, #tpu.memory_space<vmem>>) target_semaphore(%run_scoped3A : memref<!tpu.dma_semaphore, #tpu.memory_space<semaphore_mem>>)
      %dma_wait3A = arith.constant 0 : i32
      %dma_wait3A_40 = arith.constant 0 : i32
      %dma_wait3A_41 = tpu.memref_slice %arg3[%add3A, %dma_wait3A, %dma_wait3A_40] : memref<32x80x128xi32, #tpu.memory_space<hbm>> -> memref<1x40x128xi32, #tpu.memory_space<hbm>>
      %dma_wait3A_42 = tpu.memref_squeeze %dma_wait3A_41 : memref<1x40x128xi32, #tpu.memory_space<hbm>> -> memref<40x128xi32, #tpu.memory_space<hbm>>
      %dma_wait3A_43 = arith.constant 0 : i32
      %dma_wait3A_44 = arith.constant 0 : i32
      %dma_wait3A_45 = tpu.memref_slice %arg3[%add3A, %dma_wait3A_43, %dma_wait3A_44] : memref<32x80x128xi32, #tpu.memory_space<hbm>> -> memref<1x40x128xi32, #tpu.memory_space<hbm>>
      %dma_wait3A_46 = tpu.memref_squeeze %dma_wait3A_45 : memref<1x40x128xi32, #tpu.memory_space<hbm>> -> memref<40x128xi32, #tpu.memory_space<hbm>>
      tpu.wait_dma2 semaphore(%run_scoped3A : memref<!tpu.dma_semaphore, #tpu.memory_space<semaphore_mem>>) src(%dma_wait3A_46 : memref<40x128xi32, #tpu.memory_space<hbm>>) dst(%arg7 : memref<40x128xi32, #tpu.memory_space<vmem>>)
      tpu.yield
    }) : () -> ()
    "tpu.region"() ({
      %run_scoped3A = tpu.sem_alloc : memref<!tpu.dma_semaphore, #tpu.memory_space<semaphore_mem>>
      %dma_start3A_32 = arith.constant 0 : i32
      %dma_start3A_33 = arith.constant 0 : i32
      %dma_start3A_34 = tpu.memref_slice %arg4[%add3A, %dma_start3A_32, %dma_start3A_33] : memref<32x80x128xi32, #tpu.memory_space<hbm>> -> memref<1x40x128xi32, #tpu.memory_space<hbm>>
      %dma_start3A_35 = tpu.memref_squeeze %dma_start3A_34 : memref<1x40x128xi32, #tpu.memory_space<hbm>> -> memref<40x128xi32, #tpu.memory_space<hbm>>
      %dma_start3A_36 = arith.constant 0 : i32
      %dma_start3A_37 = arith.constant 0 : i32
      %dma_start3A_38 = tpu.memref_slice %arg4[%add3A, %dma_start3A_36, %dma_start3A_37] : memref<32x80x128xi32, #tpu.memory_space<hbm>> -> memref<1x40x128xi32, #tpu.memory_space<hbm>>
      %dma_start3A_39 = tpu.memref_squeeze %dma_start3A_38 : memref<1x40x128xi32, #tpu.memory_space<hbm>> -> memref<40x128xi32, #tpu.memory_space<hbm>>
      tpu.enqueue_dma source(%dma_start3A_39 : memref<40x128xi32, #tpu.memory_space<hbm>>) target(%arg8 : memref<40x128xi32, #tpu.memory_space<vmem>>) target_semaphore(%run_scoped3A : memref<!tpu.dma_semaphore, #tpu.memory_space<semaphore_mem>>)
      %dma_wait3A = arith.constant 0 : i32
      %dma_wait3A_40 = arith.constant 0 : i32
      %dma_wait3A_41 = tpu.memref_slice %arg4[%add3A, %dma_wait3A, %dma_wait3A_40] : memref<32x80x128xi32, #tpu.memory_space<hbm>> -> memref<1x40x128xi32, #tpu.memory_space<hbm>>
      %dma_wait3A_42 = tpu.memref_squeeze %dma_wait3A_41 : memref<1x40x128xi32, #tpu.memory_space<hbm>> -> memref<40x128xi32, #tpu.memory_space<hbm>>
      %dma_wait3A_43 = arith.constant 0 : i32
      %dma_wait3A_44 = arith.constant 0 : i32
      %dma_wait3A_45 = tpu.memref_slice %arg4[%add3A, %dma_wait3A_43, %dma_wait3A_44] : memref<32x80x128xi32, #tpu.memory_space<hbm>> -> memref<1x40x128xi32, #tpu.memory_space<hbm>>
      %dma_wait3A_46 = tpu.memref_squeeze %dma_wait3A_45 : memref<1x40x128xi32, #tpu.memory_space<hbm>> -> memref<40x128xi32, #tpu.memory_space<hbm>>
      tpu.wait_dma2 semaphore(%run_scoped3A : memref<!tpu.dma_semaphore, #tpu.memory_space<semaphore_mem>>) src(%dma_wait3A_46 : memref<40x128xi32, #tpu.memory_space<hbm>>) dst(%arg8 : memref<40x128xi32, #tpu.memory_space<vmem>>)
      tpu.yield
    }) : () -> ()
    %dma_start3A = arith.constant 0 : i32
    %dma_start3A_3 = arith.constant 0 : i32
    %dma_start3A_4 = tpu.memref_slice %arg7[%dma_start3A, %dma_start3A_3] : memref<40x128xi32, #tpu.memory_space<vmem>> -> memref<1x128xi32, #tpu.memory_space<vmem>>
    %dma_start3A_5 = tpu.memref_squeeze %dma_start3A_4 : memref<1x128xi32, #tpu.memory_space<vmem>> -> memref<128xi32, #tpu.memory_space<vmem>>
    %dma_start3A_6 = arith.constant 0 : i32
    %dma_start3A_7 = arith.constant 0 : i32
    %dma_start3A_8 = tpu.memref_slice %arg2[%dma_start3A_6, %dma_start3A_7] : memref<10240x128xf32, #tpu.memory_space<hbm>> -> memref<10240x128xf32, #tpu.memory_space<hbm>>
    tpu.enqueue_indirect_dma source(%dma_start3A_8 : memref<10240x128xf32, #tpu.memory_space<hbm>>) target(%arg9 : memref<128x128xf32, #tpu.memory_space<vmem>>) offsets(%dma_start3A_5 : memref<128xi32, #tpu.memory_space<vmem>>) semaphore(%arg12 : memref<!tpu.dma_semaphore, #tpu.memory_space<semaphore_mem>>)
    %scan3A = arith.constant 0 : i32
    %scan3A_9 = arith.constant 0 : i32
    %scan3A_10 = arith.constant 20 : i32
    %scan3A_11 = arith.addi %scan3A_9, %scan3A_10 : i32
    %scan3A_12 = arith.constant 1 : i32
    scf.for %scan3A_32 = %scan3A_9 to %scan3A_11 step %scan3A_12  : i32 {
      %mul3A_33 = arith.constant 2 : i32
      %mul3A_34 = arith.muli %mul3A_33, %scan3A_32 : i32
      %add3A_35 = arith.constant 1 : i32
      %add3A_36 = arith.addi %mul3A_34, %add3A_35 : i32
      %dma_start3A_37 = arith.constant 0 : i32
      %dma_start3A_38 = tpu.memref_slice %arg7[%add3A_36, %dma_start3A_37] : memref<40x128xi32, #tpu.memory_space<vmem>> -> memref<1x128xi32, #tpu.memory_space<vmem>>
      %dma_start3A_39 = tpu.memref_squeeze %dma_start3A_38 : memref<1x128xi32, #tpu.memory_space<vmem>> -> memref<128xi32, #tpu.memory_space<vmem>>
      %dma_start3A_40 = arith.constant 0 : i32
      %dma_start3A_41 = arith.constant 0 : i32
      %dma_start3A_42 = tpu.memref_slice %arg2[%dma_start3A_40, %dma_start3A_41] : memref<10240x128xf32, #tpu.memory_space<hbm>> -> memref<10240x128xf32, #tpu.memory_space<hbm>>
      tpu.enqueue_indirect_dma source(%dma_start3A_42 : memref<10240x128xf32, #tpu.memory_space<hbm>>) target(%arg10 : memref<128x128xf32, #tpu.memory_space<vmem>>) offsets(%dma_start3A_39 : memref<128xi32, #tpu.memory_space<vmem>>) semaphore(%arg13 : memref<!tpu.dma_semaphore, #tpu.memory_space<semaphore_mem>>)
      %dma_wait3A = arith.constant 0 : i32
      %dma_wait3A_43 = tpu.memref_slice %arg7[%mul3A_34, %dma_wait3A] : memref<40x128xi32, #tpu.memory_space<vmem>> -> memref<1x128xi32, #tpu.memory_space<vmem>>
      %dma_wait3A_44 = tpu.memref_squeeze %dma_wait3A_43 : memref<1x128xi32, #tpu.memory_space<vmem>> -> memref<128xi32, #tpu.memory_space<vmem>>
      %dma_wait3A_45 = arith.constant 0 : i32
      %dma_wait3A_46 = arith.constant 0 : i32
      %dma_wait3A_47 = tpu.memref_slice %arg2[%dma_wait3A_45, %dma_wait3A_46] : memref<10240x128xf32, #tpu.memory_space<hbm>> -> memref<10240x128xf32, #tpu.memory_space<hbm>>
      tpu.wait_indirect_dma semaphore(%arg12 : memref<!tpu.dma_semaphore, #tpu.memory_space<semaphore_mem>>) src(%dma_wait3A_47 : memref<10240x128xf32, #tpu.memory_space<hbm>>) dst(%arg9 : memref<128x128xf32, #tpu.memory_space<vmem>>)
      "tpu.region"() ({
        %run_scoped3A = tpu.sem_alloc : memref<!tpu.dma_semaphore, #tpu.memory_space<semaphore_mem>>
        %dma_start3A_58 = arith.constant 0 : i32
        %dma_start3A_59 = tpu.memref_slice %arg8[%mul3A_34, %dma_start3A_58] : memref<40x128xi32, #tpu.memory_space<vmem>> -> memref<1x128xi32, #tpu.memory_space<vmem>>
        %dma_start3A_60 = tpu.memref_squeeze %dma_start3A_59 : memref<1x128xi32, #tpu.memory_space<vmem>> -> memref<128xi32, #tpu.memory_space<vmem>>
        %dma_start3A_61 = arith.constant 0 : i32
        %dma_start3A_62 = arith.constant 0 : i32
        %dma_start3A_63 = tpu.memref_slice %arg11[%dma_start3A_61, %dma_start3A_62] : memref<10240x128xf32, #tpu.memory_space<vmem_shared>> -> memref<10240x128xf32, #tpu.memory_space<vmem_shared>>
        tpu.enqueue_indirect_dma source(%arg9 : memref<128x128xf32, #tpu.memory_space<vmem>>) target(%dma_start3A_63 : memref<10240x128xf32, #tpu.memory_space<vmem_shared>>) offsets(%dma_start3A_60 : memref<128xi32, #tpu.memory_space<vmem>>) semaphore(%run_scoped3A : memref<!tpu.dma_semaphore, #tpu.memory_space<semaphore_mem>>) {add = true}
        %dma_wait3A_64 = arith.constant 0 : i32
        %dma_wait3A_65 = tpu.memref_slice %arg8[%mul3A_34, %dma_wait3A_64] : memref<40x128xi32, #tpu.memory_space<vmem>> -> memref<1x128xi32, #tpu.memory_space<vmem>>
        %dma_wait3A_66 = tpu.memref_squeeze %dma_wait3A_65 : memref<1x128xi32, #tpu.memory_space<vmem>> -> memref<128xi32, #tpu.memory_space<vmem>>
        %dma_wait3A_67 = arith.constant 0 : i32
        %dma_wait3A_68 = arith.constant 0 : i32
        %dma_wait3A_69 = tpu.memref_slice %arg11[%dma_wait3A_67, %dma_wait3A_68] : memref<10240x128xf32, #tpu.memory_space<vmem_shared>> -> memref<10240x128xf32, #tpu.memory_space<vmem_shared>>
        tpu.wait_indirect_dma semaphore(%run_scoped3A : memref<!tpu.dma_semaphore, #tpu.memory_space<semaphore_mem>>) src(%arg9 : memref<128x128xf32, #tpu.memory_space<vmem>>) dst(%dma_wait3A_69 : memref<10240x128xf32, #tpu.memory_space<vmem_shared>>)
        tpu.yield
      }) : () -> ()
      %add3A_48 = arith.constant 1 : i32
      %add3A_49 = arith.addi %add3A_36, %add3A_48 : i32
      %lt3A = arith.constant 40 : i32
      %lt3A_50 = arith.cmpi slt, %add3A_49, %lt3A : i32
      %convert_element_type3A = arith.extui %lt3A_50 : i1 to i32
      %cond3A = arith.constant 0 : i32
      %cond3A_51 = arith.cmpi ne, %convert_element_type3A, %cond3A : i32
      scf.if %cond3A_51 {
        %add3A_58 = arith.constant 1 : i32
        %add3A_59 = arith.addi %add3A_36, %add3A_58 : i32
        %dma_start3A_60 = arith.constant 0 : i32
        %dma_start3A_61 = tpu.memref_slice %arg7[%add3A_59, %dma_start3A_60] : memref<40x128xi32, #tpu.memory_space<vmem>> -> memref<1x128xi32, #tpu.memory_space<vmem>>
        %dma_start3A_62 = tpu.memref_squeeze %dma_start3A_61 : memref<1x128xi32, #tpu.memory_space<vmem>> -> memref<128xi32, #tpu.memory_space<vmem>>
        %dma_start3A_63 = arith.constant 0 : i32
        %dma_start3A_64 = arith.constant 0 : i32
        %dma_start3A_65 = tpu.memref_slice %arg2[%dma_start3A_63, %dma_start3A_64] : memref<10240x128xf32, #tpu.memory_space<hbm>> -> memref<10240x128xf32, #tpu.memory_space<hbm>>
        tpu.enqueue_indirect_dma source(%dma_start3A_65 : memref<10240x128xf32, #tpu.memory_space<hbm>>) target(%arg9 : memref<128x128xf32, #tpu.memory_space<vmem>>) offsets(%dma_start3A_62 : memref<128xi32, #tpu.memory_space<vmem>>) semaphore(%arg12 : memref<!tpu.dma_semaphore, #tpu.memory_space<semaphore_mem>>)
      } else {
      }
      %dma_wait3A_52 = arith.constant 0 : i32
      %dma_wait3A_53 = tpu.memref_slice %arg7[%add3A_36, %dma_wait3A_52] : memref<40x128xi32, #tpu.memory_space<vmem>> -> memref<1x128xi32, #tpu.memory_space<vmem>>
      %dma_wait3A_54 = tpu.memref_squeeze %dma_wait3A_53 : memref<1x128xi32, #tpu.memory_space<vmem>> -> memref<128xi32, #tpu.memory_space<vmem>>
      %dma_wait3A_55 = arith.constant 0 : i32
      %dma_wait3A_56 = arith.constant 0 : i32
      %dma_wait3A_57 = tpu.memref_slice %arg2[%dma_wait3A_55, %dma_wait3A_56] : memref<10240x128xf32, #tpu.memory_space<hbm>> -> memref<10240x128xf32, #tpu.memory_space<hbm>>
      tpu.wait_indirect_dma semaphore(%arg13 : memref<!tpu.dma_semaphore, #tpu.memory_space<semaphore_mem>>) src(%dma_wait3A_57 : memref<10240x128xf32, #tpu.memory_space<hbm>>) dst(%arg10 : memref<128x128xf32, #tpu.memory_space<vmem>>)
      "tpu.region"() ({
        %run_scoped3A = tpu.sem_alloc : memref<!tpu.dma_semaphore, #tpu.memory_space<semaphore_mem>>
        %dma_start3A_58 = arith.constant 0 : i32
        %dma_start3A_59 = tpu.memref_slice %arg8[%add3A_36, %dma_start3A_58] : memref<40x128xi32, #tpu.memory_space<vmem>> -> memref<1x128xi32, #tpu.memory_space<vmem>>
        %dma_start3A_60 = tpu.memref_squeeze %dma_start3A_59 : memref<1x128xi32, #tpu.memory_space<vmem>> -> memref<128xi32, #tpu.memory_space<vmem>>
        %dma_start3A_61 = arith.constant 0 : i32
        %dma_start3A_62 = arith.constant 0 : i32
        %dma_start3A_63 = tpu.memref_slice %arg11[%dma_start3A_61, %dma_start3A_62] : memref<10240x128xf32, #tpu.memory_space<vmem_shared>> -> memref<10240x128xf32, #tpu.memory_space<vmem_shared>>
        tpu.enqueue_indirect_dma source(%arg10 : memref<128x128xf32, #tpu.memory_space<vmem>>) target(%dma_start3A_63 : memref<10240x128xf32, #tpu.memory_space<vmem_shared>>) offsets(%dma_start3A_60 : memref<128xi32, #tpu.memory_space<vmem>>) semaphore(%run_scoped3A : memref<!tpu.dma_semaphore, #tpu.memory_space<semaphore_mem>>) {add = true}
        %dma_wait3A_64 = arith.constant 0 : i32
        %dma_wait3A_65 = tpu.memref_slice %arg8[%add3A_36, %dma_wait3A_64] : memref<40x128xi32, #tpu.memory_space<vmem>> -> memref<1x128xi32, #tpu.memory_space<vmem>>
        %dma_wait3A_66 = tpu.memref_squeeze %dma_wait3A_65 : memref<1x128xi32, #tpu.memory_space<vmem>> -> memref<128xi32, #tpu.memory_space<vmem>>
        %dma_wait3A_67 = arith.constant 0 : i32
        %dma_wait3A_68 = arith.constant 0 : i32
        %dma_wait3A_69 = tpu.memref_slice %arg11[%dma_wait3A_67, %dma_wait3A_68] : memref<10240x128xf32, #tpu.memory_space<vmem_shared>> -> memref<10240x128xf32, #tpu.memory_space<vmem_shared>>
        tpu.wait_indirect_dma semaphore(%run_scoped3A : memref<!tpu.dma_semaphore, #tpu.memory_space<semaphore_mem>>) src(%arg10 : memref<128x128xf32, #tpu.memory_space<vmem>>) dst(%dma_wait3A_69 : memref<10240x128xf32, #tpu.memory_space<vmem_shared>>)
        tpu.yield
      }) : () -> ()
    }
    %scan3A_13 = arith.constant 20 : i32
    "tpu.region"() ({
      %run_scoped3A = tpu.sem_alloc : memref<!tpu.dma_semaphore, #tpu.memory_space<semaphore_mem>>
      %dma_start3A_32 = arith.constant 40 : i32
      %dma_start3A_33 = arith.constant 0 : i32
      %dma_start3A_34 = tpu.memref_slice %arg3[%add3A, %dma_start3A_32, %dma_start3A_33] : memref<32x80x128xi32, #tpu.memory_space<hbm>> -> memref<1x40x128xi32, #tpu.memory_space<hbm>>
      %dma_start3A_35 = tpu.memref_squeeze %dma_start3A_34 : memref<1x40x128xi32, #tpu.memory_space<hbm>> -> memref<40x128xi32, #tpu.memory_space<hbm>>
      %dma_start3A_36 = arith.constant 40 : i32
      %dma_start3A_37 = arith.constant 0 : i32
      %dma_start3A_38 = tpu.memref_slice %arg3[%add3A, %dma_start3A_36, %dma_start3A_37] : memref<32x80x128xi32, #tpu.memory_space<hbm>> -> memref<1x40x128xi32, #tpu.memory_space<hbm>>
      %dma_start3A_39 = tpu.memref_squeeze %dma_start3A_38 : memref<1x40x128xi32, #tpu.memory_space<hbm>> -> memref<40x128xi32, #tpu.memory_space<hbm>>
      tpu.enqueue_dma source(%dma_start3A_39 : memref<40x128xi32, #tpu.memory_space<hbm>>) target(%arg7 : memref<40x128xi32, #tpu.memory_space<vmem>>) target_semaphore(%run_scoped3A : memref<!tpu.dma_semaphore, #tpu.memory_space<semaphore_mem>>)
      %dma_wait3A = arith.constant 40 : i32
      %dma_wait3A_40 = arith.constant 0 : i32
      %dma_wait3A_41 = tpu.memref_slice %arg3[%add3A, %dma_wait3A, %dma_wait3A_40] : memref<32x80x128xi32, #tpu.memory_space<hbm>> -> memref<1x40x128xi32, #tpu.memory_space<hbm>>
      %dma_wait3A_42 = tpu.memref_squeeze %dma_wait3A_41 : memref<1x40x128xi32, #tpu.memory_space<hbm>> -> memref<40x128xi32, #tpu.memory_space<hbm>>
      %dma_wait3A_43 = arith.constant 40 : i32
      %dma_wait3A_44 = arith.constant 0 : i32
      %dma_wait3A_45 = tpu.memref_slice %arg3[%add3A, %dma_wait3A_43, %dma_wait3A_44] : memref<32x80x128xi32, #tpu.memory_space<hbm>> -> memref<1x40x128xi32, #tpu.memory_space<hbm>>
      %dma_wait3A_46 = tpu.memref_squeeze %dma_wait3A_45 : memref<1x40x128xi32, #tpu.memory_space<hbm>> -> memref<40x128xi32, #tpu.memory_space<hbm>>
      tpu.wait_dma2 semaphore(%run_scoped3A : memref<!tpu.dma_semaphore, #tpu.memory_space<semaphore_mem>>) src(%dma_wait3A_46 : memref<40x128xi32, #tpu.memory_space<hbm>>) dst(%arg7 : memref<40x128xi32, #tpu.memory_space<vmem>>)
      tpu.yield
    }) : () -> ()
    "tpu.region"() ({
      %run_scoped3A = tpu.sem_alloc : memref<!tpu.dma_semaphore, #tpu.memory_space<semaphore_mem>>
      %dma_start3A_32 = arith.constant 40 : i32
      %dma_start3A_33 = arith.constant 0 : i32
      %dma_start3A_34 = tpu.memref_slice %arg4[%add3A, %dma_start3A_32, %dma_start3A_33] : memref<32x80x128xi32, #tpu.memory_space<hbm>> -> memref<1x40x128xi32, #tpu.memory_space<hbm>>
      %dma_start3A_35 = tpu.memref_squeeze %dma_start3A_34 : memref<1x40x128xi32, #tpu.memory_space<hbm>> -> memref<40x128xi32, #tpu.memory_space<hbm>>
      %dma_start3A_36 = arith.constant 40 : i32
      %dma_start3A_37 = arith.constant 0 : i32
      %dma_start3A_38 = tpu.memref_slice %arg4[%add3A, %dma_start3A_36, %dma_start3A_37] : memref<32x80x128xi32, #tpu.memory_space<hbm>> -> memref<1x40x128xi32, #tpu.memory_space<hbm>>
      %dma_start3A_39 = tpu.memref_squeeze %dma_start3A_38 : memref<1x40x128xi32, #tpu.memory_space<hbm>> -> memref<40x128xi32, #tpu.memory_space<hbm>>
      tpu.enqueue_dma source(%dma_start3A_39 : memref<40x128xi32, #tpu.memory_space<hbm>>) target(%arg8 : memref<40x128xi32, #tpu.memory_space<vmem>>) target_semaphore(%run_scoped3A : memref<!tpu.dma_semaphore, #tpu.memory_space<semaphore_mem>>)
      %dma_wait3A = arith.constant 40 : i32
      %dma_wait3A_40 = arith.constant 0 : i32
      %dma_wait3A_41 = tpu.memref_slice %arg4[%add3A, %dma_wait3A, %dma_wait3A_40] : memref<32x80x128xi32, #tpu.memory_space<hbm>> -> memref<1x40x128xi32, #tpu.memory_space<hbm>>
      %dma_wait3A_42 = tpu.memref_squeeze %dma_wait3A_41 : memref<1x40x128xi32, #tpu.memory_space<hbm>> -> memref<40x128xi32, #tpu.memory_space<hbm>>
      %dma_wait3A_43 = arith.constant 40 : i32
      %dma_wait3A_44 = arith.constant 0 : i32
      %dma_wait3A_45 = tpu.memref_slice %arg4[%add3A, %dma_wait3A_43, %dma_wait3A_44] : memref<32x80x128xi32, #tpu.memory_space<hbm>> -> memref<1x40x128xi32, #tpu.memory_space<hbm>>
      %dma_wait3A_46 = tpu.memref_squeeze %dma_wait3A_45 : memref<1x40x128xi32, #tpu.memory_space<hbm>> -> memref<40x128xi32, #tpu.memory_space<hbm>>
      tpu.wait_dma2 semaphore(%run_scoped3A : memref<!tpu.dma_semaphore, #tpu.memory_space<semaphore_mem>>) src(%dma_wait3A_46 : memref<40x128xi32, #tpu.memory_space<hbm>>) dst(%arg8 : memref<40x128xi32, #tpu.memory_space<vmem>>)
      tpu.yield
    }) : () -> ()
    %dma_start3A_14 = arith.constant 0 : i32
    %dma_start3A_15 = arith.constant 0 : i32
    %dma_start3A_16 = tpu.memref_slice %arg7[%dma_start3A_14, %dma_start3A_15] : memref<40x128xi32, #tpu.memory_space<vmem>> -> memref<1x128xi32, #tpu.memory_space<vmem>>
    %dma_start3A_17 = tpu.memref_squeeze %dma_start3A_16 : memref<1x128xi32, #tpu.memory_space<vmem>> -> memref<128xi32, #tpu.memory_space<vmem>>
    %dma_start3A_18 = arith.constant 0 : i32
    %dma_start3A_19 = arith.constant 0 : i32
    %dma_start3A_20 = tpu.memref_slice %arg2[%dma_start3A_18, %dma_start3A_19] : memref<10240x128xf32, #tpu.memory_space<hbm>> -> memref<10240x128xf32, #tpu.memory_space<hbm>>
    tpu.enqueue_indirect_dma source(%dma_start3A_20 : memref<10240x128xf32, #tpu.memory_space<hbm>>) target(%arg9 : memref<128x128xf32, #tpu.memory_space<vmem>>) offsets(%dma_start3A_17 : memref<128xi32, #tpu.memory_space<vmem>>) semaphore(%arg12 : memref<!tpu.dma_semaphore, #tpu.memory_space<semaphore_mem>>)
    %scan3A_21 = arith.constant 0 : i32
    %scan3A_22 = arith.constant 0 : i32
    %scan3A_23 = arith.constant 20 : i32
    %scan3A_24 = arith.addi %scan3A_22, %scan3A_23 : i32
    %scan3A_25 = arith.constant 1 : i32
    scf.for %scan3A_32 = %scan3A_22 to %scan3A_24 step %scan3A_25  : i32 {
      %mul3A_33 = arith.constant 2 : i32
      %mul3A_34 = arith.muli %mul3A_33, %scan3A_32 : i32
      %add3A_35 = arith.constant 1 : i32
      %add3A_36 = arith.addi %mul3A_34, %add3A_35 : i32
      %dma_start3A_37 = arith.constant 0 : i32
      %dma_start3A_38 = tpu.memref_slice %arg7[%add3A_36, %dma_start3A_37] : memref<40x128xi32, #tpu.memory_space<vmem>> -> memref<1x128xi32, #tpu.memory_space<vmem>>
      %dma_start3A_39 = tpu.memref_squeeze %dma_start3A_38 : memref<1x128xi32, #tpu.memory_space<vmem>> -> memref<128xi32, #tpu.memory_space<vmem>>
      %dma_start3A_40 = arith.constant 0 : i32
      %dma_start3A_41 = arith.constant 0 : i32
      %dma_start3A_42 = tpu.memref_slice %arg2[%dma_start3A_40, %dma_start3A_41] : memref<10240x128xf32, #tpu.memory_space<hbm>> -> memref<10240x128xf32, #tpu.memory_space<hbm>>
      tpu.enqueue_indirect_dma source(%dma_start3A_42 : memref<10240x128xf32, #tpu.memory_space<hbm>>) target(%arg10 : memref<128x128xf32, #tpu.memory_space<vmem>>) offsets(%dma_start3A_39 : memref<128xi32, #tpu.memory_space<vmem>>) semaphore(%arg13 : memref<!tpu.dma_semaphore, #tpu.memory_space<semaphore_mem>>)
      %dma_wait3A = arith.constant 0 : i32
      %dma_wait3A_43 = tpu.memref_slice %arg7[%mul3A_34, %dma_wait3A] : memref<40x128xi32, #tpu.memory_space<vmem>> -> memref<1x128xi32, #tpu.memory_space<vmem>>
      %dma_wait3A_44 = tpu.memref_squeeze %dma_wait3A_43 : memref<1x128xi32, #tpu.memory_space<vmem>> -> memref<128xi32, #tpu.memory_space<vmem>>
      %dma_wait3A_45 = arith.constant 0 : i32
      %dma_wait3A_46 = arith.constant 0 : i32
      %dma_wait3A_47 = tpu.memref_slice %arg2[%dma_wait3A_45, %dma_wait3A_46] : memref<10240x128xf32, #tpu.memory_space<hbm>> -> memref<10240x128xf32, #tpu.memory_space<hbm>>
      tpu.wait_indirect_dma semaphore(%arg12 : memref<!tpu.dma_semaphore, #tpu.memory_space<semaphore_mem>>) src(%dma_wait3A_47 : memref<10240x128xf32, #tpu.memory_space<hbm>>) dst(%arg9 : memref<128x128xf32, #tpu.memory_space<vmem>>)
      "tpu.region"() ({
        %run_scoped3A = tpu.sem_alloc : memref<!tpu.dma_semaphore, #tpu.memory_space<semaphore_mem>>
        %dma_start3A_58 = arith.constant 0 : i32
        %dma_start3A_59 = tpu.memref_slice %arg8[%mul3A_34, %dma_start3A_58] : memref<40x128xi32, #tpu.memory_space<vmem>> -> memref<1x128xi32, #tpu.memory_space<vmem>>
        %dma_start3A_60 = tpu.memref_squeeze %dma_start3A_59 : memref<1x128xi32, #tpu.memory_space<vmem>> -> memref<128xi32, #tpu.memory_space<vmem>>
        %dma_start3A_61 = arith.constant 0 : i32
        %dma_start3A_62 = arith.constant 0 : i32
        %dma_start3A_63 = tpu.memref_slice %arg11[%dma_start3A_61, %dma_start3A_62] : memref<10240x128xf32, #tpu.memory_space<vmem_shared>> -> memref<10240x128xf32, #tpu.memory_space<vmem_shared>>
        tpu.enqueue_indirect_dma source(%arg9 : memref<128x128xf32, #tpu.memory_space<vmem>>) target(%dma_start3A_63 : memref<10240x128xf32, #tpu.memory_space<vmem_shared>>) offsets(%dma_start3A_60 : memref<128xi32, #tpu.memory_space<vmem>>) semaphore(%run_scoped3A : memref<!tpu.dma_semaphore, #tpu.memory_space<semaphore_mem>>) {add = true}
        %dma_wait3A_64 = arith.constant 0 : i32
        %dma_wait3A_65 = tpu.memref_slice %arg8[%mul3A_34, %dma_wait3A_64] : memref<40x128xi32, #tpu.memory_space<vmem>> -> memref<1x128xi32, #tpu.memory_space<vmem>>
        %dma_wait3A_66 = tpu.memref_squeeze %dma_wait3A_65 : memref<1x128xi32, #tpu.memory_space<vmem>> -> memref<128xi32, #tpu.memory_space<vmem>>
        %dma_wait3A_67 = arith.constant 0 : i32
        %dma_wait3A_68 = arith.constant 0 : i32
        %dma_wait3A_69 = tpu.memref_slice %arg11[%dma_wait3A_67, %dma_wait3A_68] : memref<10240x128xf32, #tpu.memory_space<vmem_shared>> -> memref<10240x128xf32, #tpu.memory_space<vmem_shared>>
        tpu.wait_indirect_dma semaphore(%run_scoped3A : memref<!tpu.dma_semaphore, #tpu.memory_space<semaphore_mem>>) src(%arg9 : memref<128x128xf32, #tpu.memory_space<vmem>>) dst(%dma_wait3A_69 : memref<10240x128xf32, #tpu.memory_space<vmem_shared>>)
        tpu.yield
      }) : () -> ()
      %add3A_48 = arith.constant 1 : i32
      %add3A_49 = arith.addi %add3A_36, %add3A_48 : i32
      %lt3A = arith.constant 40 : i32
      %lt3A_50 = arith.cmpi slt, %add3A_49, %lt3A : i32
      %convert_element_type3A = arith.extui %lt3A_50 : i1 to i32
      %cond3A = arith.constant 0 : i32
      %cond3A_51 = arith.cmpi ne, %convert_element_type3A, %cond3A : i32
      scf.if %cond3A_51 {
        %add3A_58 = arith.constant 1 : i32
        %add3A_59 = arith.addi %add3A_36, %add3A_58 : i32
        %dma_start3A_60 = arith.constant 0 : i32
        %dma_start3A_61 = tpu.memref_slice %arg7[%add3A_59, %dma_start3A_60] : memref<40x128xi32, #tpu.memory_space<vmem>> -> memref<1x128xi32, #tpu.memory_space<vmem>>
        %dma_start3A_62 = tpu.memref_squeeze %dma_start3A_61 : memref<1x128xi32, #tpu.memory_space<vmem>> -> memref<128xi32, #tpu.memory_space<vmem>>
        %dma_start3A_63 = arith.constant 0 : i32
        %dma_start3A_64 = arith.constant 0 : i32
        %dma_start3A_65 = tpu.memref_slice %arg2[%dma_start3A_63, %dma_start3A_64] : memref<10240x128xf32, #tpu.memory_space<hbm>> -> memref<10240x128xf32, #tpu.memory_space<hbm>>
        tpu.enqueue_indirect_dma source(%dma_start3A_65 : memref<10240x128xf32, #tpu.memory_space<hbm>>) target(%arg9 : memref<128x128xf32, #tpu.memory_space<vmem>>) offsets(%dma_start3A_62 : memref<128xi32, #tpu.memory_space<vmem>>) semaphore(%arg12 : memref<!tpu.dma_semaphore, #tpu.memory_space<semaphore_mem>>)
      } else {
      }
      %dma_wait3A_52 = arith.constant 0 : i32
      %dma_wait3A_53 = tpu.memref_slice %arg7[%add3A_36, %dma_wait3A_52] : memref<40x128xi32, #tpu.memory_space<vmem>> -> memref<1x128xi32, #tpu.memory_space<vmem>>
      %dma_wait3A_54 = tpu.memref_squeeze %dma_wait3A_53 : memref<1x128xi32, #tpu.memory_space<vmem>> -> memref<128xi32, #tpu.memory_space<vmem>>
      %dma_wait3A_55 = arith.constant 0 : i32
      %dma_wait3A_56 = arith.constant 0 : i32
      %dma_wait3A_57 = tpu.memref_slice %arg2[%dma_wait3A_55, %dma_wait3A_56] : memref<10240x128xf32, #tpu.memory_space<hbm>> -> memref<10240x128xf32, #tpu.memory_space<hbm>>
      tpu.wait_indirect_dma semaphore(%arg13 : memref<!tpu.dma_semaphore, #tpu.memory_space<semaphore_mem>>) src(%dma_wait3A_57 : memref<10240x128xf32, #tpu.memory_space<hbm>>) dst(%arg10 : memref<128x128xf32, #tpu.memory_space<vmem>>)
      "tpu.region"() ({
        %run_scoped3A = tpu.sem_alloc : memref<!tpu.dma_semaphore, #tpu.memory_space<semaphore_mem>>
        %dma_start3A_58 = arith.constant 0 : i32
        %dma_start3A_59 = tpu.memref_slice %arg8[%add3A_36, %dma_start3A_58] : memref<40x128xi32, #tpu.memory_space<vmem>> -> memref<1x128xi32, #tpu.memory_space<vmem>>
        %dma_start3A_60 = tpu.memref_squeeze %dma_start3A_59 : memref<1x128xi32, #tpu.memory_space<vmem>> -> memref<128xi32, #tpu.memory_space<vmem>>
        %dma_start3A_61 = arith.constant 0 : i32
        %dma_start3A_62 = arith.constant 0 : i32
        %dma_start3A_63 = tpu.memref_slice %arg11[%dma_start3A_61, %dma_start3A_62] : memref<10240x128xf32, #tpu.memory_space<vmem_shared>> -> memref<10240x128xf32, #tpu.memory_space<vmem_shared>>
        tpu.enqueue_indirect_dma source(%arg10 : memref<128x128xf32, #tpu.memory_space<vmem>>) target(%dma_start3A_63 : memref<10240x128xf32, #tpu.memory_space<vmem_shared>>) offsets(%dma_start3A_60 : memref<128xi32, #tpu.memory_space<vmem>>) semaphore(%run_scoped3A : memref<!tpu.dma_semaphore, #tpu.memory_space<semaphore_mem>>) {add = true}
        %dma_wait3A_64 = arith.constant 0 : i32
        %dma_wait3A_65 = tpu.memref_slice %arg8[%add3A_36, %dma_wait3A_64] : memref<40x128xi32, #tpu.memory_space<vmem>> -> memref<1x128xi32, #tpu.memory_space<vmem>>
        %dma_wait3A_66 = tpu.memref_squeeze %dma_wait3A_65 : memref<1x128xi32, #tpu.memory_space<vmem>> -> memref<128xi32, #tpu.memory_space<vmem>>
        %dma_wait3A_67 = arith.constant 0 : i32
        %dma_wait3A_68 = arith.constant 0 : i32
        %dma_wait3A_69 = tpu.memref_slice %arg11[%dma_wait3A_67, %dma_wait3A_68] : memref<10240x128xf32, #tpu.memory_space<vmem_shared>> -> memref<10240x128xf32, #tpu.memory_space<vmem_shared>>
        tpu.wait_indirect_dma semaphore(%run_scoped3A : memref<!tpu.dma_semaphore, #tpu.memory_space<semaphore_mem>>) src(%arg10 : memref<128x128xf32, #tpu.memory_space<vmem>>) dst(%dma_wait3A_69 : memref<10240x128xf32, #tpu.memory_space<vmem_shared>>)
        tpu.yield
      }) : () -> ()
    }
    %scan3A_26 = arith.constant 20 : i32
    %barrier3A_27 = arith.constant 0 : index
    tpu.barrier barrier_id(%barrier3A_27)
    %mul3A_28 = arith.constant 640 : i32
    %mul3A_29 = arith.muli %arg1, %mul3A_28 : i32
    %mul3A_30 = arith.constant 640 : i32
    %mul3A_31 = arith.muli %arg1, %mul3A_30 : i32
    "tpu.region"() ({
      %run_scoped3A = tpu.sem_alloc : memref<!tpu.dma_semaphore, #tpu.memory_space<semaphore_mem>>
      %dma_start3A_32 = arith.constant 0 : i32
      %dma_start3A_33 = tpu.memref_slice %arg6[%arg0, %mul3A_31, %dma_start3A_32] : memref<2x10240x128xf32, #tpu.memory_space<hbm>> -> memref<1x640x128xf32, #tpu.memory_space<hbm>>
      %dma_start3A_34 = tpu.memref_squeeze %dma_start3A_33 : memref<1x640x128xf32, #tpu.memory_space<hbm>> -> memref<640x128xf32, #tpu.memory_space<hbm>>
      %dma_start3A_35 = arith.constant 0 : i32
      %dma_start3A_36 = tpu.memref_slice %arg11[%mul3A_29, %dma_start3A_35] : memref<10240x128xf32, #tpu.memory_space<vmem_shared>> -> memref<640x128xf32, #tpu.memory_space<vmem_shared>>
      tpu.enqueue_dma source(%dma_start3A_36 : memref<640x128xf32, #tpu.memory_space<vmem_shared>>) target(%dma_start3A_34 : memref<640x128xf32, #tpu.memory_space<hbm>>) target_semaphore(%run_scoped3A : memref<!tpu.dma_semaphore, #tpu.memory_space<semaphore_mem>>)
      %dma_wait3A = arith.constant 0 : i32
      %dma_wait3A_37 = tpu.memref_slice %arg6[%arg0, %mul3A_31, %dma_wait3A] : memref<2x10240x128xf32, #tpu.memory_space<hbm>> -> memref<1x640x128xf32, #tpu.memory_space<hbm>>
      %dma_wait3A_38 = tpu.memref_squeeze %dma_wait3A_37 : memref<1x640x128xf32, #tpu.memory_space<hbm>> -> memref<640x128xf32, #tpu.memory_space<hbm>>
      %dma_wait3A_39 = arith.constant 0 : i32
      %dma_wait3A_40 = tpu.memref_slice %arg11[%mul3A_29, %dma_wait3A_39] : memref<10240x128xf32, #tpu.memory_space<vmem_shared>> -> memref<640x128xf32, #tpu.memory_space<vmem_shared>>
      tpu.wait_dma2 semaphore(%run_scoped3A : memref<!tpu.dma_semaphore, #tpu.memory_space<semaphore_mem>>) src(%dma_wait3A_40 : memref<640x128xf32, #tpu.memory_space<vmem_shared>>) dst(%dma_wait3A_38 : memref<640x128xf32, #tpu.memory_space<hbm>>)
      tpu.yield
    }) : () -> ()
    return
  }
}

#map = affine_map<(d0, d1) -> (0, 0)>
#map1 = affine_map<(d0, d1) -> (0, 0, 0)>
module attributes {stable_mosaic.version = 14 : i64} {
  func.func @k(%arg0: i32, %arg1: i32, %arg2: memref<10240x128xf32, #tpu.memory_space<hbm>>, %arg3: memref<32x80x128xi32, #tpu.memory_space<hbm>>, %arg4: memref<32x80x128xi32, #tpu.memory_space<hbm>>, %arg5: memref<640x128xf32, #tpu.memory_space<hbm>>, %arg6: memref<2x10240x128xf32, #tpu.memory_space<hbm>>, %arg7: memref<40x128xi32, #tpu.memory_space<vmem>>, %arg8: memref<40x128xi32, #tpu.memory_space<vmem>>, %arg9: memref<128x128xf32, #tpu.memory_space<vmem>>, %arg10: memref<128x128xf32, #tpu.memory_space<vmem>>, %arg11: memref<10240x128xf32, #tpu.memory_space<vmem_shared>>, %arg12: memref<!tpu.dma_semaphore, #tpu.memory_space<semaphore_mem>>, %arg13: memref<!tpu.dma_semaphore, #tpu.memory_space<semaphore_mem>>) attributes {dimension_semantics = [#tpu.dimension_semantics<core_parallel>, #tpu.dimension_semantics<subcore_parallel>], iteration_bounds = array<i64: 2, 16>, scalar_prefetch = 0 : i64, scratch_operands = 7 : i64, tpu.core_type = #tpu.core_type<sc_vector_subcore>, window_params = [{transform_indices = #map}, {transform_indices = #map1}, {transform_indices = #map1}, {transform_indices = #map}, {transform_indices = #map1}]} {
    %mul3A = arith.constant 16 : i32
    %mul3A_0 = arith.muli %arg0, %mul3A : i32
    %add3A = arith.addi %mul3A_0, %arg1 : i32
    %mul3A_1 = arith.constant 640 : i32
    %mul3A_2 = arith.muli %arg1, %mul3A_1 : i32
    "tpu.region"() ({
      %run_scoped3A = tpu.sem_alloc : memref<!tpu.dma_semaphore, #tpu.memory_space<semaphore_mem>>
      %dma_start3A_32 = arith.constant 0 : i32
      %dma_start3A_33 = tpu.memref_slice %arg11[%mul3A_2, %dma_start3A_32] : memref<10240x128xf32, #tpu.memory_space<vmem_shared>> -> memref<640x128xf32, #tpu.memory_space<vmem_shared>>
      tpu.enqueue_dma source(%arg5 : memref<640x128xf32, #tpu.memory_space<hbm>>) target(%dma_start3A_33 : memref<640x128xf32, #tpu.memory_space<vmem_shared>>) target_semaphore(%run_scoped3A : memref<!tpu.dma_semaphore, #tpu.memory_space<semaphore_mem>>)
      %dma_wait3A = arith.constant 0 : i32
      %dma_wait3A_34 = tpu.memref_slice %arg11[%mul3A_2, %dma_wait3A] : memref<10240x128xf32, #tpu.memory_space<vmem_shared>> -> memref<640x128xf32, #tpu.memory_space<vmem_shared>>
      tpu.wait_dma2 semaphore(%run_scoped3A : memref<!tpu.dma_semaphore, #tpu.memory_space<semaphore_mem>>) src(%arg5 : memref<640x128xf32, #tpu.memory_space<hbm>>) dst(%dma_wait3A_34 : memref<640x128xf32, #tpu.memory_space<vmem_shared>>)
      tpu.yield
    }) : () -> ()
    %barrier3A = arith.constant 0 : index
    tpu.barrier barrier_id(%barrier3A)
    "tpu.region"() ({
      %run_scoped3A = tpu.sem_alloc : memref<!tpu.dma_semaphore, #tpu.memory_space<semaphore_mem>>
      %dma_start3A_32 = arith.constant 0 : i32
      %dma_start3A_33 = arith.constant 0 : i32
      %dma_start3A_34 = tpu.memref_slice %arg3[%add3A, %dma_start3A_32, %dma_start3A_33] : memref<32x80x128xi32, #tpu.memory_space<hbm>> -> memref<1x40x128xi32, #tpu.memory_space<hbm>>
      %dma_start3A_35 = tpu.memref_squeeze %dma_start3A_34 : memref<1x40x128xi32, #tpu.memory_space<hbm>> -> memref<40x128xi32, #tpu.memory_space<hbm>>
      %dma_start3A_36 = arith.constant 0 : i32
      %dma_start3A_37 = arith.constant 0 : i32
      %dma_start3A_38 = tpu.memref_slice %arg3[%add3A, %dma_start3A_36, %dma_start3A_37] : memref<32x80x128xi32, #tpu.memory_space<hbm>> -> memref<1x40x128xi32, #tpu.memory_space<hbm>>
      %dma_start3A_39 = tpu.memref_squeeze %dma_start3A_38 : memref<1x40x128xi32, #tpu.memory_space<hbm>> -> memref<40x128xi32, #tpu.memory_space<hbm>>
      tpu.enqueue_dma source(%dma_start3A_39 : memref<40x128xi32, #tpu.memory_space<hbm>>) target(%arg7 : memref<40x128xi32, #tpu.memory_space<vmem>>) target_semaphore(%run_scoped3A : memref<!tpu.dma_semaphore, #tpu.memory_space<semaphore_mem>>)
      %dma_wait3A = arith.constant 0 : i32
      %dma_wait3A_40 = arith.constant 0 : i32
      %dma_wait3A_41 = tpu.memref_slice %arg3[%add3A, %dma_wait3A, %dma_wait3A_40] : memref<32x80x128xi32, #tpu.memory_space<hbm>> -> memref<1x40x128xi32, #tpu.memory_space<hbm>>
      %dma_wait3A_42 = tpu.memref_squeeze %dma_wait3A_41 : memref<1x40x128xi32, #tpu.memory_space<hbm>> -> memref<40x128xi32, #tpu.memory_space<hbm>>
      %dma_wait3A_43 = arith.constant 0 : i32
      %dma_wait3A_44 = arith.constant 0 : i32
      %dma_wait3A_45 = tpu.memref_slice %arg3[%add3A, %dma_wait3A_43, %dma_wait3A_44] : memref<32x80x128xi32, #tpu.memory_space<hbm>> -> memref<1x40x128xi32, #tpu.memory_space<hbm>>
      %dma_wait3A_46 = tpu.memref_squeeze %dma_wait3A_45 : memref<1x40x128xi32, #tpu.memory_space<hbm>> -> memref<40x128xi32, #tpu.memory_space<hbm>>
      tpu.wait_dma2 semaphore(%run_scoped3A : memref<!tpu.dma_semaphore, #tpu.memory_space<semaphore_mem>>) src(%dma_wait3A_46 : memref<40x128xi32, #tpu.memory_space<hbm>>) dst(%arg7 : memref<40x128xi32, #tpu.memory_space<vmem>>)
      tpu.yield
    }) : () -> ()
    "tpu.region"() ({
      %run_scoped3A = tpu.sem_alloc : memref<!tpu.dma_semaphore, #tpu.memory_space<semaphore_mem>>
      %dma_start3A_32 = arith.constant 0 : i32
      %dma_start3A_33 = arith.constant 0 : i32
      %dma_start3A_34 = tpu.memref_slice %arg4[%add3A, %dma_start3A_32, %dma_start3A_33] : memref<32x80x128xi32, #tpu.memory_space<hbm>> -> memref<1x40x128xi32, #tpu.memory_space<hbm>>
      %dma_start3A_35 = tpu.memref_squeeze %dma_start3A_34 : memref<1x40x128xi32, #tpu.memory_space<hbm>> -> memref<40x128xi32, #tpu.memory_space<hbm>>
      %dma_start3A_36 = arith.constant 0 : i32
      %dma_start3A_37 = arith.constant 0 : i32
      %dma_start3A_38 = tpu.memref_slice %arg4[%add3A, %dma_start3A_36, %dma_start3A_37] : memref<32x80x128xi32, #tpu.memory_space<hbm>> -> memref<1x40x128xi32, #tpu.memory_space<hbm>>
      %dma_start3A_39 = tpu.memref_squeeze %dma_start3A_38 : memref<1x40x128xi32, #tpu.memory_space<hbm>> -> memref<40x128xi32, #tpu.memory_space<hbm>>
      tpu.enqueue_dma source(%dma_start3A_39 : memref<40x128xi32, #tpu.memory_space<hbm>>) target(%arg8 : memref<40x128xi32, #tpu.memory_space<vmem>>) target_semaphore(%run_scoped3A : memref<!tpu.dma_semaphore, #tpu.memory_space<semaphore_mem>>)
      %dma_wait3A = arith.constant 0 : i32
      %dma_wait3A_40 = arith.constant 0 : i32
      %dma_wait3A_41 = tpu.memref_slice %arg4[%add3A, %dma_wait3A, %dma_wait3A_40] : memref<32x80x128xi32, #tpu.memory_space<hbm>> -> memref<1x40x128xi32, #tpu.memory_space<hbm>>
      %dma_wait3A_42 = tpu.memref_squeeze %dma_wait3A_41 : memref<1x40x128xi32, #tpu.memory_space<hbm>> -> memref<40x128xi32, #tpu.memory_space<hbm>>
      %dma_wait3A_43 = arith.constant 0 : i32
      %dma_wait3A_44 = arith.constant 0 : i32
      %dma_wait3A_45 = tpu.memref_slice %arg4[%add3A, %dma_wait3A_43, %dma_wait3A_44] : memref<32x80x128xi32, #tpu.memory_space<hbm>> -> memref<1x40x128xi32, #tpu.memory_space<hbm>>
      %dma_wait3A_46 = tpu.memref_squeeze %dma_wait3A_45 : memref<1x40x128xi32, #tpu.memory_space<hbm>> -> memref<40x128xi32, #tpu.memory_space<hbm>>
      tpu.wait_dma2 semaphore(%run_scoped3A : memref<!tpu.dma_semaphore, #tpu.memory_space<semaphore_mem>>) src(%dma_wait3A_46 : memref<40x128xi32, #tpu.memory_space<hbm>>) dst(%arg8 : memref<40x128xi32, #tpu.memory_space<vmem>>)
      tpu.yield
    }) : () -> ()
    %dma_start3A = arith.constant 0 : i32
    %dma_start3A_3 = arith.constant 0 : i32
    %dma_start3A_4 = tpu.memref_slice %arg7[%dma_start3A, %dma_start3A_3] : memref<40x128xi32, #tpu.memory_space<vmem>> -> memref<1x128xi32, #tpu.memory_space<vmem>>
    %dma_start3A_5 = tpu.memref_squeeze %dma_start3A_4 : memref<1x128xi32, #tpu.memory_space<vmem>> -> memref<128xi32, #tpu.memory_space<vmem>>
    %dma_start3A_6 = arith.constant 0 : i32
    %dma_start3A_7 = arith.constant 0 : i32
    %dma_start3A_8 = tpu.memref_slice %arg2[%dma_start3A_6, %dma_start3A_7] : memref<10240x128xf32, #tpu.memory_space<hbm>> -> memref<10240x128xf32, #tpu.memory_space<hbm>>
    tpu.enqueue_indirect_dma source(%dma_start3A_8 : memref<10240x128xf32, #tpu.memory_space<hbm>>) target(%arg9 : memref<128x128xf32, #tpu.memory_space<vmem>>) offsets(%dma_start3A_5 : memref<128xi32, #tpu.memory_space<vmem>>) semaphore(%arg12 : memref<!tpu.dma_semaphore, #tpu.memory_space<semaphore_mem>>)
    %scan3A = arith.constant 0 : i32
    %scan3A_9 = arith.constant 0 : i32
    %scan3A_10 = arith.constant 20 : i32
    %scan3A_11 = arith.addi %scan3A_9, %scan3A_10 : i32
    %scan3A_12 = arith.constant 1 : i32
    scf.for %scan3A_32 = %scan3A_9 to %scan3A_11 step %scan3A_12  : i32 {
      %mul3A_33 = arith.constant 2 : i32
      %mul3A_34 = arith.muli %mul3A_33, %scan3A_32 : i32
      %add3A_35 = arith.constant 1 : i32
      %add3A_36 = arith.addi %mul3A_34, %add3A_35 : i32
      %dma_start3A_37 = arith.constant 0 : i32
      %dma_start3A_38 = tpu.memref_slice %arg7[%add3A_36, %dma_start3A_37] : memref<40x128xi32, #tpu.memory_space<vmem>> -> memref<1x128xi32, #tpu.memory_space<vmem>>
      %dma_start3A_39 = tpu.memref_squeeze %dma_start3A_38 : memref<1x128xi32, #tpu.memory_space<vmem>> -> memref<128xi32, #tpu.memory_space<vmem>>
      %dma_start3A_40 = arith.constant 0 : i32
      %dma_start3A_41 = arith.constant 0 : i32
      %dma_start3A_42 = tpu.memref_slice %arg2[%dma_start3A_40, %dma_start3A_41] : memref<10240x128xf32, #tpu.memory_space<hbm>> -> memref<10240x128xf32, #tpu.memory_space<hbm>>
      tpu.enqueue_indirect_dma source(%dma_start3A_42 : memref<10240x128xf32, #tpu.memory_space<hbm>>) target(%arg10 : memref<128x128xf32, #tpu.memory_space<vmem>>) offsets(%dma_start3A_39 : memref<128xi32, #tpu.memory_space<vmem>>) semaphore(%arg13 : memref<!tpu.dma_semaphore, #tpu.memory_space<semaphore_mem>>)
      %dma_wait3A = arith.constant 0 : i32
      %dma_wait3A_43 = tpu.memref_slice %arg7[%mul3A_34, %dma_wait3A] : memref<40x128xi32, #tpu.memory_space<vmem>> -> memref<1x128xi32, #tpu.memory_space<vmem>>
      %dma_wait3A_44 = tpu.memref_squeeze %dma_wait3A_43 : memref<1x128xi32, #tpu.memory_space<vmem>> -> memref<128xi32, #tpu.memory_space<vmem>>
      %dma_wait3A_45 = arith.constant 0 : i32
      %dma_wait3A_46 = arith.constant 0 : i32
      %dma_wait3A_47 = tpu.memref_slice %arg2[%dma_wait3A_45, %dma_wait3A_46] : memref<10240x128xf32, #tpu.memory_space<hbm>> -> memref<10240x128xf32, #tpu.memory_space<hbm>>
      tpu.wait_indirect_dma semaphore(%arg12 : memref<!tpu.dma_semaphore, #tpu.memory_space<semaphore_mem>>) src(%dma_wait3A_47 : memref<10240x128xf32, #tpu.memory_space<hbm>>) dst(%arg9 : memref<128x128xf32, #tpu.memory_space<vmem>>)
      "tpu.region"() ({
        %run_scoped3A = tpu.sem_alloc : memref<!tpu.dma_semaphore, #tpu.memory_space<semaphore_mem>>
        %dma_start3A_58 = arith.constant 0 : i32
        %dma_start3A_59 = tpu.memref_slice %arg8[%mul3A_34, %dma_start3A_58] : memref<40x128xi32, #tpu.memory_space<vmem>> -> memref<1x128xi32, #tpu.memory_space<vmem>>
        %dma_start3A_60 = tpu.memref_squeeze %dma_start3A_59 : memref<1x128xi32, #tpu.memory_space<vmem>> -> memref<128xi32, #tpu.memory_space<vmem>>
        %dma_start3A_61 = arith.constant 0 : i32
        %dma_start3A_62 = arith.constant 0 : i32
        %dma_start3A_63 = tpu.memref_slice %arg11[%dma_start3A_61, %dma_start3A_62] : memref<10240x128xf32, #tpu.memory_space<vmem_shared>> -> memref<10240x128xf32, #tpu.memory_space<vmem_shared>>
        tpu.enqueue_indirect_dma source(%arg9 : memref<128x128xf32, #tpu.memory_space<vmem>>) target(%dma_start3A_63 : memref<10240x128xf32, #tpu.memory_space<vmem_shared>>) offsets(%dma_start3A_60 : memref<128xi32, #tpu.memory_space<vmem>>) semaphore(%run_scoped3A : memref<!tpu.dma_semaphore, #tpu.memory_space<semaphore_mem>>) {add = true}
        %dma_wait3A_64 = arith.constant 0 : i32
        %dma_wait3A_65 = tpu.memref_slice %arg8[%mul3A_34, %dma_wait3A_64] : memref<40x128xi32, #tpu.memory_space<vmem>> -> memref<1x128xi32, #tpu.memory_space<vmem>>
        %dma_wait3A_66 = tpu.memref_squeeze %dma_wait3A_65 : memref<1x128xi32, #tpu.memory_space<vmem>> -> memref<128xi32, #tpu.memory_space<vmem>>
        %dma_wait3A_67 = arith.constant 0 : i32
        %dma_wait3A_68 = arith.constant 0 : i32
        %dma_wait3A_69 = tpu.memref_slice %arg11[%dma_wait3A_67, %dma_wait3A_68] : memref<10240x128xf32, #tpu.memory_space<vmem_shared>> -> memref<10240x128xf32, #tpu.memory_space<vmem_shared>>
        tpu.wait_indirect_dma semaphore(%run_scoped3A : memref<!tpu.dma_semaphore, #tpu.memory_space<semaphore_mem>>) src(%arg9 : memref<128x128xf32, #tpu.memory_space<vmem>>) dst(%dma_wait3A_69 : memref<10240x128xf32, #tpu.memory_space<vmem_shared>>)
        tpu.yield
      }) : () -> ()
      %add3A_48 = arith.constant 1 : i32
      %add3A_49 = arith.addi %add3A_36, %add3A_48 : i32
      %lt3A = arith.constant 40 : i32
      %lt3A_50 = arith.cmpi slt, %add3A_49, %lt3A : i32
      %convert_element_type3A = arith.extui %lt3A_50 : i1 to i32
      %cond3A = arith.constant 0 : i32
      %cond3A_51 = arith.cmpi ne, %convert_element_type3A, %cond3A : i32
      scf.if %cond3A_51 {
        %add3A_58 = arith.constant 1 : i32
        %add3A_59 = arith.addi %add3A_36, %add3A_58 : i32
        %dma_start3A_60 = arith.constant 0 : i32
        %dma_start3A_61 = tpu.memref_slice %arg7[%add3A_59, %dma_start3A_60] : memref<40x128xi32, #tpu.memory_space<vmem>> -> memref<1x128xi32, #tpu.memory_space<vmem>>
        %dma_start3A_62 = tpu.memref_squeeze %dma_start3A_61 : memref<1x128xi32, #tpu.memory_space<vmem>> -> memref<128xi32, #tpu.memory_space<vmem>>
        %dma_start3A_63 = arith.constant 0 : i32
        %dma_start3A_64 = arith.constant 0 : i32
        %dma_start3A_65 = tpu.memref_slice %arg2[%dma_start3A_63, %dma_start3A_64] : memref<10240x128xf32, #tpu.memory_space<hbm>> -> memref<10240x128xf32, #tpu.memory_space<hbm>>
        tpu.enqueue_indirect_dma source(%dma_start3A_65 : memref<10240x128xf32, #tpu.memory_space<hbm>>) target(%arg9 : memref<128x128xf32, #tpu.memory_space<vmem>>) offsets(%dma_start3A_62 : memref<128xi32, #tpu.memory_space<vmem>>) semaphore(%arg12 : memref<!tpu.dma_semaphore, #tpu.memory_space<semaphore_mem>>)
      } else {
      }
      %dma_wait3A_52 = arith.constant 0 : i32
      %dma_wait3A_53 = tpu.memref_slice %arg7[%add3A_36, %dma_wait3A_52] : memref<40x128xi32, #tpu.memory_space<vmem>> -> memref<1x128xi32, #tpu.memory_space<vmem>>
      %dma_wait3A_54 = tpu.memref_squeeze %dma_wait3A_53 : memref<1x128xi32, #tpu.memory_space<vmem>> -> memref<128xi32, #tpu.memory_space<vmem>>
      %dma_wait3A_55 = arith.constant 0 : i32
      %dma_wait3A_56 = arith.constant 0 : i32
      %dma_wait3A_57 = tpu.memref_slice %arg2[%dma_wait3A_55, %dma_wait3A_56] : memref<10240x128xf32, #tpu.memory_space<hbm>> -> memref<10240x128xf32, #tpu.memory_space<hbm>>
      tpu.wait_indirect_dma semaphore(%arg13 : memref<!tpu.dma_semaphore, #tpu.memory_space<semaphore_mem>>) src(%dma_wait3A_57 : memref<10240x128xf32, #tpu.memory_space<hbm>>) dst(%arg10 : memref<128x128xf32, #tpu.memory_space<vmem>>)
      "tpu.region"() ({
        %run_scoped3A = tpu.sem_alloc : memref<!tpu.dma_semaphore, #tpu.memory_space<semaphore_mem>>
        %dma_start3A_58 = arith.constant 0 : i32
        %dma_start3A_59 = tpu.memref_slice %arg8[%add3A_36, %dma_start3A_58] : memref<40x128xi32, #tpu.memory_space<vmem>> -> memref<1x128xi32, #tpu.memory_space<vmem>>
        %dma_start3A_60 = tpu.memref_squeeze %dma_start3A_59 : memref<1x128xi32, #tpu.memory_space<vmem>> -> memref<128xi32, #tpu.memory_space<vmem>>
        %dma_start3A_61 = arith.constant 0 : i32
        %dma_start3A_62 = arith.constant 0 : i32
        %dma_start3A_63 = tpu.memref_slice %arg11[%dma_start3A_61, %dma_start3A_62] : memref<10240x128xf32, #tpu.memory_space<vmem_shared>> -> memref<10240x128xf32, #tpu.memory_space<vmem_shared>>
        tpu.enqueue_indirect_dma source(%arg10 : memref<128x128xf32, #tpu.memory_space<vmem>>) target(%dma_start3A_63 : memref<10240x128xf32, #tpu.memory_space<vmem_shared>>) offsets(%dma_start3A_60 : memref<128xi32, #tpu.memory_space<vmem>>) semaphore(%run_scoped3A : memref<!tpu.dma_semaphore, #tpu.memory_space<semaphore_mem>>) {add = true}
        %dma_wait3A_64 = arith.constant 0 : i32
        %dma_wait3A_65 = tpu.memref_slice %arg8[%add3A_36, %dma_wait3A_64] : memref<40x128xi32, #tpu.memory_space<vmem>> -> memref<1x128xi32, #tpu.memory_space<vmem>>
        %dma_wait3A_66 = tpu.memref_squeeze %dma_wait3A_65 : memref<1x128xi32, #tpu.memory_space<vmem>> -> memref<128xi32, #tpu.memory_space<vmem>>
        %dma_wait3A_67 = arith.constant 0 : i32
        %dma_wait3A_68 = arith.constant 0 : i32
        %dma_wait3A_69 = tpu.memref_slice %arg11[%dma_wait3A_67, %dma_wait3A_68] : memref<10240x128xf32, #tpu.memory_space<vmem_shared>> -> memref<10240x128xf32, #tpu.memory_space<vmem_shared>>
        tpu.wait_indirect_dma semaphore(%run_scoped3A : memref<!tpu.dma_semaphore, #tpu.memory_space<semaphore_mem>>) src(%arg10 : memref<128x128xf32, #tpu.memory_space<vmem>>) dst(%dma_wait3A_69 : memref<10240x128xf32, #tpu.memory_space<vmem_shared>>)
        tpu.yield
      }) : () -> ()
    }
    %scan3A_13 = arith.constant 20 : i32
    "tpu.region"() ({
      %run_scoped3A = tpu.sem_alloc : memref<!tpu.dma_semaphore, #tpu.memory_space<semaphore_mem>>
      %dma_start3A_32 = arith.constant 40 : i32
      %dma_start3A_33 = arith.constant 0 : i32
      %dma_start3A_34 = tpu.memref_slice %arg3[%add3A, %dma_start3A_32, %dma_start3A_33] : memref<32x80x128xi32, #tpu.memory_space<hbm>> -> memref<1x40x128xi32, #tpu.memory_space<hbm>>
      %dma_start3A_35 = tpu.memref_squeeze %dma_start3A_34 : memref<1x40x128xi32, #tpu.memory_space<hbm>> -> memref<40x128xi32, #tpu.memory_space<hbm>>
      %dma_start3A_36 = arith.constant 40 : i32
      %dma_start3A_37 = arith.constant 0 : i32
      %dma_start3A_38 = tpu.memref_slice %arg3[%add3A, %dma_start3A_36, %dma_start3A_37] : memref<32x80x128xi32, #tpu.memory_space<hbm>> -> memref<1x40x128xi32, #tpu.memory_space<hbm>>
      %dma_start3A_39 = tpu.memref_squeeze %dma_start3A_38 : memref<1x40x128xi32, #tpu.memory_space<hbm>> -> memref<40x128xi32, #tpu.memory_space<hbm>>
      tpu.enqueue_dma source(%dma_start3A_39 : memref<40x128xi32, #tpu.memory_space<hbm>>) target(%arg7 : memref<40x128xi32, #tpu.memory_space<vmem>>) target_semaphore(%run_scoped3A : memref<!tpu.dma_semaphore, #tpu.memory_space<semaphore_mem>>)
      %dma_wait3A = arith.constant 40 : i32
      %dma_wait3A_40 = arith.constant 0 : i32
      %dma_wait3A_41 = tpu.memref_slice %arg3[%add3A, %dma_wait3A, %dma_wait3A_40] : memref<32x80x128xi32, #tpu.memory_space<hbm>> -> memref<1x40x128xi32, #tpu.memory_space<hbm>>
      %dma_wait3A_42 = tpu.memref_squeeze %dma_wait3A_41 : memref<1x40x128xi32, #tpu.memory_space<hbm>> -> memref<40x128xi32, #tpu.memory_space<hbm>>
      %dma_wait3A_43 = arith.constant 40 : i32
      %dma_wait3A_44 = arith.constant 0 : i32
      %dma_wait3A_45 = tpu.memref_slice %arg3[%add3A, %dma_wait3A_43, %dma_wait3A_44] : memref<32x80x128xi32, #tpu.memory_space<hbm>> -> memref<1x40x128xi32, #tpu.memory_space<hbm>>
      %dma_wait3A_46 = tpu.memref_squeeze %dma_wait3A_45 : memref<1x40x128xi32, #tpu.memory_space<hbm>> -> memref<40x128xi32, #tpu.memory_space<hbm>>
      tpu.wait_dma2 semaphore(%run_scoped3A : memref<!tpu.dma_semaphore, #tpu.memory_space<semaphore_mem>>) src(%dma_wait3A_46 : memref<40x128xi32, #tpu.memory_space<hbm>>) dst(%arg7 : memref<40x128xi32, #tpu.memory_space<vmem>>)
      tpu.yield
    }) : () -> ()
    "tpu.region"() ({
      %run_scoped3A = tpu.sem_alloc : memref<!tpu.dma_semaphore, #tpu.memory_space<semaphore_mem>>
      %dma_start3A_32 = arith.constant 40 : i32
      %dma_start3A_33 = arith.constant 0 : i32
      %dma_start3A_34 = tpu.memref_slice %arg4[%add3A, %dma_start3A_32, %dma_start3A_33] : memref<32x80x128xi32, #tpu.memory_space<hbm>> -> memref<1x40x128xi32, #tpu.memory_space<hbm>>
      %dma_start3A_35 = tpu.memref_squeeze %dma_start3A_34 : memref<1x40x128xi32, #tpu.memory_space<hbm>> -> memref<40x128xi32, #tpu.memory_space<hbm>>
      %dma_start3A_36 = arith.constant 40 : i32
      %dma_start3A_37 = arith.constant 0 : i32
      %dma_start3A_38 = tpu.memref_slice %arg4[%add3A, %dma_start3A_36, %dma_start3A_37] : memref<32x80x128xi32, #tpu.memory_space<hbm>> -> memref<1x40x128xi32, #tpu.memory_space<hbm>>
      %dma_start3A_39 = tpu.memref_squeeze %dma_start3A_38 : memref<1x40x128xi32, #tpu.memory_space<hbm>> -> memref<40x128xi32, #tpu.memory_space<hbm>>
      tpu.enqueue_dma source(%dma_start3A_39 : memref<40x128xi32, #tpu.memory_space<hbm>>) target(%arg8 : memref<40x128xi32, #tpu.memory_space<vmem>>) target_semaphore(%run_scoped3A : memref<!tpu.dma_semaphore, #tpu.memory_space<semaphore_mem>>)
      %dma_wait3A = arith.constant 40 : i32
      %dma_wait3A_40 = arith.constant 0 : i32
      %dma_wait3A_41 = tpu.memref_slice %arg4[%add3A, %dma_wait3A, %dma_wait3A_40] : memref<32x80x128xi32, #tpu.memory_space<hbm>> -> memref<1x40x128xi32, #tpu.memory_space<hbm>>
      %dma_wait3A_42 = tpu.memref_squeeze %dma_wait3A_41 : memref<1x40x128xi32, #tpu.memory_space<hbm>> -> memref<40x128xi32, #tpu.memory_space<hbm>>
      %dma_wait3A_43 = arith.constant 40 : i32
      %dma_wait3A_44 = arith.constant 0 : i32
      %dma_wait3A_45 = tpu.memref_slice %arg4[%add3A, %dma_wait3A_43, %dma_wait3A_44] : memref<32x80x128xi32, #tpu.memory_space<hbm>> -> memref<1x40x128xi32, #tpu.memory_space<hbm>>
      %dma_wait3A_46 = tpu.memref_squeeze %dma_wait3A_45 : memref<1x40x128xi32, #tpu.memory_space<hbm>> -> memref<40x128xi32, #tpu.memory_space<hbm>>
      tpu.wait_dma2 semaphore(%run_scoped3A : memref<!tpu.dma_semaphore, #tpu.memory_space<semaphore_mem>>) src(%dma_wait3A_46 : memref<40x128xi32, #tpu.memory_space<hbm>>) dst(%arg8 : memref<40x128xi32, #tpu.memory_space<vmem>>)
      tpu.yield
    }) : () -> ()
    %dma_start3A_14 = arith.constant 0 : i32
    %dma_start3A_15 = arith.constant 0 : i32
    %dma_start3A_16 = tpu.memref_slice %arg7[%dma_start3A_14, %dma_start3A_15] : memref<40x128xi32, #tpu.memory_space<vmem>> -> memref<1x128xi32, #tpu.memory_space<vmem>>
    %dma_start3A_17 = tpu.memref_squeeze %dma_start3A_16 : memref<1x128xi32, #tpu.memory_space<vmem>> -> memref<128xi32, #tpu.memory_space<vmem>>
    %dma_start3A_18 = arith.constant 0 : i32
    %dma_start3A_19 = arith.constant 0 : i32
    %dma_start3A_20 = tpu.memref_slice %arg2[%dma_start3A_18, %dma_start3A_19] : memref<10240x128xf32, #tpu.memory_space<hbm>> -> memref<10240x128xf32, #tpu.memory_space<hbm>>
    tpu.enqueue_indirect_dma source(%dma_start3A_20 : memref<10240x128xf32, #tpu.memory_space<hbm>>) target(%arg9 : memref<128x128xf32, #tpu.memory_space<vmem>>) offsets(%dma_start3A_17 : memref<128xi32, #tpu.memory_space<vmem>>) semaphore(%arg12 : memref<!tpu.dma_semaphore, #tpu.memory_space<semaphore_mem>>)
    %scan3A_21 = arith.constant 0 : i32
    %scan3A_22 = arith.constant 0 : i32
    %scan3A_23 = arith.constant 20 : i32
    %scan3A_24 = arith.addi %scan3A_22, %scan3A_23 : i32
    %scan3A_25 = arith.constant 1 : i32
    scf.for %scan3A_32 = %scan3A_22 to %scan3A_24 step %scan3A_25  : i32 {
      %mul3A_33 = arith.constant 2 : i32
      %mul3A_34 = arith.muli %mul3A_33, %scan3A_32 : i32
      %add3A_35 = arith.constant 1 : i32
      %add3A_36 = arith.addi %mul3A_34, %add3A_35 : i32
      %dma_start3A_37 = arith.constant 0 : i32
      %dma_start3A_38 = tpu.memref_slice %arg7[%add3A_36, %dma_start3A_37] : memref<40x128xi32, #tpu.memory_space<vmem>> -> memref<1x128xi32, #tpu.memory_space<vmem>>
      %dma_start3A_39 = tpu.memref_squeeze %dma_start3A_38 : memref<1x128xi32, #tpu.memory_space<vmem>> -> memref<128xi32, #tpu.memory_space<vmem>>
      %dma_start3A_40 = arith.constant 0 : i32
      %dma_start3A_41 = arith.constant 0 : i32
      %dma_start3A_42 = tpu.memref_slice %arg2[%dma_start3A_40, %dma_start3A_41] : memref<10240x128xf32, #tpu.memory_space<hbm>> -> memref<10240x128xf32, #tpu.memory_space<hbm>>
      tpu.enqueue_indirect_dma source(%dma_start3A_42 : memref<10240x128xf32, #tpu.memory_space<hbm>>) target(%arg10 : memref<128x128xf32, #tpu.memory_space<vmem>>) offsets(%dma_start3A_39 : memref<128xi32, #tpu.memory_space<vmem>>) semaphore(%arg13 : memref<!tpu.dma_semaphore, #tpu.memory_space<semaphore_mem>>)
      %dma_wait3A = arith.constant 0 : i32
      %dma_wait3A_43 = tpu.memref_slice %arg7[%mul3A_34, %dma_wait3A] : memref<40x128xi32, #tpu.memory_space<vmem>> -> memref<1x128xi32, #tpu.memory_space<vmem>>
      %dma_wait3A_44 = tpu.memref_squeeze %dma_wait3A_43 : memref<1x128xi32, #tpu.memory_space<vmem>> -> memref<128xi32, #tpu.memory_space<vmem>>
      %dma_wait3A_45 = arith.constant 0 : i32
      %dma_wait3A_46 = arith.constant 0 : i32
      %dma_wait3A_47 = tpu.memref_slice %arg2[%dma_wait3A_45, %dma_wait3A_46] : memref<10240x128xf32, #tpu.memory_space<hbm>> -> memref<10240x128xf32, #tpu.memory_space<hbm>>
      tpu.wait_indirect_dma semaphore(%arg12 : memref<!tpu.dma_semaphore, #tpu.memory_space<semaphore_mem>>) src(%dma_wait3A_47 : memref<10240x128xf32, #tpu.memory_space<hbm>>) dst(%arg9 : memref<128x128xf32, #tpu.memory_space<vmem>>)
      "tpu.region"() ({
        %run_scoped3A = tpu.sem_alloc : memref<!tpu.dma_semaphore, #tpu.memory_space<semaphore_mem>>
        %dma_start3A_58 = arith.constant 0 : i32
        %dma_start3A_59 = tpu.memref_slice %arg8[%mul3A_34, %dma_start3A_58] : memref<40x128xi32, #tpu.memory_space<vmem>> -> memref<1x128xi32, #tpu.memory_space<vmem>>
        %dma_start3A_60 = tpu.memref_squeeze %dma_start3A_59 : memref<1x128xi32, #tpu.memory_space<vmem>> -> memref<128xi32, #tpu.memory_space<vmem>>
        %dma_start3A_61 = arith.constant 0 : i32
        %dma_start3A_62 = arith.constant 0 : i32
        %dma_start3A_63 = tpu.memref_slice %arg11[%dma_start3A_61, %dma_start3A_62] : memref<10240x128xf32, #tpu.memory_space<vmem_shared>> -> memref<10240x128xf32, #tpu.memory_space<vmem_shared>>
        tpu.enqueue_indirect_dma source(%arg9 : memref<128x128xf32, #tpu.memory_space<vmem>>) target(%dma_start3A_63 : memref<10240x128xf32, #tpu.memory_space<vmem_shared>>) offsets(%dma_start3A_60 : memref<128xi32, #tpu.memory_space<vmem>>) semaphore(%run_scoped3A : memref<!tpu.dma_semaphore, #tpu.memory_space<semaphore_mem>>) {add = true}
        %dma_wait3A_64 = arith.constant 0 : i32
        %dma_wait3A_65 = tpu.memref_slice %arg8[%mul3A_34, %dma_wait3A_64] : memref<40x128xi32, #tpu.memory_space<vmem>> -> memref<1x128xi32, #tpu.memory_space<vmem>>
        %dma_wait3A_66 = tpu.memref_squeeze %dma_wait3A_65 : memref<1x128xi32, #tpu.memory_space<vmem>> -> memref<128xi32, #tpu.memory_space<vmem>>
        %dma_wait3A_67 = arith.constant 0 : i32
        %dma_wait3A_68 = arith.constant 0 : i32
        %dma_wait3A_69 = tpu.memref_slice %arg11[%dma_wait3A_67, %dma_wait3A_68] : memref<10240x128xf32, #tpu.memory_space<vmem_shared>> -> memref<10240x128xf32, #tpu.memory_space<vmem_shared>>
        tpu.wait_indirect_dma semaphore(%run_scoped3A : memref<!tpu.dma_semaphore, #tpu.memory_space<semaphore_mem>>) src(%arg9 : memref<128x128xf32, #tpu.memory_space<vmem>>) dst(%dma_wait3A_69 : memref<10240x128xf32, #tpu.memory_space<vmem_shared>>)
        tpu.yield
      }) : () -> ()
      %add3A_48 = arith.constant 1 : i32
      %add3A_49 = arith.addi %add3A_36, %add3A_48 : i32
      %lt3A = arith.constant 40 : i32
      %lt3A_50 = arith.cmpi slt, %add3A_49, %lt3A : i32
      %convert_element_type3A = arith.extui %lt3A_50 : i1 to i32
      %cond3A = arith.constant 0 : i32
      %cond3A_51 = arith.cmpi ne, %convert_element_type3A, %cond3A : i32
      scf.if %cond3A_51 {
        %add3A_58 = arith.constant 1 : i32
        %add3A_59 = arith.addi %add3A_36, %add3A_58 : i32
        %dma_start3A_60 = arith.constant 0 : i32
        %dma_start3A_61 = tpu.memref_slice %arg7[%add3A_59, %dma_start3A_60] : memref<40x128xi32, #tpu.memory_space<vmem>> -> memref<1x128xi32, #tpu.memory_space<vmem>>
        %dma_start3A_62 = tpu.memref_squeeze %dma_start3A_61 : memref<1x128xi32, #tpu.memory_space<vmem>> -> memref<128xi32, #tpu.memory_space<vmem>>
        %dma_start3A_63 = arith.constant 0 : i32
        %dma_start3A_64 = arith.constant 0 : i32
        %dma_start3A_65 = tpu.memref_slice %arg2[%dma_start3A_63, %dma_start3A_64] : memref<10240x128xf32, #tpu.memory_space<hbm>> -> memref<10240x128xf32, #tpu.memory_space<hbm>>
        tpu.enqueue_indirect_dma source(%dma_start3A_65 : memref<10240x128xf32, #tpu.memory_space<hbm>>) target(%arg9 : memref<128x128xf32, #tpu.memory_space<vmem>>) offsets(%dma_start3A_62 : memref<128xi32, #tpu.memory_space<vmem>>) semaphore(%arg12 : memref<!tpu.dma_semaphore, #tpu.memory_space<semaphore_mem>>)
      } else {
      }
      %dma_wait3A_52 = arith.constant 0 : i32
      %dma_wait3A_53 = tpu.memref_slice %arg7[%add3A_36, %dma_wait3A_52] : memref<40x128xi32, #tpu.memory_space<vmem>> -> memref<1x128xi32, #tpu.memory_space<vmem>>
      %dma_wait3A_54 = tpu.memref_squeeze %dma_wait3A_53 : memref<1x128xi32, #tpu.memory_space<vmem>> -> memref<128xi32, #tpu.memory_space<vmem>>
      %dma_wait3A_55 = arith.constant 0 : i32
      %dma_wait3A_56 = arith.constant 0 : i32
      %dma_wait3A_57 = tpu.memref_slice %arg2[%dma_wait3A_55, %dma_wait3A_56] : memref<10240x128xf32, #tpu.memory_space<hbm>> -> memref<10240x128xf32, #tpu.memory_space<hbm>>
      tpu.wait_indirect_dma semaphore(%arg13 : memref<!tpu.dma_semaphore, #tpu.memory_space<semaphore_mem>>) src(%dma_wait3A_57 : memref<10240x128xf32, #tpu.memory_space<hbm>>) dst(%arg10 : memref<128x128xf32, #tpu.memory_space<vmem>>)
      "tpu.region"() ({
        %run_scoped3A = tpu.sem_alloc : memref<!tpu.dma_semaphore, #tpu.memory_space<semaphore_mem>>
        %dma_start3A_58 = arith.constant 0 : i32
        %dma_start3A_59 = tpu.memref_slice %arg8[%add3A_36, %dma_start3A_58] : memref<40x128xi32, #tpu.memory_space<vmem>> -> memref<1x128xi32, #tpu.memory_space<vmem>>
        %dma_start3A_60 = tpu.memref_squeeze %dma_start3A_59 : memref<1x128xi32, #tpu.memory_space<vmem>> -> memref<128xi32, #tpu.memory_space<vmem>>
        %dma_start3A_61 = arith.constant 0 : i32
        %dma_start3A_62 = arith.constant 0 : i32
        %dma_start3A_63 = tpu.memref_slice %arg11[%dma_start3A_61, %dma_start3A_62] : memref<10240x128xf32, #tpu.memory_space<vmem_shared>> -> memref<10240x128xf32, #tpu.memory_space<vmem_shared>>
        tpu.enqueue_indirect_dma source(%arg10 : memref<128x128xf32, #tpu.memory_space<vmem>>) target(%dma_start3A_63 : memref<10240x128xf32, #tpu.memory_space<vmem_shared>>) offsets(%dma_start3A_60 : memref<128xi32, #tpu.memory_space<vmem>>) semaphore(%run_scoped3A : memref<!tpu.dma_semaphore, #tpu.memory_space<semaphore_mem>>) {add = true}
        %dma_wait3A_64 = arith.constant 0 : i32
        %dma_wait3A_65 = tpu.memref_slice %arg8[%add3A_36, %dma_wait3A_64] : memref<40x128xi32, #tpu.memory_space<vmem>> -> memref<1x128xi32, #tpu.memory_space<vmem>>
        %dma_wait3A_66 = tpu.memref_squeeze %dma_wait3A_65 : memref<1x128xi32, #tpu.memory_space<vmem>> -> memref<128xi32, #tpu.memory_space<vmem>>
        %dma_wait3A_67 = arith.constant 0 : i32
        %dma_wait3A_68 = arith.constant 0 : i32
        %dma_wait3A_69 = tpu.memref_slice %arg11[%dma_wait3A_67, %dma_wait3A_68] : memref<10240x128xf32, #tpu.memory_space<vmem_shared>> -> memref<10240x128xf32, #tpu.memory_space<vmem_shared>>
        tpu.wait_indirect_dma semaphore(%run_scoped3A : memref<!tpu.dma_semaphore, #tpu.memory_space<semaphore_mem>>) src(%arg10 : memref<128x128xf32, #tpu.memory_space<vmem>>) dst(%dma_wait3A_69 : memref<10240x128xf32, #tpu.memory_space<vmem_shared>>)
        tpu.yield
      }) : () -> ()
    }
    %scan3A_26 = arith.constant 20 : i32
    %barrier3A_27 = arith.constant 0 : index
    tpu.barrier barrier_id(%barrier3A_27)
    %mul3A_28 = arith.constant 640 : i32
    %mul3A_29 = arith.muli %arg1, %mul3A_28 : i32
    %mul3A_30 = arith.constant 640 : i32
    %mul3A_31 = arith.muli %arg1, %mul3A_30 : i32
    "tpu.region"() ({
      %run_scoped3A = tpu.sem_alloc : memref<!tpu.dma_semaphore, #tpu.memory_space<semaphore_mem>>
      %dma_start3A_32 = arith.constant 0 : i32
      %dma_start3A_33 = tpu.memref_slice %arg6[%arg0, %mul3A_31, %dma_start3A_32] : memref<2x10240x128xf32, #tpu.memory_space<hbm>> -> memref<1x640x128xf32, #tpu.memory_space<hbm>>
      %dma_start3A_34 = tpu.memref_squeeze %dma_start3A_33 : memref<1x640x128xf32, #tpu.memory_space<hbm>> -> memref<640x128xf32, #tpu.memory_space<hbm>>
      %dma_start3A_35 = arith.constant 0 : i32
      %dma_start3A_36 = tpu.memref_slice %arg11[%mul3A_29, %dma_start3A_35] : memref<10240x128xf32, #tpu.memory_space<vmem_shared>> -> memref<640x128xf32, #tpu.memory_space<vmem_shared>>
      tpu.enqueue_dma source(%dma_start3A_36 : memref<640x128xf32, #tpu.memory_space<vmem_shared>>) target(%dma_start3A_34 : memref<640x128xf32, #tpu.memory_space<hbm>>) target_semaphore(%run_scoped3A : memref<!tpu.dma_semaphore, #tpu.memory_space<semaphore_mem>>)
      %dma_wait3A = arith.constant 0 : i32
      %dma_wait3A_37 = tpu.memref_slice %arg6[%arg0, %mul3A_31, %dma_wait3A] : memref<2x10240x128xf32, #tpu.memory_space<hbm>> -> memref<1x640x128xf32, #tpu.memory_space<hbm>>
      %dma_wait3A_38 = tpu.memref_squeeze %dma_wait3A_37 : memref<1x640x128xf32, #tpu.memory_space<hbm>> -> memref<640x128xf32, #tpu.memory_space<hbm>>
      %dma_wait3A_39 = arith.constant 0 : i32
      %dma_wait3A_40 = tpu.memref_slice %arg11[%mul3A_29, %dma_wait3A_39] : memref<10240x128xf32, #tpu.memory_space<vmem_shared>> -> memref<640x128xf32, #tpu.memory_space<vmem_shared>>
      tpu.wait_dma2 semaphore(%run_scoped3A : memref<!tpu.dma_semaphore, #tpu.memory_space<semaphore_mem>>) src(%dma_wait3A_40 : memref<640x128xf32, #tpu.memory_space<vmem_shared>>) dst(%dma_wait3A_38 : memref<640x128xf32, #tpu.memory_space<hbm>>)
      tpu.yield
    }) : () -> ()
    return
  }
}

#map = affine_map<(d0, d1) -> (0, 0)>
#map1 = affine_map<(d0, d1) -> (0, 0, 0)>
module attributes {stable_mosaic.version = 14 : i64} {
  func.func @k(%arg0: i32, %arg1: i32, %arg2: memref<10240x128xf32, #tpu.memory_space<hbm>>, %arg3: memref<32x80x128xi32, #tpu.memory_space<hbm>>, %arg4: memref<32x80x128xi32, #tpu.memory_space<hbm>>, %arg5: memref<640x128xf32, #tpu.memory_space<hbm>>, %arg6: memref<2x10240x128xf32, #tpu.memory_space<hbm>>, %arg7: memref<40x128xi32, #tpu.memory_space<vmem>>, %arg8: memref<40x128xi32, #tpu.memory_space<vmem>>, %arg9: memref<128x128xf32, #tpu.memory_space<vmem>>, %arg10: memref<128x128xf32, #tpu.memory_space<vmem>>, %arg11: memref<10240x128xf32, #tpu.memory_space<vmem_shared>>, %arg12: memref<!tpu.dma_semaphore, #tpu.memory_space<semaphore_mem>>, %arg13: memref<!tpu.dma_semaphore, #tpu.memory_space<semaphore_mem>>) attributes {dimension_semantics = [#tpu.dimension_semantics<core_parallel>, #tpu.dimension_semantics<subcore_parallel>], iteration_bounds = array<i64: 2, 16>, scalar_prefetch = 0 : i64, scratch_operands = 7 : i64, tpu.core_type = #tpu.core_type<sc_vector_subcore>, window_params = [{transform_indices = #map}, {transform_indices = #map1}, {transform_indices = #map1}, {transform_indices = #map}, {transform_indices = #map1}]} {
    %mul3A = arith.constant 16 : i32
    %mul3A_0 = arith.muli %arg0, %mul3A : i32
    %add3A = arith.addi %mul3A_0, %arg1 : i32
    %mul3A_1 = arith.constant 640 : i32
    %mul3A_2 = arith.muli %arg1, %mul3A_1 : i32
    "tpu.region"() ({
      %run_scoped3A = tpu.sem_alloc : memref<!tpu.dma_semaphore, #tpu.memory_space<semaphore_mem>>
      %dma_start3A_32 = arith.constant 0 : i32
      %dma_start3A_33 = tpu.memref_slice %arg11[%mul3A_2, %dma_start3A_32] : memref<10240x128xf32, #tpu.memory_space<vmem_shared>> -> memref<640x128xf32, #tpu.memory_space<vmem_shared>>
      tpu.enqueue_dma source(%arg5 : memref<640x128xf32, #tpu.memory_space<hbm>>) target(%dma_start3A_33 : memref<640x128xf32, #tpu.memory_space<vmem_shared>>) target_semaphore(%run_scoped3A : memref<!tpu.dma_semaphore, #tpu.memory_space<semaphore_mem>>)
      %dma_wait3A = arith.constant 0 : i32
      %dma_wait3A_34 = tpu.memref_slice %arg11[%mul3A_2, %dma_wait3A] : memref<10240x128xf32, #tpu.memory_space<vmem_shared>> -> memref<640x128xf32, #tpu.memory_space<vmem_shared>>
      tpu.wait_dma2 semaphore(%run_scoped3A : memref<!tpu.dma_semaphore, #tpu.memory_space<semaphore_mem>>) src(%arg5 : memref<640x128xf32, #tpu.memory_space<hbm>>) dst(%dma_wait3A_34 : memref<640x128xf32, #tpu.memory_space<vmem_shared>>)
      tpu.yield
    }) : () -> ()
    %barrier3A = arith.constant 0 : index
    tpu.barrier barrier_id(%barrier3A)
    "tpu.region"() ({
      %run_scoped3A = tpu.sem_alloc : memref<!tpu.dma_semaphore, #tpu.memory_space<semaphore_mem>>
      %dma_start3A_32 = arith.constant 0 : i32
      %dma_start3A_33 = arith.constant 0 : i32
      %dma_start3A_34 = tpu.memref_slice %arg3[%add3A, %dma_start3A_32, %dma_start3A_33] : memref<32x80x128xi32, #tpu.memory_space<hbm>> -> memref<1x40x128xi32, #tpu.memory_space<hbm>>
      %dma_start3A_35 = tpu.memref_squeeze %dma_start3A_34 : memref<1x40x128xi32, #tpu.memory_space<hbm>> -> memref<40x128xi32, #tpu.memory_space<hbm>>
      %dma_start3A_36 = arith.constant 0 : i32
      %dma_start3A_37 = arith.constant 0 : i32
      %dma_start3A_38 = tpu.memref_slice %arg3[%add3A, %dma_start3A_36, %dma_start3A_37] : memref<32x80x128xi32, #tpu.memory_space<hbm>> -> memref<1x40x128xi32, #tpu.memory_space<hbm>>
      %dma_start3A_39 = tpu.memref_squeeze %dma_start3A_38 : memref<1x40x128xi32, #tpu.memory_space<hbm>> -> memref<40x128xi32, #tpu.memory_space<hbm>>
      tpu.enqueue_dma source(%dma_start3A_39 : memref<40x128xi32, #tpu.memory_space<hbm>>) target(%arg7 : memref<40x128xi32, #tpu.memory_space<vmem>>) target_semaphore(%run_scoped3A : memref<!tpu.dma_semaphore, #tpu.memory_space<semaphore_mem>>)
      %dma_wait3A = arith.constant 0 : i32
      %dma_wait3A_40 = arith.constant 0 : i32
      %dma_wait3A_41 = tpu.memref_slice %arg3[%add3A, %dma_wait3A, %dma_wait3A_40] : memref<32x80x128xi32, #tpu.memory_space<hbm>> -> memref<1x40x128xi32, #tpu.memory_space<hbm>>
      %dma_wait3A_42 = tpu.memref_squeeze %dma_wait3A_41 : memref<1x40x128xi32, #tpu.memory_space<hbm>> -> memref<40x128xi32, #tpu.memory_space<hbm>>
      %dma_wait3A_43 = arith.constant 0 : i32
      %dma_wait3A_44 = arith.constant 0 : i32
      %dma_wait3A_45 = tpu.memref_slice %arg3[%add3A, %dma_wait3A_43, %dma_wait3A_44] : memref<32x80x128xi32, #tpu.memory_space<hbm>> -> memref<1x40x128xi32, #tpu.memory_space<hbm>>
      %dma_wait3A_46 = tpu.memref_squeeze %dma_wait3A_45 : memref<1x40x128xi32, #tpu.memory_space<hbm>> -> memref<40x128xi32, #tpu.memory_space<hbm>>
      tpu.wait_dma2 semaphore(%run_scoped3A : memref<!tpu.dma_semaphore, #tpu.memory_space<semaphore_mem>>) src(%dma_wait3A_46 : memref<40x128xi32, #tpu.memory_space<hbm>>) dst(%arg7 : memref<40x128xi32, #tpu.memory_space<vmem>>)
      tpu.yield
    }) : () -> ()
    "tpu.region"() ({
      %run_scoped3A = tpu.sem_alloc : memref<!tpu.dma_semaphore, #tpu.memory_space<semaphore_mem>>
      %dma_start3A_32 = arith.constant 0 : i32
      %dma_start3A_33 = arith.constant 0 : i32
      %dma_start3A_34 = tpu.memref_slice %arg4[%add3A, %dma_start3A_32, %dma_start3A_33] : memref<32x80x128xi32, #tpu.memory_space<hbm>> -> memref<1x40x128xi32, #tpu.memory_space<hbm>>
      %dma_start3A_35 = tpu.memref_squeeze %dma_start3A_34 : memref<1x40x128xi32, #tpu.memory_space<hbm>> -> memref<40x128xi32, #tpu.memory_space<hbm>>
      %dma_start3A_36 = arith.constant 0 : i32
      %dma_start3A_37 = arith.constant 0 : i32
      %dma_start3A_38 = tpu.memref_slice %arg4[%add3A, %dma_start3A_36, %dma_start3A_37] : memref<32x80x128xi32, #tpu.memory_space<hbm>> -> memref<1x40x128xi32, #tpu.memory_space<hbm>>
      %dma_start3A_39 = tpu.memref_squeeze %dma_start3A_38 : memref<1x40x128xi32, #tpu.memory_space<hbm>> -> memref<40x128xi32, #tpu.memory_space<hbm>>
      tpu.enqueue_dma source(%dma_start3A_39 : memref<40x128xi32, #tpu.memory_space<hbm>>) target(%arg8 : memref<40x128xi32, #tpu.memory_space<vmem>>) target_semaphore(%run_scoped3A : memref<!tpu.dma_semaphore, #tpu.memory_space<semaphore_mem>>)
      %dma_wait3A = arith.constant 0 : i32
      %dma_wait3A_40 = arith.constant 0 : i32
      %dma_wait3A_41 = tpu.memref_slice %arg4[%add3A, %dma_wait3A, %dma_wait3A_40] : memref<32x80x128xi32, #tpu.memory_space<hbm>> -> memref<1x40x128xi32, #tpu.memory_space<hbm>>
      %dma_wait3A_42 = tpu.memref_squeeze %dma_wait3A_41 : memref<1x40x128xi32, #tpu.memory_space<hbm>> -> memref<40x128xi32, #tpu.memory_space<hbm>>
      %dma_wait3A_43 = arith.constant 0 : i32
      %dma_wait3A_44 = arith.constant 0 : i32
      %dma_wait3A_45 = tpu.memref_slice %arg4[%add3A, %dma_wait3A_43, %dma_wait3A_44] : memref<32x80x128xi32, #tpu.memory_space<hbm>> -> memref<1x40x128xi32, #tpu.memory_space<hbm>>
      %dma_wait3A_46 = tpu.memref_squeeze %dma_wait3A_45 : memref<1x40x128xi32, #tpu.memory_space<hbm>> -> memref<40x128xi32, #tpu.memory_space<hbm>>
      tpu.wait_dma2 semaphore(%run_scoped3A : memref<!tpu.dma_semaphore, #tpu.memory_space<semaphore_mem>>) src(%dma_wait3A_46 : memref<40x128xi32, #tpu.memory_space<hbm>>) dst(%arg8 : memref<40x128xi32, #tpu.memory_space<vmem>>)
      tpu.yield
    }) : () -> ()
    %dma_start3A = arith.constant 0 : i32
    %dma_start3A_3 = arith.constant 0 : i32
    %dma_start3A_4 = tpu.memref_slice %arg7[%dma_start3A, %dma_start3A_3] : memref<40x128xi32, #tpu.memory_space<vmem>> -> memref<1x128xi32, #tpu.memory_space<vmem>>
    %dma_start3A_5 = tpu.memref_squeeze %dma_start3A_4 : memref<1x128xi32, #tpu.memory_space<vmem>> -> memref<128xi32, #tpu.memory_space<vmem>>
    %dma_start3A_6 = arith.constant 0 : i32
    %dma_start3A_7 = arith.constant 0 : i32
    %dma_start3A_8 = tpu.memref_slice %arg2[%dma_start3A_6, %dma_start3A_7] : memref<10240x128xf32, #tpu.memory_space<hbm>> -> memref<10240x128xf32, #tpu.memory_space<hbm>>
    tpu.enqueue_indirect_dma source(%dma_start3A_8 : memref<10240x128xf32, #tpu.memory_space<hbm>>) target(%arg9 : memref<128x128xf32, #tpu.memory_space<vmem>>) offsets(%dma_start3A_5 : memref<128xi32, #tpu.memory_space<vmem>>) semaphore(%arg12 : memref<!tpu.dma_semaphore, #tpu.memory_space<semaphore_mem>>)
    %scan3A = arith.constant 0 : i32
    %scan3A_9 = arith.constant 0 : i32
    %scan3A_10 = arith.constant 20 : i32
    %scan3A_11 = arith.addi %scan3A_9, %scan3A_10 : i32
    %scan3A_12 = arith.constant 1 : i32
    scf.for %scan3A_32 = %scan3A_9 to %scan3A_11 step %scan3A_12  : i32 {
      %mul3A_33 = arith.constant 2 : i32
      %mul3A_34 = arith.muli %mul3A_33, %scan3A_32 : i32
      %add3A_35 = arith.constant 1 : i32
      %add3A_36 = arith.addi %mul3A_34, %add3A_35 : i32
      %dma_start3A_37 = arith.constant 0 : i32
      %dma_start3A_38 = tpu.memref_slice %arg7[%add3A_36, %dma_start3A_37] : memref<40x128xi32, #tpu.memory_space<vmem>> -> memref<1x128xi32, #tpu.memory_space<vmem>>
      %dma_start3A_39 = tpu.memref_squeeze %dma_start3A_38 : memref<1x128xi32, #tpu.memory_space<vmem>> -> memref<128xi32, #tpu.memory_space<vmem>>
      %dma_start3A_40 = arith.constant 0 : i32
      %dma_start3A_41 = arith.constant 0 : i32
      %dma_start3A_42 = tpu.memref_slice %arg2[%dma_start3A_40, %dma_start3A_41] : memref<10240x128xf32, #tpu.memory_space<hbm>> -> memref<10240x128xf32, #tpu.memory_space<hbm>>
      tpu.enqueue_indirect_dma source(%dma_start3A_42 : memref<10240x128xf32, #tpu.memory_space<hbm>>) target(%arg10 : memref<128x128xf32, #tpu.memory_space<vmem>>) offsets(%dma_start3A_39 : memref<128xi32, #tpu.memory_space<vmem>>) semaphore(%arg13 : memref<!tpu.dma_semaphore, #tpu.memory_space<semaphore_mem>>)
      %dma_wait3A = arith.constant 0 : i32
      %dma_wait3A_43 = tpu.memref_slice %arg7[%mul3A_34, %dma_wait3A] : memref<40x128xi32, #tpu.memory_space<vmem>> -> memref<1x128xi32, #tpu.memory_space<vmem>>
      %dma_wait3A_44 = tpu.memref_squeeze %dma_wait3A_43 : memref<1x128xi32, #tpu.memory_space<vmem>> -> memref<128xi32, #tpu.memory_space<vmem>>
      %dma_wait3A_45 = arith.constant 0 : i32
      %dma_wait3A_46 = arith.constant 0 : i32
      %dma_wait3A_47 = tpu.memref_slice %arg2[%dma_wait3A_45, %dma_wait3A_46] : memref<10240x128xf32, #tpu.memory_space<hbm>> -> memref<10240x128xf32, #tpu.memory_space<hbm>>
      tpu.wait_indirect_dma semaphore(%arg12 : memref<!tpu.dma_semaphore, #tpu.memory_space<semaphore_mem>>) src(%dma_wait3A_47 : memref<10240x128xf32, #tpu.memory_space<hbm>>) dst(%arg9 : memref<128x128xf32, #tpu.memory_space<vmem>>)
      "tpu.region"() ({
        %run_scoped3A = tpu.sem_alloc : memref<!tpu.dma_semaphore, #tpu.memory_space<semaphore_mem>>
        %dma_start3A_58 = arith.constant 0 : i32
        %dma_start3A_59 = tpu.memref_slice %arg8[%mul3A_34, %dma_start3A_58] : memref<40x128xi32, #tpu.memory_space<vmem>> -> memref<1x128xi32, #tpu.memory_space<vmem>>
        %dma_start3A_60 = tpu.memref_squeeze %dma_start3A_59 : memref<1x128xi32, #tpu.memory_space<vmem>> -> memref<128xi32, #tpu.memory_space<vmem>>
        %dma_start3A_61 = arith.constant 0 : i32
        %dma_start3A_62 = arith.constant 0 : i32
        %dma_start3A_63 = tpu.memref_slice %arg11[%dma_start3A_61, %dma_start3A_62] : memref<10240x128xf32, #tpu.memory_space<vmem_shared>> -> memref<10240x128xf32, #tpu.memory_space<vmem_shared>>
        tpu.enqueue_indirect_dma source(%arg9 : memref<128x128xf32, #tpu.memory_space<vmem>>) target(%dma_start3A_63 : memref<10240x128xf32, #tpu.memory_space<vmem_shared>>) offsets(%dma_start3A_60 : memref<128xi32, #tpu.memory_space<vmem>>) semaphore(%run_scoped3A : memref<!tpu.dma_semaphore, #tpu.memory_space<semaphore_mem>>) {add = true}
        %dma_wait3A_64 = arith.constant 0 : i32
        %dma_wait3A_65 = tpu.memref_slice %arg8[%mul3A_34, %dma_wait3A_64] : memref<40x128xi32, #tpu.memory_space<vmem>> -> memref<1x128xi32, #tpu.memory_space<vmem>>
        %dma_wait3A_66 = tpu.memref_squeeze %dma_wait3A_65 : memref<1x128xi32, #tpu.memory_space<vmem>> -> memref<128xi32, #tpu.memory_space<vmem>>
        %dma_wait3A_67 = arith.constant 0 : i32
        %dma_wait3A_68 = arith.constant 0 : i32
        %dma_wait3A_69 = tpu.memref_slice %arg11[%dma_wait3A_67, %dma_wait3A_68] : memref<10240x128xf32, #tpu.memory_space<vmem_shared>> -> memref<10240x128xf32, #tpu.memory_space<vmem_shared>>
        tpu.wait_indirect_dma semaphore(%run_scoped3A : memref<!tpu.dma_semaphore, #tpu.memory_space<semaphore_mem>>) src(%arg9 : memref<128x128xf32, #tpu.memory_space<vmem>>) dst(%dma_wait3A_69 : memref<10240x128xf32, #tpu.memory_space<vmem_shared>>)
        tpu.yield
      }) : () -> ()
      %add3A_48 = arith.constant 1 : i32
      %add3A_49 = arith.addi %add3A_36, %add3A_48 : i32
      %lt3A = arith.constant 40 : i32
      %lt3A_50 = arith.cmpi slt, %add3A_49, %lt3A : i32
      %convert_element_type3A = arith.extui %lt3A_50 : i1 to i32
      %cond3A = arith.constant 0 : i32
      %cond3A_51 = arith.cmpi ne, %convert_element_type3A, %cond3A : i32
      scf.if %cond3A_51 {
        %add3A_58 = arith.constant 1 : i32
        %add3A_59 = arith.addi %add3A_36, %add3A_58 : i32
        %dma_start3A_60 = arith.constant 0 : i32
        %dma_start3A_61 = tpu.memref_slice %arg7[%add3A_59, %dma_start3A_60] : memref<40x128xi32, #tpu.memory_space<vmem>> -> memref<1x128xi32, #tpu.memory_space<vmem>>
        %dma_start3A_62 = tpu.memref_squeeze %dma_start3A_61 : memref<1x128xi32, #tpu.memory_space<vmem>> -> memref<128xi32, #tpu.memory_space<vmem>>
        %dma_start3A_63 = arith.constant 0 : i32
        %dma_start3A_64 = arith.constant 0 : i32
        %dma_start3A_65 = tpu.memref_slice %arg2[%dma_start3A_63, %dma_start3A_64] : memref<10240x128xf32, #tpu.memory_space<hbm>> -> memref<10240x128xf32, #tpu.memory_space<hbm>>
        tpu.enqueue_indirect_dma source(%dma_start3A_65 : memref<10240x128xf32, #tpu.memory_space<hbm>>) target(%arg9 : memref<128x128xf32, #tpu.memory_space<vmem>>) offsets(%dma_start3A_62 : memref<128xi32, #tpu.memory_space<vmem>>) semaphore(%arg12 : memref<!tpu.dma_semaphore, #tpu.memory_space<semaphore_mem>>)
      } else {
      }
      %dma_wait3A_52 = arith.constant 0 : i32
      %dma_wait3A_53 = tpu.memref_slice %arg7[%add3A_36, %dma_wait3A_52] : memref<40x128xi32, #tpu.memory_space<vmem>> -> memref<1x128xi32, #tpu.memory_space<vmem>>
      %dma_wait3A_54 = tpu.memref_squeeze %dma_wait3A_53 : memref<1x128xi32, #tpu.memory_space<vmem>> -> memref<128xi32, #tpu.memory_space<vmem>>
      %dma_wait3A_55 = arith.constant 0 : i32
      %dma_wait3A_56 = arith.constant 0 : i32
      %dma_wait3A_57 = tpu.memref_slice %arg2[%dma_wait3A_55, %dma_wait3A_56] : memref<10240x128xf32, #tpu.memory_space<hbm>> -> memref<10240x128xf32, #tpu.memory_space<hbm>>
      tpu.wait_indirect_dma semaphore(%arg13 : memref<!tpu.dma_semaphore, #tpu.memory_space<semaphore_mem>>) src(%dma_wait3A_57 : memref<10240x128xf32, #tpu.memory_space<hbm>>) dst(%arg10 : memref<128x128xf32, #tpu.memory_space<vmem>>)
      "tpu.region"() ({
        %run_scoped3A = tpu.sem_alloc : memref<!tpu.dma_semaphore, #tpu.memory_space<semaphore_mem>>
        %dma_start3A_58 = arith.constant 0 : i32
        %dma_start3A_59 = tpu.memref_slice %arg8[%add3A_36, %dma_start3A_58] : memref<40x128xi32, #tpu.memory_space<vmem>> -> memref<1x128xi32, #tpu.memory_space<vmem>>
        %dma_start3A_60 = tpu.memref_squeeze %dma_start3A_59 : memref<1x128xi32, #tpu.memory_space<vmem>> -> memref<128xi32, #tpu.memory_space<vmem>>
        %dma_start3A_61 = arith.constant 0 : i32
        %dma_start3A_62 = arith.constant 0 : i32
        %dma_start3A_63 = tpu.memref_slice %arg11[%dma_start3A_61, %dma_start3A_62] : memref<10240x128xf32, #tpu.memory_space<vmem_shared>> -> memref<10240x128xf32, #tpu.memory_space<vmem_shared>>
        tpu.enqueue_indirect_dma source(%arg10 : memref<128x128xf32, #tpu.memory_space<vmem>>) target(%dma_start3A_63 : memref<10240x128xf32, #tpu.memory_space<vmem_shared>>) offsets(%dma_start3A_60 : memref<128xi32, #tpu.memory_space<vmem>>) semaphore(%run_scoped3A : memref<!tpu.dma_semaphore, #tpu.memory_space<semaphore_mem>>) {add = true}
        %dma_wait3A_64 = arith.constant 0 : i32
        %dma_wait3A_65 = tpu.memref_slice %arg8[%add3A_36, %dma_wait3A_64] : memref<40x128xi32, #tpu.memory_space<vmem>> -> memref<1x128xi32, #tpu.memory_space<vmem>>
        %dma_wait3A_66 = tpu.memref_squeeze %dma_wait3A_65 : memref<1x128xi32, #tpu.memory_space<vmem>> -> memref<128xi32, #tpu.memory_space<vmem>>
        %dma_wait3A_67 = arith.constant 0 : i32
        %dma_wait3A_68 = arith.constant 0 : i32
        %dma_wait3A_69 = tpu.memref_slice %arg11[%dma_wait3A_67, %dma_wait3A_68] : memref<10240x128xf32, #tpu.memory_space<vmem_shared>> -> memref<10240x128xf32, #tpu.memory_space<vmem_shared>>
        tpu.wait_indirect_dma semaphore(%run_scoped3A : memref<!tpu.dma_semaphore, #tpu.memory_space<semaphore_mem>>) src(%arg10 : memref<128x128xf32, #tpu.memory_space<vmem>>) dst(%dma_wait3A_69 : memref<10240x128xf32, #tpu.memory_space<vmem_shared>>)
        tpu.yield
      }) : () -> ()
    }
    %scan3A_13 = arith.constant 20 : i32
    "tpu.region"() ({
      %run_scoped3A = tpu.sem_alloc : memref<!tpu.dma_semaphore, #tpu.memory_space<semaphore_mem>>
      %dma_start3A_32 = arith.constant 40 : i32
      %dma_start3A_33 = arith.constant 0 : i32
      %dma_start3A_34 = tpu.memref_slice %arg3[%add3A, %dma_start3A_32, %dma_start3A_33] : memref<32x80x128xi32, #tpu.memory_space<hbm>> -> memref<1x40x128xi32, #tpu.memory_space<hbm>>
      %dma_start3A_35 = tpu.memref_squeeze %dma_start3A_34 : memref<1x40x128xi32, #tpu.memory_space<hbm>> -> memref<40x128xi32, #tpu.memory_space<hbm>>
      %dma_start3A_36 = arith.constant 40 : i32
      %dma_start3A_37 = arith.constant 0 : i32
      %dma_start3A_38 = tpu.memref_slice %arg3[%add3A, %dma_start3A_36, %dma_start3A_37] : memref<32x80x128xi32, #tpu.memory_space<hbm>> -> memref<1x40x128xi32, #tpu.memory_space<hbm>>
      %dma_start3A_39 = tpu.memref_squeeze %dma_start3A_38 : memref<1x40x128xi32, #tpu.memory_space<hbm>> -> memref<40x128xi32, #tpu.memory_space<hbm>>
      tpu.enqueue_dma source(%dma_start3A_39 : memref<40x128xi32, #tpu.memory_space<hbm>>) target(%arg7 : memref<40x128xi32, #tpu.memory_space<vmem>>) target_semaphore(%run_scoped3A : memref<!tpu.dma_semaphore, #tpu.memory_space<semaphore_mem>>)
      %dma_wait3A = arith.constant 40 : i32
      %dma_wait3A_40 = arith.constant 0 : i32
      %dma_wait3A_41 = tpu.memref_slice %arg3[%add3A, %dma_wait3A, %dma_wait3A_40] : memref<32x80x128xi32, #tpu.memory_space<hbm>> -> memref<1x40x128xi32, #tpu.memory_space<hbm>>
      %dma_wait3A_42 = tpu.memref_squeeze %dma_wait3A_41 : memref<1x40x128xi32, #tpu.memory_space<hbm>> -> memref<40x128xi32, #tpu.memory_space<hbm>>
      %dma_wait3A_43 = arith.constant 40 : i32
      %dma_wait3A_44 = arith.constant 0 : i32
      %dma_wait3A_45 = tpu.memref_slice %arg3[%add3A, %dma_wait3A_43, %dma_wait3A_44] : memref<32x80x128xi32, #tpu.memory_space<hbm>> -> memref<1x40x128xi32, #tpu.memory_space<hbm>>
      %dma_wait3A_46 = tpu.memref_squeeze %dma_wait3A_45 : memref<1x40x128xi32, #tpu.memory_space<hbm>> -> memref<40x128xi32, #tpu.memory_space<hbm>>
      tpu.wait_dma2 semaphore(%run_scoped3A : memref<!tpu.dma_semaphore, #tpu.memory_space<semaphore_mem>>) src(%dma_wait3A_46 : memref<40x128xi32, #tpu.memory_space<hbm>>) dst(%arg7 : memref<40x128xi32, #tpu.memory_space<vmem>>)
      tpu.yield
    }) : () -> ()
    "tpu.region"() ({
      %run_scoped3A = tpu.sem_alloc : memref<!tpu.dma_semaphore, #tpu.memory_space<semaphore_mem>>
      %dma_start3A_32 = arith.constant 40 : i32
      %dma_start3A_33 = arith.constant 0 : i32
      %dma_start3A_34 = tpu.memref_slice %arg4[%add3A, %dma_start3A_32, %dma_start3A_33] : memref<32x80x128xi32, #tpu.memory_space<hbm>> -> memref<1x40x128xi32, #tpu.memory_space<hbm>>
      %dma_start3A_35 = tpu.memref_squeeze %dma_start3A_34 : memref<1x40x128xi32, #tpu.memory_space<hbm>> -> memref<40x128xi32, #tpu.memory_space<hbm>>
      %dma_start3A_36 = arith.constant 40 : i32
      %dma_start3A_37 = arith.constant 0 : i32
      %dma_start3A_38 = tpu.memref_slice %arg4[%add3A, %dma_start3A_36, %dma_start3A_37] : memref<32x80x128xi32, #tpu.memory_space<hbm>> -> memref<1x40x128xi32, #tpu.memory_space<hbm>>
      %dma_start3A_39 = tpu.memref_squeeze %dma_start3A_38 : memref<1x40x128xi32, #tpu.memory_space<hbm>> -> memref<40x128xi32, #tpu.memory_space<hbm>>
      tpu.enqueue_dma source(%dma_start3A_39 : memref<40x128xi32, #tpu.memory_space<hbm>>) target(%arg8 : memref<40x128xi32, #tpu.memory_space<vmem>>) target_semaphore(%run_scoped3A : memref<!tpu.dma_semaphore, #tpu.memory_space<semaphore_mem>>)
      %dma_wait3A = arith.constant 40 : i32
      %dma_wait3A_40 = arith.constant 0 : i32
      %dma_wait3A_41 = tpu.memref_slice %arg4[%add3A, %dma_wait3A, %dma_wait3A_40] : memref<32x80x128xi32, #tpu.memory_space<hbm>> -> memref<1x40x128xi32, #tpu.memory_space<hbm>>
      %dma_wait3A_42 = tpu.memref_squeeze %dma_wait3A_41 : memref<1x40x128xi32, #tpu.memory_space<hbm>> -> memref<40x128xi32, #tpu.memory_space<hbm>>
      %dma_wait3A_43 = arith.constant 40 : i32
      %dma_wait3A_44 = arith.constant 0 : i32
      %dma_wait3A_45 = tpu.memref_slice %arg4[%add3A, %dma_wait3A_43, %dma_wait3A_44] : memref<32x80x128xi32, #tpu.memory_space<hbm>> -> memref<1x40x128xi32, #tpu.memory_space<hbm>>
      %dma_wait3A_46 = tpu.memref_squeeze %dma_wait3A_45 : memref<1x40x128xi32, #tpu.memory_space<hbm>> -> memref<40x128xi32, #tpu.memory_space<hbm>>
      tpu.wait_dma2 semaphore(%run_scoped3A : memref<!tpu.dma_semaphore, #tpu.memory_space<semaphore_mem>>) src(%dma_wait3A_46 : memref<40x128xi32, #tpu.memory_space<hbm>>) dst(%arg8 : memref<40x128xi32, #tpu.memory_space<vmem>>)
      tpu.yield
    }) : () -> ()
    %dma_start3A_14 = arith.constant 0 : i32
    %dma_start3A_15 = arith.constant 0 : i32
    %dma_start3A_16 = tpu.memref_slice %arg7[%dma_start3A_14, %dma_start3A_15] : memref<40x128xi32, #tpu.memory_space<vmem>> -> memref<1x128xi32, #tpu.memory_space<vmem>>
    %dma_start3A_17 = tpu.memref_squeeze %dma_start3A_16 : memref<1x128xi32, #tpu.memory_space<vmem>> -> memref<128xi32, #tpu.memory_space<vmem>>
    %dma_start3A_18 = arith.constant 0 : i32
    %dma_start3A_19 = arith.constant 0 : i32
    %dma_start3A_20 = tpu.memref_slice %arg2[%dma_start3A_18, %dma_start3A_19] : memref<10240x128xf32, #tpu.memory_space<hbm>> -> memref<10240x128xf32, #tpu.memory_space<hbm>>
    tpu.enqueue_indirect_dma source(%dma_start3A_20 : memref<10240x128xf32, #tpu.memory_space<hbm>>) target(%arg9 : memref<128x128xf32, #tpu.memory_space<vmem>>) offsets(%dma_start3A_17 : memref<128xi32, #tpu.memory_space<vmem>>) semaphore(%arg12 : memref<!tpu.dma_semaphore, #tpu.memory_space<semaphore_mem>>)
    %scan3A_21 = arith.constant 0 : i32
    %scan3A_22 = arith.constant 0 : i32
    %scan3A_23 = arith.constant 20 : i32
    %scan3A_24 = arith.addi %scan3A_22, %scan3A_23 : i32
    %scan3A_25 = arith.constant 1 : i32
    scf.for %scan3A_32 = %scan3A_22 to %scan3A_24 step %scan3A_25  : i32 {
      %mul3A_33 = arith.constant 2 : i32
      %mul3A_34 = arith.muli %mul3A_33, %scan3A_32 : i32
      %add3A_35 = arith.constant 1 : i32
      %add3A_36 = arith.addi %mul3A_34, %add3A_35 : i32
      %dma_start3A_37 = arith.constant 0 : i32
      %dma_start3A_38 = tpu.memref_slice %arg7[%add3A_36, %dma_start3A_37] : memref<40x128xi32, #tpu.memory_space<vmem>> -> memref<1x128xi32, #tpu.memory_space<vmem>>
      %dma_start3A_39 = tpu.memref_squeeze %dma_start3A_38 : memref<1x128xi32, #tpu.memory_space<vmem>> -> memref<128xi32, #tpu.memory_space<vmem>>
      %dma_start3A_40 = arith.constant 0 : i32
      %dma_start3A_41 = arith.constant 0 : i32
      %dma_start3A_42 = tpu.memref_slice %arg2[%dma_start3A_40, %dma_start3A_41] : memref<10240x128xf32, #tpu.memory_space<hbm>> -> memref<10240x128xf32, #tpu.memory_space<hbm>>
      tpu.enqueue_indirect_dma source(%dma_start3A_42 : memref<10240x128xf32, #tpu.memory_space<hbm>>) target(%arg10 : memref<128x128xf32, #tpu.memory_space<vmem>>) offsets(%dma_start3A_39 : memref<128xi32, #tpu.memory_space<vmem>>) semaphore(%arg13 : memref<!tpu.dma_semaphore, #tpu.memory_space<semaphore_mem>>)
      %dma_wait3A = arith.constant 0 : i32
      %dma_wait3A_43 = tpu.memref_slice %arg7[%mul3A_34, %dma_wait3A] : memref<40x128xi32, #tpu.memory_space<vmem>> -> memref<1x128xi32, #tpu.memory_space<vmem>>
      %dma_wait3A_44 = tpu.memref_squeeze %dma_wait3A_43 : memref<1x128xi32, #tpu.memory_space<vmem>> -> memref<128xi32, #tpu.memory_space<vmem>>
      %dma_wait3A_45 = arith.constant 0 : i32
      %dma_wait3A_46 = arith.constant 0 : i32
      %dma_wait3A_47 = tpu.memref_slice %arg2[%dma_wait3A_45, %dma_wait3A_46] : memref<10240x128xf32, #tpu.memory_space<hbm>> -> memref<10240x128xf32, #tpu.memory_space<hbm>>
      tpu.wait_indirect_dma semaphore(%arg12 : memref<!tpu.dma_semaphore, #tpu.memory_space<semaphore_mem>>) src(%dma_wait3A_47 : memref<10240x128xf32, #tpu.memory_space<hbm>>) dst(%arg9 : memref<128x128xf32, #tpu.memory_space<vmem>>)
      "tpu.region"() ({
        %run_scoped3A = tpu.sem_alloc : memref<!tpu.dma_semaphore, #tpu.memory_space<semaphore_mem>>
        %dma_start3A_58 = arith.constant 0 : i32
        %dma_start3A_59 = tpu.memref_slice %arg8[%mul3A_34, %dma_start3A_58] : memref<40x128xi32, #tpu.memory_space<vmem>> -> memref<1x128xi32, #tpu.memory_space<vmem>>
        %dma_start3A_60 = tpu.memref_squeeze %dma_start3A_59 : memref<1x128xi32, #tpu.memory_space<vmem>> -> memref<128xi32, #tpu.memory_space<vmem>>
        %dma_start3A_61 = arith.constant 0 : i32
        %dma_start3A_62 = arith.constant 0 : i32
        %dma_start3A_63 = tpu.memref_slice %arg11[%dma_start3A_61, %dma_start3A_62] : memref<10240x128xf32, #tpu.memory_space<vmem_shared>> -> memref<10240x128xf32, #tpu.memory_space<vmem_shared>>
        tpu.enqueue_indirect_dma source(%arg9 : memref<128x128xf32, #tpu.memory_space<vmem>>) target(%dma_start3A_63 : memref<10240x128xf32, #tpu.memory_space<vmem_shared>>) offsets(%dma_start3A_60 : memref<128xi32, #tpu.memory_space<vmem>>) semaphore(%run_scoped3A : memref<!tpu.dma_semaphore, #tpu.memory_space<semaphore_mem>>) {add = true}
        %dma_wait3A_64 = arith.constant 0 : i32
        %dma_wait3A_65 = tpu.memref_slice %arg8[%mul3A_34, %dma_wait3A_64] : memref<40x128xi32, #tpu.memory_space<vmem>> -> memref<1x128xi32, #tpu.memory_space<vmem>>
        %dma_wait3A_66 = tpu.memref_squeeze %dma_wait3A_65 : memref<1x128xi32, #tpu.memory_space<vmem>> -> memref<128xi32, #tpu.memory_space<vmem>>
        %dma_wait3A_67 = arith.constant 0 : i32
        %dma_wait3A_68 = arith.constant 0 : i32
        %dma_wait3A_69 = tpu.memref_slice %arg11[%dma_wait3A_67, %dma_wait3A_68] : memref<10240x128xf32, #tpu.memory_space<vmem_shared>> -> memref<10240x128xf32, #tpu.memory_space<vmem_shared>>
        tpu.wait_indirect_dma semaphore(%run_scoped3A : memref<!tpu.dma_semaphore, #tpu.memory_space<semaphore_mem>>) src(%arg9 : memref<128x128xf32, #tpu.memory_space<vmem>>) dst(%dma_wait3A_69 : memref<10240x128xf32, #tpu.memory_space<vmem_shared>>)
        tpu.yield
      }) : () -> ()
      %add3A_48 = arith.constant 1 : i32
      %add3A_49 = arith.addi %add3A_36, %add3A_48 : i32
      %lt3A = arith.constant 40 : i32
      %lt3A_50 = arith.cmpi slt, %add3A_49, %lt3A : i32
      %convert_element_type3A = arith.extui %lt3A_50 : i1 to i32
      %cond3A = arith.constant 0 : i32
      %cond3A_51 = arith.cmpi ne, %convert_element_type3A, %cond3A : i32
      scf.if %cond3A_51 {
        %add3A_58 = arith.constant 1 : i32
        %add3A_59 = arith.addi %add3A_36, %add3A_58 : i32
        %dma_start3A_60 = arith.constant 0 : i32
        %dma_start3A_61 = tpu.memref_slice %arg7[%add3A_59, %dma_start3A_60] : memref<40x128xi32, #tpu.memory_space<vmem>> -> memref<1x128xi32, #tpu.memory_space<vmem>>
        %dma_start3A_62 = tpu.memref_squeeze %dma_start3A_61 : memref<1x128xi32, #tpu.memory_space<vmem>> -> memref<128xi32, #tpu.memory_space<vmem>>
        %dma_start3A_63 = arith.constant 0 : i32
        %dma_start3A_64 = arith.constant 0 : i32
        %dma_start3A_65 = tpu.memref_slice %arg2[%dma_start3A_63, %dma_start3A_64] : memref<10240x128xf32, #tpu.memory_space<hbm>> -> memref<10240x128xf32, #tpu.memory_space<hbm>>
        tpu.enqueue_indirect_dma source(%dma_start3A_65 : memref<10240x128xf32, #tpu.memory_space<hbm>>) target(%arg9 : memref<128x128xf32, #tpu.memory_space<vmem>>) offsets(%dma_start3A_62 : memref<128xi32, #tpu.memory_space<vmem>>) semaphore(%arg12 : memref<!tpu.dma_semaphore, #tpu.memory_space<semaphore_mem>>)
      } else {
      }
      %dma_wait3A_52 = arith.constant 0 : i32
      %dma_wait3A_53 = tpu.memref_slice %arg7[%add3A_36, %dma_wait3A_52] : memref<40x128xi32, #tpu.memory_space<vmem>> -> memref<1x128xi32, #tpu.memory_space<vmem>>
      %dma_wait3A_54 = tpu.memref_squeeze %dma_wait3A_53 : memref<1x128xi32, #tpu.memory_space<vmem>> -> memref<128xi32, #tpu.memory_space<vmem>>
      %dma_wait3A_55 = arith.constant 0 : i32
      %dma_wait3A_56 = arith.constant 0 : i32
      %dma_wait3A_57 = tpu.memref_slice %arg2[%dma_wait3A_55, %dma_wait3A_56] : memref<10240x128xf32, #tpu.memory_space<hbm>> -> memref<10240x128xf32, #tpu.memory_space<hbm>>
      tpu.wait_indirect_dma semaphore(%arg13 : memref<!tpu.dma_semaphore, #tpu.memory_space<semaphore_mem>>) src(%dma_wait3A_57 : memref<10240x128xf32, #tpu.memory_space<hbm>>) dst(%arg10 : memref<128x128xf32, #tpu.memory_space<vmem>>)
      "tpu.region"() ({
        %run_scoped3A = tpu.sem_alloc : memref<!tpu.dma_semaphore, #tpu.memory_space<semaphore_mem>>
        %dma_start3A_58 = arith.constant 0 : i32
        %dma_start3A_59 = tpu.memref_slice %arg8[%add3A_36, %dma_start3A_58] : memref<40x128xi32, #tpu.memory_space<vmem>> -> memref<1x128xi32, #tpu.memory_space<vmem>>
        %dma_start3A_60 = tpu.memref_squeeze %dma_start3A_59 : memref<1x128xi32, #tpu.memory_space<vmem>> -> memref<128xi32, #tpu.memory_space<vmem>>
        %dma_start3A_61 = arith.constant 0 : i32
        %dma_start3A_62 = arith.constant 0 : i32
        %dma_start3A_63 = tpu.memref_slice %arg11[%dma_start3A_61, %dma_start3A_62] : memref<10240x128xf32, #tpu.memory_space<vmem_shared>> -> memref<10240x128xf32, #tpu.memory_space<vmem_shared>>
        tpu.enqueue_indirect_dma source(%arg10 : memref<128x128xf32, #tpu.memory_space<vmem>>) target(%dma_start3A_63 : memref<10240x128xf32, #tpu.memory_space<vmem_shared>>) offsets(%dma_start3A_60 : memref<128xi32, #tpu.memory_space<vmem>>) semaphore(%run_scoped3A : memref<!tpu.dma_semaphore, #tpu.memory_space<semaphore_mem>>) {add = true}
        %dma_wait3A_64 = arith.constant 0 : i32
        %dma_wait3A_65 = tpu.memref_slice %arg8[%add3A_36, %dma_wait3A_64] : memref<40x128xi32, #tpu.memory_space<vmem>> -> memref<1x128xi32, #tpu.memory_space<vmem>>
        %dma_wait3A_66 = tpu.memref_squeeze %dma_wait3A_65 : memref<1x128xi32, #tpu.memory_space<vmem>> -> memref<128xi32, #tpu.memory_space<vmem>>
        %dma_wait3A_67 = arith.constant 0 : i32
        %dma_wait3A_68 = arith.constant 0 : i32
        %dma_wait3A_69 = tpu.memref_slice %arg11[%dma_wait3A_67, %dma_wait3A_68] : memref<10240x128xf32, #tpu.memory_space<vmem_shared>> -> memref<10240x128xf32, #tpu.memory_space<vmem_shared>>
        tpu.wait_indirect_dma semaphore(%run_scoped3A : memref<!tpu.dma_semaphore, #tpu.memory_space<semaphore_mem>>) src(%arg10 : memref<128x128xf32, #tpu.memory_space<vmem>>) dst(%dma_wait3A_69 : memref<10240x128xf32, #tpu.memory_space<vmem_shared>>)
        tpu.yield
      }) : () -> ()
    }
    %scan3A_26 = arith.constant 20 : i32
    %barrier3A_27 = arith.constant 0 : index
    tpu.barrier barrier_id(%barrier3A_27)
    %mul3A_28 = arith.constant 640 : i32
    %mul3A_29 = arith.muli %arg1, %mul3A_28 : i32
    %mul3A_30 = arith.constant 640 : i32
    %mul3A_31 = arith.muli %arg1, %mul3A_30 : i32
    "tpu.region"() ({
      %run_scoped3A = tpu.sem_alloc : memref<!tpu.dma_semaphore, #tpu.memory_space<semaphore_mem>>
      %dma_start3A_32 = arith.constant 0 : i32
      %dma_start3A_33 = tpu.memref_slice %arg6[%arg0, %mul3A_31, %dma_start3A_32] : memref<2x10240x128xf32, #tpu.memory_space<hbm>> -> memref<1x640x128xf32, #tpu.memory_space<hbm>>
      %dma_start3A_34 = tpu.memref_squeeze %dma_start3A_33 : memref<1x640x128xf32, #tpu.memory_space<hbm>> -> memref<640x128xf32, #tpu.memory_space<hbm>>
      %dma_start3A_35 = arith.constant 0 : i32
      %dma_start3A_36 = tpu.memref_slice %arg11[%mul3A_29, %dma_start3A_35] : memref<10240x128xf32, #tpu.memory_space<vmem_shared>> -> memref<640x128xf32, #tpu.memory_space<vmem_shared>>
      tpu.enqueue_dma source(%dma_start3A_36 : memref<640x128xf32, #tpu.memory_space<vmem_shared>>) target(%dma_start3A_34 : memref<640x128xf32, #tpu.memory_space<hbm>>) target_semaphore(%run_scoped3A : memref<!tpu.dma_semaphore, #tpu.memory_space<semaphore_mem>>)
      %dma_wait3A = arith.constant 0 : i32
      %dma_wait3A_37 = tpu.memref_slice %arg6[%arg0, %mul3A_31, %dma_wait3A] : memref<2x10240x128xf32, #tpu.memory_space<hbm>> -> memref<1x640x128xf32, #tpu.memory_space<hbm>>
      %dma_wait3A_38 = tpu.memref_squeeze %dma_wait3A_37 : memref<1x640x128xf32, #tpu.memory_space<hbm>> -> memref<640x128xf32, #tpu.memory_space<hbm>>
      %dma_wait3A_39 = arith.constant 0 : i32
      %dma_wait3A_40 = tpu.memref_slice %arg11[%mul3A_29, %dma_wait3A_39] : memref<10240x128xf32, #tpu.memory_space<vmem_shared>> -> memref<640x128xf32, #tpu.memory_space<vmem_shared>>
      tpu.wait_dma2 semaphore(%run_scoped3A : memref<!tpu.dma_semaphore, #tpu.memory_space<semaphore_mem>>) src(%dma_wait3A_40 : memref<640x128xf32, #tpu.memory_space<vmem_shared>>) dst(%dma_wait3A_38 : memref<640x128xf32, #tpu.memory_space<hbm>>)
      tpu.yield
    }) : () -> ()
    return
  }
}

#map = affine_map<(d0, d1) -> (0, 0)>
#map1 = affine_map<(d0, d1) -> (0, 0, 0)>
module attributes {stable_mosaic.version = 14 : i64} {
  func.func @k(%arg0: i32, %arg1: i32, %arg2: memref<10240x128xf32, #tpu.memory_space<hbm>>, %arg3: memref<32x80x128xi32, #tpu.memory_space<hbm>>, %arg4: memref<32x80x128xi32, #tpu.memory_space<hbm>>, %arg5: memref<640x128xf32, #tpu.memory_space<hbm>>, %arg6: memref<2x10240x128xf32, #tpu.memory_space<hbm>>, %arg7: memref<40x128xi32, #tpu.memory_space<vmem>>, %arg8: memref<40x128xi32, #tpu.memory_space<vmem>>, %arg9: memref<128x128xf32, #tpu.memory_space<vmem>>, %arg10: memref<128x128xf32, #tpu.memory_space<vmem>>, %arg11: memref<10240x128xf32, #tpu.memory_space<vmem_shared>>, %arg12: memref<!tpu.dma_semaphore, #tpu.memory_space<semaphore_mem>>, %arg13: memref<!tpu.dma_semaphore, #tpu.memory_space<semaphore_mem>>) attributes {dimension_semantics = [#tpu.dimension_semantics<core_parallel>, #tpu.dimension_semantics<subcore_parallel>], iteration_bounds = array<i64: 2, 16>, scalar_prefetch = 0 : i64, scratch_operands = 7 : i64, tpu.core_type = #tpu.core_type<sc_vector_subcore>, window_params = [{transform_indices = #map}, {transform_indices = #map1}, {transform_indices = #map1}, {transform_indices = #map}, {transform_indices = #map1}]} {
    %mul3A = arith.constant 16 : i32
    %mul3A_0 = arith.muli %arg0, %mul3A : i32
    %add3A = arith.addi %mul3A_0, %arg1 : i32
    %mul3A_1 = arith.constant 640 : i32
    %mul3A_2 = arith.muli %arg1, %mul3A_1 : i32
    "tpu.region"() ({
      %run_scoped3A = tpu.sem_alloc : memref<!tpu.dma_semaphore, #tpu.memory_space<semaphore_mem>>
      %dma_start3A_32 = arith.constant 0 : i32
      %dma_start3A_33 = tpu.memref_slice %arg11[%mul3A_2, %dma_start3A_32] : memref<10240x128xf32, #tpu.memory_space<vmem_shared>> -> memref<640x128xf32, #tpu.memory_space<vmem_shared>>
      tpu.enqueue_dma source(%arg5 : memref<640x128xf32, #tpu.memory_space<hbm>>) target(%dma_start3A_33 : memref<640x128xf32, #tpu.memory_space<vmem_shared>>) target_semaphore(%run_scoped3A : memref<!tpu.dma_semaphore, #tpu.memory_space<semaphore_mem>>)
      %dma_wait3A = arith.constant 0 : i32
      %dma_wait3A_34 = tpu.memref_slice %arg11[%mul3A_2, %dma_wait3A] : memref<10240x128xf32, #tpu.memory_space<vmem_shared>> -> memref<640x128xf32, #tpu.memory_space<vmem_shared>>
      tpu.wait_dma2 semaphore(%run_scoped3A : memref<!tpu.dma_semaphore, #tpu.memory_space<semaphore_mem>>) src(%arg5 : memref<640x128xf32, #tpu.memory_space<hbm>>) dst(%dma_wait3A_34 : memref<640x128xf32, #tpu.memory_space<vmem_shared>>)
      tpu.yield
    }) : () -> ()
    %barrier3A = arith.constant 0 : index
    tpu.barrier barrier_id(%barrier3A)
    "tpu.region"() ({
      %run_scoped3A = tpu.sem_alloc : memref<!tpu.dma_semaphore, #tpu.memory_space<semaphore_mem>>
      %dma_start3A_32 = arith.constant 0 : i32
      %dma_start3A_33 = arith.constant 0 : i32
      %dma_start3A_34 = tpu.memref_slice %arg3[%add3A, %dma_start3A_32, %dma_start3A_33] : memref<32x80x128xi32, #tpu.memory_space<hbm>> -> memref<1x40x128xi32, #tpu.memory_space<hbm>>
      %dma_start3A_35 = tpu.memref_squeeze %dma_start3A_34 : memref<1x40x128xi32, #tpu.memory_space<hbm>> -> memref<40x128xi32, #tpu.memory_space<hbm>>
      %dma_start3A_36 = arith.constant 0 : i32
      %dma_start3A_37 = arith.constant 0 : i32
      %dma_start3A_38 = tpu.memref_slice %arg3[%add3A, %dma_start3A_36, %dma_start3A_37] : memref<32x80x128xi32, #tpu.memory_space<hbm>> -> memref<1x40x128xi32, #tpu.memory_space<hbm>>
      %dma_start3A_39 = tpu.memref_squeeze %dma_start3A_38 : memref<1x40x128xi32, #tpu.memory_space<hbm>> -> memref<40x128xi32, #tpu.memory_space<hbm>>
      tpu.enqueue_dma source(%dma_start3A_39 : memref<40x128xi32, #tpu.memory_space<hbm>>) target(%arg7 : memref<40x128xi32, #tpu.memory_space<vmem>>) target_semaphore(%run_scoped3A : memref<!tpu.dma_semaphore, #tpu.memory_space<semaphore_mem>>)
      %dma_wait3A = arith.constant 0 : i32
      %dma_wait3A_40 = arith.constant 0 : i32
      %dma_wait3A_41 = tpu.memref_slice %arg3[%add3A, %dma_wait3A, %dma_wait3A_40] : memref<32x80x128xi32, #tpu.memory_space<hbm>> -> memref<1x40x128xi32, #tpu.memory_space<hbm>>
      %dma_wait3A_42 = tpu.memref_squeeze %dma_wait3A_41 : memref<1x40x128xi32, #tpu.memory_space<hbm>> -> memref<40x128xi32, #tpu.memory_space<hbm>>
      %dma_wait3A_43 = arith.constant 0 : i32
      %dma_wait3A_44 = arith.constant 0 : i32
      %dma_wait3A_45 = tpu.memref_slice %arg3[%add3A, %dma_wait3A_43, %dma_wait3A_44] : memref<32x80x128xi32, #tpu.memory_space<hbm>> -> memref<1x40x128xi32, #tpu.memory_space<hbm>>
      %dma_wait3A_46 = tpu.memref_squeeze %dma_wait3A_45 : memref<1x40x128xi32, #tpu.memory_space<hbm>> -> memref<40x128xi32, #tpu.memory_space<hbm>>
      tpu.wait_dma2 semaphore(%run_scoped3A : memref<!tpu.dma_semaphore, #tpu.memory_space<semaphore_mem>>) src(%dma_wait3A_46 : memref<40x128xi32, #tpu.memory_space<hbm>>) dst(%arg7 : memref<40x128xi32, #tpu.memory_space<vmem>>)
      tpu.yield
    }) : () -> ()
    "tpu.region"() ({
      %run_scoped3A = tpu.sem_alloc : memref<!tpu.dma_semaphore, #tpu.memory_space<semaphore_mem>>
      %dma_start3A_32 = arith.constant 0 : i32
      %dma_start3A_33 = arith.constant 0 : i32
      %dma_start3A_34 = tpu.memref_slice %arg4[%add3A, %dma_start3A_32, %dma_start3A_33] : memref<32x80x128xi32, #tpu.memory_space<hbm>> -> memref<1x40x128xi32, #tpu.memory_space<hbm>>
      %dma_start3A_35 = tpu.memref_squeeze %dma_start3A_34 : memref<1x40x128xi32, #tpu.memory_space<hbm>> -> memref<40x128xi32, #tpu.memory_space<hbm>>
      %dma_start3A_36 = arith.constant 0 : i32
      %dma_start3A_37 = arith.constant 0 : i32
      %dma_start3A_38 = tpu.memref_slice %arg4[%add3A, %dma_start3A_36, %dma_start3A_37] : memref<32x80x128xi32, #tpu.memory_space<hbm>> -> memref<1x40x128xi32, #tpu.memory_space<hbm>>
      %dma_start3A_39 = tpu.memref_squeeze %dma_start3A_38 : memref<1x40x128xi32, #tpu.memory_space<hbm>> -> memref<40x128xi32, #tpu.memory_space<hbm>>
      tpu.enqueue_dma source(%dma_start3A_39 : memref<40x128xi32, #tpu.memory_space<hbm>>) target(%arg8 : memref<40x128xi32, #tpu.memory_space<vmem>>) target_semaphore(%run_scoped3A : memref<!tpu.dma_semaphore, #tpu.memory_space<semaphore_mem>>)
      %dma_wait3A = arith.constant 0 : i32
      %dma_wait3A_40 = arith.constant 0 : i32
      %dma_wait3A_41 = tpu.memref_slice %arg4[%add3A, %dma_wait3A, %dma_wait3A_40] : memref<32x80x128xi32, #tpu.memory_space<hbm>> -> memref<1x40x128xi32, #tpu.memory_space<hbm>>
      %dma_wait3A_42 = tpu.memref_squeeze %dma_wait3A_41 : memref<1x40x128xi32, #tpu.memory_space<hbm>> -> memref<40x128xi32, #tpu.memory_space<hbm>>
      %dma_wait3A_43 = arith.constant 0 : i32
      %dma_wait3A_44 = arith.constant 0 : i32
      %dma_wait3A_45 = tpu.memref_slice %arg4[%add3A, %dma_wait3A_43, %dma_wait3A_44] : memref<32x80x128xi32, #tpu.memory_space<hbm>> -> memref<1x40x128xi32, #tpu.memory_space<hbm>>
      %dma_wait3A_46 = tpu.memref_squeeze %dma_wait3A_45 : memref<1x40x128xi32, #tpu.memory_space<hbm>> -> memref<40x128xi32, #tpu.memory_space<hbm>>
      tpu.wait_dma2 semaphore(%run_scoped3A : memref<!tpu.dma_semaphore, #tpu.memory_space<semaphore_mem>>) src(%dma_wait3A_46 : memref<40x128xi32, #tpu.memory_space<hbm>>) dst(%arg8 : memref<40x128xi32, #tpu.memory_space<vmem>>)
      tpu.yield
    }) : () -> ()
    %dma_start3A = arith.constant 0 : i32
    %dma_start3A_3 = arith.constant 0 : i32
    %dma_start3A_4 = tpu.memref_slice %arg7[%dma_start3A, %dma_start3A_3] : memref<40x128xi32, #tpu.memory_space<vmem>> -> memref<1x128xi32, #tpu.memory_space<vmem>>
    %dma_start3A_5 = tpu.memref_squeeze %dma_start3A_4 : memref<1x128xi32, #tpu.memory_space<vmem>> -> memref<128xi32, #tpu.memory_space<vmem>>
    %dma_start3A_6 = arith.constant 0 : i32
    %dma_start3A_7 = arith.constant 0 : i32
    %dma_start3A_8 = tpu.memref_slice %arg2[%dma_start3A_6, %dma_start3A_7] : memref<10240x128xf32, #tpu.memory_space<hbm>> -> memref<10240x128xf32, #tpu.memory_space<hbm>>
    tpu.enqueue_indirect_dma source(%dma_start3A_8 : memref<10240x128xf32, #tpu.memory_space<hbm>>) target(%arg9 : memref<128x128xf32, #tpu.memory_space<vmem>>) offsets(%dma_start3A_5 : memref<128xi32, #tpu.memory_space<vmem>>) semaphore(%arg12 : memref<!tpu.dma_semaphore, #tpu.memory_space<semaphore_mem>>)
    %scan3A = arith.constant 0 : i32
    %scan3A_9 = arith.constant 0 : i32
    %scan3A_10 = arith.constant 20 : i32
    %scan3A_11 = arith.addi %scan3A_9, %scan3A_10 : i32
    %scan3A_12 = arith.constant 1 : i32
    scf.for %scan3A_32 = %scan3A_9 to %scan3A_11 step %scan3A_12  : i32 {
      %mul3A_33 = arith.constant 2 : i32
      %mul3A_34 = arith.muli %mul3A_33, %scan3A_32 : i32
      %add3A_35 = arith.constant 1 : i32
      %add3A_36 = arith.addi %mul3A_34, %add3A_35 : i32
      %dma_start3A_37 = arith.constant 0 : i32
      %dma_start3A_38 = tpu.memref_slice %arg7[%add3A_36, %dma_start3A_37] : memref<40x128xi32, #tpu.memory_space<vmem>> -> memref<1x128xi32, #tpu.memory_space<vmem>>
      %dma_start3A_39 = tpu.memref_squeeze %dma_start3A_38 : memref<1x128xi32, #tpu.memory_space<vmem>> -> memref<128xi32, #tpu.memory_space<vmem>>
      %dma_start3A_40 = arith.constant 0 : i32
      %dma_start3A_41 = arith.constant 0 : i32
      %dma_start3A_42 = tpu.memref_slice %arg2[%dma_start3A_40, %dma_start3A_41] : memref<10240x128xf32, #tpu.memory_space<hbm>> -> memref<10240x128xf32, #tpu.memory_space<hbm>>
      tpu.enqueue_indirect_dma source(%dma_start3A_42 : memref<10240x128xf32, #tpu.memory_space<hbm>>) target(%arg10 : memref<128x128xf32, #tpu.memory_space<vmem>>) offsets(%dma_start3A_39 : memref<128xi32, #tpu.memory_space<vmem>>) semaphore(%arg13 : memref<!tpu.dma_semaphore, #tpu.memory_space<semaphore_mem>>)
      %dma_wait3A = arith.constant 0 : i32
      %dma_wait3A_43 = tpu.memref_slice %arg7[%mul3A_34, %dma_wait3A] : memref<40x128xi32, #tpu.memory_space<vmem>> -> memref<1x128xi32, #tpu.memory_space<vmem>>
      %dma_wait3A_44 = tpu.memref_squeeze %dma_wait3A_43 : memref<1x128xi32, #tpu.memory_space<vmem>> -> memref<128xi32, #tpu.memory_space<vmem>>
      %dma_wait3A_45 = arith.constant 0 : i32
      %dma_wait3A_46 = arith.constant 0 : i32
      %dma_wait3A_47 = tpu.memref_slice %arg2[%dma_wait3A_45, %dma_wait3A_46] : memref<10240x128xf32, #tpu.memory_space<hbm>> -> memref<10240x128xf32, #tpu.memory_space<hbm>>
      tpu.wait_indirect_dma semaphore(%arg12 : memref<!tpu.dma_semaphore, #tpu.memory_space<semaphore_mem>>) src(%dma_wait3A_47 : memref<10240x128xf32, #tpu.memory_space<hbm>>) dst(%arg9 : memref<128x128xf32, #tpu.memory_space<vmem>>)
      "tpu.region"() ({
        %run_scoped3A = tpu.sem_alloc : memref<!tpu.dma_semaphore, #tpu.memory_space<semaphore_mem>>
        %dma_start3A_58 = arith.constant 0 : i32
        %dma_start3A_59 = tpu.memref_slice %arg8[%mul3A_34, %dma_start3A_58] : memref<40x128xi32, #tpu.memory_space<vmem>> -> memref<1x128xi32, #tpu.memory_space<vmem>>
        %dma_start3A_60 = tpu.memref_squeeze %dma_start3A_59 : memref<1x128xi32, #tpu.memory_space<vmem>> -> memref<128xi32, #tpu.memory_space<vmem>>
        %dma_start3A_61 = arith.constant 0 : i32
        %dma_start3A_62 = arith.constant 0 : i32
        %dma_start3A_63 = tpu.memref_slice %arg11[%dma_start3A_61, %dma_start3A_62] : memref<10240x128xf32, #tpu.memory_space<vmem_shared>> -> memref<10240x128xf32, #tpu.memory_space<vmem_shared>>
        tpu.enqueue_indirect_dma source(%arg9 : memref<128x128xf32, #tpu.memory_space<vmem>>) target(%dma_start3A_63 : memref<10240x128xf32, #tpu.memory_space<vmem_shared>>) offsets(%dma_start3A_60 : memref<128xi32, #tpu.memory_space<vmem>>) semaphore(%run_scoped3A : memref<!tpu.dma_semaphore, #tpu.memory_space<semaphore_mem>>) {add = true}
        %dma_wait3A_64 = arith.constant 0 : i32
        %dma_wait3A_65 = tpu.memref_slice %arg8[%mul3A_34, %dma_wait3A_64] : memref<40x128xi32, #tpu.memory_space<vmem>> -> memref<1x128xi32, #tpu.memory_space<vmem>>
        %dma_wait3A_66 = tpu.memref_squeeze %dma_wait3A_65 : memref<1x128xi32, #tpu.memory_space<vmem>> -> memref<128xi32, #tpu.memory_space<vmem>>
        %dma_wait3A_67 = arith.constant 0 : i32
        %dma_wait3A_68 = arith.constant 0 : i32
        %dma_wait3A_69 = tpu.memref_slice %arg11[%dma_wait3A_67, %dma_wait3A_68] : memref<10240x128xf32, #tpu.memory_space<vmem_shared>> -> memref<10240x128xf32, #tpu.memory_space<vmem_shared>>
        tpu.wait_indirect_dma semaphore(%run_scoped3A : memref<!tpu.dma_semaphore, #tpu.memory_space<semaphore_mem>>) src(%arg9 : memref<128x128xf32, #tpu.memory_space<vmem>>) dst(%dma_wait3A_69 : memref<10240x128xf32, #tpu.memory_space<vmem_shared>>)
        tpu.yield
      }) : () -> ()
      %add3A_48 = arith.constant 1 : i32
      %add3A_49 = arith.addi %add3A_36, %add3A_48 : i32
      %lt3A = arith.constant 40 : i32
      %lt3A_50 = arith.cmpi slt, %add3A_49, %lt3A : i32
      %convert_element_type3A = arith.extui %lt3A_50 : i1 to i32
      %cond3A = arith.constant 0 : i32
      %cond3A_51 = arith.cmpi ne, %convert_element_type3A, %cond3A : i32
      scf.if %cond3A_51 {
        %add3A_58 = arith.constant 1 : i32
        %add3A_59 = arith.addi %add3A_36, %add3A_58 : i32
        %dma_start3A_60 = arith.constant 0 : i32
        %dma_start3A_61 = tpu.memref_slice %arg7[%add3A_59, %dma_start3A_60] : memref<40x128xi32, #tpu.memory_space<vmem>> -> memref<1x128xi32, #tpu.memory_space<vmem>>
        %dma_start3A_62 = tpu.memref_squeeze %dma_start3A_61 : memref<1x128xi32, #tpu.memory_space<vmem>> -> memref<128xi32, #tpu.memory_space<vmem>>
        %dma_start3A_63 = arith.constant 0 : i32
        %dma_start3A_64 = arith.constant 0 : i32
        %dma_start3A_65 = tpu.memref_slice %arg2[%dma_start3A_63, %dma_start3A_64] : memref<10240x128xf32, #tpu.memory_space<hbm>> -> memref<10240x128xf32, #tpu.memory_space<hbm>>
        tpu.enqueue_indirect_dma source(%dma_start3A_65 : memref<10240x128xf32, #tpu.memory_space<hbm>>) target(%arg9 : memref<128x128xf32, #tpu.memory_space<vmem>>) offsets(%dma_start3A_62 : memref<128xi32, #tpu.memory_space<vmem>>) semaphore(%arg12 : memref<!tpu.dma_semaphore, #tpu.memory_space<semaphore_mem>>)
      } else {
      }
      %dma_wait3A_52 = arith.constant 0 : i32
      %dma_wait3A_53 = tpu.memref_slice %arg7[%add3A_36, %dma_wait3A_52] : memref<40x128xi32, #tpu.memory_space<vmem>> -> memref<1x128xi32, #tpu.memory_space<vmem>>
      %dma_wait3A_54 = tpu.memref_squeeze %dma_wait3A_53 : memref<1x128xi32, #tpu.memory_space<vmem>> -> memref<128xi32, #tpu.memory_space<vmem>>
      %dma_wait3A_55 = arith.constant 0 : i32
      %dma_wait3A_56 = arith.constant 0 : i32
      %dma_wait3A_57 = tpu.memref_slice %arg2[%dma_wait3A_55, %dma_wait3A_56] : memref<10240x128xf32, #tpu.memory_space<hbm>> -> memref<10240x128xf32, #tpu.memory_space<hbm>>
      tpu.wait_indirect_dma semaphore(%arg13 : memref<!tpu.dma_semaphore, #tpu.memory_space<semaphore_mem>>) src(%dma_wait3A_57 : memref<10240x128xf32, #tpu.memory_space<hbm>>) dst(%arg10 : memref<128x128xf32, #tpu.memory_space<vmem>>)
      "tpu.region"() ({
        %run_scoped3A = tpu.sem_alloc : memref<!tpu.dma_semaphore, #tpu.memory_space<semaphore_mem>>
        %dma_start3A_58 = arith.constant 0 : i32
        %dma_start3A_59 = tpu.memref_slice %arg8[%add3A_36, %dma_start3A_58] : memref<40x128xi32, #tpu.memory_space<vmem>> -> memref<1x128xi32, #tpu.memory_space<vmem>>
        %dma_start3A_60 = tpu.memref_squeeze %dma_start3A_59 : memref<1x128xi32, #tpu.memory_space<vmem>> -> memref<128xi32, #tpu.memory_space<vmem>>
        %dma_start3A_61 = arith.constant 0 : i32
        %dma_start3A_62 = arith.constant 0 : i32
        %dma_start3A_63 = tpu.memref_slice %arg11[%dma_start3A_61, %dma_start3A_62] : memref<10240x128xf32, #tpu.memory_space<vmem_shared>> -> memref<10240x128xf32, #tpu.memory_space<vmem_shared>>
        tpu.enqueue_indirect_dma source(%arg10 : memref<128x128xf32, #tpu.memory_space<vmem>>) target(%dma_start3A_63 : memref<10240x128xf32, #tpu.memory_space<vmem_shared>>) offsets(%dma_start3A_60 : memref<128xi32, #tpu.memory_space<vmem>>) semaphore(%run_scoped3A : memref<!tpu.dma_semaphore, #tpu.memory_space<semaphore_mem>>) {add = true}
        %dma_wait3A_64 = arith.constant 0 : i32
        %dma_wait3A_65 = tpu.memref_slice %arg8[%add3A_36, %dma_wait3A_64] : memref<40x128xi32, #tpu.memory_space<vmem>> -> memref<1x128xi32, #tpu.memory_space<vmem>>
        %dma_wait3A_66 = tpu.memref_squeeze %dma_wait3A_65 : memref<1x128xi32, #tpu.memory_space<vmem>> -> memref<128xi32, #tpu.memory_space<vmem>>
        %dma_wait3A_67 = arith.constant 0 : i32
        %dma_wait3A_68 = arith.constant 0 : i32
        %dma_wait3A_69 = tpu.memref_slice %arg11[%dma_wait3A_67, %dma_wait3A_68] : memref<10240x128xf32, #tpu.memory_space<vmem_shared>> -> memref<10240x128xf32, #tpu.memory_space<vmem_shared>>
        tpu.wait_indirect_dma semaphore(%run_scoped3A : memref<!tpu.dma_semaphore, #tpu.memory_space<semaphore_mem>>) src(%arg10 : memref<128x128xf32, #tpu.memory_space<vmem>>) dst(%dma_wait3A_69 : memref<10240x128xf32, #tpu.memory_space<vmem_shared>>)
        tpu.yield
      }) : () -> ()
    }
    %scan3A_13 = arith.constant 20 : i32
    "tpu.region"() ({
      %run_scoped3A = tpu.sem_alloc : memref<!tpu.dma_semaphore, #tpu.memory_space<semaphore_mem>>
      %dma_start3A_32 = arith.constant 40 : i32
      %dma_start3A_33 = arith.constant 0 : i32
      %dma_start3A_34 = tpu.memref_slice %arg3[%add3A, %dma_start3A_32, %dma_start3A_33] : memref<32x80x128xi32, #tpu.memory_space<hbm>> -> memref<1x40x128xi32, #tpu.memory_space<hbm>>
      %dma_start3A_35 = tpu.memref_squeeze %dma_start3A_34 : memref<1x40x128xi32, #tpu.memory_space<hbm>> -> memref<40x128xi32, #tpu.memory_space<hbm>>
      %dma_start3A_36 = arith.constant 40 : i32
      %dma_start3A_37 = arith.constant 0 : i32
      %dma_start3A_38 = tpu.memref_slice %arg3[%add3A, %dma_start3A_36, %dma_start3A_37] : memref<32x80x128xi32, #tpu.memory_space<hbm>> -> memref<1x40x128xi32, #tpu.memory_space<hbm>>
      %dma_start3A_39 = tpu.memref_squeeze %dma_start3A_38 : memref<1x40x128xi32, #tpu.memory_space<hbm>> -> memref<40x128xi32, #tpu.memory_space<hbm>>
      tpu.enqueue_dma source(%dma_start3A_39 : memref<40x128xi32, #tpu.memory_space<hbm>>) target(%arg7 : memref<40x128xi32, #tpu.memory_space<vmem>>) target_semaphore(%run_scoped3A : memref<!tpu.dma_semaphore, #tpu.memory_space<semaphore_mem>>)
      %dma_wait3A = arith.constant 40 : i32
      %dma_wait3A_40 = arith.constant 0 : i32
      %dma_wait3A_41 = tpu.memref_slice %arg3[%add3A, %dma_wait3A, %dma_wait3A_40] : memref<32x80x128xi32, #tpu.memory_space<hbm>> -> memref<1x40x128xi32, #tpu.memory_space<hbm>>
      %dma_wait3A_42 = tpu.memref_squeeze %dma_wait3A_41 : memref<1x40x128xi32, #tpu.memory_space<hbm>> -> memref<40x128xi32, #tpu.memory_space<hbm>>
      %dma_wait3A_43 = arith.constant 40 : i32
      %dma_wait3A_44 = arith.constant 0 : i32
      %dma_wait3A_45 = tpu.memref_slice %arg3[%add3A, %dma_wait3A_43, %dma_wait3A_44] : memref<32x80x128xi32, #tpu.memory_space<hbm>> -> memref<1x40x128xi32, #tpu.memory_space<hbm>>
      %dma_wait3A_46 = tpu.memref_squeeze %dma_wait3A_45 : memref<1x40x128xi32, #tpu.memory_space<hbm>> -> memref<40x128xi32, #tpu.memory_space<hbm>>
      tpu.wait_dma2 semaphore(%run_scoped3A : memref<!tpu.dma_semaphore, #tpu.memory_space<semaphore_mem>>) src(%dma_wait3A_46 : memref<40x128xi32, #tpu.memory_space<hbm>>) dst(%arg7 : memref<40x128xi32, #tpu.memory_space<vmem>>)
      tpu.yield
    }) : () -> ()
    "tpu.region"() ({
      %run_scoped3A = tpu.sem_alloc : memref<!tpu.dma_semaphore, #tpu.memory_space<semaphore_mem>>
      %dma_start3A_32 = arith.constant 40 : i32
      %dma_start3A_33 = arith.constant 0 : i32
      %dma_start3A_34 = tpu.memref_slice %arg4[%add3A, %dma_start3A_32, %dma_start3A_33] : memref<32x80x128xi32, #tpu.memory_space<hbm>> -> memref<1x40x128xi32, #tpu.memory_space<hbm>>
      %dma_start3A_35 = tpu.memref_squeeze %dma_start3A_34 : memref<1x40x128xi32, #tpu.memory_space<hbm>> -> memref<40x128xi32, #tpu.memory_space<hbm>>
      %dma_start3A_36 = arith.constant 40 : i32
      %dma_start3A_37 = arith.constant 0 : i32
      %dma_start3A_38 = tpu.memref_slice %arg4[%add3A, %dma_start3A_36, %dma_start3A_37] : memref<32x80x128xi32, #tpu.memory_space<hbm>> -> memref<1x40x128xi32, #tpu.memory_space<hbm>>
      %dma_start3A_39 = tpu.memref_squeeze %dma_start3A_38 : memref<1x40x128xi32, #tpu.memory_space<hbm>> -> memref<40x128xi32, #tpu.memory_space<hbm>>
      tpu.enqueue_dma source(%dma_start3A_39 : memref<40x128xi32, #tpu.memory_space<hbm>>) target(%arg8 : memref<40x128xi32, #tpu.memory_space<vmem>>) target_semaphore(%run_scoped3A : memref<!tpu.dma_semaphore, #tpu.memory_space<semaphore_mem>>)
      %dma_wait3A = arith.constant 40 : i32
      %dma_wait3A_40 = arith.constant 0 : i32
      %dma_wait3A_41 = tpu.memref_slice %arg4[%add3A, %dma_wait3A, %dma_wait3A_40] : memref<32x80x128xi32, #tpu.memory_space<hbm>> -> memref<1x40x128xi32, #tpu.memory_space<hbm>>
      %dma_wait3A_42 = tpu.memref_squeeze %dma_wait3A_41 : memref<1x40x128xi32, #tpu.memory_space<hbm>> -> memref<40x128xi32, #tpu.memory_space<hbm>>
      %dma_wait3A_43 = arith.constant 40 : i32
      %dma_wait3A_44 = arith.constant 0 : i32
      %dma_wait3A_45 = tpu.memref_slice %arg4[%add3A, %dma_wait3A_43, %dma_wait3A_44] : memref<32x80x128xi32, #tpu.memory_space<hbm>> -> memref<1x40x128xi32, #tpu.memory_space<hbm>>
      %dma_wait3A_46 = tpu.memref_squeeze %dma_wait3A_45 : memref<1x40x128xi32, #tpu.memory_space<hbm>> -> memref<40x128xi32, #tpu.memory_space<hbm>>
      tpu.wait_dma2 semaphore(%run_scoped3A : memref<!tpu.dma_semaphore, #tpu.memory_space<semaphore_mem>>) src(%dma_wait3A_46 : memref<40x128xi32, #tpu.memory_space<hbm>>) dst(%arg8 : memref<40x128xi32, #tpu.memory_space<vmem>>)
      tpu.yield
    }) : () -> ()
    %dma_start3A_14 = arith.constant 0 : i32
    %dma_start3A_15 = arith.constant 0 : i32
    %dma_start3A_16 = tpu.memref_slice %arg7[%dma_start3A_14, %dma_start3A_15] : memref<40x128xi32, #tpu.memory_space<vmem>> -> memref<1x128xi32, #tpu.memory_space<vmem>>
    %dma_start3A_17 = tpu.memref_squeeze %dma_start3A_16 : memref<1x128xi32, #tpu.memory_space<vmem>> -> memref<128xi32, #tpu.memory_space<vmem>>
    %dma_start3A_18 = arith.constant 0 : i32
    %dma_start3A_19 = arith.constant 0 : i32
    %dma_start3A_20 = tpu.memref_slice %arg2[%dma_start3A_18, %dma_start3A_19] : memref<10240x128xf32, #tpu.memory_space<hbm>> -> memref<10240x128xf32, #tpu.memory_space<hbm>>
    tpu.enqueue_indirect_dma source(%dma_start3A_20 : memref<10240x128xf32, #tpu.memory_space<hbm>>) target(%arg9 : memref<128x128xf32, #tpu.memory_space<vmem>>) offsets(%dma_start3A_17 : memref<128xi32, #tpu.memory_space<vmem>>) semaphore(%arg12 : memref<!tpu.dma_semaphore, #tpu.memory_space<semaphore_mem>>)
    %scan3A_21 = arith.constant 0 : i32
    %scan3A_22 = arith.constant 0 : i32
    %scan3A_23 = arith.constant 20 : i32
    %scan3A_24 = arith.addi %scan3A_22, %scan3A_23 : i32
    %scan3A_25 = arith.constant 1 : i32
    scf.for %scan3A_32 = %scan3A_22 to %scan3A_24 step %scan3A_25  : i32 {
      %mul3A_33 = arith.constant 2 : i32
      %mul3A_34 = arith.muli %mul3A_33, %scan3A_32 : i32
      %add3A_35 = arith.constant 1 : i32
      %add3A_36 = arith.addi %mul3A_34, %add3A_35 : i32
      %dma_start3A_37 = arith.constant 0 : i32
      %dma_start3A_38 = tpu.memref_slice %arg7[%add3A_36, %dma_start3A_37] : memref<40x128xi32, #tpu.memory_space<vmem>> -> memref<1x128xi32, #tpu.memory_space<vmem>>
      %dma_start3A_39 = tpu.memref_squeeze %dma_start3A_38 : memref<1x128xi32, #tpu.memory_space<vmem>> -> memref<128xi32, #tpu.memory_space<vmem>>
      %dma_start3A_40 = arith.constant 0 : i32
      %dma_start3A_41 = arith.constant 0 : i32
      %dma_start3A_42 = tpu.memref_slice %arg2[%dma_start3A_40, %dma_start3A_41] : memref<10240x128xf32, #tpu.memory_space<hbm>> -> memref<10240x128xf32, #tpu.memory_space<hbm>>
      tpu.enqueue_indirect_dma source(%dma_start3A_42 : memref<10240x128xf32, #tpu.memory_space<hbm>>) target(%arg10 : memref<128x128xf32, #tpu.memory_space<vmem>>) offsets(%dma_start3A_39 : memref<128xi32, #tpu.memory_space<vmem>>) semaphore(%arg13 : memref<!tpu.dma_semaphore, #tpu.memory_space<semaphore_mem>>)
      %dma_wait3A = arith.constant 0 : i32
      %dma_wait3A_43 = tpu.memref_slice %arg7[%mul3A_34, %dma_wait3A] : memref<40x128xi32, #tpu.memory_space<vmem>> -> memref<1x128xi32, #tpu.memory_space<vmem>>
      %dma_wait3A_44 = tpu.memref_squeeze %dma_wait3A_43 : memref<1x128xi32, #tpu.memory_space<vmem>> -> memref<128xi32, #tpu.memory_space<vmem>>
      %dma_wait3A_45 = arith.constant 0 : i32
      %dma_wait3A_46 = arith.constant 0 : i32
      %dma_wait3A_47 = tpu.memref_slice %arg2[%dma_wait3A_45, %dma_wait3A_46] : memref<10240x128xf32, #tpu.memory_space<hbm>> -> memref<10240x128xf32, #tpu.memory_space<hbm>>
      tpu.wait_indirect_dma semaphore(%arg12 : memref<!tpu.dma_semaphore, #tpu.memory_space<semaphore_mem>>) src(%dma_wait3A_47 : memref<10240x128xf32, #tpu.memory_space<hbm>>) dst(%arg9 : memref<128x128xf32, #tpu.memory_space<vmem>>)
      "tpu.region"() ({
        %run_scoped3A = tpu.sem_alloc : memref<!tpu.dma_semaphore, #tpu.memory_space<semaphore_mem>>
        %dma_start3A_58 = arith.constant 0 : i32
        %dma_start3A_59 = tpu.memref_slice %arg8[%mul3A_34, %dma_start3A_58] : memref<40x128xi32, #tpu.memory_space<vmem>> -> memref<1x128xi32, #tpu.memory_space<vmem>>
        %dma_start3A_60 = tpu.memref_squeeze %dma_start3A_59 : memref<1x128xi32, #tpu.memory_space<vmem>> -> memref<128xi32, #tpu.memory_space<vmem>>
        %dma_start3A_61 = arith.constant 0 : i32
        %dma_start3A_62 = arith.constant 0 : i32
        %dma_start3A_63 = tpu.memref_slice %arg11[%dma_start3A_61, %dma_start3A_62] : memref<10240x128xf32, #tpu.memory_space<vmem_shared>> -> memref<10240x128xf32, #tpu.memory_space<vmem_shared>>
        tpu.enqueue_indirect_dma source(%arg9 : memref<128x128xf32, #tpu.memory_space<vmem>>) target(%dma_start3A_63 : memref<10240x128xf32, #tpu.memory_space<vmem_shared>>) offsets(%dma_start3A_60 : memref<128xi32, #tpu.memory_space<vmem>>) semaphore(%run_scoped3A : memref<!tpu.dma_semaphore, #tpu.memory_space<semaphore_mem>>) {add = true}
        %dma_wait3A_64 = arith.constant 0 : i32
        %dma_wait3A_65 = tpu.memref_slice %arg8[%mul3A_34, %dma_wait3A_64] : memref<40x128xi32, #tpu.memory_space<vmem>> -> memref<1x128xi32, #tpu.memory_space<vmem>>
        %dma_wait3A_66 = tpu.memref_squeeze %dma_wait3A_65 : memref<1x128xi32, #tpu.memory_space<vmem>> -> memref<128xi32, #tpu.memory_space<vmem>>
        %dma_wait3A_67 = arith.constant 0 : i32
        %dma_wait3A_68 = arith.constant 0 : i32
        %dma_wait3A_69 = tpu.memref_slice %arg11[%dma_wait3A_67, %dma_wait3A_68] : memref<10240x128xf32, #tpu.memory_space<vmem_shared>> -> memref<10240x128xf32, #tpu.memory_space<vmem_shared>>
        tpu.wait_indirect_dma semaphore(%run_scoped3A : memref<!tpu.dma_semaphore, #tpu.memory_space<semaphore_mem>>) src(%arg9 : memref<128x128xf32, #tpu.memory_space<vmem>>) dst(%dma_wait3A_69 : memref<10240x128xf32, #tpu.memory_space<vmem_shared>>)
        tpu.yield
      }) : () -> ()
      %add3A_48 = arith.constant 1 : i32
      %add3A_49 = arith.addi %add3A_36, %add3A_48 : i32
      %lt3A = arith.constant 40 : i32
      %lt3A_50 = arith.cmpi slt, %add3A_49, %lt3A : i32
      %convert_element_type3A = arith.extui %lt3A_50 : i1 to i32
      %cond3A = arith.constant 0 : i32
      %cond3A_51 = arith.cmpi ne, %convert_element_type3A, %cond3A : i32
      scf.if %cond3A_51 {
        %add3A_58 = arith.constant 1 : i32
        %add3A_59 = arith.addi %add3A_36, %add3A_58 : i32
        %dma_start3A_60 = arith.constant 0 : i32
        %dma_start3A_61 = tpu.memref_slice %arg7[%add3A_59, %dma_start3A_60] : memref<40x128xi32, #tpu.memory_space<vmem>> -> memref<1x128xi32, #tpu.memory_space<vmem>>
        %dma_start3A_62 = tpu.memref_squeeze %dma_start3A_61 : memref<1x128xi32, #tpu.memory_space<vmem>> -> memref<128xi32, #tpu.memory_space<vmem>>
        %dma_start3A_63 = arith.constant 0 : i32
        %dma_start3A_64 = arith.constant 0 : i32
        %dma_start3A_65 = tpu.memref_slice %arg2[%dma_start3A_63, %dma_start3A_64] : memref<10240x128xf32, #tpu.memory_space<hbm>> -> memref<10240x128xf32, #tpu.memory_space<hbm>>
        tpu.enqueue_indirect_dma source(%dma_start3A_65 : memref<10240x128xf32, #tpu.memory_space<hbm>>) target(%arg9 : memref<128x128xf32, #tpu.memory_space<vmem>>) offsets(%dma_start3A_62 : memref<128xi32, #tpu.memory_space<vmem>>) semaphore(%arg12 : memref<!tpu.dma_semaphore, #tpu.memory_space<semaphore_mem>>)
      } else {
      }
      %dma_wait3A_52 = arith.constant 0 : i32
      %dma_wait3A_53 = tpu.memref_slice %arg7[%add3A_36, %dma_wait3A_52] : memref<40x128xi32, #tpu.memory_space<vmem>> -> memref<1x128xi32, #tpu.memory_space<vmem>>
      %dma_wait3A_54 = tpu.memref_squeeze %dma_wait3A_53 : memref<1x128xi32, #tpu.memory_space<vmem>> -> memref<128xi32, #tpu.memory_space<vmem>>
      %dma_wait3A_55 = arith.constant 0 : i32
      %dma_wait3A_56 = arith.constant 0 : i32
      %dma_wait3A_57 = tpu.memref_slice %arg2[%dma_wait3A_55, %dma_wait3A_56] : memref<10240x128xf32, #tpu.memory_space<hbm>> -> memref<10240x128xf32, #tpu.memory_space<hbm>>
      tpu.wait_indirect_dma semaphore(%arg13 : memref<!tpu.dma_semaphore, #tpu.memory_space<semaphore_mem>>) src(%dma_wait3A_57 : memref<10240x128xf32, #tpu.memory_space<hbm>>) dst(%arg10 : memref<128x128xf32, #tpu.memory_space<vmem>>)
      "tpu.region"() ({
        %run_scoped3A = tpu.sem_alloc : memref<!tpu.dma_semaphore, #tpu.memory_space<semaphore_mem>>
        %dma_start3A_58 = arith.constant 0 : i32
        %dma_start3A_59 = tpu.memref_slice %arg8[%add3A_36, %dma_start3A_58] : memref<40x128xi32, #tpu.memory_space<vmem>> -> memref<1x128xi32, #tpu.memory_space<vmem>>
        %dma_start3A_60 = tpu.memref_squeeze %dma_start3A_59 : memref<1x128xi32, #tpu.memory_space<vmem>> -> memref<128xi32, #tpu.memory_space<vmem>>
        %dma_start3A_61 = arith.constant 0 : i32
        %dma_start3A_62 = arith.constant 0 : i32
        %dma_start3A_63 = tpu.memref_slice %arg11[%dma_start3A_61, %dma_start3A_62] : memref<10240x128xf32, #tpu.memory_space<vmem_shared>> -> memref<10240x128xf32, #tpu.memory_space<vmem_shared>>
        tpu.enqueue_indirect_dma source(%arg10 : memref<128x128xf32, #tpu.memory_space<vmem>>) target(%dma_start3A_63 : memref<10240x128xf32, #tpu.memory_space<vmem_shared>>) offsets(%dma_start3A_60 : memref<128xi32, #tpu.memory_space<vmem>>) semaphore(%run_scoped3A : memref<!tpu.dma_semaphore, #tpu.memory_space<semaphore_mem>>) {add = true}
        %dma_wait3A_64 = arith.constant 0 : i32
        %dma_wait3A_65 = tpu.memref_slice %arg8[%add3A_36, %dma_wait3A_64] : memref<40x128xi32, #tpu.memory_space<vmem>> -> memref<1x128xi32, #tpu.memory_space<vmem>>
        %dma_wait3A_66 = tpu.memref_squeeze %dma_wait3A_65 : memref<1x128xi32, #tpu.memory_space<vmem>> -> memref<128xi32, #tpu.memory_space<vmem>>
        %dma_wait3A_67 = arith.constant 0 : i32
        %dma_wait3A_68 = arith.constant 0 : i32
        %dma_wait3A_69 = tpu.memref_slice %arg11[%dma_wait3A_67, %dma_wait3A_68] : memref<10240x128xf32, #tpu.memory_space<vmem_shared>> -> memref<10240x128xf32, #tpu.memory_space<vmem_shared>>
        tpu.wait_indirect_dma semaphore(%run_scoped3A : memref<!tpu.dma_semaphore, #tpu.memory_space<semaphore_mem>>) src(%arg10 : memref<128x128xf32, #tpu.memory_space<vmem>>) dst(%dma_wait3A_69 : memref<10240x128xf32, #tpu.memory_space<vmem_shared>>)
        tpu.yield
      }) : () -> ()
    }
    %scan3A_26 = arith.constant 20 : i32
    %barrier3A_27 = arith.constant 0 : index
    tpu.barrier barrier_id(%barrier3A_27)
    %mul3A_28 = arith.constant 640 : i32
    %mul3A_29 = arith.muli %arg1, %mul3A_28 : i32
    %mul3A_30 = arith.constant 640 : i32
    %mul3A_31 = arith.muli %arg1, %mul3A_30 : i32
    "tpu.region"() ({
      %run_scoped3A = tpu.sem_alloc : memref<!tpu.dma_semaphore, #tpu.memory_space<semaphore_mem>>
      %dma_start3A_32 = arith.constant 0 : i32
      %dma_start3A_33 = tpu.memref_slice %arg6[%arg0, %mul3A_31, %dma_start3A_32] : memref<2x10240x128xf32, #tpu.memory_space<hbm>> -> memref<1x640x128xf32, #tpu.memory_space<hbm>>
      %dma_start3A_34 = tpu.memref_squeeze %dma_start3A_33 : memref<1x640x128xf32, #tpu.memory_space<hbm>> -> memref<640x128xf32, #tpu.memory_space<hbm>>
      %dma_start3A_35 = arith.constant 0 : i32
      %dma_start3A_36 = tpu.memref_slice %arg11[%mul3A_29, %dma_start3A_35] : memref<10240x128xf32, #tpu.memory_space<vmem_shared>> -> memref<640x128xf32, #tpu.memory_space<vmem_shared>>
      tpu.enqueue_dma source(%dma_start3A_36 : memref<640x128xf32, #tpu.memory_space<vmem_shared>>) target(%dma_start3A_34 : memref<640x128xf32, #tpu.memory_space<hbm>>) target_semaphore(%run_scoped3A : memref<!tpu.dma_semaphore, #tpu.memory_space<semaphore_mem>>)
      %dma_wait3A = arith.constant 0 : i32
      %dma_wait3A_37 = tpu.memref_slice %arg6[%arg0, %mul3A_31, %dma_wait3A] : memref<2x10240x128xf32, #tpu.memory_space<hbm>> -> memref<1x640x128xf32, #tpu.memory_space<hbm>>
      %dma_wait3A_38 = tpu.memref_squeeze %dma_wait3A_37 : memref<1x640x128xf32, #tpu.memory_space<hbm>> -> memref<640x128xf32, #tpu.memory_space<hbm>>
      %dma_wait3A_39 = arith.constant 0 : i32
      %dma_wait3A_40 = tpu.memref_slice %arg11[%mul3A_29, %dma_wait3A_39] : memref<10240x128xf32, #tpu.memory_space<vmem_shared>> -> memref<640x128xf32, #tpu.memory_space<vmem_shared>>
      tpu.wait_dma2 semaphore(%run_scoped3A : memref<!tpu.dma_semaphore, #tpu.memory_space<semaphore_mem>>) src(%dma_wait3A_40 : memref<640x128xf32, #tpu.memory_space<vmem_shared>>) dst(%dma_wait3A_38 : memref<640x128xf32, #tpu.memory_space<hbm>>)
      tpu.yield
    }) : () -> ()
    return
  }
}

module attributes {stable_mosaic.version = 14 : i64} {
  func.func @body(%arg0: i32, %arg1: memref<1024x128xf32, #tpu.memory_space<vmem>>, %arg2: memref<1024x128xf32, #tpu.memory_space<vmem>>, %arg3: memref<1024x128xf32, #tpu.memory_space<vmem>>, %arg4: memref<1024x32xf32, #tpu.memory_space<vmem>>, %arg5: memref<1024x32xf32, #tpu.memory_space<vmem>>, %arg6: memref<32x128xf32, #tpu.memory_space<vmem>>, %arg7: memref<128x128xf32, #tpu.memory_space<vmem>>, %arg8: memref<1x128xf32, #tpu.memory_space<vmem>>, %arg9: memref<1x128xf32, #tpu.memory_space<vmem>>, %arg10: memref<1024x128xf32, #tpu.memory_space<vmem>>) attributes {dimension_semantics = [#tpu.dimension_semantics<arbitrary>], iteration_bounds = array<i64: 10>, scalar_prefetch = 0 : i64, scratch_operands = 0 : i64, tpu.core_type = #tpu.core_type<tc>, window_params = [{transform_indices = @transform_0, window_bounds = array<i64: 1024, 128>}, {transform_indices = @transform_1, window_bounds = array<i64: 1024, 128>}, {transform_indices = @transform_2, window_bounds = array<i64: 1024, 128>}, {transform_indices = @transform_3, window_bounds = array<i64: 1024, 32>}, {transform_indices = @transform_4, window_bounds = array<i64: 1024, 32>}, {pipeline_mode = #tpu.pipeline_mode<synchronous>, transform_indices = @transform_5, window_bounds = array<i64: 32, 128>}, {pipeline_mode = #tpu.pipeline_mode<synchronous>, transform_indices = @transform_6, window_bounds = array<i64: 128, 128>}, {pipeline_mode = #tpu.pipeline_mode<synchronous>, transform_indices = @transform_7, window_bounds = array<i64: 1, 128>}, {pipeline_mode = #tpu.pipeline_mode<synchronous>, transform_indices = @transform_8, window_bounds = array<i64: 1, 128>}, {transform_indices = @transform_9, window_bounds = array<i64: 1024, 128>}]} {
    %get3A = arith.constant 0 : index
    %get3A_0 = arith.constant 0 : index
    %get3A_1 = vector.load %arg1[%get3A, %get3A_0] : memref<1024x128xf32, #tpu.memory_space<vmem>>, vector<1024x128xf32>
    %get3A_2 = arith.constant 0 : index
    %get3A_3 = arith.constant 0 : index
    %get3A_4 = vector.load %arg2[%get3A_2, %get3A_3] : memref<1024x128xf32, #tpu.memory_space<vmem>>, vector<1024x128xf32>
    %add3A = arith.addf %get3A_1, %get3A_4 : vector<1024x128xf32>
    %get3A_5 = arith.constant 0 : index
    %get3A_6 = arith.constant 0 : index
    %get3A_7 = vector.load %arg3[%get3A_5, %get3A_6] : memref<1024x128xf32, #tpu.memory_space<vmem>>, vector<1024x128xf32>
    %add3A_8 = arith.addf %add3A, %get3A_7 : vector<1024x128xf32>
    %get3A_9 = arith.constant 0 : index
    %get3A_10 = arith.constant 0 : index
    %get3A_11 = vector.load %arg4[%get3A_9, %get3A_10] : memref<1024x32xf32, #tpu.memory_space<vmem>>, vector<1024x32xf32>
    %get3A_12 = arith.constant 0 : index
    %get3A_13 = arith.constant 0 : index
    %get3A_14 = vector.load %arg5[%get3A_12, %get3A_13] : memref<1024x32xf32, #tpu.memory_space<vmem>>, vector<1024x32xf32>
    %add3A_15 = arith.addf %get3A_11, %get3A_14 : vector<1024x32xf32>
    %get3A_16 = arith.constant 0 : index
    %get3A_17 = arith.constant 0 : index
    %get3A_18 = vector.load %arg6[%get3A_16, %get3A_17] : memref<32x128xf32, #tpu.memory_space<vmem>>, vector<32x128xf32>
    %dot_general3A = arith.constant dense<0.000000e+00> : vector<1024x128xf32>
    %dot_general3A_19 = tpu.matmul %add3A_15, %get3A_18, %dot_general3A {dimension_numbers = #tpu.dot_dimension_numbers<[1], [0], [0], [1], [0, 0, 1, 1], [], []>, transpose_lhs_hint = false} : vector<1024x32xf32>, vector<32x128xf32>, vector<1024x128xf32> -> vector<1024x128xf32>
    %add3A_20 = arith.addf %add3A_8, %dot_general3A_19 : vector<1024x128xf32>
    %get3A_21 = arith.constant 0 : index
    %get3A_22 = arith.constant 0 : index
    %get3A_23 = vector.load %arg7[%get3A_21, %get3A_22] : memref<128x128xf32, #tpu.memory_space<vmem>>, vector<128x128xf32>
    %dot_general3A_24 = arith.constant dense<0.000000e+00> : vector<1024x128xf32>
    %dot_general3A_25 = tpu.matmul %add3A_20, %get3A_23, %dot_general3A_24 {dimension_numbers = #tpu.dot_dimension_numbers<[1], [0], [0], [1], [0, 0, 1, 1], [], []>, transpose_lhs_hint = false} : vector<1024x128xf32>, vector<128x128xf32>, vector<1024x128xf32> -> vector<1024x128xf32>
    %get3A_26 = arith.constant 0 : index
    %get3A_27 = arith.constant 0 : index
    %get3A_28 = vector.load %arg8[%get3A_26, %get3A_27] : memref<1x128xf32, #tpu.memory_space<vmem>>, vector<1x128xf32>
    %mul3A = vector.broadcast %get3A_28 : vector<1x128xf32> to vector<1024x128xf32>
    %mul3A_29 = arith.mulf %dot_general3A_25, %mul3A : vector<1024x128xf32>
    %get3A_30 = arith.constant 0 : index
    %get3A_31 = arith.constant 0 : index
    %get3A_32 = vector.load %arg9[%get3A_30, %get3A_31] : memref<1x128xf32, #tpu.memory_space<vmem>>, vector<1x128xf32>
    %add3A_33 = vector.broadcast %get3A_32 : vector<1x128xf32> to vector<1024x128xf32>
    %add3A_34 = arith.addf %mul3A_29, %add3A_33 : vector<1024x128xf32>
    %max3A = arith.constant 0.000000e+00 : f32
    %max3A_35 = vector.broadcast %max3A : f32 to vector<1024x128xf32>
    %max3A_36 = arith.maximumf %add3A_34, %max3A_35 : vector<1024x128xf32>
    %swap3A = arith.constant 0 : index
    %swap3A_37 = arith.constant 0 : index
    %swap3A_38 = vector.load %arg10[%swap3A, %swap3A_37] : memref<1024x128xf32, #tpu.memory_space<vmem>>, vector<1024x128xf32>
    tpu.vector_store %arg10[%swap3A, %swap3A_37], %max3A_36 {strides = array<i32>} : memref<1024x128xf32, #tpu.memory_space<vmem>>, vector<1024x128xf32>,
    return
  }
  func.func @transform_0(%arg0: i32) -> (i32, i32) {
    %c0_i32 = arith.constant 0 : i32
    %c0_i32_0 = arith.constant 0 : i32
    return %arg0, %c0_i32 : i32, i32
  }
  func.func @transform_1(%arg0: i32) -> (i32, i32) {
    %c0_i32 = arith.constant 0 : i32
    %c0_i32_0 = arith.constant 0 : i32
    return %arg0, %c0_i32 : i32, i32
  }
  func.func @transform_2(%arg0: i32) -> (i32, i32) {
    %c0_i32 = arith.constant 0 : i32
    %c0_i32_0 = arith.constant 0 : i32
    return %arg0, %c0_i32 : i32, i32
  }
  func.func @transform_3(%arg0: i32) -> (i32, i32) {
    %c0_i32 = arith.constant 0 : i32
    %c0_i32_0 = arith.constant 0 : i32
    return %arg0, %c0_i32 : i32, i32
  }
  func.func @transform_4(%arg0: i32) -> (i32, i32) {
    %c0_i32 = arith.constant 0 : i32
    %c0_i32_0 = arith.constant 0 : i32
    return %arg0, %c0_i32 : i32, i32
  }
  func.func @transform_5(%arg0: i32) -> (i32, i32) {
    %c0_i32 = arith.constant 0 : i32
    %c0_i32_0 = arith.constant 0 : i32
    %c0_i32_1 = arith.constant 0 : i32
    return %c0_i32, %c0_i32_0 : i32, i32
  }
  func.func @transform_6(%arg0: i32) -> (i32, i32) {
    %c0_i32 = arith.constant 0 : i32
    %c0_i32_0 = arith.constant 0 : i32
    %c0_i32_1 = arith.constant 0 : i32
    return %c0_i32, %c0_i32_0 : i32, i32
  }
  func.func @transform_7(%arg0: i32) -> (i32, i32) {
    %c0_i32 = arith.constant 0 : i32
    %c0_i32_0 = arith.constant 0 : i32
    %c0_i32_1 = arith.constant 0 : i32
    return %c0_i32, %c0_i32_0 : i32, i32
  }
  func.func @transform_8(%arg0: i32) -> (i32, i32) {
    %c0_i32 = arith.constant 0 : i32
    %c0_i32_0 = arith.constant 0 : i32
    %c0_i32_1 = arith.constant 0 : i32
    return %c0_i32, %c0_i32_0 : i32, i32
  }
  func.func @transform_9(%arg0: i32) -> (i32, i32) {
    %c0_i32 = arith.constant 0 : i32
    %c0_i32_0 = arith.constant 0 : i32
    return %arg0, %c0_i32 : i32, i32
  }
}

module attributes {stable_mosaic.version = 14 : i64} {
  func.func @body(%arg0: i32, %arg1: memref<1024x128xf32, #tpu.memory_space<vmem>>, %arg2: memref<1024x128xf32, #tpu.memory_space<vmem>>, %arg3: memref<1024x128xf32, #tpu.memory_space<vmem>>, %arg4: memref<1024x32xf32, #tpu.memory_space<vmem>>, %arg5: memref<1024x32xf32, #tpu.memory_space<vmem>>, %arg6: memref<32x128xf32, #tpu.memory_space<vmem>>, %arg7: memref<128x128xf32, #tpu.memory_space<vmem>>, %arg8: memref<1x128xf32, #tpu.memory_space<vmem>>, %arg9: memref<1x128xf32, #tpu.memory_space<vmem>>, %arg10: memref<1024x128xf32, #tpu.memory_space<vmem>>) attributes {dimension_semantics = [#tpu.dimension_semantics<arbitrary>], iteration_bounds = array<i64: 10>, scalar_prefetch = 0 : i64, scratch_operands = 0 : i64, tpu.core_type = #tpu.core_type<tc>, window_params = [{transform_indices = @transform_0, window_bounds = array<i64: 1024, 128>}, {transform_indices = @transform_1, window_bounds = array<i64: 1024, 128>}, {transform_indices = @transform_2, window_bounds = array<i64: 1024, 128>}, {transform_indices = @transform_3, window_bounds = array<i64: 1024, 32>}, {transform_indices = @transform_4, window_bounds = array<i64: 1024, 32>}, {pipeline_mode = #tpu.pipeline_mode<synchronous>, transform_indices = @transform_5, window_bounds = array<i64: 32, 128>}, {pipeline_mode = #tpu.pipeline_mode<synchronous>, transform_indices = @transform_6, window_bounds = array<i64: 128, 128>}, {pipeline_mode = #tpu.pipeline_mode<synchronous>, transform_indices = @transform_7, window_bounds = array<i64: 1, 128>}, {pipeline_mode = #tpu.pipeline_mode<synchronous>, transform_indices = @transform_8, window_bounds = array<i64: 1, 128>}, {transform_indices = @transform_9, window_bounds = array<i64: 1024, 128>}]} {
    %get3A = arith.constant 0 : index
    %get3A_0 = arith.constant 0 : index
    %get3A_1 = vector.load %arg1[%get3A, %get3A_0] : memref<1024x128xf32, #tpu.memory_space<vmem>>, vector<1024x128xf32>
    %get3A_2 = arith.constant 0 : index
    %get3A_3 = arith.constant 0 : index
    %get3A_4 = vector.load %arg2[%get3A_2, %get3A_3] : memref<1024x128xf32, #tpu.memory_space<vmem>>, vector<1024x128xf32>
    %add3A = arith.addf %get3A_1, %get3A_4 : vector<1024x128xf32>
    %get3A_5 = arith.constant 0 : index
    %get3A_6 = arith.constant 0 : index
    %get3A_7 = vector.load %arg3[%get3A_5, %get3A_6] : memref<1024x128xf32, #tpu.memory_space<vmem>>, vector<1024x128xf32>
    %add3A_8 = arith.addf %add3A, %get3A_7 : vector<1024x128xf32>
    %get3A_9 = arith.constant 0 : index
    %get3A_10 = arith.constant 0 : index
    %get3A_11 = vector.load %arg4[%get3A_9, %get3A_10] : memref<1024x32xf32, #tpu.memory_space<vmem>>, vector<1024x32xf32>
    %get3A_12 = arith.constant 0 : index
    %get3A_13 = arith.constant 0 : index
    %get3A_14 = vector.load %arg5[%get3A_12, %get3A_13] : memref<1024x32xf32, #tpu.memory_space<vmem>>, vector<1024x32xf32>
    %add3A_15 = arith.addf %get3A_11, %get3A_14 : vector<1024x32xf32>
    %get3A_16 = arith.constant 0 : index
    %get3A_17 = arith.constant 0 : index
    %get3A_18 = vector.load %arg6[%get3A_16, %get3A_17] : memref<32x128xf32, #tpu.memory_space<vmem>>, vector<32x128xf32>
    %dot_general3A = arith.constant dense<0.000000e+00> : vector<1024x128xf32>
    %dot_general3A_19 = tpu.matmul %add3A_15, %get3A_18, %dot_general3A {dimension_numbers = #tpu.dot_dimension_numbers<[1], [0], [0], [1], [0, 0, 1, 1], [], []>, transpose_lhs_hint = false} : vector<1024x32xf32>, vector<32x128xf32>, vector<1024x128xf32> -> vector<1024x128xf32>
    %add3A_20 = arith.addf %add3A_8, %dot_general3A_19 : vector<1024x128xf32>
    %get3A_21 = arith.constant 0 : index
    %get3A_22 = arith.constant 0 : index
    %get3A_23 = vector.load %arg7[%get3A_21, %get3A_22] : memref<128x128xf32, #tpu.memory_space<vmem>>, vector<128x128xf32>
    %dot_general3A_24 = arith.constant dense<0.000000e+00> : vector<1024x128xf32>
    %dot_general3A_25 = tpu.matmul %add3A_20, %get3A_23, %dot_general3A_24 {dimension_numbers = #tpu.dot_dimension_numbers<[1], [0], [0], [1], [0, 0, 1, 1], [], []>, transpose_lhs_hint = false} : vector<1024x128xf32>, vector<128x128xf32>, vector<1024x128xf32> -> vector<1024x128xf32>
    %get3A_26 = arith.constant 0 : index
    %get3A_27 = arith.constant 0 : index
    %get3A_28 = vector.load %arg8[%get3A_26, %get3A_27] : memref<1x128xf32, #tpu.memory_space<vmem>>, vector<1x128xf32>
    %mul3A = vector.broadcast %get3A_28 : vector<1x128xf32> to vector<1024x128xf32>
    %mul3A_29 = arith.mulf %dot_general3A_25, %mul3A : vector<1024x128xf32>
    %get3A_30 = arith.constant 0 : index
    %get3A_31 = arith.constant 0 : index
    %get3A_32 = vector.load %arg9[%get3A_30, %get3A_31] : memref<1x128xf32, #tpu.memory_space<vmem>>, vector<1x128xf32>
    %add3A_33 = vector.broadcast %get3A_32 : vector<1x128xf32> to vector<1024x128xf32>
    %add3A_34 = arith.addf %mul3A_29, %add3A_33 : vector<1024x128xf32>
    %swap3A = arith.constant 0 : index
    %swap3A_35 = arith.constant 0 : index
    %swap3A_36 = vector.load %arg10[%swap3A, %swap3A_35] : memref<1024x128xf32, #tpu.memory_space<vmem>>, vector<1024x128xf32>
    tpu.vector_store %arg10[%swap3A, %swap3A_35], %add3A_34 {strides = array<i32>} : memref<1024x128xf32, #tpu.memory_space<vmem>>, vector<1024x128xf32>,
    return
  }
  func.func @transform_0(%arg0: i32) -> (i32, i32) {
    %c0_i32 = arith.constant 0 : i32
    %c0_i32_0 = arith.constant 0 : i32
    return %arg0, %c0_i32 : i32, i32
  }
  func.func @transform_1(%arg0: i32) -> (i32, i32) {
    %c0_i32 = arith.constant 0 : i32
    %c0_i32_0 = arith.constant 0 : i32
    return %arg0, %c0_i32 : i32, i32
  }
  func.func @transform_2(%arg0: i32) -> (i32, i32) {
    %c0_i32 = arith.constant 0 : i32
    %c0_i32_0 = arith.constant 0 : i32
    return %arg0, %c0_i32 : i32, i32
  }
  func.func @transform_3(%arg0: i32) -> (i32, i32) {
    %c0_i32 = arith.constant 0 : i32
    %c0_i32_0 = arith.constant 0 : i32
    return %arg0, %c0_i32 : i32, i32
  }
  func.func @transform_4(%arg0: i32) -> (i32, i32) {
    %c0_i32 = arith.constant 0 : i32
    %c0_i32_0 = arith.constant 0 : i32
    return %arg0, %c0_i32 : i32, i32
  }
  func.func @transform_5(%arg0: i32) -> (i32, i32) {
    %c0_i32 = arith.constant 0 : i32
    %c0_i32_0 = arith.constant 0 : i32
    %c0_i32_1 = arith.constant 0 : i32
    return %c0_i32, %c0_i32_0 : i32, i32
  }
  func.func @transform_6(%arg0: i32) -> (i32, i32) {
    %c0_i32 = arith.constant 0 : i32
    %c0_i32_0 = arith.constant 0 : i32
    %c0_i32_1 = arith.constant 0 : i32
    return %c0_i32, %c0_i32_0 : i32, i32
  }
  func.func @transform_7(%arg0: i32) -> (i32, i32) {
    %c0_i32 = arith.constant 0 : i32
    %c0_i32_0 = arith.constant 0 : i32
    %c0_i32_1 = arith.constant 0 : i32
    return %c0_i32, %c0_i32_0 : i32, i32
  }
  func.func @transform_8(%arg0: i32) -> (i32, i32) {
    %c0_i32 = arith.constant 0 : i32
    %c0_i32_0 = arith.constant 0 : i32
    %c0_i32_1 = arith.constant 0 : i32
    return %c0_i32, %c0_i32_0 : i32, i32
  }
  func.func @transform_9(%arg0: i32) -> (i32, i32) {
    %c0_i32 = arith.constant 0 : i32
    %c0_i32_0 = arith.constant 0 : i32
    return %arg0, %c0_i32 : i32, i32
  }
}

</mosaic_0001>

<sc_bundles>
// kernel: kernel.14.cloned.1.call-start
scs
__scs_entry_jumppad:
0x0: {  	(pc) =	sbr.rel $0x88, $3  }
0x1: {  	(tag) =	ssettag $0x0;
	lr =	simm.s32 $0x1  }
0x2: {  	[smem:$0x3F96] =	sst lr;
	_ =	strace $0xD0000000  }
0x3: {  	_ = 	snop  }
0x4: {  	_ = 	snop  }
0x5: {  	_ = 	snop  }
0x6: {  	_ = 	snop  }
0x7: {  	_ = 	snop  }
__scs_overlays_trampoline_lowered:
0x8: {  	[smem:$0x3FA5] =	sst s0  }
0x9: {  	[smem:$0x3FA6] =	sst s1  }
0xa: {  	[smem:$0x3FA7] =	sst s2  }
0xb: {  	[smem:$0x3FA8] =	sst s3  }
0xc: {  	[smem:$0x3FA9] =	sst s4  }
0xd: {  	[smem:$0x3FAA] =	sst s5  }
0xe: {  	[smem:$0x3FAB] =	sst s6  }
0xf: {  	[smem:$0x3FAC] =	sst s7  }
0x10: {  	[smem:$0x3FAD] =	sst s8  }
0x11: {  	[smem:$0x3FAE] =	sst s9;
	s0 =	simm.s32 @!p0 $0x0  }
0x12: {  	s1 =	sld [smem:$0x3F94];
	s0 =	simm.s32 @p0 $0x1  }
0x13: {  	[smem:$0x3FAF] =	sst s0;
	s0 =	simm.s32 @!p1 $0x0  }
0x14: {  	s2 =	sld [smem:$0x3F93];
	s0 =	simm.s32 @p1 $0x1  }
0x15: {  	[smem:$0x3FB0] =	sst s0;
	s0 =	simm.s32 @!p2 $0x0  }
0x16: {  	s3 =	sld [smem:$0x3FDB];
	s0 =	simm.s32 @p2 $0x1  }
0x17: {  	s4 =	simm.s32 $0x1BF5;
	[smem:$0x3FB2] =	sst s0  }
0x18: {  	s0 =	sld [smem:$0x3F95];
	_ =	swait.ge [sflag:s4], $0x0  }
0x19: {  	s7 =	sld [smem:$0x3F96]  }
0x1a: {  	s8 =	sadd.s32 $0xFFFFE003, lr  }
0x1b: {  	s9 =	sadd.s32 $0xFFFFFEF7, lr;
	s5 =	simm.s32 $0xFFFFFFFF;
	p2 =	slt.u32 s8, $0xFFFFF086  }
0x1c: {  	p1 =	slt.u32 s9, $0xF7A;
	s5 =	simm.s32 @!p2 $0x0  }
0x1d: {  	s5 =	simm.s32 @p1 $0x1;
	p0 =	seq.s32 s7, s2  }
0x1e: {  	s7 =	smul.u32 @!p0 $0xF7A, s2;
	p2 =	seq.s32 @!p0 s5, $0x0  }
0x1f: {  	s9 =	smul.u32 $0xF7A, s1;
	s8 =	simm.s32 @!p0 $0x1BF5;
	p2 =	por !p2, p0  }
0x20: {  	[sflag:s8] =	ssyncset.s32 @!p0 $0xFFFFF086;
	s6 =	sadd.s32 @!p0 s3, s7;
	s7 =	simm.s32 @!p0 $0x108  }
0x21: {  	s3 =	sadd.s32 s3, s9;
	s6 =	sadd.s32 @!p0 $0x88, s6;
	s7 =	simm.s32 @p2 $0x1082  }
0x22: {  	[simem:s7], [sflag:s8] =	dma.local @!p0 [hbm:s6], $0xF7A  }
0x23: {  	s9 =	sor.u32 $0xD0000000, s2;
	s6 =	simm.s32 $0x108;
	_ =	swait.ge @!p0 [sflag:s8], $0x0  }
0x24: {  	s3 =	sadd.s32 $0x88, s3;
	s6 =	simm.s32 @!p1 $0x1082;
	[sflag:s4] =	ssyncset.s32 $0xFFFFF086  }
0x25: {  	[simem:s6], [sflag:s4] =	dma.local [hbm:s3], $0xF7A  }
0x26: {  	[smem:$0x3F96] =	sst s1;
	(tag) =	ssettag s2;
	_ =	strace s9  }
0x27: {  	s1 =	sld [smem:$0x3FA6]  }
0x28: {  	s2 =	sld [smem:$0x3FA7]  }
0x29: {  	s4 =	sld [smem:$0x3FA9]  }
0x2a: {  	p0 =	seq.s32 s5, $0x0;
	s5 =	sld [smem:$0x3FAA]  }
0x2b: {  	s6 =	sld [smem:$0x3FAB]  }
0x2c: {  	s7 =	sld [smem:$0x3FAC]  }
0x2d: {  	s3 =	simm.s32 $0x108;
	s8 =	sld [smem:$0x3FAD]  }
0x2e: {  	s3 =	simm.s32 @!p0 $0x1082;
	s9 =	sld [smem:$0x3FAE]  }
0x2f: {  	lr =	sadd.s32 s0, s3;
	s0 =	sld [smem:$0x3FA5]  }
0x30: {  	s3 =	sld [smem:$0x3FA8]  }
0x31: {  	[smem:$0x3FB1] =	sst s10  }
0x32: {  	s10 =	sld [smem:$0x3FAF];
	_ =	sdelay $0x3  }
0x33: {  	p0 =	seq.s32 s10, $0x1;
	s10 =	sld [smem:$0x3FB1];
	_ =	sdelay $0x3  }
0x34: {  	[smem:$0x3FB1] =	sst s10  }
0x35: {  	s10 =	sld [smem:$0x3FB0];
	_ =	sdelay $0x3  }
0x36: {  	p1 =	seq.s32 s10, $0x1;
	s10 =	sld [smem:$0x3FB1];
	_ =	sdelay $0x3  }
0x37: {  	[smem:$0x3FB1] =	sst s10  }
0x38: {  	s10 =	sld [smem:$0x3FB2]  }
0x39: {  	_ = 	snop;
	(pc) =	sbr.ind lr, $3  }
0x3a: {  	_ = 	snop  }
0x3b: {  	_ = 	snop  }
0x3c: {  	p2 =	seq.s32 s10, $0x1;
	s10 =	sld [smem:$0x3FB1]  }
0x3d: {  	_ =	shalt  }
0x3e: {  	_ =	shalt  }
0x3f: {  	_ =	shalt  }
0x40: {  	_ =	shalt  }
0x41: {  	_ =	shalt  }
0x42: {  	_ =	shalt  }
0x43: {  	_ =	shalt  }
0x44: {  	_ =	shalt  }
0x45: {  	_ =	shalt  }
0x46: {  	_ =	shalt  }
0x47: {  	_ =	shalt  }
0x48: {  	_ =	shalt  }
0x49: {  	_ =	shalt  }
0x4a: {  	_ =	shalt  }
0x4b: {  	_ =	shalt  }
0x4c: {  	_ =	shalt  }
0x4d: {  	_ =	shalt  }
0x4e: {  	_ =	shalt  }
0x4f: {  	_ =	shalt  }
0x50: {  	_ =	shalt  }
0x51: {  	_ =	shalt  }
0x52: {  	_ =	shalt  }
0x53: {  	_ =	shalt  }
0x54: {  	_ =	shalt  }
0x55: {  	_ =	shalt  }
0x56: {  	_ =	shalt  }
0x57: {  	_ =	shalt  }
0x58: {  	_ =	shalt  }
0x59: {  	_ =	shalt  }
0x5a: {  	_ =	shalt  }
0x5b: {  	_ =	shalt  }
0x5c: {  	_ =	shalt  }
0x5d: {  	_ =	shalt  }
0x5e: {  	_ =	shalt  }
0x5f: {  	_ =	shalt  }
0x60: {  	_ =	shalt  }
0x61: {  	_ =	shalt  }
0x62: {  	_ =	shalt  }
0x63: {  	_ =	shalt  }
0x64: {  	_ =	shalt  }
0x65: {  	_ =	shalt  }
0x66: {  	_ =	shalt  }
0x67: {  	_ =	shalt  }
0x68: {  	_ =	shalt  }
0x69: {  	_ =	shalt  }
0x6a: {  	_ =	shalt  }
0x6b: {  	_ =	shalt  }
0x6c: {  	_ =	shalt  }
0x6d: {  	_ =	shalt  }
0x6e: {  	_ =	shalt  }
0x6f: {  	_ =	shalt  }
0x70: {  	_ =	shalt  }
0x71: {  	_ =	shalt  }
0x72: {  	_ =	shalt  }
0x73: {  	_ =	shalt  }
0x74: {  	_ =	shalt  }
0x75: {  	_ =	shalt  }
0x76: {  	_ =	shalt  }
0x77: {  	_ =	shalt  }
0x78: {  	_ =	shalt  }
0x79: {  	_ =	shalt  }
0x7a: {  	_ =	shalt  }
0x7b: {  	_ =	shalt  }
0x7c: {  	_ =	shalt  }
0x7d: {  	_ =	shalt  }
0x7e: {  	_ =	shalt  }
0x7f: {  	_ =	shalt  }
0x80: {  	_ =	shalt  }
0x81: {  	_ =	shalt  }
0x82: {  	_ =	shalt  }
0x83: {  	_ =	shalt  }
0x84: {  	_ =	shalt  }
0x85: {  	_ =	shalt  }
0x86: {  	_ =	shalt  }
0x87: {  	_ =	shalt  }
.Lfunc_end0:
.L_simem_size_0:
called_computation_lowered:
.L_overlay_start_0:
0x88: {  	s2 =	sld [smem:$0x3FD9]  }
0x89: {  	s3 =	sld [smem:$0x3FFE];
	_ =	sdelay $0x1  }
0x8a: {  	s1 =	srdreg.scid  }
0x8b: {  	s0 =	sand.u32 $0x1, s1  }
0x8c: {  	s16 =	sshll.u32 s0, $0xA;
	s2 =	sadd.s32 s3, s2  }
0x8d: {  	s2 =	sadd.s32 s2, s16  }
0x8e: {  	[smem:$0x3FBD] =	sst s2  }
0x8f: {  	_ = 	snop  }
0x90: {  	(tm) =	ssettm $0x1  }
0x91: {  	s17 =	sld [smem:$0x3FFB];
	_ =	sdelay $0x3  }
0x92: {  	_ =	strace s17  }
0x93: {  	s2 =	sld [smem:$0x3FFC];
	_ =	sdelay $0x3  }
0x94: {  	_ =	strace s2  }
0x95: {  	s2 =	sld [smem:$0x3FFD];
	_ =	sdelay $0x3  }
0x96: {  	_ =	strace s2  }
0x97: {  	_ =	strace $0x8FFFFFFF  }
0x98: {  	s18 =	sld [smem:$0x3FDB];
	_ =	sdelay $0x1  }
0x99: {  	s19 =	simm.s32 $_scs_section_size  }
0x9a: {  	s4 =	simm.s32 $_size__tile_overlayer_lowered;
	s5 =	simm.s32 $_tile_overlayer_lowered  }
0x9b: {  	s22 =	simm.s32 $0x1BFF;
	s21 =	sshll.u32 s5, $0x1;
	s2 =	sadd.s32 s19, s18  }
0x9c: {  	s6 =	simm.s32 $0x0;
	s20 =	sshll.u32 s4, $0x1;
	s4 =	sadd.s32 s21, s2  }
0x9d: {  	[timem:s6], [sflag:s22] =	dma.local [hbm:s4], s20  }
0x9e: {  	_ =	swait.ge [sflag:s22], s20  }
0x9f: {  	s3 =	ssub.s32 $0x0, s20;
	[sflag:s22] =	ssyncset.done $0x0  }
0xa0: {  	[sflag:s22] =	ssyncadd.s32 s3;
	_ =	sdelay $0x1  }
0xa1: {  	s23 =	simm.s32 $0x1B8B  }
0xa2: {  	_ =	swait.ge [sflag:s23], $0x1  }
0xa3: {  	[sflag:s23] =	ssyncset.done $0x0  }
0xa4: {  	s25 =	simm.s32 $0x1B8E;
	s24 =	sld [smem:$0x3FFE];
	[sflag:s23] =	ssyncadd.s32 $0xFFFFFFFF  }
0xa5: {  	s26 =	simm.s32 $execute0_lowered;
	[smem:$0x3FD2] =	sst s25  }
0xa6: {  	s4 =	sshll.u32 s26, $0x1;
	_ =	strace $0x80000046;
	[dreg:$0x1] =	wrdreg $0xFFFFFFFF  }
0xa7: {  	s28 =	simm.s32 $_size_execute0_lowered;
	s2 =	sadd.s32 s2, s4;
	[dreg:$0x0] =	wrdreg $0x0  }
0xa8: {  	s4 =	sshll.u32 s28, $0x1;
	[dreg:$0x2] =	wrdreg s2  }
0xa9: {  	[dreg:$0x3] =	wrdreg s4  }
0xaa: {  	[dreg:$0x4] =	wrdreg $0xC0  }
0xab: {  	_ =	task [dreg:s6], $0x5FFFF  }
0xac: {  	[dreg:$0x1] =	wrdreg $0xFFFFFFFF  }
0xad: {  	[dreg:$0x0] =	wrdreg $0x60  }
0xae: {  	[dreg:$0x2] =	wrdreg s24  }
0xaf: {  	[dreg:$0x3] =	wrdreg $0xA  }
0xb0: {  	_ =	task.clear_ibuf [dreg:s6], $0x4FFFF;
	_ =	strace $0x90000046  }
0xb1: {  	s29 =	simm.s32 $0xA;
	_ =	strace $0x80000048  }
0xb2: {  	_ =	swait.ge [sflag:s29], $0x1  }
0xb3: {  	[sflag:s29] =	ssyncadd.s32 $0xFFFFFFFF  }
0xb4: {  	_ =	strace $0x90000048  }
0xb5: {  	_ =	sfence  }
0xb6: {  	s30 =	sld [smem:$0x0];
	_ =	sdelay $0x2  }
0xb7: {  	s31 =	sshll.u32 s1, $0xD;
	s1 =	sshrl.u32 s1, $0x2  }
0xb8: {  	s3 =	sand.u32 $0x4000, s31;
	s1 =	sadd.s32 s1, s30  }
0xb9: {  	s0 =	sor.u32 s3, s0;
	s1 =	sshll.u32 s1, $0x11  }
0xba: {  	s0 =	sor.u32 s1, s0  }
0xbb: {  	s0 =	sadd.s32 $0x8F2B, s0  }
0xbc: {  	[sflag:s0] =	ssyncadd.remote.s32 $0x1  }
0xbd: {  	_ =	sfence.sel $0xFFFF  }
0xbe: {  	[dreg:$0x0] =	wrdreg $0xFFFFFFFF;
	(pc) =	sbr.abs _section_cstart, $3  }
0xbf: {  	[dreg:$0x1] =	wrdreg $0xFFFFFFFF  }
0xc0: {  	_ =	task.clear_ibuf [dreg:s6], $0x2FFFF;
	_ =	strace $0x9FFFFFFF  }
0xc1: {  	(tm) =	ssettm $0x7FFFFFFF  }
tec
execute0_lowered:
.L_overlay_start_1:
0x0: {  	(tag) =	ssettag $0x1  }
0x1: {  	s1 =	srdreg.scid  }
0x2: {  	s0 =	stileid.u32;
	s15 =	sand.u32 $0x1, s1  }
0x3: {  	s8 =	rddreg [dreg:$0x0];
	s2 =	sshll.u32 s0, $0x4;
	s3 =	sshll.u32 s15, $0x4  }
0x4: {  	s1 =	rddreg [dreg:$0x1];
	s4 =	sand.u32 $0x70, s2;
	s9 =	sor.u32 s0, s3  }
0x5: {  	s2 =	simm.s32 $0x0;
	s28 =	sadd.s32 s4, s8;
	s29 =	sshll.u32 s9, $0x4  }
0x6: {  	[smem:$0x7FF] =	sst s2;
	s12 =	sadd.s32 $0x5E00, s28;
	s30 =	sand.u32 $0x180, s29  }
0x7: {  	s4 =	simm.s32 $0x3;
	_ =	strace $0x80000047;
	s3 =	sadd.s32 s30, s12  }
0x8: {  	[tilespmem:s2], [sflag:$0x3] =	stream.linear.gather [hbm4b:s3+s2], $0x80, $0x38;
	[tilespmem:$0x4080] =	vst v63  }
0x9: {  	_ =	swait.ge [sflag:s4], $0x80  }
0xa: {  	s6 =	simm.s32 $0x80;
	[sflag:s4] =	ssyncset.done $0x0  }
0xb: {  	s7 =	simm.s32 $0x1;
	s5 =	sadd.s32 $0x6400, s8;
	[sflag:s4] =	ssyncadd.s32 $0xFFFFFF80  }
0xc: {  	[tilespmem:s6], [sflag:$0x1] =	stream.indirect.gather [hbm4b:s5+s6], $0x80, s2, s6, $0xb8;
	[tilespmem:$0x4080] =	vst v63  }
0xd: {  	s17 =	sadd.s32 $0x15400, s8;
	_ =	swait.ge [sflag:s7], $0x4000  }
0xe: {  	s31 =	sshll.u32 s9, $0xB;
	s11 =	sor.u32 $0x20, s9;
	[sflag:s7] =	ssyncset.done $0x0  }
0xf: {  	s9 =	simm.s32 $0x2;
	s8 =	sadd.s32 s17, s31;
	[sflag:s7] =	ssyncadd.s32 $0xFFFFC000  }
0x10: {  	[hbm4b:s8+s2] =	stream.linear.scatter [tilespmem:s6], [sflag:$0x2], $0x4000, $0x38;
	[tilespmem:$0x4080] =	vst v63  }
0x11: {  	s10 =	sshll.u32 s11, $0x4;
	_ =	swait.ge [sflag:s9], $0x4000  }
0x12: {  	s10 =	sand.u32 $0x380, s10;
	[sflag:s9] =	ssyncset.done $0x0  }
0x13: {  	s10 =	sadd.s32 s10, s12;
	[sflag:s9] =	ssyncadd.s32 $0xFFFFC000  }
0x14: {  	[tilespmem:s2], [sflag:$0x3] =	stream.linear.gather [hbm4b:s10+s2], $0x80, $0x38;
	[tilespmem:$0x4080] =	vst v63  }
0x15: {  	_ =	swait.ge [sflag:s4], $0x80  }
0x16: {  	[sflag:s4] =	ssyncset.done $0x0  }
0x17: {  	[sflag:s4] =	ssyncadd.s32 $0xFFFFFF80  }
0x18: {  	[tilespmem:s6], [sflag:$0x1] =	stream.indirect.gather [hbm4b:s5+s6], $0x80, s2, s6, $0xb8;
	[tilespmem:$0x4080] =	vst v63  }
0x19: {  	s18 =	sor.u32 $0x40, s0;
	_ =	swait.ge [sflag:s7], $0x4000  }
0x1a: {  	s13 =	sshll.u32 s18, $0x4;
	s11 =	sshll.u32 s11, $0xB;
	[sflag:s7] =	ssyncset.done $0x0  }
0x1b: {  	p0 =	sne.s32 s15, $0x0;
	s11 =	sadd.s32 s17, s11;
	[sflag:s7] =	ssyncadd.s32 $0xFFFFC000  }
0x1c: {  	[hbm4b:s11+s2] =	stream.linear.scatter [tilespmem:s6], [sflag:$0x2], $0x4000, $0x38;
	[tilespmem:$0x4080] =	vst v63  }
0x1d: {  	s19 =	ssub.s32 $0x2, s15;
	s13 =	sand.u32 $0x480, s13;
	_ =	swait.ge [sflag:s9], $0x4000  }
0x1e: {  	s14 =	simm.s32 @!p0 $0x3;
	s20 =	sshrl.u32 s19, $0x1;
	[sflag:s9] =	ssyncset.done $0x0  }
0x1f: {  	s12 =	sadd.s32 s13, s12;
	s13 =	simm.s32 @!p0 $0x0;
	[sflag:s9] =	ssyncadd.s32 $0xFFFFC000  }
0x20: {  	[tilespmem:s13], [sflag:$0x3] =	stream.linear.gather @!p0 [hbm4b:s12+s13], $0x80, $0x38;
	[tilespmem:$0x4080] =	vst v63  }
0x21: {  	s19 =	ssub.s32 s19, s20;
	_ =	swait.ge @!p0 [sflag:s14], $0x80  }
0x22: {  	s15 =	simm.s32 @!p0 $0x80;
	s19 =	smax.u32 s19, $0x1;
	[sflag:s14] =	ssyncset.done @!p0 $0x0  }
0x23: {  	s16 =	simm.s32 @!p0 $0x1;
	s19 =	sadd.s32 $0xFFFFFFFF, s19;
	[sflag:s14] =	ssyncadd.s32 @!p0 $0xFFFFFF80  }
0x24: {  	[tilespmem:s15], [sflag:$0x1] =	stream.indirect.gather @!p0 [hbm4b:s5+s15], $0x80, s13, s15, $0xb8;
	[tilespmem:$0x4080] =	vst v63  }
0x25: {  	p1 =	sne.s32 s19, $0x0;
	_ =	swait.ge @!p0 [sflag:s16], $0x4000  }
.Ltmp0:
0x26: {  	s18 =	sshll.u32 s18, $0xB;
	[sflag:s16] =	ssyncset.done @!p0 $0x0;
	(pc) =	sbr.rel @!p1 .LBB2_2-.Ltmp0, $4  }
0x27: {  	s18 =	sadd.s32 s17, s18;
	s17 =	simm.s32 @!p0 $0x2;
	[sflag:s16] =	ssyncadd.s32 @!p0 $0xFFFFC000  }
0x28: {  	[hbm4b:s18+s13] =	stream.linear.scatter @!p0 [tilespmem:s15], [sflag:$0x2], $0x4000, $0x38;
	[tilespmem:$0x4080] =	vst v63  }
0x29: {  	_ =	swait.ge @!p0 [sflag:s17], $0x4000  }
0x2a: {  	[sflag:s17] =	ssyncset.done @!p0 $0x0  }
.LBB2_1:
0x2b: {  	s19 =	sadd.s32 $0xFFFFFFFF, s19;
	[sflag:s17] =	ssyncadd.s32 @!p0 $0xFFFFC000  }
0x2c: {  	[tilespmem:s2], [sflag:$0x3] =	stream.linear.gather [hbm4b:s3+s2], $0x80, $0x38;
	[tilespmem:$0x4080] =	vst v63  }
0x2d: {  	p1 =	sne.s32 s19, $0x0;
	_ =	swait.ge [sflag:s4], $0x80  }
0x2e: {  	[sflag:s4] =	ssyncset.done $0x0  }
0x2f: {  	[sflag:s4] =	ssyncadd.s32 $0xFFFFFF80  }
0x30: {  	[tilespmem:s6], [sflag:$0x1] =	stream.indirect.gather [hbm4b:s5+s6], $0x80, s2, s6, $0xb8;
	[tilespmem:$0x4080] =	vst v63  }
0x31: {  	_ =	swait.ge [sflag:s7], $0x4000  }
0x32: {  	[sflag:s7] =	ssyncset.done $0x0  }
0x33: {  	[sflag:s7] =	ssyncadd.s32 $0xFFFFC000  }
0x34: {  	[hbm4b:s8+s2] =	stream.linear.scatter [tilespmem:s6], [sflag:$0x2], $0x4000, $0x38;
	[tilespmem:$0x4080] =	vst v63  }
0x35: {  	_ =	swait.ge [sflag:s9], $0x4000  }
0x36: {  	[sflag:s9] =	ssyncset.done $0x0  }
0x37: {  	[sflag:s9] =	ssyncadd.s32 $0xFFFFC000  }
0x38: {  	[tilespmem:s2], [sflag:$0x3] =	stream.linear.gather [hbm4b:s10+s2], $0x80, $0x38;
	[tilespmem:$0x4080] =	vst v63  }
0x39: {  	_ =	swait.ge [sflag:s4], $0x80  }
0x3a: {  	[sflag:s4] =	ssyncset.done $0x0  }
0x3b: {  	[sflag:s4] =	ssyncadd.s32 $0xFFFFFF80  }
0x3c: {  	[tilespmem:s6], [sflag:$0x1] =	stream.indirect.gather [hbm4b:s5+s6], $0x80, s2, s6, $0xb8;
	[tilespmem:$0x4080] =	vst v63  }
0x3d: {  	_ =	swait.ge [sflag:s7], $0x4000  }
0x3e: {  	[sflag:s7] =	ssyncset.done $0x0  }
0x3f: {  	[sflag:s7] =	ssyncadd.s32 $0xFFFFC000  }
0x40: {  	[hbm4b:s11+s2] =	stream.linear.scatter [tilespmem:s6], [sflag:$0x2], $0x4000, $0x38;
	[tilespmem:$0x4080] =	vst v63  }
0x41: {  	_ =	swait.ge [sflag:s9], $0x4000  }
0x42: {  	[sflag:s9] =	ssyncset.done $0x0  }
0x43: {  	[sflag:s9] =	ssyncadd.s32 $0xFFFFC000  }
0x44: {  	[tilespmem:s13], [sflag:$0x3] =	stream.linear.gather @!p0 [hbm4b:s12+s13], $0x80, $0x38;
	[tilespmem:$0x4080] =	vst v63  }
0x45: {  	_ =	swait.ge @!p0 [sflag:s14], $0x80  }
0x46: {  	[sflag:s14] =	ssyncset.done @!p0 $0x0  }
0x47: {  	[sflag:s14] =	ssyncadd.s32 @!p0 $0xFFFFFF80  }
0x48: {  	[tilespmem:s15], [sflag:$0x1] =	stream.indirect.gather @!p0 [hbm4b:s5+s15], $0x80, s13, s15, $0xb8;
	[tilespmem:$0x4080] =	vst v63  }
0x49: {  	_ =	swait.ge @!p0 [sflag:s16], $0x4000  }
.Ltmp1:
0x4a: {  	[sflag:s16] =	ssyncset.done @!p0 $0x0;
	(pc) =	sbr.rel @p1 .LBB2_1-.Ltmp1, $4  }
0x4b: {  	[sflag:s16] =	ssyncadd.s32 @!p0 $0xFFFFC000  }
0x4c: {  	[hbm4b:s18+s13] =	stream.linear.scatter @!p0 [tilespmem:s15], [sflag:$0x2], $0x4000, $0x38;
	[tilespmem:$0x4080] =	vst v63  }
0x4d: {  	_ =	swait.ge @!p0 [sflag:s17], $0x4000  }
0x4e: {  	[sflag:s17] =	ssyncset.done @!p0 $0x0  }
.LBB2_2:
0x4f: {  	[sflag:s17] =	ssyncadd.s32 @!p0 $0xFFFFC000  }
0x50: {  	_ =	sfence.sel $0x180000  }
0x51: {  	[bflag:$0x0] =	sbarrier.arrive $0xFFFF  }
0x52: {  	p0 =	sne.s32 s0, $0x0;
	_ =	strace $0x90000047  }
0x53: {  	s0 =	sadd.s32 @!p0 $0x100000, s1;
	[bflag:$0x2] =	sbarrier.arrive $0xFFFF  }
0x54: {  	[sflag:s0] =	ssyncadd.tile.s32 @!p0 $0x1;
	_ =	shalt  }
.Lfunc_end2:
_tile_overlayer_lowered:
.L_overlay_start_2:
0x55: {  	(tag) =	ssettag $0x2  }
0x56: {  	s0 =	rddreg [dreg:$0x0];
	s2 =	stileid.u32  }
0x57: {  	s1 =	rddreg [dreg:$0x1];
	p0 =	sne.s32 s2, $0x0  }
0x58: {  	s3 =	rddreg [dreg:$0x2];
	[bflag:$0x3] =	sbarrier.arrive $0xFFFF;
	s2 =	simm.s32 @!p0 $0x1C02  }
0x59: {  	[timem:s3], [sflag:s2] =	dma.local @!p0 [hbm:s0], s1  }
0x5a: {  	s0 =	simm.s32 @!p0 $0x2  }
0x5b: {  	_ =	swait.ge @!p0 [sflag:s0], s1  }
0x5c: {  	s1 =	ssub.s32 @!p0 $0x0, s1;
	[sflag:s0] =	ssyncset.done @!p0 $0x0  }
0x5d: {  	[sflag:s0] =	ssyncadd.s32 @!p0 s1  }
0x5e: {  	[bflag:$0x3] =	sbarrier.arrive $0xFFFF  }
0x5f: {  	_ =	shalt  }

// kernel: kernel.17.cloned.1.call-start
scs
__scs_entry_jumppad:
0x0: {  	(pc) =	sbr.rel $0x88, $3  }
0x1: {  	(tag) =	ssettag $0x0;
	lr =	simm.s32 $0x1  }
0x2: {  	[smem:$0x3F96] =	sst lr;
	_ =	strace $0xD0000000  }
0x3: {  	_ = 	snop  }
0x4: {  	_ = 	snop  }
0x5: {  	_ = 	snop  }
0x6: {  	_ = 	snop  }
0x7: {  	_ = 	snop  }
__scs_overlays_trampoline_lowered:
0x8: {  	[smem:$0x3FA5] =	sst s0  }
0x9: {  	[smem:$0x3FA6] =	sst s1  }
0xa: {  	[smem:$0x3FA7] =	sst s2  }
0xb: {  	[smem:$0x3FA8] =	sst s3  }
0xc: {  	[smem:$0x3FA9] =	sst s4  }
0xd: {  	[smem:$0x3FAA] =	sst s5  }
0xe: {  	[smem:$0x3FAB] =	sst s6  }
0xf: {  	[smem:$0x3FAC] =	sst s7  }
0x10: {  	[smem:$0x3FAD] =	sst s8  }
0x11: {  	[smem:$0x3FAE] =	sst s9;
	s0 =	simm.s32 @!p0 $0x0  }
0x12: {  	s1 =	sld [smem:$0x3F94];
	s0 =	simm.s32 @p0 $0x1  }
0x13: {  	[smem:$0x3FAF] =	sst s0;
	s0 =	simm.s32 @!p1 $0x0  }
0x14: {  	s2 =	sld [smem:$0x3F93];
	s0 =	simm.s32 @p1 $0x1  }
0x15: {  	[smem:$0x3FB0] =	sst s0;
	s0 =	simm.s32 @!p2 $0x0  }
0x16: {  	s3 =	sld [smem:$0x3FDB];
	s0 =	simm.s32 @p2 $0x1  }
0x17: {  	s4 =	simm.s32 $0x1BF5;
	[smem:$0x3FB2] =	sst s0  }
0x18: {  	s0 =	sld [smem:$0x3F95];
	_ =	swait.ge [sflag:s4], $0x0  }
0x19: {  	s7 =	sld [smem:$0x3F96]  }
0x1a: {  	s8 =	sadd.s32 $0xFFFFE003, lr  }
0x1b: {  	s9 =	sadd.s32 $0xFFFFFEF7, lr;
	s5 =	simm.s32 $0xFFFFFFFF;
	p2 =	slt.u32 s8, $0xFFFFF086  }
0x1c: {  	p1 =	slt.u32 s9, $0xF7A;
	s5 =	simm.s32 @!p2 $0x0  }
0x1d: {  	s5 =	simm.s32 @p1 $0x1;
	p0 =	seq.s32 s7, s2  }
0x1e: {  	s7 =	smul.u32 @!p0 $0xF7A, s2;
	p2 =	seq.s32 @!p0 s5, $0x0  }
0x1f: {  	s9 =	smul.u32 $0xF7A, s1;
	s8 =	simm.s32 @!p0 $0x1BF5;
	p2 =	por !p2, p0  }
0x20: {  	[sflag:s8] =	ssyncset.s32 @!p0 $0xFFFFF086;
	s6 =	sadd.s32 @!p0 s3, s7;
	s7 =	simm.s32 @!p0 $0x108  }
0x21: {  	s3 =	sadd.s32 s3, s9;
	s6 =	sadd.s32 @!p0 $0x88, s6;
	s7 =	simm.s32 @p2 $0x1082  }
0x22: {  	[simem:s7], [sflag:s8] =	dma.local @!p0 [hbm:s6], $0xF7A  }
0x23: {  	s9 =	sor.u32 $0xD0000000, s2;
	s6 =	simm.s32 $0x108;
	_ =	swait.ge @!p0 [sflag:s8], $0x0  }
0x24: {  	s3 =	sadd.s32 $0x88, s3;
	s6 =	simm.s32 @!p1 $0x1082;
	[sflag:s4] =	ssyncset.s32 $0xFFFFF086  }
0x25: {  	[simem:s6], [sflag:s4] =	dma.local [hbm:s3], $0xF7A  }
0x26: {  	[smem:$0x3F96] =	sst s1;
	(tag) =	ssettag s2;
	_ =	strace s9  }
0x27: {  	s1 =	sld [smem:$0x3FA6]  }
0x28: {  	s2 =	sld [smem:$0x3FA7]  }
0x29: {  	s4 =	sld [smem:$0x3FA9]  }
0x2a: {  	p0 =	seq.s32 s5, $0x0;
	s5 =	sld [smem:$0x3FAA]  }
0x2b: {  	s6 =	sld [smem:$0x3FAB]  }
0x2c: {  	s7 =	sld [smem:$0x3FAC]  }
0x2d: {  	s3 =	simm.s32 $0x108;
	s8 =	sld [smem:$0x3FAD]  }
0x2e: {  	s3 =	simm.s32 @!p0 $0x1082;
	s9 =	sld [smem:$0x3FAE]  }
0x2f: {  	lr =	sadd.s32 s0, s3;
	s0 =	sld [smem:$0x3FA5]  }
0x30: {  	s3 =	sld [smem:$0x3FA8]  }
0x31: {  	[smem:$0x3FB1] =	sst s10  }
0x32: {  	s10 =	sld [smem:$0x3FAF];
	_ =	sdelay $0x3  }
0x33: {  	p0 =	seq.s32 s10, $0x1;
	s10 =	sld [smem:$0x3FB1];
	_ =	sdelay $0x3  }
0x34: {  	[smem:$0x3FB1] =	sst s10  }
0x35: {  	s10 =	sld [smem:$0x3FB0];
	_ =	sdelay $0x3  }
0x36: {  	p1 =	seq.s32 s10, $0x1;
	s10 =	sld [smem:$0x3FB1];
	_ =	sdelay $0x3  }
0x37: {  	[smem:$0x3FB1] =	sst s10  }
0x38: {  	s10 =	sld [smem:$0x3FB2]  }
0x39: {  	_ = 	snop;
	(pc) =	sbr.ind lr, $3  }
0x3a: {  	_ = 	snop  }
0x3b: {  	_ = 	snop  }
0x3c: {  	p2 =	seq.s32 s10, $0x1;
	s10 =	sld [smem:$0x3FB1]  }
0x3d: {  	_ =	shalt  }
0x3e: {  	_ =	shalt  }
0x3f: {  	_ =	shalt  }
0x40: {  	_ =	shalt  }
0x41: {  	_ =	shalt  }
0x42: {  	_ =	shalt  }
0x43: {  	_ =	shalt  }
0x44: {  	_ =	shalt  }
0x45: {  	_ =	shalt  }
0x46: {  	_ =	shalt  }
0x47: {  	_ =	shalt  }
0x48: {  	_ =	shalt  }
0x49: {  	_ =	shalt  }
0x4a: {  	_ =	shalt  }
0x4b: {  	_ =	shalt  }
0x4c: {  	_ =	shalt  }
0x4d: {  	_ =	shalt  }
0x4e: {  	_ =	shalt  }
0x4f: {  	_ =	shalt  }
0x50: {  	_ =	shalt  }
0x51: {  	_ =	shalt  }
0x52: {  	_ =	shalt  }
0x53: {  	_ =	shalt  }
0x54: {  	_ =	shalt  }
0x55: {  	_ =	shalt  }
0x56: {  	_ =	shalt  }
0x57: {  	_ =	shalt  }
0x58: {  	_ =	shalt  }
0x59: {  	_ =	shalt  }
0x5a: {  	_ =	shalt  }
0x5b: {  	_ =	shalt  }
0x5c: {  	_ =	shalt  }
0x5d: {  	_ =	shalt  }
0x5e: {  	_ =	shalt  }
0x5f: {  	_ =	shalt  }
0x60: {  	_ =	shalt  }
0x61: {  	_ =	shalt  }
0x62: {  	_ =	shalt  }
0x63: {  	_ =	shalt  }
0x64: {  	_ =	shalt  }
0x65: {  	_ =	shalt  }
0x66: {  	_ =	shalt  }
0x67: {  	_ =	shalt  }
0x68: {  	_ =	shalt  }
0x69: {  	_ =	shalt  }
0x6a: {  	_ =	shalt  }
0x6b: {  	_ =	shalt  }
0x6c: {  	_ =	shalt  }
0x6d: {  	_ =	shalt  }
0x6e: {  	_ =	shalt  }
0x6f: {  	_ =	shalt  }
0x70: {  	_ =	shalt  }
0x71: {  	_ =	shalt  }
0x72: {  	_ =	shalt  }
0x73: {  	_ =	shalt  }
0x74: {  	_ =	shalt  }
0x75: {  	_ =	shalt  }
0x76: {  	_ =	shalt  }
0x77: {  	_ =	shalt  }
0x78: {  	_ =	shalt  }
0x79: {  	_ =	shalt  }
0x7a: {  	_ =	shalt  }
0x7b: {  	_ =	shalt  }
0x7c: {  	_ =	shalt  }
0x7d: {  	_ =	shalt  }
0x7e: {  	_ =	shalt  }
0x7f: {  	_ =	shalt  }
0x80: {  	_ =	shalt  }
0x81: {  	_ =	shalt  }
0x82: {  	_ =	shalt  }
0x83: {  	_ =	shalt  }
0x84: {  	_ =	shalt  }
0x85: {  	_ =	shalt  }
0x86: {  	_ =	shalt  }
0x87: {  	_ =	shalt  }
.Lfunc_end0:
.L_simem_size_0:
called_computation.1_lowered:
.L_overlay_start_0:
0x88: {  	s2 =	sld [smem:$0x3FD9]  }
0x89: {  	s3 =	sld [smem:$0x3FFE];
	_ =	sdelay $0x1  }
0x8a: {  	s1 =	srdreg.scid  }
0x8b: {  	s0 =	sand.u32 $0x1, s1  }
0x8c: {  	s17 =	sshll.u32 s0, $0xA;
	s2 =	sadd.s32 s3, s2  }
0x8d: {  	s2 =	sadd.s32 s2, s17  }
0x8e: {  	[smem:$0x3FBD] =	sst s2  }
0x8f: {  	_ = 	snop  }
0x90: {  	s18 =	sld [smem:$0x3FD0];
	(tm) =	ssettm $0x1  }
0x91: {  	s19 =	sld [smem:$0x3FFB];
	_ =	sdelay $0x3  }
0x92: {  	_ =	strace s19  }
0x93: {  	s2 =	sld [smem:$0x3FFC];
	_ =	sdelay $0x3  }
0x94: {  	_ =	strace s2  }
0x95: {  	s2 =	sld [smem:$0x3FFD];
	_ =	sdelay $0x3  }
0x96: {  	_ =	strace s2  }
0x97: {  	_ =	strace $0x8FFFFFFF  }
0x98: {  	s20 =	sld [smem:$0x3FDB];
	_ =	sdelay $0x1  }
0x99: {  	s4 =	simm.s32 $_scs_section_size  }
0x9a: {  	s5 =	simm.s32 $_size__tile_overlayer_lowered;
	s6 =	simm.s32 $_tile_overlayer_lowered  }
0x9b: {  	s7 =	simm.s32 $0x1BFF;
	s21 =	sshll.u32 s6, $0x1;
	s4 =	sadd.s32 s4, s20  }
0x9c: {  	s22 =	simm.s32 $0x0;
	s5 =	sshll.u32 s5, $0x1;
	s6 =	sadd.s32 s21, s4  }
0x9d: {  	[timem:s22], [sflag:s7] =	dma.local [hbm:s6], s5  }
0x9e: {  	_ =	swait.ge [sflag:s7], s5  }
0x9f: {  	s5 =	ssub.s32 $0x0, s5;
	[sflag:s7] =	ssyncset.done $0x0  }
0xa0: {  	[sflag:s7] =	ssyncadd.s32 s5;
	_ =	sdelay $0x1  }
0xa1: {  	s23 =	simm.s32 $0x1B8B  }
0xa2: {  	_ =	swait.ge [sflag:s23], $0x1  }
0xa3: {  	[sflag:s23] =	ssyncset.done $0x0  }
0xa4: {  	[sflag:s23] =	ssyncadd.s32 $0xFFFFFFFF  }
0xa5: {  	s5 =	sld [smem:$0x0]  }
0xa6: {  	s6 =	sand.u32 $0xFFFFFFFE, s1  }
0xa7: {  	p0 =	sne.s32 s1, s6  }
0xa8: {  	s6 =	sshll.u32 @p0 s6, $0xE  }
0xa9: {  	s6 =	sadd.s32 @p0 $0x11B8D, s6;
	s7 =	sshll.u32 @p0 s5, $0x11  }
0xaa: {  	s6 =	sor.u32 @p0 s7, s6  }
0xab: {  	[sflag:s6] =	ssyncadd.remote.s32 @p0 $0x1;
	_ =	sdelay $0x1  }
0xac: {  	s6 =	simm.s32 @p0 $0x1B8D  }
0xad: {  	_ =	swait.eq @p0 [sflag:s6], $0x1  }
0xae: {  	[sflag:s6] =	ssyncadd.s32 @p0 $0xFFFFFFFF  }
0xaf: {  	s7 =	sshll.u32 @!p0 s1, $0xE  }
0xb0: {  	s7 =	sor.u32 @!p0 $0x4000, s7;
	s6 =	simm.s32 @!p0 $0x1B8D  }
0xb1: {  	s5 =	sshll.u32 @!p0 s5, $0x11;
	s7 =	sadd.s32 @!p0 $0x11B8D, s7;
	_ =	swait.eq @!p0 [sflag:s6], $0x1  }
0xb2: {  	s5 =	sor.u32 @!p0 s5, s7;
	[sflag:s6] =	ssyncadd.s32 @!p0 $0xFFFFFFFF  }
0xb3: {  	s25 =	simm.s32 $0x1B8E;
	s24 =	sld [smem:$0x3FFE];
	[sflag:s5] =	ssyncadd.remote.s32 @!p0 $0x1  }
0xb4: {  	s26 =	simm.s32 $execute0_lowered;
	[smem:$0x3FD2] =	sst s25  }
0xb5: {  	s6 =	sshll.u32 s26, $0x1;
	_ =	strace $0x80000049;
	[dreg:$0x1] =	wrdreg $0xFFFFFFFF  }
0xb6: {  	s28 =	simm.s32 $_size_execute0_lowered;
	s4 =	sadd.s32 s4, s6;
	[dreg:$0x0] =	wrdreg $0x0  }
0xb7: {  	s6 =	sshll.u32 s28, $0x1;
	[dreg:$0x2] =	wrdreg s4  }
0xb8: {  	[dreg:$0x3] =	wrdreg s6  }
0xb9: {  	[dreg:$0x4] =	wrdreg $0xC0  }
0xba: {  	_ =	task [dreg:s22], $0x5FFFF  }
0xbb: {  	[dreg:$0x1] =	wrdreg $0xFFFFFFFF  }
0xbc: {  	[dreg:$0x0] =	wrdreg $0x60  }
0xbd: {  	[dreg:$0x2] =	wrdreg s18  }
0xbe: {  	[dreg:$0x3] =	wrdreg s24  }
0xbf: {  	[dreg:$0x4] =	wrdreg $0xA8000  }
0xc0: {  	[dreg:$0x5] =	wrdreg $0x9  }
0xc1: {  	_ =	task.clear_ibuf [dreg:s22], $0x6FFFF;
	_ =	strace $0x90000049  }
0xc2: {  	s29 =	simm.s32 $0x9;
	_ =	strace $0x8000004B  }
0xc3: {  	_ =	swait.ge [sflag:s29], $0x1  }
0xc4: {  	[sflag:s29] =	ssyncadd.s32 $0xFFFFFFFF  }
0xc5: {  	_ =	strace $0x9000004B  }
0xc6: {  	_ =	sfence  }
0xc7: {  	s30 =	sld [smem:$0x0];
	_ =	sdelay $0x2  }
0xc8: {  	s31 =	sshll.u32 s1, $0xD;
	s1 =	sshrl.u32 s1, $0x2  }
0xc9: {  	s4 =	sand.u32 $0x4000, s31;
	s1 =	sadd.s32 s1, s30  }
0xca: {  	s0 =	sor.u32 s4, s0;
	s1 =	sshll.u32 s1, $0x11  }
0xcb: {  	s0 =	sor.u32 s1, s0  }
0xcc: {  	s0 =	sadd.s32 $0x8F2B, s0  }
0xcd: {  	[sflag:s0] =	ssyncadd.remote.s32 $0x1  }
0xce: {  	_ =	sfence.sel $0xFFFF  }
0xcf: {  	[dreg:$0x0] =	wrdreg $0xFFFFFFFF;
	(pc) =	sbr.abs _section_cstart, $3  }
0xd0: {  	[dreg:$0x1] =	wrdreg $0xFFFFFFFF  }
0xd1: {  	_ =	task.clear_ibuf [dreg:s22], $0x2FFFF;
	_ =	strace $0x9FFFFFFF  }
0xd2: {  	(tm) =	ssettm $0x7FFFFFFF  }
0xd3: {  	_ =	shalt  }
tec
execute0_lowered:
.L_overlay_start_1:
0x0: {  	(tag) =	ssettag $0x1  }
0x1: {  	s1 =	rddreg [dreg:$0x0]  }
0x2: {  	s6 =	rddreg [dreg:$0x1]  }
0x3: {  	s2 =	rddreg [dreg:$0x2];
	s3 =	srdreg.scid  }
0x4: {  	s0 =	rddreg [dreg:$0x3];
	s4 =	simm.s32 $0x0;
	s15 =	simm.s32 $0x1400  }
0x5: {  	s16 =	simm.s32 $0x80;
	s17 =	simm.s32 $0x2800;
	s18 =	simm.s32 $0x6800  }
0x6: {  	s19 =	simm.s32 $0x1;
	s20 =	simm.s32 $0x2;
	s21 =	simm.s32 $0x1380  }
0x7: {  	s22 =	simm.s32 $0x2700;
	s5 =	sand.u32 $0x1, s3;
	s3 =	stileid.u32  }
0x8: {  	[smem:$0x7FF] =	sst s4;
	s9 =	sadd.s32 $0x3D400, s6;
	s7 =	smul.u32 $0x140000, s5  }
0x9: {  	s10 =	sadd.s32 $0x51400, s6;
	s8 =	smul.u32 $0x14000, s3;
	_ =	strace $0x8000004A  }
0xa: {  	s23 =	sshll.u32 s5, $0x4;
	s11 =	ssub.s32 $0x2, s5;
	s25 =	smul.u32 $0x50000, s3  }
0xb: {  	s5 =	sadd.s32 $0x5B400, s6;
	s28 =	sshll.u32 s3, $0x6;
	s24 =	sor.u32 s3, s23  }
0xc: {  	s12 =	sshrl.u32 s11, $0x1;
	s23 =	simm.s32 $0x2780;
	s7 =	sadd.s32 s8, s7  }
0xd: {  	s13 =	smul.u32 $0x2800, s24;
	s12 =	ssub.s32 s11, s12;
	s26 =	sshrl.u32 s25, $0x2  }
0xe: {  	s24 =	simm.s32 $0x0;
	s7 =	sshrl.u32 s7, $0x3;
	s30 =	sadd.s32 s26, s2  }
0xf: {  	s12 =	smax.u32 s12, $0x1;
	s14 =	sadd.s32 s7, s6;
	s29 =	sshrl.u32 s13, $0x3  }
0x10: {  	s6 =	sor.u32 $0x1C03, s28;
	s13 =	sshrl.u32 s30, $0x3;
	s31 =	sadd.s32 $0x280, s29  }
0x11: {  	s7 =	sadd.s32 s9, s29;
	s8 =	sadd.s32 s10, s29;
	s11 =	sadd.s32 $0x5DC00, s14  }
0x12: {  	s14 =	simm.s32 $0x3;
	s9 =	sadd.s32 s9, s31;
	s10 =	sadd.s32 s10, s31  }
.LBB2_1:
0x13: {  	[spmem:s13], [sflag:s6] =	dma.local [hbm:s5], $0x2800  }
0x14: {  	_ =	swait.ge [sflag:s14], $0x2800  }
0x15: {  	[sflag:s14] =	ssyncset.done $0x0  }
0x16: {  	[sflag:s14] =	ssyncadd.s32 $0xFFFFD800  }
0x17: {  	[bflag:$0x0] =	sbarrier.arrive $0xFFFF  }
0x18: {  	[tilespmem:s4], [sflag:$0x3] =	stream.linear.gather [hbm4b:s7+s4], $0x1400, $0x38;
	[tilespmem:$0x1E800] =	vst v63  }
0x19: {  	_ =	swait.ge [sflag:s14], $0x1400  }
0x1a: {  	[sflag:s14] =	ssyncset.done $0x0  }
0x1b: {  	[sflag:s14] =	ssyncadd.s32 $0xFFFFEC00  }
0x1c: {  	[tilespmem:s15], [sflag:$0x3] =	stream.linear.gather [hbm4b:s8+s4], $0x1400, $0x38;
	[tilespmem:$0x1E800] =	vst v63  }
0x1d: {  	_ =	swait.ge [sflag:s14], $0x1400  }
0x1e: {  	[sflag:s14] =	ssyncset.done $0x0  }
0x1f: {  	[sflag:s14] =	ssyncadd.s32 $0xFFFFEC00  }
0x20: {  	[tilespmem:s17], [sflag:$0x1] =	stream.indirect.gather [hbm4b:s1+s16], $0x80, s4, s16, $0xb8;
	[tilespmem:$0x1E800] =	vst v63  }
0x21: {  	s25 =	simm.s32 $0x80  }
0x22: {  	[tilespmem:s18], [sflag:$0x2] =	stream.indirect.gather [hbm4b:s1+s16], $0x80, s25, s16, $0xb8;
	[tilespmem:$0x1E800] =	vst v63  }
0x23: {  	_ =	swait.ge [sflag:s19], $0x4000  }
0x24: {  	[sflag:s19] =	ssyncset.done $0x0  }
0x25: {  	s29 =	simm.s32 $0x1400;
	[sflag:s19] =	ssyncadd.s32 $0xFFFFC000  }
0x26: {  	[spmem:s2] =	stream.indirect.scatter.add.f32 [tilespmem:s17], [sflag:$0x3], $0x80, s29, s16, $0xb8;
	[tilespmem:$0x1E800] =	vst v63  }
0x27: {  	_ =	swait.ge [sflag:s14], $0x4000  }
0x28: {  	[sflag:s14] =	ssyncset.done $0x0  }
0x29: {  	s30 =	simm.s32 $0x100;
	[sflag:s14] =	ssyncadd.s32 $0xFFFFC000  }
0x2a: {  	[tilespmem:s17], [sflag:$0x1] =	stream.indirect.gather [hbm4b:s1+s16], $0x80, s30, s16, $0xb8;
	[tilespmem:$0x1E800] =	vst v63  }
0x2b: {  	_ =	swait.ge [sflag:s20], $0x4000  }
0x2c: {  	[sflag:s20] =	ssyncset.done $0x0  }
0x2d: {  	s31 =	simm.s32 $0x1480;
	[sflag:s20] =	ssyncadd.s32 $0xFFFFC000  }
0x2e: {  	[spmem:s2] =	stream.indirect.scatter.add.f32 [tilespmem:s18], [sflag:$0x3], $0x80, s31, s16, $0xb8;
	[tilespmem:$0x1E800] =	vst v63  }
0x2f: {  	_ =	swait.ge [sflag:s14], $0x4000  }
0x30: {  	s26 =	simm.s32 $0x800;
	s25 =	simm.s32 $0x100;
	[sflag:s14] =	ssyncset.done $0x0  }
.LBB2_2:
0x31: {  	s28 =	sadd.s32 $0x80, s25  }
0x32: {  	[sflag:s14] =	ssyncadd.s32 $0xFFFFC000;
	s29 =	smov.u32 s26;
	s30 =	sadd.s32 $0x400, s26  }
0x33: {  	[tilespmem:s18], [sflag:$0x2] =	stream.indirect.gather [hbm4b:s1+s16], $0x80, s28, s16, $0xb8;
	[tilespmem:$0x1E800] =	vst v63  }
0x34: {  	p0 =	sne.s32 s26, $0x4800;
	_ =	swait.ge [sflag:s19], $0x4000  }
0x35: {  	[sflag:s19] =	ssyncset.done $0x0  }
0x36: {  	s26 =	sadd.s32 $0x1400, s25;
	[sflag:s19] =	ssyncadd.s32 $0xFFFFC000  }
0x37: {  	[spmem:s2] =	stream.indirect.scatter.add.f32 [tilespmem:s17], [sflag:$0x3], $0x80, s26, s16, $0xb8;
	[tilespmem:$0x1E800] =	vst v63  }
0x38: {  	_ =	swait.ge [sflag:s14], $0x4000  }
0x39: {  	[sflag:s14] =	ssyncset.done $0x0  }
0x3a: {  	s26 =	sadd.s32 $0x100, s25;
	[sflag:s14] =	ssyncadd.s32 $0xFFFFC000  }
0x3b: {  	[tilespmem:s17], [sflag:$0x1] =	stream.indirect.gather [hbm4b:s1+s16], $0x80, s26, s16, $0xb8;
	[tilespmem:$0x1E800] =	vst v63  }
0x3c: {  	_ =	swait.ge [sflag:s20], $0x4000  }
.Ltmp0:
0x3d: {  	[sflag:s20] =	ssyncset.done $0x0;
	(pc) =	sbr.rel @p0 .LBB2_2-.Ltmp0, $4  }
0x3e: {  	s25 =	sadd.s32 $0x1480, s25;
	[sflag:s20] =	ssyncadd.s32 $0xFFFFC000  }
0x3f: {  	[spmem:s2] =	stream.indirect.scatter.add.f32 [tilespmem:s18], [sflag:$0x3], $0x80, s25, s16, $0xb8;
	[tilespmem:$0x1E800] =	vst v63  }
0x40: {  	_ =	swait.ge [sflag:s14], $0x4000  }
0x41: {  	s26 =	smov.u32 s30;
	s25 =	sshra.s32 s29, $0x2;
	[sflag:s14] =	ssyncset.done $0x0  }
0x42: {  	s26 =	sadd.s32 $0x80, s25;
	[sflag:s14] =	ssyncadd.s32 $0xFFFFC000  }
0x43: {  	[tilespmem:s18], [sflag:$0x2] =	stream.indirect.gather [hbm4b:s1+s16], $0x80, s26, s16, $0xb8;
	[tilespmem:$0x1E800] =	vst v63  }
0x44: {  	_ =	swait.ge [sflag:s19], $0x4000  }
0x45: {  	[sflag:s19] =	ssyncset.done $0x0  }
0x46: {  	s29 =	sadd.s32 $0x1400, s25;
	[sflag:s19] =	ssyncadd.s32 $0xFFFFC000  }
0x47: {  	[spmem:s2] =	stream.indirect.scatter.add.f32 [tilespmem:s17], [sflag:$0x3], $0x80, s29, s16, $0xb8;
	[tilespmem:$0x1E800] =	vst v63  }
0x48: {  	_ =	swait.ge [sflag:s14], $0x4000  }
0x49: {  	[sflag:s14] =	ssyncset.done $0x0  }
0x4a: {  	s30 =	sadd.s32 $0x100, s25;
	[sflag:s14] =	ssyncadd.s32 $0xFFFFC000  }
0x4b: {  	[tilespmem:s17], [sflag:$0x1] =	stream.indirect.gather [hbm4b:s1+s16], $0x80, s30, s16, $0xb8;
	[tilespmem:$0x1E800] =	vst v63  }
0x4c: {  	_ =	swait.ge [sflag:s20], $0x4000  }
0x4d: {  	[sflag:s20] =	ssyncset.done $0x0  }
0x4e: {  	s31 =	sadd.s32 $0x1480, s25;
	[sflag:s20] =	ssyncadd.s32 $0xFFFFC000  }
0x4f: {  	[spmem:s2] =	stream.indirect.scatter.add.f32 [tilespmem:s18], [sflag:$0x3], $0x80, s31, s16, $0xb8;
	[tilespmem:$0x1E800] =	vst v63  }
0x50: {  	_ =	swait.ge [sflag:s14], $0x4000  }
0x51: {  	[sflag:s14] =	ssyncset.done $0x0  }
0x52: {  	[sflag:s14] =	ssyncadd.s32 $0xFFFFC000  }
0x53: {  	[tilespmem:s18], [sflag:$0x2] =	stream.indirect.gather [hbm4b:s1+s16], $0x80, s21, s16, $0xb8;
	[tilespmem:$0x1E800] =	vst v63  }
0x54: {  	_ =	swait.ge [sflag:s19], $0x4000  }
0x55: {  	[sflag:s19] =	ssyncset.done $0x0  }
0x56: {  	[sflag:s19] =	ssyncadd.s32 $0xFFFFC000  }
0x57: {  	[spmem:s2] =	stream.indirect.scatter.add.f32 [tilespmem:s17], [sflag:$0x3], $0x80, s22, s16, $0xb8;
	[tilespmem:$0x1E800] =	vst v63  }
0x58: {  	_ =	swait.ge [sflag:s14], $0x4000  }
0x59: {  	[sflag:s14] =	ssyncset.done $0x0  }
0x5a: {  	[sflag:s14] =	ssyncadd.s32 $0xFFFFC000  }
0x5b: {  	_ =	swait.ge [sflag:s20], $0x4000  }
0x5c: {  	[sflag:s20] =	ssyncset.done $0x0  }
0x5d: {  	[sflag:s20] =	ssyncadd.s32 $0xFFFFC000  }
0x5e: {  	[spmem:s2] =	stream.indirect.scatter.add.f32 [tilespmem:s18], [sflag:$0x3], $0x80, s23, s16, $0xb8;
	[tilespmem:$0x1E800] =	vst v63  }
0x5f: {  	_ =	swait.ge [sflag:s14], $0x4000  }
0x60: {  	[sflag:s14] =	ssyncset.done $0x0  }
0x61: {  	s26 =	simm.s32 $0x0;
	[sflag:s14] =	ssyncadd.s32 $0xFFFFC000  }
0x62: {  	[tilespmem:s26], [sflag:$0x3] =	stream.linear.gather [hbm4b:s9+s26], $0x1400, $0x38;
	[tilespmem:$0x1E800] =	vst v63  }
0x63: {  	_ =	swait.ge [sflag:s14], $0x1400  }
0x64: {  	[sflag:s14] =	ssyncset.done $0x0  }
0x65: {  	[sflag:s14] =	ssyncadd.s32 $0xFFFFEC00  }
0x66: {  	[tilespmem:s15], [sflag:$0x3] =	stream.linear.gather [hbm4b:s10+s26], $0x1400, $0x38;
	[tilespmem:$0x1E800] =	vst v63  }
0x67: {  	_ =	swait.ge [sflag:s14], $0x1400  }
0x68: {  	[sflag:s14] =	ssyncset.done $0x0  }
0x69: {  	[sflag:s14] =	ssyncadd.s32 $0xFFFFEC00  }
0x6a: {  	[tilespmem:s17], [sflag:$0x1] =	stream.indirect.gather [hbm4b:s1+s16], $0x80, s26, s16, $0xb8;
	[tilespmem:$0x1E800] =	vst v63  }
0x6b: {  	s28 =	simm.s32 $0x80  }
0x6c: {  	[tilespmem:s18], [sflag:$0x2] =	stream.indirect.gather [hbm4b:s1+s16], $0x80, s28, s16, $0xb8;
	[tilespmem:$0x1E800] =	vst v63  }
0x6d: {  	_ =	swait.ge [sflag:s19], $0x4000  }
0x6e: {  	[sflag:s19] =	ssyncset.done $0x0  }
0x6f: {  	s29 =	simm.s32 $0x1400;
	[sflag:s19] =	ssyncadd.s32 $0xFFFFC000  }
0x70: {  	[spmem:s2] =	stream.indirect.scatter.add.f32 [tilespmem:s17], [sflag:$0x3], $0x80, s29, s16, $0xb8;
	[tilespmem:$0x1E800] =	vst v63  }
0x71: {  	_ =	swait.ge [sflag:s14], $0x4000  }
0x72: {  	[sflag:s14] =	ssyncset.done $0x0  }
0x73: {  	s30 =	simm.s32 $0x100;
	[sflag:s14] =	ssyncadd.s32 $0xFFFFC000  }
0x74: {  	[tilespmem:s17], [sflag:$0x1] =	stream.indirect.gather [hbm4b:s1+s16], $0x80, s30, s16, $0xb8;
	[tilespmem:$0x1E800] =	vst v63  }
0x75: {  	_ =	swait.ge [sflag:s20], $0x4000  }
0x76: {  	[sflag:s20] =	ssyncset.done $0x0  }
0x77: {  	s31 =	simm.s32 $0x1480;
	[sflag:s20] =	ssyncadd.s32 $0xFFFFC000  }
0x78: {  	[spmem:s2] =	stream.indirect.scatter.add.f32 [tilespmem:s18], [sflag:$0x3], $0x80, s31, s16, $0xb8;
	[tilespmem:$0x1E800] =	vst v63  }
0x79: {  	_ =	swait.ge [sflag:s14], $0x4000  }
0x7a: {  	s25 =	simm.s32 $0x100;
	s26 =	simm.s32 $0x800;
	[sflag:s14] =	ssyncset.done $0x0  }
.LBB2_4:
0x7b: {  	s28 =	sadd.s32 $0x80, s25  }
0x7c: {  	[sflag:s14] =	ssyncadd.s32 $0xFFFFC000;
	s29 =	smov.u32 s26;
	s30 =	sadd.s32 $0x400, s26  }
0x7d: {  	[tilespmem:s18], [sflag:$0x2] =	stream.indirect.gather [hbm4b:s1+s16], $0x80, s28, s16, $0xb8;
	[tilespmem:$0x1E800] =	vst v63  }
0x7e: {  	p0 =	sne.s32 s26, $0x4800;
	_ =	swait.ge [sflag:s19], $0x4000  }
0x7f: {  	[sflag:s19] =	ssyncset.done $0x0  }
0x80: {  	s26 =	sadd.s32 $0x1400, s25;
	[sflag:s19] =	ssyncadd.s32 $0xFFFFC000  }
0x81: {  	[spmem:s2] =	stream.indirect.scatter.add.f32 [tilespmem:s17], [sflag:$0x3], $0x80, s26, s16, $0xb8;
	[tilespmem:$0x1E800] =	vst v63  }
0x82: {  	_ =	swait.ge [sflag:s14], $0x4000  }
0x83: {  	[sflag:s14] =	ssyncset.done $0x0  }
0x84: {  	s26 =	sadd.s32 $0x100, s25;
	[sflag:s14] =	ssyncadd.s32 $0xFFFFC000  }
0x85: {  	[tilespmem:s17], [sflag:$0x1] =	stream.indirect.gather [hbm4b:s1+s16], $0x80, s26, s16, $0xb8;
	[tilespmem:$0x1E800] =	vst v63  }
0x86: {  	_ =	swait.ge [sflag:s20], $0x4000  }
.Ltmp1:
0x87: {  	[sflag:s20] =	ssyncset.done $0x0;
	(pc) =	sbr.rel @p0 .LBB2_4-.Ltmp1, $4  }
0x88: {  	s25 =	sadd.s32 $0x1480, s25;
	[sflag:s20] =	ssyncadd.s32 $0xFFFFC000  }
0x89: {  	[spmem:s2] =	stream.indirect.scatter.add.f32 [tilespmem:s18], [sflag:$0x3], $0x80, s25, s16, $0xb8;
	[tilespmem:$0x1E800] =	vst v63  }
0x8a: {  	_ =	swait.ge [sflag:s14], $0x4000  }
0x8b: {  	s26 =	smov.u32 s30;
	s25 =	sshra.s32 s29, $0x2;
	[sflag:s14] =	ssyncset.done $0x0  }
0x8c: {  	s26 =	sadd.s32 $0x80, s25;
	[sflag:s14] =	ssyncadd.s32 $0xFFFFC000  }
0x8d: {  	[tilespmem:s18], [sflag:$0x2] =	stream.indirect.gather [hbm4b:s1+s16], $0x80, s26, s16, $0xb8;
	[tilespmem:$0x1E800] =	vst v63  }
0x8e: {  	_ =	swait.ge [sflag:s19], $0x4000  }
0x8f: {  	[sflag:s19] =	ssyncset.done $0x0  }
0x90: {  	s29 =	sadd.s32 $0x1400, s25;
	[sflag:s19] =	ssyncadd.s32 $0xFFFFC000  }
0x91: {  	[spmem:s2] =	stream.indirect.scatter.add.f32 [tilespmem:s17], [sflag:$0x3], $0x80, s29, s16, $0xb8;
	[tilespmem:$0x1E800] =	vst v63  }
0x92: {  	_ =	swait.ge [sflag:s14], $0x4000  }
0x93: {  	[sflag:s14] =	ssyncset.done $0x0  }
0x94: {  	s30 =	sadd.s32 $0x100, s25;
	[sflag:s14] =	ssyncadd.s32 $0xFFFFC000  }
0x95: {  	[tilespmem:s17], [sflag:$0x1] =	stream.indirect.gather [hbm4b:s1+s16], $0x80, s30, s16, $0xb8;
	[tilespmem:$0x1E800] =	vst v63  }
0x96: {  	_ =	swait.ge [sflag:s20], $0x4000  }
0x97: {  	[sflag:s20] =	ssyncset.done $0x0  }
0x98: {  	s31 =	sadd.s32 $0x1480, s25;
	[sflag:s20] =	ssyncadd.s32 $0xFFFFC000  }
0x99: {  	[spmem:s2] =	stream.indirect.scatter.add.f32 [tilespmem:s18], [sflag:$0x3], $0x80, s31, s16, $0xb8;
	[tilespmem:$0x1E800] =	vst v63  }
0x9a: {  	_ =	swait.ge [sflag:s14], $0x4000  }
0x9b: {  	[sflag:s14] =	ssyncset.done $0x0  }
0x9c: {  	[sflag:s14] =	ssyncadd.s32 $0xFFFFC000  }
0x9d: {  	[tilespmem:s18], [sflag:$0x2] =	stream.indirect.gather [hbm4b:s1+s16], $0x80, s21, s16, $0xb8;
	[tilespmem:$0x1E800] =	vst v63  }
0x9e: {  	_ =	swait.ge [sflag:s19], $0x4000  }
0x9f: {  	[sflag:s19] =	ssyncset.done $0x0  }
0xa0: {  	[sflag:s19] =	ssyncadd.s32 $0xFFFFC000  }
0xa1: {  	[spmem:s2] =	stream.indirect.scatter.add.f32 [tilespmem:s17], [sflag:$0x3], $0x80, s22, s16, $0xb8;
	[tilespmem:$0x1E800] =	vst v63  }
0xa2: {  	_ =	swait.ge [sflag:s14], $0x4000  }
0xa3: {  	[sflag:s14] =	ssyncset.done $0x0  }
0xa4: {  	[sflag:s14] =	ssyncadd.s32 $0xFFFFC000  }
0xa5: {  	_ =	swait.ge [sflag:s20], $0x4000  }
0xa6: {  	[sflag:s20] =	ssyncset.done $0x0  }
0xa7: {  	[sflag:s20] =	ssyncadd.s32 $0xFFFFC000  }
0xa8: {  	[spmem:s2] =	stream.indirect.scatter.add.f32 [tilespmem:s18], [sflag:$0x3], $0x80, s23, s16, $0xb8;
	[tilespmem:$0x1E800] =	vst v63  }
0xa9: {  	_ =	swait.ge [sflag:s14], $0x4000  }
0xaa: {  	s24 =	sadd.s32 $0x1, s24;
	[sflag:s14] =	ssyncset.done $0x0  }
0xab: {  	p0 =	sne.s32 s24, s12;
	[sflag:s14] =	ssyncadd.s32 $0xFFFFC000  }
.Ltmp2:
0xac: {  	[bflag:$0x0] =	sbarrier.arrive $0xFFFF;
	(pc) =	sbr.rel @p0 .LBB2_1-.Ltmp2, $4  }
0xad: {  	[hbm:s11], [sflag:s6] =	dma.local [spmem:s13], $0x2800  }
0xae: {  	_ =	swait.ge [sflag:s14], $0x2800  }
0xaf: {  	[sflag:s14] =	ssyncset.done $0x0  }
0xb0: {  	[sflag:s14] =	ssyncadd.s32 $0xFFFFD800  }
0xb1: {  	_ =	sfence.sel $0x180000  }
0xb2: {  	[bflag:$0x0] =	sbarrier.arrive $0xFFFF  }
0xb3: {  	p0 =	sne.s32 s3, $0x0;
	_ =	strace $0x9000004A  }
0xb4: {  	s0 =	sadd.s32 @!p0 $0x100000, s0;
	[bflag:$0x2] =	sbarrier.arrive $0xFFFF  }
0xb5: {  	[sflag:s0] =	ssyncadd.tile.s32 @!p0 $0x1;
	_ =	shalt  }
.Lfunc_end2:
_tile_overlayer_lowered:
.L_overlay_start_2:
0xb6: {  	(tag) =	ssettag $0x2  }
0xb7: {  	s0 =	rddreg [dreg:$0x0];
	s2 =	stileid.u32  }
0xb8: {  	s1 =	rddreg [dreg:$0x1];
	p0 =	sne.s32 s2, $0x0  }
0xb9: {  	s3 =	rddreg [dreg:$0x2];
	[bflag:$0x3] =	sbarrier.arrive $0xFFFF;
	s2 =	simm.s32 @!p0 $0x1C03  }
0xba: {  	[timem:s3], [sflag:s2] =	dma.local @!p0 [hbm:s0], s1  }
0xbb: {  	s0 =	simm.s32 @!p0 $0x3  }
0xbc: {  	_ =	swait.ge @!p0 [sflag:s0], s1  }
0xbd: {  	s1 =	ssub.s32 @!p0 $0x0, s1;
	[sflag:s0] =	ssyncset.done @!p0 $0x0  }
0xbe: {  	[sflag:s0] =	ssyncadd.s32 @!p0 s1  }
0xbf: {  	[bflag:$0x3] =	sbarrier.arrive $0xFFFF  }
0xc0: {  	_ =	shalt  }

// kernel: kernel.20.cloned.1.call-start
scs
__scs_entry_jumppad:
0x0: {  	(pc) =	sbr.rel $0x88, $3  }
0x1: {  	(tag) =	ssettag $0x0;
	lr =	simm.s32 $0x1  }
0x2: {  	[smem:$0x3F96] =	sst lr;
	_ =	strace $0xD0000000  }
0x3: {  	_ = 	snop  }
0x4: {  	_ = 	snop  }
0x5: {  	_ = 	snop  }
0x6: {  	_ = 	snop  }
0x7: {  	_ = 	snop  }
__scs_overlays_trampoline_lowered:
0x8: {  	[smem:$0x3FA5] =	sst s0  }
0x9: {  	[smem:$0x3FA6] =	sst s1  }
0xa: {  	[smem:$0x3FA7] =	sst s2  }
0xb: {  	[smem:$0x3FA8] =	sst s3  }
0xc: {  	[smem:$0x3FA9] =	sst s4  }
0xd: {  	[smem:$0x3FAA] =	sst s5  }
0xe: {  	[smem:$0x3FAB] =	sst s6  }
0xf: {  	[smem:$0x3FAC] =	sst s7  }
0x10: {  	[smem:$0x3FAD] =	sst s8  }
0x11: {  	[smem:$0x3FAE] =	sst s9;
	s0 =	simm.s32 @!p0 $0x0  }
0x12: {  	s1 =	sld [smem:$0x3F94];
	s0 =	simm.s32 @p0 $0x1  }
0x13: {  	[smem:$0x3FAF] =	sst s0;
	s0 =	simm.s32 @!p1 $0x0  }
0x14: {  	s2 =	sld [smem:$0x3F93];
	s0 =	simm.s32 @p1 $0x1  }
0x15: {  	[smem:$0x3FB0] =	sst s0;
	s0 =	simm.s32 @!p2 $0x0  }
0x16: {  	s3 =	sld [smem:$0x3FDB];
	s0 =	simm.s32 @p2 $0x1  }
0x17: {  	s4 =	simm.s32 $0x1BF5;
	[smem:$0x3FB2] =	sst s0  }
0x18: {  	s0 =	sld [smem:$0x3F95];
	_ =	swait.ge [sflag:s4], $0x0  }
0x19: {  	s7 =	sld [smem:$0x3F96]  }
0x1a: {  	s8 =	sadd.s32 $0xFFFFE003, lr  }
0x1b: {  	s9 =	sadd.s32 $0xFFFFFEF7, lr;
	s5 =	simm.s32 $0xFFFFFFFF;
	p2 =	slt.u32 s8, $0xFFFFF086  }
0x1c: {  	p1 =	slt.u32 s9, $0xF7A;
	s5 =	simm.s32 @!p2 $0x0  }
0x1d: {  	s5 =	simm.s32 @p1 $0x1;
	p0 =	seq.s32 s7, s2  }
0x1e: {  	s7 =	smul.u32 @!p0 $0xF7A, s2;
	p2 =	seq.s32 @!p0 s5, $0x0  }
0x1f: {  	s9 =	smul.u32 $0xF7A, s1;
	s8 =	simm.s32 @!p0 $0x1BF5;
	p2 =	por !p2, p0  }
0x20: {  	[sflag:s8] =	ssyncset.s32 @!p0 $0xFFFFF086;
	s6 =	sadd.s32 @!p0 s3, s7;
	s7 =	simm.s32 @!p0 $0x108  }
0x21: {  	s3 =	sadd.s32 s3, s9;
	s6 =	sadd.s32 @!p0 $0x88, s6;
	s7 =	simm.s32 @p2 $0x1082  }
0x22: {  	[simem:s7], [sflag:s8] =	dma.local @!p0 [hbm:s6], $0xF7A  }
0x23: {  	s9 =	sor.u32 $0xD0000000, s2;
	s6 =	simm.s32 $0x108;
	_ =	swait.ge @!p0 [sflag:s8], $0x0  }
0x24: {  	s3 =	sadd.s32 $0x88, s3;
	s6 =	simm.s32 @!p1 $0x1082;
	[sflag:s4] =	ssyncset.s32 $0xFFFFF086  }
0x25: {  	[simem:s6], [sflag:s4] =	dma.local [hbm:s3], $0xF7A  }
0x26: {  	[smem:$0x3F96] =	sst s1;
	(tag) =	ssettag s2;
	_ =	strace s9  }
0x27: {  	s1 =	sld [smem:$0x3FA6]  }
0x28: {  	s2 =	sld [smem:$0x3FA7]  }
0x29: {  	s4 =	sld [smem:$0x3FA9]  }
0x2a: {  	p0 =	seq.s32 s5, $0x0;
	s5 =	sld [smem:$0x3FAA]  }
0x2b: {  	s6 =	sld [smem:$0x3FAB]  }
0x2c: {  	s7 =	sld [smem:$0x3FAC]  }
0x2d: {  	s3 =	simm.s32 $0x108;
	s8 =	sld [smem:$0x3FAD]  }
0x2e: {  	s3 =	simm.s32 @!p0 $0x1082;
	s9 =	sld [smem:$0x3FAE]  }
0x2f: {  	lr =	sadd.s32 s0, s3;
	s0 =	sld [smem:$0x3FA5]  }
0x30: {  	s3 =	sld [smem:$0x3FA8]  }
0x31: {  	[smem:$0x3FB1] =	sst s10  }
0x32: {  	s10 =	sld [smem:$0x3FAF];
	_ =	sdelay $0x3  }
0x33: {  	p0 =	seq.s32 s10, $0x1;
	s10 =	sld [smem:$0x3FB1];
	_ =	sdelay $0x3  }
0x34: {  	[smem:$0x3FB1] =	sst s10  }
0x35: {  	s10 =	sld [smem:$0x3FB0];
	_ =	sdelay $0x3  }
0x36: {  	p1 =	seq.s32 s10, $0x1;
	s10 =	sld [smem:$0x3FB1];
	_ =	sdelay $0x3  }
0x37: {  	[smem:$0x3FB1] =	sst s10  }
0x38: {  	s10 =	sld [smem:$0x3FB2]  }
0x39: {  	_ = 	snop;
	(pc) =	sbr.ind lr, $3  }
0x3a: {  	_ = 	snop  }
0x3b: {  	_ = 	snop  }
0x3c: {  	p2 =	seq.s32 s10, $0x1;
	s10 =	sld [smem:$0x3FB1]  }
0x3d: {  	_ =	shalt  }
0x3e: {  	_ =	shalt  }
0x3f: {  	_ =	shalt  }
0x40: {  	_ =	shalt  }
0x41: {  	_ =	shalt  }
0x42: {  	_ =	shalt  }
0x43: {  	_ =	shalt  }
0x44: {  	_ =	shalt  }
0x45: {  	_ =	shalt  }
0x46: {  	_ =	shalt  }
0x47: {  	_ =	shalt  }
0x48: {  	_ =	shalt  }
0x49: {  	_ =	shalt  }
0x4a: {  	_ =	shalt  }
0x4b: {  	_ =	shalt  }
0x4c: {  	_ =	shalt  }
0x4d: {  	_ =	shalt  }
0x4e: {  	_ =	shalt  }
0x4f: {  	_ =	shalt  }
0x50: {  	_ =	shalt  }
0x51: {  	_ =	shalt  }
0x52: {  	_ =	shalt  }
0x53: {  	_ =	shalt  }
0x54: {  	_ =	shalt  }
0x55: {  	_ =	shalt  }
0x56: {  	_ =	shalt  }
0x57: {  	_ =	shalt  }
0x58: {  	_ =	shalt  }
0x59: {  	_ =	shalt  }
0x5a: {  	_ =	shalt  }
0x5b: {  	_ =	shalt  }
0x5c: {  	_ =	shalt  }
0x5d: {  	_ =	shalt  }
0x5e: {  	_ =	shalt  }
0x5f: {  	_ =	shalt  }
0x60: {  	_ =	shalt  }
0x61: {  	_ =	shalt  }
0x62: {  	_ =	shalt  }
0x63: {  	_ =	shalt  }
0x64: {  	_ =	shalt  }
0x65: {  	_ =	shalt  }
0x66: {  	_ =	shalt  }
0x67: {  	_ =	shalt  }
0x68: {  	_ =	shalt  }
0x69: {  	_ =	shalt  }
0x6a: {  	_ =	shalt  }
0x6b: {  	_ =	shalt  }
0x6c: {  	_ =	shalt  }
0x6d: {  	_ =	shalt  }
0x6e: {  	_ =	shalt  }
0x6f: {  	_ =	shalt  }
0x70: {  	_ =	shalt  }
0x71: {  	_ =	shalt  }
0x72: {  	_ =	shalt  }
0x73: {  	_ =	shalt  }
0x74: {  	_ =	shalt  }
0x75: {  	_ =	shalt  }
0x76: {  	_ =	shalt  }
0x77: {  	_ =	shalt  }
0x78: {  	_ =	shalt  }
0x79: {  	_ =	shalt  }
0x7a: {  	_ =	shalt  }
0x7b: {  	_ =	shalt  }
0x7c: {  	_ =	shalt  }
0x7d: {  	_ =	shalt  }
0x7e: {  	_ =	shalt  }
0x7f: {  	_ =	shalt  }
0x80: {  	_ =	shalt  }
0x81: {  	_ =	shalt  }
0x82: {  	_ =	shalt  }
0x83: {  	_ =	shalt  }
0x84: {  	_ =	shalt  }
0x85: {  	_ =	shalt  }
0x86: {  	_ =	shalt  }
0x87: {  	_ =	shalt  }
.Lfunc_end0:
.L_simem_size_0:
called_computation.2_lowered:
.L_overlay_start_0:
0x88: {  	s2 =	sld [smem:$0x3FD9]  }
0x89: {  	s3 =	sld [smem:$0x3FFE];
	_ =	sdelay $0x1  }
0x8a: {  	s1 =	srdreg.scid  }
0x8b: {  	s0 =	sand.u32 $0x1, s1  }
0x8c: {  	s17 =	sshll.u32 s0, $0xA;
	s2 =	sadd.s32 s3, s2  }
0x8d: {  	s2 =	sadd.s32 s2, s17  }
0x8e: {  	[smem:$0x3FBD] =	sst s2  }
0x8f: {  	_ = 	snop  }
0x90: {  	(tm) =	ssettm $0x1  }
0x91: {  	s18 =	sld [smem:$0x3FFB];
	_ =	sdelay $0x3  }
0x92: {  	_ =	strace s18  }
0x93: {  	s2 =	sld [smem:$0x3FFC];
	_ =	sdelay $0x3  }
0x94: {  	_ =	strace s2  }
0x95: {  	s2 =	sld [smem:$0x3FFD];
	_ =	sdelay $0x3  }
0x96: {  	_ =	strace s2  }
0x97: {  	_ =	strace $0x8FFFFFFF  }
0x98: {  	s19 =	sld [smem:$0x3FDB];
	_ =	sdelay $0x1  }
0x99: {  	s20 =	simm.s32 $_scs_section_size  }
0x9a: {  	s4 =	simm.s32 $_size__tile_overlayer_lowered;
	s5 =	simm.s32 $_tile_overlayer_lowered  }
0x9b: {  	s6 =	simm.s32 $0x1BFF;
	s21 =	sshll.u32 s5, $0x1;
	s3 =	sadd.s32 s20, s19  }
0x9c: {  	s22 =	simm.s32 $0x0;
	s4 =	sshll.u32 s4, $0x1;
	s5 =	sadd.s32 s21, s3  }
0x9d: {  	[timem:s22], [sflag:s6] =	dma.local [hbm:s5], s4  }
0x9e: {  	_ =	swait.ge [sflag:s6], s4  }
0x9f: {  	s4 =	ssub.s32 $0x0, s4;
	[sflag:s6] =	ssyncset.done $0x0  }
0xa0: {  	[sflag:s6] =	ssyncadd.s32 s4;
	_ =	sdelay $0x1  }
0xa1: {  	s23 =	simm.s32 $0x1B8B  }
0xa2: {  	_ =	swait.ge [sflag:s23], $0x1  }
0xa3: {  	[sflag:s23] =	ssyncset.done $0x0  }
0xa4: {  	[sflag:s23] =	ssyncadd.s32 $0xFFFFFFFF  }
0xa5: {  	s4 =	sld [smem:$0x0]  }
0xa6: {  	s5 =	sand.u32 $0xFFFFFFFE, s1  }
0xa7: {  	p0 =	sne.s32 s1, s5  }
0xa8: {  	s5 =	sshll.u32 @p0 s5, $0xE  }
0xa9: {  	s5 =	sadd.s32 @p0 $0x11B8D, s5;
	s6 =	sshll.u32 @p0 s4, $0x11  }
0xaa: {  	s5 =	sor.u32 @p0 s6, s5  }
0xab: {  	[sflag:s5] =	ssyncadd.remote.s32 @p0 $0x1;
	_ =	sdelay $0x1  }
0xac: {  	s5 =	simm.s32 @p0 $0x1B8D  }
0xad: {  	_ =	swait.eq @p0 [sflag:s5], $0x1  }
0xae: {  	[sflag:s5] =	ssyncadd.s32 @p0 $0xFFFFFFFF  }
0xaf: {  	s6 =	sshll.u32 @!p0 s1, $0xE  }
0xb0: {  	s6 =	sor.u32 @!p0 $0x4000, s6;
	s5 =	simm.s32 @!p0 $0x1B8D  }
0xb1: {  	s4 =	sshll.u32 @!p0 s4, $0x11;
	s6 =	sadd.s32 @!p0 $0x11B8D, s6;
	_ =	swait.eq @!p0 [sflag:s5], $0x1  }
0xb2: {  	s4 =	sor.u32 @!p0 s4, s6;
	[sflag:s5] =	ssyncadd.s32 @!p0 $0xFFFFFFFF  }
0xb3: {  	s25 =	simm.s32 $0x1B8E;
	s24 =	sld [smem:$0x3FFE];
	[sflag:s4] =	ssyncadd.remote.s32 @!p0 $0x1  }
0xb4: {  	s26 =	simm.s32 $execute0_lowered;
	[smem:$0x3FD2] =	sst s25  }
0xb5: {  	s5 =	sshll.u32 s26, $0x1;
	_ =	strace $0x8000004C;
	[dreg:$0x1] =	wrdreg $0xFFFFFFFF  }
0xb6: {  	s28 =	simm.s32 $_size_execute0_lowered;
	s3 =	sadd.s32 s3, s5;
	[dreg:$0x0] =	wrdreg $0x0  }
0xb7: {  	s5 =	sshll.u32 s28, $0x1;
	[dreg:$0x2] =	wrdreg s3  }
0xb8: {  	[dreg:$0x3] =	wrdreg s5  }
0xb9: {  	[dreg:$0x4] =	wrdreg $0xC0  }
0xba: {  	_ =	task [dreg:s22], $0x5FFFF  }
0xbb: {  	[dreg:$0x1] =	wrdreg $0xFFFFFFFF  }
0xbc: {  	[dreg:$0x0] =	wrdreg $0x60  }
0xbd: {  	[dreg:$0x2] =	wrdreg s24  }
0xbe: {  	[dreg:$0x3] =	wrdreg $0xA8000  }
0xbf: {  	[dreg:$0x4] =	wrdreg $0xA  }
0xc0: {  	_ =	task.clear_ibuf [dreg:s22], $0x5FFFF;
	_ =	strace $0x9000004C  }
0xc1: {  	s29 =	simm.s32 $0xA;
	_ =	strace $0x8000004E  }
0xc2: {  	_ =	swait.ge [sflag:s29], $0x1  }
0xc3: {  	[sflag:s29] =	ssyncadd.s32 $0xFFFFFFFF  }
0xc4: {  	_ =	strace $0x9000004E  }
0xc5: {  	_ =	sfence  }
0xc6: {  	s30 =	sld [smem:$0x0];
	_ =	sdelay $0x2  }
0xc7: {  	s31 =	sshll.u32 s1, $0xD;
	s1 =	sshrl.u32 s1, $0x2  }
0xc8: {  	s4 =	sand.u32 $0x4000, s31;
	s1 =	sadd.s32 s1, s30  }
0xc9: {  	s0 =	sor.u32 s4, s0;
	s1 =	sshll.u32 s1, $0x11  }
0xca: {  	s0 =	sor.u32 s1, s0  }
0xcb: {  	s0 =	sadd.s32 $0x8F2B, s0  }
0xcc: {  	[sflag:s0] =	ssyncadd.remote.s32 $0x1  }
0xcd: {  	_ =	sfence.sel $0xFFFF  }
0xce: {  	[dreg:$0x0] =	wrdreg $0xFFFFFFFF;
	(pc) =	sbr.abs _section_cstart, $3  }
0xcf: {  	[dreg:$0x1] =	wrdreg $0xFFFFFFFF  }
0xd0: {  	_ =	task.clear_ibuf [dreg:s22], $0x2FFFF;
	_ =	strace $0x9FFFFFFF  }
0xd1: {  	(tm) =	ssettm $0x7FFFFFFF  }
tec
execute0_lowered:
.L_overlay_start_1:
0x0: {  	(tag) =	ssettag $0x1  }
0x1: {  	s6 =	rddreg [dreg:$0x0]  }
0x2: {  	s1 =	rddreg [dreg:$0x1]  }
0x3: {  	s2 =	srdreg.scid;
	s0 =	rddreg [dreg:$0x2]  }
0x4: {  	s3 =	simm.s32 $0x0;
	s15 =	simm.s32 $0x1400;
	s16 =	simm.s32 $0x80  }
0x5: {  	s17 =	simm.s32 $0x2800;
	s18 =	simm.s32 $0x6800;
	s19 =	simm.s32 $0x1  }
0x6: {  	s20 =	simm.s32 $0x2;
	s21 =	simm.s32 $0x1380;
	s22 =	simm.s32 $0x2700  }
0x7: {  	s5 =	sand.u32 $0x1, s2;
	s2 =	stileid.u32;
	[smem:$0x7FF] =	sst s3  }
0x8: {  	s4 =	sadd.s32 $0x15400, s6;
	s9 =	sadd.s32 $0x47400, s6;
	s7 =	smul.u32 $0x140000, s5  }
0x9: {  	s10 =	sadd.s32 $0x51400, s6;
	s8 =	smul.u32 $0x14000, s2;
	_ =	strace $0x8000004D  }
0xa: {  	s23 =	sshll.u32 s5, $0x4;
	s11 =	ssub.s32 $0x2, s5;
	s25 =	smul.u32 $0x50000, s2  }
0xb: {  	s5 =	sadd.s32 $0x5B400, s6;
	s28 =	sshll.u32 s2, $0x6;
	s24 =	sor.u32 s2, s23  }
0xc: {  	s12 =	sshrl.u32 s11, $0x1;
	s23 =	simm.s32 $0x2780;
	s7 =	sadd.s32 s8, s7  }
0xd: {  	s13 =	smul.u32 $0x2800, s24;
	s12 =	ssub.s32 s11, s12;
	s26 =	sshrl.u32 s25, $0x2  }
0xe: {  	s24 =	simm.s32 $0x0;
	s7 =	sshrl.u32 s7, $0x3;
	s30 =	sadd.s32 s26, s1  }
0xf: {  	s12 =	smax.u32 s12, $0x1;
	s14 =	sadd.s32 s7, s6;
	s29 =	sshrl.u32 s13, $0x3  }
0x10: {  	s6 =	sor.u32 $0x1C03, s28;
	s13 =	sshrl.u32 s30, $0x3;
	s31 =	sadd.s32 $0x280, s29  }
0x11: {  	s7 =	sadd.s32 s9, s29;
	s8 =	sadd.s32 s10, s29;
	s11 =	sadd.s32 $0xADC00, s14  }
0x12: {  	s14 =	simm.s32 $0x3;
	s9 =	sadd.s32 s9, s31;
	s10 =	sadd.s32 s10, s31  }
.LBB2_1:
0x13: {  	[spmem:s13], [sflag:s6] =	dma.local [hbm:s5], $0x2800  }
0x14: {  	_ =	swait.ge [sflag:s14], $0x2800  }
0x15: {  	[sflag:s14] =	ssyncset.done $0x0  }
0x16: {  	[sflag:s14] =	ssyncadd.s32 $0xFFFFD800  }
0x17: {  	[bflag:$0x0] =	sbarrier.arrive $0xFFFF  }
0x18: {  	[tilespmem:s3], [sflag:$0x3] =	stream.linear.gather [hbm4b:s7+s3], $0x1400, $0x38;
	[tilespmem:$0x1E800] =	vst v63  }
0x19: {  	_ =	swait.ge [sflag:s14], $0x1400  }
0x1a: {  	[sflag:s14] =	ssyncset.done $0x0  }
0x1b: {  	[sflag:s14] =	ssyncadd.s32 $0xFFFFEC00  }
0x1c: {  	[tilespmem:s15], [sflag:$0x3] =	stream.linear.gather [hbm4b:s8+s3], $0x1400, $0x38;
	[tilespmem:$0x1E800] =	vst v63  }
0x1d: {  	_ =	swait.ge [sflag:s14], $0x1400  }
0x1e: {  	[sflag:s14] =	ssyncset.done $0x0  }
0x1f: {  	[sflag:s14] =	ssyncadd.s32 $0xFFFFEC00  }
0x20: {  	[tilespmem:s17], [sflag:$0x1] =	stream.indirect.gather [hbm4b:s4+s16], $0x80, s3, s16, $0xb8;
	[tilespmem:$0x1E800] =	vst v63  }
0x21: {  	s25 =	simm.s32 $0x80  }
0x22: {  	[tilespmem:s18], [sflag:$0x2] =	stream.indirect.gather [hbm4b:s4+s16], $0x80, s25, s16, $0xb8;
	[tilespmem:$0x1E800] =	vst v63  }
0x23: {  	_ =	swait.ge [sflag:s19], $0x4000  }
0x24: {  	[sflag:s19] =	ssyncset.done $0x0  }
0x25: {  	s29 =	simm.s32 $0x1400;
	[sflag:s19] =	ssyncadd.s32 $0xFFFFC000  }
0x26: {  	[spmem:s1] =	stream.indirect.scatter.add.f32 [tilespmem:s17], [sflag:$0x3], $0x80, s29, s16, $0xb8;
	[tilespmem:$0x1E800] =	vst v63  }
0x27: {  	_ =	swait.ge [sflag:s14], $0x4000  }
0x28: {  	[sflag:s14] =	ssyncset.done $0x0  }
0x29: {  	s30 =	simm.s32 $0x100;
	[sflag:s14] =	ssyncadd.s32 $0xFFFFC000  }
0x2a: {  	[tilespmem:s17], [sflag:$0x1] =	stream.indirect.gather [hbm4b:s4+s16], $0x80, s30, s16, $0xb8;
	[tilespmem:$0x1E800] =	vst v63  }
0x2b: {  	_ =	swait.ge [sflag:s20], $0x4000  }
0x2c: {  	[sflag:s20] =	ssyncset.done $0x0  }
0x2d: {  	s31 =	simm.s32 $0x1480;
	[sflag:s20] =	ssyncadd.s32 $0xFFFFC000  }
0x2e: {  	[spmem:s1] =	stream.indirect.scatter.add.f32 [tilespmem:s18], [sflag:$0x3], $0x80, s31, s16, $0xb8;
	[tilespmem:$0x1E800] =	vst v63  }
0x2f: {  	_ =	swait.ge [sflag:s14], $0x4000  }
0x30: {  	s26 =	simm.s32 $0x800;
	s25 =	simm.s32 $0x100;
	[sflag:s14] =	ssyncset.done $0x0  }
.LBB2_2:
0x31: {  	s28 =	sadd.s32 $0x80, s25  }
0x32: {  	[sflag:s14] =	ssyncadd.s32 $0xFFFFC000;
	s29 =	smov.u32 s26;
	s30 =	sadd.s32 $0x400, s26  }
0x33: {  	[tilespmem:s18], [sflag:$0x2] =	stream.indirect.gather [hbm4b:s4+s16], $0x80, s28, s16, $0xb8;
	[tilespmem:$0x1E800] =	vst v63  }
0x34: {  	p0 =	sne.s32 s26, $0x4800;
	_ =	swait.ge [sflag:s19], $0x4000  }
0x35: {  	[sflag:s19] =	ssyncset.done $0x0  }
0x36: {  	s26 =	sadd.s32 $0x1400, s25;
	[sflag:s19] =	ssyncadd.s32 $0xFFFFC000  }
0x37: {  	[spmem:s1] =	stream.indirect.scatter.add.f32 [tilespmem:s17], [sflag:$0x3], $0x80, s26, s16, $0xb8;
	[tilespmem:$0x1E800] =	vst v63  }
0x38: {  	_ =	swait.ge [sflag:s14], $0x4000  }
0x39: {  	[sflag:s14] =	ssyncset.done $0x0  }
0x3a: {  	s26 =	sadd.s32 $0x100, s25;
	[sflag:s14] =	ssyncadd.s32 $0xFFFFC000  }
0x3b: {  	[tilespmem:s17], [sflag:$0x1] =	stream.indirect.gather [hbm4b:s4+s16], $0x80, s26, s16, $0xb8;
	[tilespmem:$0x1E800] =	vst v63  }
0x3c: {  	_ =	swait.ge [sflag:s20], $0x4000  }
.Ltmp0:
0x3d: {  	[sflag:s20] =	ssyncset.done $0x0;
	(pc) =	sbr.rel @p0 .LBB2_2-.Ltmp0, $4  }
0x3e: {  	s25 =	sadd.s32 $0x1480, s25;
	[sflag:s20] =	ssyncadd.s32 $0xFFFFC000  }
0x3f: {  	[spmem:s1] =	stream.indirect.scatter.add.f32 [tilespmem:s18], [sflag:$0x3], $0x80, s25, s16, $0xb8;
	[tilespmem:$0x1E800] =	vst v63  }
0x40: {  	_ =	swait.ge [sflag:s14], $0x4000  }
0x41: {  	s26 =	smov.u32 s30;
	s25 =	sshra.s32 s29, $0x2;
	[sflag:s14] =	ssyncset.done $0x0  }
0x42: {  	s26 =	sadd.s32 $0x80, s25;
	[sflag:s14] =	ssyncadd.s32 $0xFFFFC000  }
0x43: {  	[tilespmem:s18], [sflag:$0x2] =	stream.indirect.gather [hbm4b:s4+s16], $0x80, s26, s16, $0xb8;
	[tilespmem:$0x1E800] =	vst v63  }
0x44: {  	_ =	swait.ge [sflag:s19], $0x4000  }
0x45: {  	[sflag:s19] =	ssyncset.done $0x0  }
0x46: {  	s29 =	sadd.s32 $0x1400, s25;
	[sflag:s19] =	ssyncadd.s32 $0xFFFFC000  }
0x47: {  	[spmem:s1] =	stream.indirect.scatter.add.f32 [tilespmem:s17], [sflag:$0x3], $0x80, s29, s16, $0xb8;
	[tilespmem:$0x1E800] =	vst v63  }
0x48: {  	_ =	swait.ge [sflag:s14], $0x4000  }
0x49: {  	[sflag:s14] =	ssyncset.done $0x0  }
0x4a: {  	s30 =	sadd.s32 $0x100, s25;
	[sflag:s14] =	ssyncadd.s32 $0xFFFFC000  }
0x4b: {  	[tilespmem:s17], [sflag:$0x1] =	stream.indirect.gather [hbm4b:s4+s16], $0x80, s30, s16, $0xb8;
	[tilespmem:$0x1E800] =	vst v63  }
0x4c: {  	_ =	swait.ge [sflag:s20], $0x4000  }
0x4d: {  	[sflag:s20] =	ssyncset.done $0x0  }
0x4e: {  	s31 =	sadd.s32 $0x1480, s25;
	[sflag:s20] =	ssyncadd.s32 $0xFFFFC000  }
0x4f: {  	[spmem:s1] =	stream.indirect.scatter.add.f32 [tilespmem:s18], [sflag:$0x3], $0x80, s31, s16, $0xb8;
	[tilespmem:$0x1E800] =	vst v63  }
0x50: {  	_ =	swait.ge [sflag:s14], $0x4000  }
0x51: {  	[sflag:s14] =	ssyncset.done $0x0  }
0x52: {  	[sflag:s14] =	ssyncadd.s32 $0xFFFFC000  }
0x53: {  	[tilespmem:s18], [sflag:$0x2] =	stream.indirect.gather [hbm4b:s4+s16], $0x80, s21, s16, $0xb8;
	[tilespmem:$0x1E800] =	vst v63  }
0x54: {  	_ =	swait.ge [sflag:s19], $0x4000  }
0x55: {  	[sflag:s19] =	ssyncset.done $0x0  }
0x56: {  	[sflag:s19] =	ssyncadd.s32 $0xFFFFC000  }
0x57: {  	[spmem:s1] =	stream.indirect.scatter.add.f32 [tilespmem:s17], [sflag:$0x3], $0x80, s22, s16, $0xb8;
	[tilespmem:$0x1E800] =	vst v63  }
0x58: {  	_ =	swait.ge [sflag:s14], $0x4000  }
0x59: {  	[sflag:s14] =	ssyncset.done $0x0  }
0x5a: {  	[sflag:s14] =	ssyncadd.s32 $0xFFFFC000  }
0x5b: {  	_ =	swait.ge [sflag:s20], $0x4000  }
0x5c: {  	[sflag:s20] =	ssyncset.done $0x0  }
0x5d: {  	[sflag:s20] =	ssyncadd.s32 $0xFFFFC000  }
0x5e: {  	[spmem:s1] =	stream.indirect.scatter.add.f32 [tilespmem:s18], [sflag:$0x3], $0x80, s23, s16, $0xb8;
	[tilespmem:$0x1E800] =	vst v63  }
0x5f: {  	_ =	swait.ge [sflag:s14], $0x4000  }
0x60: {  	[sflag:s14] =	ssyncset.done $0x0  }
0x61: {  	s26 =	simm.s32 $0x0;
	[sflag:s14] =	ssyncadd.s32 $0xFFFFC000  }
0x62: {  	[tilespmem:s26], [sflag:$0x3] =	stream.linear.gather [hbm4b:s9+s26], $0x1400, $0x38;
	[tilespmem:$0x1E800] =	vst v63  }
0x63: {  	_ =	swait.ge [sflag:s14], $0x1400  }
0x64: {  	[sflag:s14] =	ssyncset.done $0x0  }
0x65: {  	[sflag:s14] =	ssyncadd.s32 $0xFFFFEC00  }
0x66: {  	[tilespmem:s15], [sflag:$0x3] =	stream.linear.gather [hbm4b:s10+s26], $0x1400, $0x38;
	[tilespmem:$0x1E800] =	vst v63  }
0x67: {  	_ =	swait.ge [sflag:s14], $0x1400  }
0x68: {  	[sflag:s14] =	ssyncset.done $0x0  }
0x69: {  	[sflag:s14] =	ssyncadd.s32 $0xFFFFEC00  }
0x6a: {  	[tilespmem:s17], [sflag:$0x1] =	stream.indirect.gather [hbm4b:s4+s16], $0x80, s26, s16, $0xb8;
	[tilespmem:$0x1E800] =	vst v63  }
0x6b: {  	s28 =	simm.s32 $0x80  }
0x6c: {  	[tilespmem:s18], [sflag:$0x2] =	stream.indirect.gather [hbm4b:s4+s16], $0x80, s28, s16, $0xb8;
	[tilespmem:$0x1E800] =	vst v63  }
0x6d: {  	_ =	swait.ge [sflag:s19], $0x4000  }
0x6e: {  	[sflag:s19] =	ssyncset.done $0x0  }
0x6f: {  	s29 =	simm.s32 $0x1400;
	[sflag:s19] =	ssyncadd.s32 $0xFFFFC000  }
0x70: {  	[spmem:s1] =	stream.indirect.scatter.add.f32 [tilespmem:s17], [sflag:$0x3], $0x80, s29, s16, $0xb8;
	[tilespmem:$0x1E800] =	vst v63  }
0x71: {  	_ =	swait.ge [sflag:s14], $0x4000  }
0x72: {  	[sflag:s14] =	ssyncset.done $0x0  }
0x73: {  	s30 =	simm.s32 $0x100;
	[sflag:s14] =	ssyncadd.s32 $0xFFFFC000  }
0x74: {  	[tilespmem:s17], [sflag:$0x1] =	stream.indirect.gather [hbm4b:s4+s16], $0x80, s30, s16, $0xb8;
	[tilespmem:$0x1E800] =	vst v63  }
0x75: {  	_ =	swait.ge [sflag:s20], $0x4000  }
0x76: {  	[sflag:s20] =	ssyncset.done $0x0  }
0x77: {  	s31 =	simm.s32 $0x1480;
	[sflag:s20] =	ssyncadd.s32 $0xFFFFC000  }
0x78: {  	[spmem:s1] =	stream.indirect.scatter.add.f32 [tilespmem:s18], [sflag:$0x3], $0x80, s31, s16, $0xb8;
	[tilespmem:$0x1E800] =	vst v63  }
0x79: {  	_ =	swait.ge [sflag:s14], $0x4000  }
0x7a: {  	s25 =	simm.s32 $0x100;
	s26 =	simm.s32 $0x800;
	[sflag:s14] =	ssyncset.done $0x0  }
.LBB2_4:
0x7b: {  	s28 =	sadd.s32 $0x80, s25  }
0x7c: {  	[sflag:s14] =	ssyncadd.s32 $0xFFFFC000;
	s29 =	smov.u32 s26;
	s30 =	sadd.s32 $0x400, s26  }
0x7d: {  	[tilespmem:s18], [sflag:$0x2] =	stream.indirect.gather [hbm4b:s4+s16], $0x80, s28, s16, $0xb8;
	[tilespmem:$0x1E800] =	vst v63  }
0x7e: {  	p0 =	sne.s32 s26, $0x4800;
	_ =	swait.ge [sflag:s19], $0x4000  }
0x7f: {  	[sflag:s19] =	ssyncset.done $0x0  }
0x80: {  	s26 =	sadd.s32 $0x1400, s25;
	[sflag:s19] =	ssyncadd.s32 $0xFFFFC000  }
0x81: {  	[spmem:s1] =	stream.indirect.scatter.add.f32 [tilespmem:s17], [sflag:$0x3], $0x80, s26, s16, $0xb8;
	[tilespmem:$0x1E800] =	vst v63  }
0x82: {  	_ =	swait.ge [sflag:s14], $0x4000  }
0x83: {  	[sflag:s14] =	ssyncset.done $0x0  }
0x84: {  	s26 =	sadd.s32 $0x100, s25;
	[sflag:s14] =	ssyncadd.s32 $0xFFFFC000  }
0x85: {  	[tilespmem:s17], [sflag:$0x1] =	stream.indirect.gather [hbm4b:s4+s16], $0x80, s26, s16, $0xb8;
	[tilespmem:$0x1E800] =	vst v63  }
0x86: {  	_ =	swait.ge [sflag:s20], $0x4000  }
.Ltmp1:
0x87: {  	[sflag:s20] =	ssyncset.done $0x0;
	(pc) =	sbr.rel @p0 .LBB2_4-.Ltmp1, $4  }
0x88: {  	s25 =	sadd.s32 $0x1480, s25;
	[sflag:s20] =	ssyncadd.s32 $0xFFFFC000  }
0x89: {  	[spmem:s1] =	stream.indirect.scatter.add.f32 [tilespmem:s18], [sflag:$0x3], $0x80, s25, s16, $0xb8;
	[tilespmem:$0x1E800] =	vst v63  }
0x8a: {  	_ =	swait.ge [sflag:s14], $0x4000  }
0x8b: {  	s26 =	smov.u32 s30;
	s25 =	sshra.s32 s29, $0x2;
	[sflag:s14] =	ssyncset.done $0x0  }
0x8c: {  	s26 =	sadd.s32 $0x80, s25;
	[sflag:s14] =	ssyncadd.s32 $0xFFFFC000  }
0x8d: {  	[tilespmem:s18], [sflag:$0x2] =	stream.indirect.gather [hbm4b:s4+s16], $0x80, s26, s16, $0xb8;
	[tilespmem:$0x1E800] =	vst v63  }
0x8e: {  	_ =	swait.ge [sflag:s19], $0x4000  }
0x8f: {  	[sflag:s19] =	ssyncset.done $0x0  }
0x90: {  	s29 =	sadd.s32 $0x1400, s25;
	[sflag:s19] =	ssyncadd.s32 $0xFFFFC000  }
0x91: {  	[spmem:s1] =	stream.indirect.scatter.add.f32 [tilespmem:s17], [sflag:$0x3], $0x80, s29, s16, $0xb8;
	[tilespmem:$0x1E800] =	vst v63  }
0x92: {  	_ =	swait.ge [sflag:s14], $0x4000  }
0x93: {  	[sflag:s14] =	ssyncset.done $0x0  }
0x94: {  	s30 =	sadd.s32 $0x100, s25;
	[sflag:s14] =	ssyncadd.s32 $0xFFFFC000  }
0x95: {  	[tilespmem:s17], [sflag:$0x1] =	stream.indirect.gather [hbm4b:s4+s16], $0x80, s30, s16, $0xb8;
	[tilespmem:$0x1E800] =	vst v63  }
0x96: {  	_ =	swait.ge [sflag:s20], $0x4000  }
0x97: {  	[sflag:s20] =	ssyncset.done $0x0  }
0x98: {  	s31 =	sadd.s32 $0x1480, s25;
	[sflag:s20] =	ssyncadd.s32 $0xFFFFC000  }
0x99: {  	[spmem:s1] =	stream.indirect.scatter.add.f32 [tilespmem:s18], [sflag:$0x3], $0x80, s31, s16, $0xb8;
	[tilespmem:$0x1E800] =	vst v63  }
0x9a: {  	_ =	swait.ge [sflag:s14], $0x4000  }
0x9b: {  	[sflag:s14] =	ssyncset.done $0x0  }
0x9c: {  	[sflag:s14] =	ssyncadd.s32 $0xFFFFC000  }
0x9d: {  	[tilespmem:s18], [sflag:$0x2] =	stream.indirect.gather [hbm4b:s4+s16], $0x80, s21, s16, $0xb8;
	[tilespmem:$0x1E800] =	vst v63  }
0x9e: {  	_ =	swait.ge [sflag:s19], $0x4000  }
0x9f: {  	[sflag:s19] =	ssyncset.done $0x0  }
0xa0: {  	[sflag:s19] =	ssyncadd.s32 $0xFFFFC000  }
0xa1: {  	[spmem:s1] =	stream.indirect.scatter.add.f32 [tilespmem:s17], [sflag:$0x3], $0x80, s22, s16, $0xb8;
	[tilespmem:$0x1E800] =	vst v63  }
0xa2: {  	_ =	swait.ge [sflag:s14], $0x4000  }
0xa3: {  	[sflag:s14] =	ssyncset.done $0x0  }
0xa4: {  	[sflag:s14] =	ssyncadd.s32 $0xFFFFC000  }
0xa5: {  	_ =	swait.ge [sflag:s20], $0x4000  }
0xa6: {  	[sflag:s20] =	ssyncset.done $0x0  }
0xa7: {  	[sflag:s20] =	ssyncadd.s32 $0xFFFFC000  }
0xa8: {  	[spmem:s1] =	stream.indirect.scatter.add.f32 [tilespmem:s18], [sflag:$0x3], $0x80, s23, s16, $0xb8;
	[tilespmem:$0x1E800] =	vst v63  }
0xa9: {  	_ =	swait.ge [sflag:s14], $0x4000  }
0xaa: {  	s24 =	sadd.s32 $0x1, s24;
	[sflag:s14] =	ssyncset.done $0x0  }
0xab: {  	p0 =	sne.s32 s24, s12;
	[sflag:s14] =	ssyncadd.s32 $0xFFFFC000  }
.Ltmp2:
0xac: {  	[bflag:$0x0] =	sbarrier.arrive $0xFFFF;
	(pc) =	sbr.rel @p0 .LBB2_1-.Ltmp2, $4  }
0xad: {  	[hbm:s11], [sflag:s6] =	dma.local [spmem:s13], $0x2800  }
0xae: {  	_ =	swait.ge [sflag:s14], $0x2800  }
0xaf: {  	[sflag:s14] =	ssyncset.done $0x0  }
0xb0: {  	[sflag:s14] =	ssyncadd.s32 $0xFFFFD800  }
0xb1: {  	_ =	sfence.sel $0x180000  }
0xb2: {  	[bflag:$0x0] =	sbarrier.arrive $0xFFFF  }
0xb3: {  	p0 =	sne.s32 s2, $0x0;
	_ =	strace $0x9000004D  }
0xb4: {  	s0 =	sadd.s32 @!p0 $0x100000, s0;
	[bflag:$0x2] =	sbarrier.arrive $0xFFFF  }
0xb5: {  	[sflag:s0] =	ssyncadd.tile.s32 @!p0 $0x1;
	_ =	shalt  }
.Lfunc_end2:
_tile_overlayer_lowered:
.L_overlay_start_2:
0xb6: {  	(tag) =	ssettag $0x2  }
0xb7: {  	s0 =	rddreg [dreg:$0x0];
	s2 =	stileid.u32  }
0xb8: {  	s1 =	rddreg [dreg:$0x1];
	p0 =	sne.s32 s2, $0x0  }
0xb9: {  	s3 =	rddreg [dreg:$0x2];
	[bflag:$0x3] =	sbarrier.arrive $0xFFFF;
	s2 =	simm.s32 @!p0 $0x1C03  }
0xba: {  	[timem:s3], [sflag:s2] =	dma.local @!p0 [hbm:s0], s1  }
0xbb: {  	s0 =	simm.s32 @!p0 $0x3  }
0xbc: {  	_ =	swait.ge @!p0 [sflag:s0], s1  }
0xbd: {  	s1 =	ssub.s32 @!p0 $0x0, s1;
	[sflag:s0] =	ssyncset.done @!p0 $0x0  }
0xbe: {  	[sflag:s0] =	ssyncadd.s32 @!p0 s1  }
0xbf: {  	[bflag:$0x3] =	sbarrier.arrive $0xFFFF  }
0xc0: {  	_ =	shalt  }

// kernel: kernel.23.cloned.1.call-start
scs
__scs_entry_jumppad:
0x0: {  	(pc) =	sbr.rel $0x88, $3  }
0x1: {  	(tag) =	ssettag $0x0;
	lr =	simm.s32 $0x1  }
0x2: {  	[smem:$0x3F96] =	sst lr;
	_ =	strace $0xD0000000  }
0x3: {  	_ = 	snop  }
0x4: {  	_ = 	snop  }
0x5: {  	_ = 	snop  }
0x6: {  	_ = 	snop  }
0x7: {  	_ = 	snop  }
__scs_overlays_trampoline_lowered:
0x8: {  	[smem:$0x3FA5] =	sst s0  }
0x9: {  	[smem:$0x3FA6] =	sst s1  }
0xa: {  	[smem:$0x3FA7] =	sst s2  }
0xb: {  	[smem:$0x3FA8] =	sst s3  }
0xc: {  	[smem:$0x3FA9] =	sst s4  }
0xd: {  	[smem:$0x3FAA] =	sst s5  }
0xe: {  	[smem:$0x3FAB] =	sst s6  }
0xf: {  	[smem:$0x3FAC] =	sst s7  }
0x10: {  	[smem:$0x3FAD] =	sst s8  }
0x11: {  	[smem:$0x3FAE] =	sst s9;
	s0 =	simm.s32 @!p0 $0x0  }
0x12: {  	s1 =	sld [smem:$0x3F94];
	s0 =	simm.s32 @p0 $0x1  }
0x13: {  	[smem:$0x3FAF] =	sst s0;
	s0 =	simm.s32 @!p1 $0x0  }
0x14: {  	s2 =	sld [smem:$0x3F93];
	s0 =	simm.s32 @p1 $0x1  }
0x15: {  	[smem:$0x3FB0] =	sst s0;
	s0 =	simm.s32 @!p2 $0x0  }
0x16: {  	s3 =	sld [smem:$0x3FDB];
	s0 =	simm.s32 @p2 $0x1  }
0x17: {  	s4 =	simm.s32 $0x1BF5;
	[smem:$0x3FB2] =	sst s0  }
0x18: {  	s0 =	sld [smem:$0x3F95];
	_ =	swait.ge [sflag:s4], $0x0  }
0x19: {  	s7 =	sld [smem:$0x3F96]  }
0x1a: {  	s8 =	sadd.s32 $0xFFFFE003, lr  }
0x1b: {  	s9 =	sadd.s32 $0xFFFFFEF7, lr;
	s5 =	simm.s32 $0xFFFFFFFF;
	p2 =	slt.u32 s8, $0xFFFFF086  }
0x1c: {  	p1 =	slt.u32 s9, $0xF7A;
	s5 =	simm.s32 @!p2 $0x0  }
0x1d: {  	s5 =	simm.s32 @p1 $0x1;
	p0 =	seq.s32 s7, s2  }
0x1e: {  	s7 =	smul.u32 @!p0 $0xF7A, s2;
	p2 =	seq.s32 @!p0 s5, $0x0  }
0x1f: {  	s9 =	smul.u32 $0xF7A, s1;
	s8 =	simm.s32 @!p0 $0x1BF5;
	p2 =	por !p2, p0  }
0x20: {  	[sflag:s8] =	ssyncset.s32 @!p0 $0xFFFFF086;
	s6 =	sadd.s32 @!p0 s3, s7;
	s7 =	simm.s32 @!p0 $0x108  }
0x21: {  	s3 =	sadd.s32 s3, s9;
	s6 =	sadd.s32 @!p0 $0x88, s6;
	s7 =	simm.s32 @p2 $0x1082  }
0x22: {  	[simem:s7], [sflag:s8] =	dma.local @!p0 [hbm:s6], $0xF7A  }
0x23: {  	s9 =	sor.u32 $0xD0000000, s2;
	s6 =	simm.s32 $0x108;
	_ =	swait.ge @!p0 [sflag:s8], $0x0  }
0x24: {  	s3 =	sadd.s32 $0x88, s3;
	s6 =	simm.s32 @!p1 $0x1082;
	[sflag:s4] =	ssyncset.s32 $0xFFFFF086  }
0x25: {  	[simem:s6], [sflag:s4] =	dma.local [hbm:s3], $0xF7A  }
0x26: {  	[smem:$0x3F96] =	sst s1;
	(tag) =	ssettag s2;
	_ =	strace s9  }
0x27: {  	s1 =	sld [smem:$0x3FA6]  }
0x28: {  	s2 =	sld [smem:$0x3FA7]  }
0x29: {  	s4 =	sld [smem:$0x3FA9]  }
0x2a: {  	p0 =	seq.s32 s5, $0x0;
	s5 =	sld [smem:$0x3FAA]  }
0x2b: {  	s6 =	sld [smem:$0x3FAB]  }
0x2c: {  	s7 =	sld [smem:$0x3FAC]  }
0x2d: {  	s3 =	simm.s32 $0x108;
	s8 =	sld [smem:$0x3FAD]  }
0x2e: {  	s3 =	simm.s32 @!p0 $0x1082;
	s9 =	sld [smem:$0x3FAE]  }
0x2f: {  	lr =	sadd.s32 s0, s3;
	s0 =	sld [smem:$0x3FA5]  }
0x30: {  	s3 =	sld [smem:$0x3FA8]  }
0x31: {  	[smem:$0x3FB1] =	sst s10  }
0x32: {  	s10 =	sld [smem:$0x3FAF];
	_ =	sdelay $0x3  }
0x33: {  	p0 =	seq.s32 s10, $0x1;
	s10 =	sld [smem:$0x3FB1];
	_ =	sdelay $0x3  }
0x34: {  	[smem:$0x3FB1] =	sst s10  }
0x35: {  	s10 =	sld [smem:$0x3FB0];
	_ =	sdelay $0x3  }
0x36: {  	p1 =	seq.s32 s10, $0x1;
	s10 =	sld [smem:$0x3FB1];
	_ =	sdelay $0x3  }
0x37: {  	[smem:$0x3FB1] =	sst s10  }
0x38: {  	s10 =	sld [smem:$0x3FB2]  }
0x39: {  	_ = 	snop;
	(pc) =	sbr.ind lr, $3  }
0x3a: {  	_ = 	snop  }
0x3b: {  	_ = 	snop  }
0x3c: {  	p2 =	seq.s32 s10, $0x1;
	s10 =	sld [smem:$0x3FB1]  }
0x3d: {  	_ =	shalt  }
0x3e: {  	_ =	shalt  }
0x3f: {  	_ =	shalt  }
0x40: {  	_ =	shalt  }
0x41: {  	_ =	shalt  }
0x42: {  	_ =	shalt  }
0x43: {  	_ =	shalt  }
0x44: {  	_ =	shalt  }
0x45: {  	_ =	shalt  }
0x46: {  	_ =	shalt  }
0x47: {  	_ =	shalt  }
0x48: {  	_ =	shalt  }
0x49: {  	_ =	shalt  }
0x4a: {  	_ =	shalt  }
0x4b: {  	_ =	shalt  }
0x4c: {  	_ =	shalt  }
0x4d: {  	_ =	shalt  }
0x4e: {  	_ =	shalt  }
0x4f: {  	_ =	shalt  }
0x50: {  	_ =	shalt  }
0x51: {  	_ =	shalt  }
0x52: {  	_ =	shalt  }
0x53: {  	_ =	shalt  }
0x54: {  	_ =	shalt  }
0x55: {  	_ =	shalt  }
0x56: {  	_ =	shalt  }
0x57: {  	_ =	shalt  }
0x58: {  	_ =	shalt  }
0x59: {  	_ =	shalt  }
0x5a: {  	_ =	shalt  }
0x5b: {  	_ =	shalt  }
0x5c: {  	_ =	shalt  }
0x5d: {  	_ =	shalt  }
0x5e: {  	_ =	shalt  }
0x5f: {  	_ =	shalt  }
0x60: {  	_ =	shalt  }
0x61: {  	_ =	shalt  }
0x62: {  	_ =	shalt  }
0x63: {  	_ =	shalt  }
0x64: {  	_ =	shalt  }
0x65: {  	_ =	shalt  }
0x66: {  	_ =	shalt  }
0x67: {  	_ =	shalt  }
0x68: {  	_ =	shalt  }
0x69: {  	_ =	shalt  }
0x6a: {  	_ =	shalt  }
0x6b: {  	_ =	shalt  }
0x6c: {  	_ =	shalt  }
0x6d: {  	_ =	shalt  }
0x6e: {  	_ =	shalt  }
0x6f: {  	_ =	shalt  }
0x70: {  	_ =	shalt  }
0x71: {  	_ =	shalt  }
0x72: {  	_ =	shalt  }
0x73: {  	_ =	shalt  }
0x74: {  	_ =	shalt  }
0x75: {  	_ =	shalt  }
0x76: {  	_ =	shalt  }
0x77: {  	_ =	shalt  }
0x78: {  	_ =	shalt  }
0x79: {  	_ =	shalt  }
0x7a: {  	_ =	shalt  }
0x7b: {  	_ =	shalt  }
0x7c: {  	_ =	shalt  }
0x7d: {  	_ =	shalt  }
0x7e: {  	_ =	shalt  }
0x7f: {  	_ =	shalt  }
0x80: {  	_ =	shalt  }
0x81: {  	_ =	shalt  }
0x82: {  	_ =	shalt  }
0x83: {  	_ =	shalt  }
0x84: {  	_ =	shalt  }
0x85: {  	_ =	shalt  }
0x86: {  	_ =	shalt  }
0x87: {  	_ =	shalt  }
.Lfunc_end0:
.L_simem_size_0:
called_computation.3_lowered:
.L_overlay_start_0:
0x88: {  	s2 =	sld [smem:$0x3FD9]  }
0x89: {  	s3 =	sld [smem:$0x3FFE];
	_ =	sdelay $0x1  }
0x8a: {  	s1 =	srdreg.scid  }
0x8b: {  	s0 =	sand.u32 $0x1, s1  }
0x8c: {  	s16 =	sshll.u32 s0, $0xA;
	s2 =	sadd.s32 s3, s2  }
0x8d: {  	s2 =	sadd.s32 s2, s16  }
0x8e: {  	[smem:$0x3FBD] =	sst s2  }
0x8f: {  	_ = 	snop  }
0x90: {  	(tm) =	ssettm $0x1  }
0x91: {  	s17 =	sld [smem:$0x3FFB];
	_ =	sdelay $0x3  }
0x92: {  	_ =	strace s17  }
0x93: {  	s2 =	sld [smem:$0x3FFC];
	_ =	sdelay $0x3  }
0x94: {  	_ =	strace s2  }
0x95: {  	s2 =	sld [smem:$0x3FFD];
	_ =	sdelay $0x3  }
0x96: {  	_ =	strace s2  }
0x97: {  	_ =	strace $0x8FFFFFFF  }
0x98: {  	s18 =	sld [smem:$0x3FDB];
	_ =	sdelay $0x1  }
0x99: {  	s19 =	simm.s32 $_scs_section_size  }
0x9a: {  	s4 =	simm.s32 $_size__tile_overlayer_lowered;
	s5 =	simm.s32 $_tile_overlayer_lowered  }
0x9b: {  	s22 =	simm.s32 $0x1BFF;
	s21 =	sshll.u32 s5, $0x1;
	s2 =	sadd.s32 s19, s18  }
0x9c: {  	s6 =	simm.s32 $0x0;
	s20 =	sshll.u32 s4, $0x1;
	s4 =	sadd.s32 s21, s2  }
0x9d: {  	[timem:s6], [sflag:s22] =	dma.local [hbm:s4], s20  }
0x9e: {  	_ =	swait.ge [sflag:s22], s20  }
0x9f: {  	s3 =	ssub.s32 $0x0, s20;
	[sflag:s22] =	ssyncset.done $0x0  }
0xa0: {  	[sflag:s22] =	ssyncadd.s32 s3;
	_ =	sdelay $0x1  }
0xa1: {  	s23 =	simm.s32 $0x1B8B  }
0xa2: {  	_ =	swait.ge [sflag:s23], $0x1  }
0xa3: {  	[sflag:s23] =	ssyncset.done $0x0  }
0xa4: {  	s25 =	simm.s32 $0x1B8E;
	s24 =	sld [smem:$0x3FFE];
	[sflag:s23] =	ssyncadd.s32 $0xFFFFFFFF  }
0xa5: {  	s26 =	simm.s32 $execute0_lowered;
	[smem:$0x3FD2] =	sst s25  }
0xa6: {  	s4 =	sshll.u32 s26, $0x1;
	_ =	strace $0x8000004F;
	[dreg:$0x1] =	wrdreg $0xFFFFFFFF  }
0xa7: {  	s28 =	simm.s32 $_size_execute0_lowered;
	s2 =	sadd.s32 s2, s4;
	[dreg:$0x0] =	wrdreg $0x0  }
0xa8: {  	s4 =	sshll.u32 s28, $0x1;
	[dreg:$0x2] =	wrdreg s2  }
0xa9: {  	[dreg:$0x3] =	wrdreg s4  }
0xaa: {  	[dreg:$0x4] =	wrdreg $0xC0  }
0xab: {  	_ =	task [dreg:s6], $0x5FFFF  }
0xac: {  	[dreg:$0x1] =	wrdreg $0xFFFFFFFF  }
0xad: {  	[dreg:$0x0] =	wrdreg $0x60  }
0xae: {  	[dreg:$0x2] =	wrdreg s24  }
0xaf: {  	[dreg:$0x3] =	wrdreg $0xA8000  }
0xb0: {  	[dreg:$0x4] =	wrdreg $0x9  }
0xb1: {  	_ =	task.clear_ibuf [dreg:s6], $0x5FFFF;
	_ =	strace $0x9000004F  }
0xb2: {  	s29 =	simm.s32 $0x9;
	_ =	strace $0x80000051  }
0xb3: {  	_ =	swait.ge [sflag:s29], $0x1  }
0xb4: {  	[sflag:s29] =	ssyncadd.s32 $0xFFFFFFFF  }
0xb5: {  	_ =	strace $0x90000051  }
0xb6: {  	_ =	sfence  }
0xb7: {  	s30 =	sld [smem:$0x0];
	_ =	sdelay $0x2  }
0xb8: {  	s31 =	sshll.u32 s1, $0xD;
	s1 =	sshrl.u32 s1, $0x2  }
0xb9: {  	s3 =	sand.u32 $0x4000, s31;
	s1 =	sadd.s32 s1, s30  }
0xba: {  	s0 =	sor.u32 s3, s0;
	s1 =	sshll.u32 s1, $0x11  }
0xbb: {  	s0 =	sor.u32 s1, s0  }
0xbc: {  	s0 =	sadd.s32 $0x8F2B, s0  }
0xbd: {  	[sflag:s0] =	ssyncadd.remote.s32 $0x1  }
0xbe: {  	_ =	sfence.sel $0xFFFF  }
0xbf: {  	[dreg:$0x0] =	wrdreg $0xFFFFFFFF;
	(pc) =	sbr.abs _section_cstart, $3  }
0xc0: {  	[dreg:$0x1] =	wrdreg $0xFFFFFFFF  }
0xc1: {  	_ =	task.clear_ibuf [dreg:s6], $0x2FFFF;
	_ =	strace $0x9FFFFFFF  }
0xc2: {  	(tm) =	ssettm $0x7FFFFFFF  }
0xc3: {  	_ =	shalt  }
tec
execute0_lowered:
.L_overlay_start_1:
0x0: {  	(tag) =	ssettag $0x1  }
0x1: {  	s6 =	rddreg [dreg:$0x0]  }
0x2: {  	s1 =	rddreg [dreg:$0x1]  }
0x3: {  	s2 =	srdreg.scid;
	s0 =	rddreg [dreg:$0x2]  }
0x4: {  	s3 =	simm.s32 $0x0;
	s15 =	simm.s32 $0x1400;
	s16 =	simm.s32 $0x80  }
0x5: {  	s17 =	simm.s32 $0x2800;
	s18 =	simm.s32 $0x6800;
	s19 =	simm.s32 $0x1  }
0x6: {  	s20 =	simm.s32 $0x2;
	s21 =	simm.s32 $0x1380;
	s22 =	simm.s32 $0x2700  }
0x7: {  	s5 =	sand.u32 $0x1, s2;
	s2 =	stileid.u32;
	[smem:$0x7FF] =	sst s3  }
0x8: {  	s4 =	sadd.s32 $0x5E00, s6;
	s9 =	sadd.s32 $0x47400, s6;
	s7 =	smul.u32 $0x140000, s5  }
0x9: {  	s10 =	sadd.s32 $0x51400, s6;
	s8 =	smul.u32 $0x14000, s2;
	_ =	strace $0x80000050  }
0xa: {  	s23 =	sshll.u32 s5, $0x4;
	s11 =	ssub.s32 $0x2, s5;
	s25 =	smul.u32 $0x50000, s2  }
0xb: {  	s5 =	sadd.s32 $0x5B400, s6;
	s28 =	sshll.u32 s2, $0x6;
	s24 =	sor.u32 s2, s23  }
0xc: {  	s12 =	sshrl.u32 s11, $0x1;
	s23 =	simm.s32 $0x2780;
	s7 =	sadd.s32 s8, s7  }
0xd: {  	s13 =	smul.u32 $0x2800, s24;
	s12 =	ssub.s32 s11, s12;
	s26 =	sshrl.u32 s25, $0x2  }
0xe: {  	s24 =	simm.s32 $0x0;
	s7 =	sshrl.u32 s7, $0x3;
	s30 =	sadd.s32 s26, s1  }
0xf: {  	s12 =	smax.u32 s12, $0x1;
	s14 =	sadd.s32 s7, s6;
	s29 =	sshrl.u32 s13, $0x3  }
0x10: {  	s6 =	sor.u32 $0x1C03, s28;
	s13 =	sshrl.u32 s30, $0x3;
	s31 =	sadd.s32 $0x280, s29  }
0x11: {  	s7 =	sadd.s32 s9, s29;
	s8 =	sadd.s32 s10, s29;
	s11 =	sadd.s32 $0x5DC00, s14  }
0x12: {  	s14 =	simm.s32 $0x3;
	s9 =	sadd.s32 s9, s31;
	s10 =	sadd.s32 s10, s31  }
.LBB2_1:
0x13: {  	[spmem:s13], [sflag:s6] =	dma.local [hbm:s5], $0x2800  }
0x14: {  	_ =	swait.ge [sflag:s14], $0x2800  }
0x15: {  	[sflag:s14] =	ssyncset.done $0x0  }
0x16: {  	[sflag:s14] =	ssyncadd.s32 $0xFFFFD800  }
0x17: {  	[bflag:$0x0] =	sbarrier.arrive $0xFFFF  }
0x18: {  	[tilespmem:s3], [sflag:$0x3] =	stream.linear.gather [hbm4b:s7+s3], $0x1400, $0x38;
	[tilespmem:$0x1E800] =	vst v63  }
0x19: {  	_ =	swait.ge [sflag:s14], $0x1400  }
0x1a: {  	[sflag:s14] =	ssyncset.done $0x0  }
0x1b: {  	[sflag:s14] =	ssyncadd.s32 $0xFFFFEC00  }
0x1c: {  	[tilespmem:s15], [sflag:$0x3] =	stream.linear.gather [hbm4b:s8+s3], $0x1400, $0x38;
	[tilespmem:$0x1E800] =	vst v63  }
0x1d: {  	_ =	swait.ge [sflag:s14], $0x1400  }
0x1e: {  	[sflag:s14] =	ssyncset.done $0x0  }
0x1f: {  	[sflag:s14] =	ssyncadd.s32 $0xFFFFEC00  }
0x20: {  	[tilespmem:s17], [sflag:$0x1] =	stream.indirect.gather [hbm4b:s4+s16], $0x80, s3, s16, $0xb8;
	[tilespmem:$0x1E800] =	vst v63  }
0x21: {  	s25 =	simm.s32 $0x80  }
0x22: {  	[tilespmem:s18], [sflag:$0x2] =	stream.indirect.gather [hbm4b:s4+s16], $0x80, s25, s16, $0xb8;
	[tilespmem:$0x1E800] =	vst v63  }
0x23: {  	_ =	swait.ge [sflag:s19], $0x4000  }
0x24: {  	[sflag:s19] =	ssyncset.done $0x0  }
0x25: {  	s29 =	simm.s32 $0x1400;
	[sflag:s19] =	ssyncadd.s32 $0xFFFFC000  }
0x26: {  	[spmem:s1] =	stream.indirect.scatter.add.f32 [tilespmem:s17], [sflag:$0x3], $0x80, s29, s16, $0xb8;
	[tilespmem:$0x1E800] =	vst v63  }
0x27: {  	_ =	swait.ge [sflag:s14], $0x4000  }
0x28: {  	[sflag:s14] =	ssyncset.done $0x0  }
0x29: {  	s30 =	simm.s32 $0x100;
	[sflag:s14] =	ssyncadd.s32 $0xFFFFC000  }
0x2a: {  	[tilespmem:s17], [sflag:$0x1] =	stream.indirect.gather [hbm4b:s4+s16], $0x80, s30, s16, $0xb8;
	[tilespmem:$0x1E800] =	vst v63  }
0x2b: {  	_ =	swait.ge [sflag:s20], $0x4000  }
0x2c: {  	[sflag:s20] =	ssyncset.done $0x0  }
0x2d: {  	s31 =	simm.s32 $0x1480;
	[sflag:s20] =	ssyncadd.s32 $0xFFFFC000  }
0x2e: {  	[spmem:s1] =	stream.indirect.scatter.add.f32 [tilespmem:s18], [sflag:$0x3], $0x80, s31, s16, $0xb8;
	[tilespmem:$0x1E800] =	vst v63  }
0x2f: {  	_ =	swait.ge [sflag:s14], $0x4000  }
0x30: {  	s26 =	simm.s32 $0x800;
	s25 =	simm.s32 $0x100;
	[sflag:s14] =	ssyncset.done $0x0  }
.LBB2_2:
0x31: {  	s28 =	sadd.s32 $0x80, s25  }
0x32: {  	[sflag:s14] =	ssyncadd.s32 $0xFFFFC000;
	s29 =	smov.u32 s26;
	s30 =	sadd.s32 $0x400, s26  }
0x33: {  	[tilespmem:s18], [sflag:$0x2] =	stream.indirect.gather [hbm4b:s4+s16], $0x80, s28, s16, $0xb8;
	[tilespmem:$0x1E800] =	vst v63  }
0x34: {  	p0 =	sne.s32 s26, $0x4800;
	_ =	swait.ge [sflag:s19], $0x4000  }
0x35: {  	[sflag:s19] =	ssyncset.done $0x0  }
0x36: {  	s26 =	sadd.s32 $0x1400, s25;
	[sflag:s19] =	ssyncadd.s32 $0xFFFFC000  }
0x37: {  	[spmem:s1] =	stream.indirect.scatter.add.f32 [tilespmem:s17], [sflag:$0x3], $0x80, s26, s16, $0xb8;
	[tilespmem:$0x1E800] =	vst v63  }
0x38: {  	_ =	swait.ge [sflag:s14], $0x4000  }
0x39: {  	[sflag:s14] =	ssyncset.done $0x0  }
0x3a: {  	s26 =	sadd.s32 $0x100, s25;
	[sflag:s14] =	ssyncadd.s32 $0xFFFFC000  }
0x3b: {  	[tilespmem:s17], [sflag:$0x1] =	stream.indirect.gather [hbm4b:s4+s16], $0x80, s26, s16, $0xb8;
	[tilespmem:$0x1E800] =	vst v63  }
0x3c: {  	_ =	swait.ge [sflag:s20], $0x4000  }
.Ltmp0:
0x3d: {  	[sflag:s20] =	ssyncset.done $0x0;
	(pc) =	sbr.rel @p0 .LBB2_2-.Ltmp0, $4  }
0x3e: {  	s25 =	sadd.s32 $0x1480, s25;
	[sflag:s20] =	ssyncadd.s32 $0xFFFFC000  }
0x3f: {  	[spmem:s1] =	stream.indirect.scatter.add.f32 [tilespmem:s18], [sflag:$0x3], $0x80, s25, s16, $0xb8;
	[tilespmem:$0x1E800] =	vst v63  }
0x40: {  	_ =	swait.ge [sflag:s14], $0x4000  }
0x41: {  	s26 =	smov.u32 s30;
	s25 =	sshra.s32 s29, $0x2;
	[sflag:s14] =	ssyncset.done $0x0  }
0x42: {  	s26 =	sadd.s32 $0x80, s25;
	[sflag:s14] =	ssyncadd.s32 $0xFFFFC000  }
0x43: {  	[tilespmem:s18], [sflag:$0x2] =	stream.indirect.gather [hbm4b:s4+s16], $0x80, s26, s16, $0xb8;
	[tilespmem:$0x1E800] =	vst v63  }
0x44: {  	_ =	swait.ge [sflag:s19], $0x4000  }
0x45: {  	[sflag:s19] =	ssyncset.done $0x0  }
0x46: {  	s29 =	sadd.s32 $0x1400, s25;
	[sflag:s19] =	ssyncadd.s32 $0xFFFFC000  }
0x47: {  	[spmem:s1] =	stream.indirect.scatter.add.f32 [tilespmem:s17], [sflag:$0x3], $0x80, s29, s16, $0xb8;
	[tilespmem:$0x1E800] =	vst v63  }
0x48: {  	_ =	swait.ge [sflag:s14], $0x4000  }
0x49: {  	[sflag:s14] =	ssyncset.done $0x0  }
0x4a: {  	s30 =	sadd.s32 $0x100, s25;
	[sflag:s14] =	ssyncadd.s32 $0xFFFFC000  }
0x4b: {  	[tilespmem:s17], [sflag:$0x1] =	stream.indirect.gather [hbm4b:s4+s16], $0x80, s30, s16, $0xb8;
	[tilespmem:$0x1E800] =	vst v63  }
0x4c: {  	_ =	swait.ge [sflag:s20], $0x4000  }
0x4d: {  	[sflag:s20] =	ssyncset.done $0x0  }
0x4e: {  	s31 =	sadd.s32 $0x1480, s25;
	[sflag:s20] =	ssyncadd.s32 $0xFFFFC000  }
0x4f: {  	[spmem:s1] =	stream.indirect.scatter.add.f32 [tilespmem:s18], [sflag:$0x3], $0x80, s31, s16, $0xb8;
	[tilespmem:$0x1E800] =	vst v63  }
0x50: {  	_ =	swait.ge [sflag:s14], $0x4000  }
0x51: {  	[sflag:s14] =	ssyncset.done $0x0  }
0x52: {  	[sflag:s14] =	ssyncadd.s32 $0xFFFFC000  }
0x53: {  	[tilespmem:s18], [sflag:$0x2] =	stream.indirect.gather [hbm4b:s4+s16], $0x80, s21, s16, $0xb8;
	[tilespmem:$0x1E800] =	vst v63  }
0x54: {  	_ =	swait.ge [sflag:s19], $0x4000  }
0x55: {  	[sflag:s19] =	ssyncset.done $0x0  }
0x56: {  	[sflag:s19] =	ssyncadd.s32 $0xFFFFC000  }
0x57: {  	[spmem:s1] =	stream.indirect.scatter.add.f32 [tilespmem:s17], [sflag:$0x3], $0x80, s22, s16, $0xb8;
	[tilespmem:$0x1E800] =	vst v63  }
0x58: {  	_ =	swait.ge [sflag:s14], $0x4000  }
0x59: {  	[sflag:s14] =	ssyncset.done $0x0  }
0x5a: {  	[sflag:s14] =	ssyncadd.s32 $0xFFFFC000  }
0x5b: {  	_ =	swait.ge [sflag:s20], $0x4000  }
0x5c: {  	[sflag:s20] =	ssyncset.done $0x0  }
0x5d: {  	[sflag:s20] =	ssyncadd.s32 $0xFFFFC000  }
0x5e: {  	[spmem:s1] =	stream.indirect.scatter.add.f32 [tilespmem:s18], [sflag:$0x3], $0x80, s23, s16, $0xb8;
	[tilespmem:$0x1E800] =	vst v63  }
0x5f: {  	_ =	swait.ge [sflag:s14], $0x4000  }
0x60: {  	[sflag:s14] =	ssyncset.done $0x0  }
0x61: {  	s26 =	simm.s32 $0x0;
	[sflag:s14] =	ssyncadd.s32 $0xFFFFC000  }
0x62: {  	[tilespmem:s26], [sflag:$0x3] =	stream.linear.gather [hbm4b:s9+s26], $0x1400, $0x38;
	[tilespmem:$0x1E800] =	vst v63  }
0x63: {  	_ =	swait.ge [sflag:s14], $0x1400  }
0x64: {  	[sflag:s14] =	ssyncset.done $0x0  }
0x65: {  	[sflag:s14] =	ssyncadd.s32 $0xFFFFEC00  }
0x66: {  	[tilespmem:s15], [sflag:$0x3] =	stream.linear.gather [hbm4b:s10+s26], $0x1400, $0x38;
	[tilespmem:$0x1E800] =	vst v63  }
0x67: {  	_ =	swait.ge [sflag:s14], $0x1400  }
0x68: {  	[sflag:s14] =	ssyncset.done $0x0  }
0x69: {  	[sflag:s14] =	ssyncadd.s32 $0xFFFFEC00  }
0x6a: {  	[tilespmem:s17], [sflag:$0x1] =	stream.indirect.gather [hbm4b:s4+s16], $0x80, s26, s16, $0xb8;
	[tilespmem:$0x1E800] =	vst v63  }
0x6b: {  	s28 =	simm.s32 $0x80  }
0x6c: {  	[tilespmem:s18], [sflag:$0x2] =	stream.indirect.gather [hbm4b:s4+s16], $0x80, s28, s16, $0xb8;
	[tilespmem:$0x1E800] =	vst v63  }
0x6d: {  	_ =	swait.ge [sflag:s19], $0x4000  }
0x6e: {  	[sflag:s19] =	ssyncset.done $0x0  }
0x6f: {  	s29 =	simm.s32 $0x1400;
	[sflag:s19] =	ssyncadd.s32 $0xFFFFC000  }
0x70: {  	[spmem:s1] =	stream.indirect.scatter.add.f32 [tilespmem:s17], [sflag:$0x3], $0x80, s29, s16, $0xb8;
	[tilespmem:$0x1E800] =	vst v63  }
0x71: {  	_ =	swait.ge [sflag:s14], $0x4000  }
0x72: {  	[sflag:s14] =	ssyncset.done $0x0  }
0x73: {  	s30 =	simm.s32 $0x100;
	[sflag:s14] =	ssyncadd.s32 $0xFFFFC000  }
0x74: {  	[tilespmem:s17], [sflag:$0x1] =	stream.indirect.gather [hbm4b:s4+s16], $0x80, s30, s16, $0xb8;
	[tilespmem:$0x1E800] =	vst v63  }
0x75: {  	_ =	swait.ge [sflag:s20], $0x4000  }
0x76: {  	[sflag:s20] =	ssyncset.done $0x0  }
0x77: {  	s31 =	simm.s32 $0x1480;
	[sflag:s20] =	ssyncadd.s32 $0xFFFFC000  }
0x78: {  	[spmem:s1] =	stream.indirect.scatter.add.f32 [tilespmem:s18], [sflag:$0x3], $0x80, s31, s16, $0xb8;
	[tilespmem:$0x1E800] =	vst v63  }
0x79: {  	_ =	swait.ge [sflag:s14], $0x4000  }
0x7a: {  	s25 =	simm.s32 $0x100;
	s26 =	simm.s32 $0x800;
	[sflag:s14] =	ssyncset.done $0x0  }
.LBB2_4:
0x7b: {  	s28 =	sadd.s32 $0x80, s25  }
0x7c: {  	[sflag:s14] =	ssyncadd.s32 $0xFFFFC000;
	s29 =	smov.u32 s26;
	s30 =	sadd.s32 $0x400, s26  }
0x7d: {  	[tilespmem:s18], [sflag:$0x2] =	stream.indirect.gather [hbm4b:s4+s16], $0x80, s28, s16, $0xb8;
	[tilespmem:$0x1E800] =	vst v63  }
0x7e: {  	p0 =	sne.s32 s26, $0x4800;
	_ =	swait.ge [sflag:s19], $0x4000  }
0x7f: {  	[sflag:s19] =	ssyncset.done $0x0  }
0x80: {  	s26 =	sadd.s32 $0x1400, s25;
	[sflag:s19] =	ssyncadd.s32 $0xFFFFC000  }
0x81: {  	[spmem:s1] =	stream.indirect.scatter.add.f32 [tilespmem:s17], [sflag:$0x3], $0x80, s26, s16, $0xb8;
	[tilespmem:$0x1E800] =	vst v63  }
0x82: {  	_ =	swait.ge [sflag:s14], $0x4000  }
0x83: {  	[sflag:s14] =	ssyncset.done $0x0  }
0x84: {  	s26 =	sadd.s32 $0x100, s25;
	[sflag:s14] =	ssyncadd.s32 $0xFFFFC000  }
0x85: {  	[tilespmem:s17], [sflag:$0x1] =	stream.indirect.gather [hbm4b:s4+s16], $0x80, s26, s16, $0xb8;
	[tilespmem:$0x1E800] =	vst v63  }
0x86: {  	_ =	swait.ge [sflag:s20], $0x4000  }
.Ltmp1:
0x87: {  	[sflag:s20] =	ssyncset.done $0x0;
	(pc) =	sbr.rel @p0 .LBB2_4-.Ltmp1, $4  }
0x88: {  	s25 =	sadd.s32 $0x1480, s25;
	[sflag:s20] =	ssyncadd.s32 $0xFFFFC000  }
0x89: {  	[spmem:s1] =	stream.indirect.scatter.add.f32 [tilespmem:s18], [sflag:$0x3], $0x80, s25, s16, $0xb8;
	[tilespmem:$0x1E800] =	vst v63  }
0x8a: {  	_ =	swait.ge [sflag:s14], $0x4000  }
0x8b: {  	s26 =	smov.u32 s30;
	s25 =	sshra.s32 s29, $0x2;
	[sflag:s14] =	ssyncset.done $0x0  }
0x8c: {  	s26 =	sadd.s32 $0x80, s25;
	[sflag:s14] =	ssyncadd.s32 $0xFFFFC000  }
0x8d: {  	[tilespmem:s18], [sflag:$0x2] =	stream.indirect.gather [hbm4b:s4+s16], $0x80, s26, s16, $0xb8;
	[tilespmem:$0x1E800] =	vst v63  }
0x8e: {  	_ =	swait.ge [sflag:s19], $0x4000  }
0x8f: {  	[sflag:s19] =	ssyncset.done $0x0  }
0x90: {  	s29 =	sadd.s32 $0x1400, s25;
	[sflag:s19] =	ssyncadd.s32 $0xFFFFC000  }
0x91: {  	[spmem:s1] =	stream.indirect.scatter.add.f32 [tilespmem:s17], [sflag:$0x3], $0x80, s29, s16, $0xb8;
	[tilespmem:$0x1E800] =	vst v63  }
0x92: {  	_ =	swait.ge [sflag:s14], $0x4000  }
0x93: {  	[sflag:s14] =	ssyncset.done $0x0  }
0x94: {  	s30 =	sadd.s32 $0x100, s25;
	[sflag:s14] =	ssyncadd.s32 $0xFFFFC000  }
0x95: {  	[tilespmem:s17], [sflag:$0x1] =	stream.indirect.gather [hbm4b:s4+s16], $0x80, s30, s16, $0xb8;
	[tilespmem:$0x1E800] =	vst v63  }
0x96: {  	_ =	swait.ge [sflag:s20], $0x4000  }
0x97: {  	[sflag:s20] =	ssyncset.done $0x0  }
0x98: {  	s31 =	sadd.s32 $0x1480, s25;
	[sflag:s20] =	ssyncadd.s32 $0xFFFFC000  }
0x99: {  	[spmem:s1] =	stream.indirect.scatter.add.f32 [tilespmem:s18], [sflag:$0x3], $0x80, s31, s16, $0xb8;
	[tilespmem:$0x1E800] =	vst v63  }
0x9a: {  	_ =	swait.ge [sflag:s14], $0x4000  }
0x9b: {  	[sflag:s14] =	ssyncset.done $0x0  }
0x9c: {  	[sflag:s14] =	ssyncadd.s32 $0xFFFFC000  }
0x9d: {  	[tilespmem:s18], [sflag:$0x2] =	stream.indirect.gather [hbm4b:s4+s16], $0x80, s21, s16, $0xb8;
	[tilespmem:$0x1E800] =	vst v63  }
0x9e: {  	_ =	swait.ge [sflag:s19], $0x4000  }
0x9f: {  	[sflag:s19] =	ssyncset.done $0x0  }
0xa0: {  	[sflag:s19] =	ssyncadd.s32 $0xFFFFC000  }
0xa1: {  	[spmem:s1] =	stream.indirect.scatter.add.f32 [tilespmem:s17], [sflag:$0x3], $0x80, s22, s16, $0xb8;
	[tilespmem:$0x1E800] =	vst v63  }
0xa2: {  	_ =	swait.ge [sflag:s14], $0x4000  }
0xa3: {  	[sflag:s14] =	ssyncset.done $0x0  }
0xa4: {  	[sflag:s14] =	ssyncadd.s32 $0xFFFFC000  }
0xa5: {  	_ =	swait.ge [sflag:s20], $0x4000  }
0xa6: {  	[sflag:s20] =	ssyncset.done $0x0  }
0xa7: {  	[sflag:s20] =	ssyncadd.s32 $0xFFFFC000  }
0xa8: {  	[spmem:s1] =	stream.indirect.scatter.add.f32 [tilespmem:s18], [sflag:$0x3], $0x80, s23, s16, $0xb8;
	[tilespmem:$0x1E800] =	vst v63  }
0xa9: {  	_ =	swait.ge [sflag:s14], $0x4000  }
0xaa: {  	s24 =	sadd.s32 $0x1, s24;
	[sflag:s14] =	ssyncset.done $0x0  }
0xab: {  	p0 =	sne.s32 s24, s12;
	[sflag:s14] =	ssyncadd.s32 $0xFFFFC000  }
.Ltmp2:
0xac: {  	[bflag:$0x0] =	sbarrier.arrive $0xFFFF;
	(pc) =	sbr.rel @p0 .LBB2_1-.Ltmp2, $4  }
0xad: {  	[hbm:s11], [sflag:s6] =	dma.local [spmem:s13], $0x2800  }
0xae: {  	_ =	swait.ge [sflag:s14], $0x2800  }
0xaf: {  	[sflag:s14] =	ssyncset.done $0x0  }
0xb0: {  	[sflag:s14] =	ssyncadd.s32 $0xFFFFD800  }
0xb1: {  	_ =	sfence.sel $0x180000  }
0xb2: {  	[bflag:$0x0] =	sbarrier.arrive $0xFFFF  }
0xb3: {  	p0 =	sne.s32 s2, $0x0;
	_ =	strace $0x90000050  }
0xb4: {  	s0 =	sadd.s32 @!p0 $0x100000, s0;
	[bflag:$0x2] =	sbarrier.arrive $0xFFFF  }
0xb5: {  	[sflag:s0] =	ssyncadd.tile.s32 @!p0 $0x1;
	_ =	shalt  }
.Lfunc_end2:
_tile_overlayer_lowered:
.L_overlay_start_2:
0xb6: {  	(tag) =	ssettag $0x2  }
0xb7: {  	s0 =	rddreg [dreg:$0x0];
	s2 =	stileid.u32  }
0xb8: {  	s1 =	rddreg [dreg:$0x1];
	p0 =	sne.s32 s2, $0x0  }
0xb9: {  	s3 =	rddreg [dreg:$0x2];
	[bflag:$0x3] =	sbarrier.arrive $0xFFFF;
	s2 =	simm.s32 @!p0 $0x1C03  }
0xba: {  	[timem:s3], [sflag:s2] =	dma.local @!p0 [hbm:s0], s1  }
0xbb: {  	s0 =	simm.s32 @!p0 $0x3  }
0xbc: {  	_ =	swait.ge @!p0 [sflag:s0], s1  }
0xbd: {  	s1 =	ssub.s32 @!p0 $0x0, s1;
	[sflag:s0] =	ssyncset.done @!p0 $0x0  }
0xbe: {  	[sflag:s0] =	ssyncadd.s32 @!p0 s1  }
0xbf: {  	[bflag:$0x3] =	sbarrier.arrive $0xFFFF  }
0xc0: {  	_ =	shalt  }

// kernel: kernel.26.cloned.1.call-start
scs
__scs_entry_jumppad:
0x0: {  	(pc) =	sbr.rel $0x88, $3  }
0x1: {  	(tag) =	ssettag $0x0;
	lr =	simm.s32 $0x1  }
0x2: {  	[smem:$0x3F96] =	sst lr;
	_ =	strace $0xD0000000  }
0x3: {  	_ = 	snop  }
0x4: {  	_ = 	snop  }
0x5: {  	_ = 	snop  }
0x6: {  	_ = 	snop  }
0x7: {  	_ = 	snop  }
__scs_overlays_trampoline_lowered:
0x8: {  	[smem:$0x3FA5] =	sst s0  }
0x9: {  	[smem:$0x3FA6] =	sst s1  }
0xa: {  	[smem:$0x3FA7] =	sst s2  }
0xb: {  	[smem:$0x3FA8] =	sst s3  }
0xc: {  	[smem:$0x3FA9] =	sst s4  }
0xd: {  	[smem:$0x3FAA] =	sst s5  }
0xe: {  	[smem:$0x3FAB] =	sst s6  }
0xf: {  	[smem:$0x3FAC] =	sst s7  }
0x10: {  	[smem:$0x3FAD] =	sst s8  }
0x11: {  	[smem:$0x3FAE] =	sst s9;
	s0 =	simm.s32 @!p0 $0x0  }
0x12: {  	s1 =	sld [smem:$0x3F94];
	s0 =	simm.s32 @p0 $0x1  }
0x13: {  	[smem:$0x3FAF] =	sst s0;
	s0 =	simm.s32 @!p1 $0x0  }
0x14: {  	s2 =	sld [smem:$0x3F93];
	s0 =	simm.s32 @p1 $0x1  }
0x15: {  	[smem:$0x3FB0] =	sst s0;
	s0 =	simm.s32 @!p2 $0x0  }
0x16: {  	s3 =	sld [smem:$0x3FDB];
	s0 =	simm.s32 @p2 $0x1  }
0x17: {  	s4 =	simm.s32 $0x1BF5;
	[smem:$0x3FB2] =	sst s0  }
0x18: {  	s0 =	sld [smem:$0x3F95];
	_ =	swait.ge [sflag:s4], $0x0  }
0x19: {  	s7 =	sld [smem:$0x3F96]  }
0x1a: {  	s8 =	sadd.s32 $0xFFFFE003, lr  }
0x1b: {  	s9 =	sadd.s32 $0xFFFFFEF7, lr;
	s5 =	simm.s32 $0xFFFFFFFF;
	p2 =	slt.u32 s8, $0xFFFFF086  }
0x1c: {  	p1 =	slt.u32 s9, $0xF7A;
	s5 =	simm.s32 @!p2 $0x0  }
0x1d: {  	s5 =	simm.s32 @p1 $0x1;
	p0 =	seq.s32 s7, s2  }
0x1e: {  	s7 =	smul.u32 @!p0 $0xF7A, s2;
	p2 =	seq.s32 @!p0 s5, $0x0  }
0x1f: {  	s9 =	smul.u32 $0xF7A, s1;
	s8 =	simm.s32 @!p0 $0x1BF5;
	p2 =	por !p2, p0  }
0x20: {  	[sflag:s8] =	ssyncset.s32 @!p0 $0xFFFFF086;
	s6 =	sadd.s32 @!p0 s3, s7;
	s7 =	simm.s32 @!p0 $0x108  }
0x21: {  	s3 =	sadd.s32 s3, s9;
	s6 =	sadd.s32 @!p0 $0x88, s6;
	s7 =	simm.s32 @p2 $0x1082  }
0x22: {  	[simem:s7], [sflag:s8] =	dma.local @!p0 [hbm:s6], $0xF7A  }
0x23: {  	s9 =	sor.u32 $0xD0000000, s2;
	s6 =	simm.s32 $0x108;
	_ =	swait.ge @!p0 [sflag:s8], $0x0  }
0x24: {  	s3 =	sadd.s32 $0x88, s3;
	s6 =	simm.s32 @!p1 $0x1082;
	[sflag:s4] =	ssyncset.s32 $0xFFFFF086  }
0x25: {  	[simem:s6], [sflag:s4] =	dma.local [hbm:s3], $0xF7A  }
0x26: {  	[smem:$0x3F96] =	sst s1;
	(tag) =	ssettag s2;
	_ =	strace s9  }
0x27: {  	s1 =	sld [smem:$0x3FA6]  }
0x28: {  	s2 =	sld [smem:$0x3FA7]  }
0x29: {  	s4 =	sld [smem:$0x3FA9]  }
0x2a: {  	p0 =	seq.s32 s5, $0x0;
	s5 =	sld [smem:$0x3FAA]  }
0x2b: {  	s6 =	sld [smem:$0x3FAB]  }
0x2c: {  	s7 =	sld [smem:$0x3FAC]  }
0x2d: {  	s3 =	simm.s32 $0x108;
	s8 =	sld [smem:$0x3FAD]  }
0x2e: {  	s3 =	simm.s32 @!p0 $0x1082;
	s9 =	sld [smem:$0x3FAE]  }
0x2f: {  	lr =	sadd.s32 s0, s3;
	s0 =	sld [smem:$0x3FA5]  }
0x30: {  	s3 =	sld [smem:$0x3FA8]  }
0x31: {  	[smem:$0x3FB1] =	sst s10  }
0x32: {  	s10 =	sld [smem:$0x3FAF];
	_ =	sdelay $0x3  }
0x33: {  	p0 =	seq.s32 s10, $0x1;
	s10 =	sld [smem:$0x3FB1];
	_ =	sdelay $0x3  }
0x34: {  	[smem:$0x3FB1] =	sst s10  }
0x35: {  	s10 =	sld [smem:$0x3FB0];
	_ =	sdelay $0x3  }
0x36: {  	p1 =	seq.s32 s10, $0x1;
	s10 =	sld [smem:$0x3FB1];
	_ =	sdelay $0x3  }
0x37: {  	[smem:$0x3FB1] =	sst s10  }
0x38: {  	s10 =	sld [smem:$0x3FB2]  }
0x39: {  	_ = 	snop;
	(pc) =	sbr.ind lr, $3  }
0x3a: {  	_ = 	snop  }
0x3b: {  	_ = 	snop  }
0x3c: {  	p2 =	seq.s32 s10, $0x1;
	s10 =	sld [smem:$0x3FB1]  }
0x3d: {  	_ =	shalt  }
0x3e: {  	_ =	shalt  }
0x3f: {  	_ =	shalt  }
0x40: {  	_ =	shalt  }
0x41: {  	_ =	shalt  }
0x42: {  	_ =	shalt  }
0x43: {  	_ =	shalt  }
0x44: {  	_ =	shalt  }
0x45: {  	_ =	shalt  }
0x46: {  	_ =	shalt  }
0x47: {  	_ =	shalt  }
0x48: {  	_ =	shalt  }
0x49: {  	_ =	shalt  }
0x4a: {  	_ =	shalt  }
0x4b: {  	_ =	shalt  }
0x4c: {  	_ =	shalt  }
0x4d: {  	_ =	shalt  }
0x4e: {  	_ =	shalt  }
0x4f: {  	_ =	shalt  }
0x50: {  	_ =	shalt  }
0x51: {  	_ =	shalt  }
0x52: {  	_ =	shalt  }
0x53: {  	_ =	shalt  }
0x54: {  	_ =	shalt  }
0x55: {  	_ =	shalt  }
0x56: {  	_ =	shalt  }
0x57: {  	_ =	shalt  }
0x58: {  	_ =	shalt  }
0x59: {  	_ =	shalt  }
0x5a: {  	_ =	shalt  }
0x5b: {  	_ =	shalt  }
0x5c: {  	_ =	shalt  }
0x5d: {  	_ =	shalt  }
0x5e: {  	_ =	shalt  }
0x5f: {  	_ =	shalt  }
0x60: {  	_ =	shalt  }
0x61: {  	_ =	shalt  }
0x62: {  	_ =	shalt  }
0x63: {  	_ =	shalt  }
0x64: {  	_ =	shalt  }
0x65: {  	_ =	shalt  }
0x66: {  	_ =	shalt  }
0x67: {  	_ =	shalt  }
0x68: {  	_ =	shalt  }
0x69: {  	_ =	shalt  }
0x6a: {  	_ =	shalt  }
0x6b: {  	_ =	shalt  }
0x6c: {  	_ =	shalt  }
0x6d: {  	_ =	shalt  }
0x6e: {  	_ =	shalt  }
0x6f: {  	_ =	shalt  }
0x70: {  	_ =	shalt  }
0x71: {  	_ =	shalt  }
0x72: {  	_ =	shalt  }
0x73: {  	_ =	shalt  }
0x74: {  	_ =	shalt  }
0x75: {  	_ =	shalt  }
0x76: {  	_ =	shalt  }
0x77: {  	_ =	shalt  }
0x78: {  	_ =	shalt  }
0x79: {  	_ =	shalt  }
0x7a: {  	_ =	shalt  }
0x7b: {  	_ =	shalt  }
0x7c: {  	_ =	shalt  }
0x7d: {  	_ =	shalt  }
0x7e: {  	_ =	shalt  }
0x7f: {  	_ =	shalt  }
0x80: {  	_ =	shalt  }
0x81: {  	_ =	shalt  }
0x82: {  	_ =	shalt  }
0x83: {  	_ =	shalt  }
0x84: {  	_ =	shalt  }
0x85: {  	_ =	shalt  }
0x86: {  	_ =	shalt  }
0x87: {  	_ =	shalt  }
.Lfunc_end0:
.L_simem_size_0:
called_computation.4_lowered:
.L_overlay_start_0:
0x88: {  	s2 =	sld [smem:$0x3FD9]  }
0x89: {  	s3 =	sld [smem:$0x3FFE];
	_ =	sdelay $0x1  }
0x8a: {  	s1 =	srdreg.scid  }
0x8b: {  	s0 =	sand.u32 $0x1, s1  }
0x8c: {  	s16 =	sshll.u32 s0, $0xA;
	s2 =	sadd.s32 s3, s2  }
0x8d: {  	s2 =	sadd.s32 s2, s16  }
0x8e: {  	[smem:$0x3FBD] =	sst s2  }
0x8f: {  	_ = 	snop  }
0x90: {  	(tm) =	ssettm $0x1  }
0x91: {  	s17 =	sld [smem:$0x3FFB];
	_ =	sdelay $0x3  }
0x92: {  	_ =	strace s17  }
0x93: {  	s2 =	sld [smem:$0x3FFC];
	_ =	sdelay $0x3  }
0x94: {  	_ =	strace s2  }
0x95: {  	s2 =	sld [smem:$0x3FFD];
	_ =	sdelay $0x3  }
0x96: {  	_ =	strace s2  }
0x97: {  	_ =	strace $0x8FFFFFFF  }
0x98: {  	s18 =	sld [smem:$0x3FDB];
	_ =	sdelay $0x1  }
0x99: {  	s19 =	simm.s32 $_scs_section_size  }
0x9a: {  	s4 =	simm.s32 $_size__tile_overlayer_lowered;
	s5 =	simm.s32 $_tile_overlayer_lowered  }
0x9b: {  	s22 =	simm.s32 $0x1BFF;
	s21 =	sshll.u32 s5, $0x1;
	s2 =	sadd.s32 s19, s18  }
0x9c: {  	s6 =	simm.s32 $0x0;
	s20 =	sshll.u32 s4, $0x1;
	s4 =	sadd.s32 s21, s2  }
0x9d: {  	[timem:s6], [sflag:s22] =	dma.local [hbm:s4], s20  }
0x9e: {  	_ =	swait.ge [sflag:s22], s20  }
0x9f: {  	s3 =	ssub.s32 $0x0, s20;
	[sflag:s22] =	ssyncset.done $0x0  }
0xa0: {  	[sflag:s22] =	ssyncadd.s32 s3;
	_ =	sdelay $0x1  }
0xa1: {  	s23 =	simm.s32 $0x1B8B  }
0xa2: {  	_ =	swait.ge [sflag:s23], $0x1  }
0xa3: {  	[sflag:s23] =	ssyncset.done $0x0  }
0xa4: {  	s25 =	simm.s32 $0x1B8E;
	s24 =	sld [smem:$0x3FFE];
	[sflag:s23] =	ssyncadd.s32 $0xFFFFFFFF  }
0xa5: {  	s26 =	simm.s32 $execute0_lowered;
	[smem:$0x3FD2] =	sst s25  }
0xa6: {  	s4 =	sshll.u32 s26, $0x1;
	_ =	strace $0x80000052;
	[dreg:$0x1] =	wrdreg $0xFFFFFFFF  }
0xa7: {  	s28 =	simm.s32 $_size_execute0_lowered;
	s2 =	sadd.s32 s2, s4;
	[dreg:$0x0] =	wrdreg $0x0  }
0xa8: {  	s4 =	sshll.u32 s28, $0x1;
	[dreg:$0x2] =	wrdreg s2  }
0xa9: {  	[dreg:$0x3] =	wrdreg s4  }
0xaa: {  	[dreg:$0x4] =	wrdreg $0xC0  }
0xab: {  	_ =	task [dreg:s6], $0x5FFFF  }
0xac: {  	[dreg:$0x1] =	wrdreg $0xFFFFFFFF  }
0xad: {  	[dreg:$0x0] =	wrdreg $0x60  }
0xae: {  	[dreg:$0x2] =	wrdreg s24  }
0xaf: {  	[dreg:$0x3] =	wrdreg $0xA8000  }
0xb0: {  	[dreg:$0x4] =	wrdreg $0x9  }
0xb1: {  	_ =	task.clear_ibuf [dreg:s6], $0x5FFFF;
	_ =	strace $0x90000052  }
0xb2: {  	s29 =	simm.s32 $0x9;
	_ =	strace $0x80000054  }
0xb3: {  	_ =	swait.ge [sflag:s29], $0x1  }
0xb4: {  	[sflag:s29] =	ssyncadd.s32 $0xFFFFFFFF  }
0xb5: {  	_ =	strace $0x90000054  }
0xb6: {  	_ =	sfence  }
0xb7: {  	s30 =	sld [smem:$0x0];
	_ =	sdelay $0x2  }
0xb8: {  	s31 =	sshll.u32 s1, $0xD;
	s1 =	sshrl.u32 s1, $0x2  }
0xb9: {  	s3 =	sand.u32 $0x4000, s31;
	s1 =	sadd.s32 s1, s30  }
0xba: {  	s0 =	sor.u32 s3, s0;
	s1 =	sshll.u32 s1, $0x11  }
0xbb: {  	s0 =	sor.u32 s1, s0  }
0xbc: {  	s0 =	sadd.s32 $0x8F2B, s0  }
0xbd: {  	[sflag:s0] =	ssyncadd.remote.s32 $0x1  }
0xbe: {  	_ =	sfence.sel $0xFFFF  }
0xbf: {  	[dreg:$0x0] =	wrdreg $0xFFFFFFFF;
	(pc) =	sbr.abs _section_cstart, $3  }
0xc0: {  	[dreg:$0x1] =	wrdreg $0xFFFFFFFF  }
0xc1: {  	_ =	task.clear_ibuf [dreg:s6], $0x2FFFF;
	_ =	strace $0x9FFFFFFF  }
0xc2: {  	(tm) =	ssettm $0x7FFFFFFF  }
0xc3: {  	_ =	shalt  }
tec
execute0_lowered:
.L_overlay_start_1:
0x0: {  	(tag) =	ssettag $0x1  }
0x1: {  	s6 =	rddreg [dreg:$0x0]  }
0x2: {  	s1 =	rddreg [dreg:$0x1]  }
0x3: {  	s2 =	srdreg.scid;
	s0 =	rddreg [dreg:$0x2]  }
0x4: {  	s3 =	simm.s32 $0x0;
	s15 =	simm.s32 $0x1400;
	s16 =	simm.s32 $0x80  }
0x5: {  	s17 =	simm.s32 $0x2800;
	s18 =	simm.s32 $0x6800;
	s19 =	simm.s32 $0x1  }
0x6: {  	s20 =	simm.s32 $0x2;
	s21 =	simm.s32 $0x1380;
	s22 =	simm.s32 $0x2700  }
0x7: {  	s5 =	sand.u32 $0x1, s2;
	s2 =	stileid.u32;
	[smem:$0x7FF] =	sst s3  }
0x8: {  	s4 =	sadd.s32 $0x5E00, s6;
	s9 =	sadd.s32 $0x47400, s6;
	s7 =	smul.u32 $0x140000, s5  }
0x9: {  	s10 =	sadd.s32 $0x51400, s6;
	s8 =	smul.u32 $0x14000, s2;
	_ =	strace $0x80000053  }
0xa: {  	s23 =	sshll.u32 s5, $0x4;
	s11 =	ssub.s32 $0x2, s5;
	s25 =	smul.u32 $0x50000, s2  }
0xb: {  	s5 =	sadd.s32 $0x5B400, s6;
	s28 =	sshll.u32 s2, $0x6;
	s24 =	sor.u32 s2, s23  }
0xc: {  	s12 =	sshrl.u32 s11, $0x1;
	s23 =	simm.s32 $0x2780;
	s7 =	sadd.s32 s8, s7  }
0xd: {  	s13 =	smul.u32 $0x2800, s24;
	s12 =	ssub.s32 s11, s12;
	s26 =	sshrl.u32 s25, $0x2  }
0xe: {  	s24 =	simm.s32 $0x0;
	s7 =	sshrl.u32 s7, $0x3;
	s30 =	sadd.s32 s26, s1  }
0xf: {  	s12 =	smax.u32 s12, $0x1;
	s14 =	sadd.s32 s7, s6;
	s29 =	sshrl.u32 s13, $0x3  }
0x10: {  	s6 =	sor.u32 $0x1C03, s28;
	s13 =	sshrl.u32 s30, $0x3;
	s31 =	sadd.s32 $0x280, s29  }
0x11: {  	s7 =	sadd.s32 s9, s29;
	s8 =	sadd.s32 s10, s29;
	s11 =	sadd.s32 $0x5DC00, s14  }
0x12: {  	s14 =	simm.s32 $0x3;
	s9 =	sadd.s32 s9, s31;
	s10 =	sadd.s32 s10, s31  }
.LBB2_1:
0x13: {  	[spmem:s13], [sflag:s6] =	dma.local [hbm:s5], $0x2800  }
0x14: {  	_ =	swait.ge [sflag:s14], $0x2800  }
0x15: {  	[sflag:s14] =	ssyncset.done $0x0  }
0x16: {  	[sflag:s14] =	ssyncadd.s32 $0xFFFFD800  }
0x17: {  	[bflag:$0x0] =	sbarrier.arrive $0xFFFF  }
0x18: {  	[tilespmem:s3], [sflag:$0x3] =	stream.linear.gather [hbm4b:s7+s3], $0x1400, $0x38;
	[tilespmem:$0x1E800] =	vst v63  }
0x19: {  	_ =	swait.ge [sflag:s14], $0x1400  }
0x1a: {  	[sflag:s14] =	ssyncset.done $0x0  }
0x1b: {  	[sflag:s14] =	ssyncadd.s32 $0xFFFFEC00  }
0x1c: {  	[tilespmem:s15], [sflag:$0x3] =	stream.linear.gather [hbm4b:s8+s3], $0x1400, $0x38;
	[tilespmem:$0x1E800] =	vst v63  }
0x1d: {  	_ =	swait.ge [sflag:s14], $0x1400  }
0x1e: {  	[sflag:s14] =	ssyncset.done $0x0  }
0x1f: {  	[sflag:s14] =	ssyncadd.s32 $0xFFFFEC00  }
0x20: {  	[tilespmem:s17], [sflag:$0x1] =	stream.indirect.gather [hbm4b:s4+s16], $0x80, s3, s16, $0xb8;
	[tilespmem:$0x1E800] =	vst v63  }
0x21: {  	s25 =	simm.s32 $0x80  }
0x22: {  	[tilespmem:s18], [sflag:$0x2] =	stream.indirect.gather [hbm4b:s4+s16], $0x80, s25, s16, $0xb8;
	[tilespmem:$0x1E800] =	vst v63  }
0x23: {  	_ =	swait.ge [sflag:s19], $0x4000  }
0x24: {  	[sflag:s19] =	ssyncset.done $0x0  }
0x25: {  	s29 =	simm.s32 $0x1400;
	[sflag:s19] =	ssyncadd.s32 $0xFFFFC000  }
0x26: {  	[spmem:s1] =	stream.indirect.scatter.add.f32 [tilespmem:s17], [sflag:$0x3], $0x80, s29, s16, $0xb8;
	[tilespmem:$0x1E800] =	vst v63  }
0x27: {  	_ =	swait.ge [sflag:s14], $0x4000  }
0x28: {  	[sflag:s14] =	ssyncset.done $0x0  }
0x29: {  	s30 =	simm.s32 $0x100;
	[sflag:s14] =	ssyncadd.s32 $0xFFFFC000  }
0x2a: {  	[tilespmem:s17], [sflag:$0x1] =	stream.indirect.gather [hbm4b:s4+s16], $0x80, s30, s16, $0xb8;
	[tilespmem:$0x1E800] =	vst v63  }
0x2b: {  	_ =	swait.ge [sflag:s20], $0x4000  }
0x2c: {  	[sflag:s20] =	ssyncset.done $0x0  }
0x2d: {  	s31 =	simm.s32 $0x1480;
	[sflag:s20] =	ssyncadd.s32 $0xFFFFC000  }
0x2e: {  	[spmem:s1] =	stream.indirect.scatter.add.f32 [tilespmem:s18], [sflag:$0x3], $0x80, s31, s16, $0xb8;
	[tilespmem:$0x1E800] =	vst v63  }
0x2f: {  	_ =	swait.ge [sflag:s14], $0x4000  }
0x30: {  	s26 =	simm.s32 $0x800;
	s25 =	simm.s32 $0x100;
	[sflag:s14] =	ssyncset.done $0x0  }
.LBB2_2:
0x31: {  	s28 =	sadd.s32 $0x80, s25  }
0x32: {  	[sflag:s14] =	ssyncadd.s32 $0xFFFFC000;
	s29 =	smov.u32 s26;
	s30 =	sadd.s32 $0x400, s26  }
0x33: {  	[tilespmem:s18], [sflag:$0x2] =	stream.indirect.gather [hbm4b:s4+s16], $0x80, s28, s16, $0xb8;
	[tilespmem:$0x1E800] =	vst v63  }
0x34: {  	p0 =	sne.s32 s26, $0x4800;
	_ =	swait.ge [sflag:s19], $0x4000  }
0x35: {  	[sflag:s19] =	ssyncset.done $0x0  }
0x36: {  	s26 =	sadd.s32 $0x1400, s25;
	[sflag:s19] =	ssyncadd.s32 $0xFFFFC000  }
0x37: {  	[spmem:s1] =	stream.indirect.scatter.add.f32 [tilespmem:s17], [sflag:$0x3], $0x80, s26, s16, $0xb8;
	[tilespmem:$0x1E800] =	vst v63  }
0x38: {  	_ =	swait.ge [sflag:s14], $0x4000  }
0x39: {  	[sflag:s14] =	ssyncset.done $0x0  }
0x3a: {  	s26 =	sadd.s32 $0x100, s25;
	[sflag:s14] =	ssyncadd.s32 $0xFFFFC000  }
0x3b: {  	[tilespmem:s17], [sflag:$0x1] =	stream.indirect.gather [hbm4b:s4+s16], $0x80, s26, s16, $0xb8;
	[tilespmem:$0x1E800] =	vst v63  }
0x3c: {  	_ =	swait.ge [sflag:s20], $0x4000  }
.Ltmp0:
0x3d: {  	[sflag:s20] =	ssyncset.done $0x0;
	(pc) =	sbr.rel @p0 .LBB2_2-.Ltmp0, $4  }
0x3e: {  	s25 =	sadd.s32 $0x1480, s25;
	[sflag:s20] =	ssyncadd.s32 $0xFFFFC000  }
0x3f: {  	[spmem:s1] =	stream.indirect.scatter.add.f32 [tilespmem:s18], [sflag:$0x3], $0x80, s25, s16, $0xb8;
	[tilespmem:$0x1E800] =	vst v63  }
0x40: {  	_ =	swait.ge [sflag:s14], $0x4000  }
0x41: {  	s26 =	smov.u32 s30;
	s25 =	sshra.s32 s29, $0x2;
	[sflag:s14] =	ssyncset.done $0x0  }
0x42: {  	s26 =	sadd.s32 $0x80, s25;
	[sflag:s14] =	ssyncadd.s32 $0xFFFFC000  }
0x43: {  	[tilespmem:s18], [sflag:$0x2] =	stream.indirect.gather [hbm4b:s4+s16], $0x80, s26, s16, $0xb8;
	[tilespmem:$0x1E800] =	vst v63  }
0x44: {  	_ =	swait.ge [sflag:s19], $0x4000  }
0x45: {  	[sflag:s19] =	ssyncset.done $0x0  }
0x46: {  	s29 =	sadd.s32 $0x1400, s25;
	[sflag:s19] =	ssyncadd.s32 $0xFFFFC000  }
0x47: {  	[spmem:s1] =	stream.indirect.scatter.add.f32 [tilespmem:s17], [sflag:$0x3], $0x80, s29, s16, $0xb8;
	[tilespmem:$0x1E800] =	vst v63  }
0x48: {  	_ =	swait.ge [sflag:s14], $0x4000  }
0x49: {  	[sflag:s14] =	ssyncset.done $0x0  }
0x4a: {  	s30 =	sadd.s32 $0x100, s25;
	[sflag:s14] =	ssyncadd.s32 $0xFFFFC000  }
0x4b: {  	[tilespmem:s17], [sflag:$0x1] =	stream.indirect.gather [hbm4b:s4+s16], $0x80, s30, s16, $0xb8;
	[tilespmem:$0x1E800] =	vst v63  }
0x4c: {  	_ =	swait.ge [sflag:s20], $0x4000  }
0x4d: {  	[sflag:s20] =	ssyncset.done $0x0  }
0x4e: {  	s31 =	sadd.s32 $0x1480, s25;
	[sflag:s20] =	ssyncadd.s32 $0xFFFFC000  }
0x4f: {  	[spmem:s1] =	stream.indirect.scatter.add.f32 [tilespmem:s18], [sflag:$0x3], $0x80, s31, s16, $0xb8;
	[tilespmem:$0x1E800] =	vst v63  }
0x50: {  	_ =	swait.ge [sflag:s14], $0x4000  }
0x51: {  	[sflag:s14] =	ssyncset.done $0x0  }
0x52: {  	[sflag:s14] =	ssyncadd.s32 $0xFFFFC000  }
0x53: {  	[tilespmem:s18], [sflag:$0x2] =	stream.indirect.gather [hbm4b:s4+s16], $0x80, s21, s16, $0xb8;
	[tilespmem:$0x1E800] =	vst v63  }
0x54: {  	_ =	swait.ge [sflag:s19], $0x4000  }
0x55: {  	[sflag:s19] =	ssyncset.done $0x0  }
0x56: {  	[sflag:s19] =	ssyncadd.s32 $0xFFFFC000  }
0x57: {  	[spmem:s1] =	stream.indirect.scatter.add.f32 [tilespmem:s17], [sflag:$0x3], $0x80, s22, s16, $0xb8;
	[tilespmem:$0x1E800] =	vst v63  }
0x58: {  	_ =	swait.ge [sflag:s14], $0x4000  }
0x59: {  	[sflag:s14] =	ssyncset.done $0x0  }
0x5a: {  	[sflag:s14] =	ssyncadd.s32 $0xFFFFC000  }
0x5b: {  	_ =	swait.ge [sflag:s20], $0x4000  }
0x5c: {  	[sflag:s20] =	ssyncset.done $0x0  }
0x5d: {  	[sflag:s20] =	ssyncadd.s32 $0xFFFFC000  }
0x5e: {  	[spmem:s1] =	stream.indirect.scatter.add.f32 [tilespmem:s18], [sflag:$0x3], $0x80, s23, s16, $0xb8;
	[tilespmem:$0x1E800] =	vst v63  }
0x5f: {  	_ =	swait.ge [sflag:s14], $0x4000  }
0x60: {  	[sflag:s14] =	ssyncset.done $0x0  }
0x61: {  	s26 =	simm.s32 $0x0;
	[sflag:s14] =	ssyncadd.s32 $0xFFFFC000  }
0x62: {  	[tilespmem:s26], [sflag:$0x3] =	stream.linear.gather [hbm4b:s9+s26], $0x1400, $0x38;
	[tilespmem:$0x1E800] =	vst v63  }
0x63: {  	_ =	swait.ge [sflag:s14], $0x1400  }
0x64: {  	[sflag:s14] =	ssyncset.done $0x0  }
0x65: {  	[sflag:s14] =	ssyncadd.s32 $0xFFFFEC00  }
0x66: {  	[tilespmem:s15], [sflag:$0x3] =	stream.linear.gather [hbm4b:s10+s26], $0x1400, $0x38;
	[tilespmem:$0x1E800] =	vst v63  }
0x67: {  	_ =	swait.ge [sflag:s14], $0x1400  }
0x68: {  	[sflag:s14] =	ssyncset.done $0x0  }
0x69: {  	[sflag:s14] =	ssyncadd.s32 $0xFFFFEC00  }
0x6a: {  	[tilespmem:s17], [sflag:$0x1] =	stream.indirect.gather [hbm4b:s4+s16], $0x80, s26, s16, $0xb8;
	[tilespmem:$0x1E800] =	vst v63  }
0x6b: {  	s28 =	simm.s32 $0x80  }
0x6c: {  	[tilespmem:s18], [sflag:$0x2] =	stream.indirect.gather [hbm4b:s4+s16], $0x80, s28, s16, $0xb8;
	[tilespmem:$0x1E800] =	vst v63  }
0x6d: {  	_ =	swait.ge [sflag:s19], $0x4000  }
0x6e: {  	[sflag:s19] =	ssyncset.done $0x0  }
0x6f: {  	s29 =	simm.s32 $0x1400;
	[sflag:s19] =	ssyncadd.s32 $0xFFFFC000  }
0x70: {  	[spmem:s1] =	stream.indirect.scatter.add.f32 [tilespmem:s17], [sflag:$0x3], $0x80, s29, s16, $0xb8;
	[tilespmem:$0x1E800] =	vst v63  }
0x71: {  	_ =	swait.ge [sflag:s14], $0x4000  }
0x72: {  	[sflag:s14] =	ssyncset.done $0x0  }
0x73: {  	s30 =	simm.s32 $0x100;
	[sflag:s14] =	ssyncadd.s32 $0xFFFFC000  }
0x74: {  	[tilespmem:s17], [sflag:$0x1] =	stream.indirect.gather [hbm4b:s4+s16], $0x80, s30, s16, $0xb8;
	[tilespmem:$0x1E800] =	vst v63  }
0x75: {  	_ =	swait.ge [sflag:s20], $0x4000  }
0x76: {  	[sflag:s20] =	ssyncset.done $0x0  }
0x77: {  	s31 =	simm.s32 $0x1480;
	[sflag:s20] =	ssyncadd.s32 $0xFFFFC000  }
0x78: {  	[spmem:s1] =	stream.indirect.scatter.add.f32 [tilespmem:s18], [sflag:$0x3], $0x80, s31, s16, $0xb8;
	[tilespmem:$0x1E800] =	vst v63  }
0x79: {  	_ =	swait.ge [sflag:s14], $0x4000  }
0x7a: {  	s25 =	simm.s32 $0x100;
	s26 =	simm.s32 $0x800;
	[sflag:s14] =	ssyncset.done $0x0  }
.LBB2_4:
0x7b: {  	s28 =	sadd.s32 $0x80, s25  }
0x7c: {  	[sflag:s14] =	ssyncadd.s32 $0xFFFFC000;
	s29 =	smov.u32 s26;
	s30 =	sadd.s32 $0x400, s26  }
0x7d: {  	[tilespmem:s18], [sflag:$0x2] =	stream.indirect.gather [hbm4b:s4+s16], $0x80, s28, s16, $0xb8;
	[tilespmem:$0x1E800] =	vst v63  }
0x7e: {  	p0 =	sne.s32 s26, $0x4800;
	_ =	swait.ge [sflag:s19], $0x4000  }
0x7f: {  	[sflag:s19] =	ssyncset.done $0x0  }
0x80: {  	s26 =	sadd.s32 $0x1400, s25;
	[sflag:s19] =	ssyncadd.s32 $0xFFFFC000  }
0x81: {  	[spmem:s1] =	stream.indirect.scatter.add.f32 [tilespmem:s17], [sflag:$0x3], $0x80, s26, s16, $0xb8;
	[tilespmem:$0x1E800] =	vst v63  }
0x82: {  	_ =	swait.ge [sflag:s14], $0x4000  }
0x83: {  	[sflag:s14] =	ssyncset.done $0x0  }
0x84: {  	s26 =	sadd.s32 $0x100, s25;
	[sflag:s14] =	ssyncadd.s32 $0xFFFFC000  }
0x85: {  	[tilespmem:s17], [sflag:$0x1] =	stream.indirect.gather [hbm4b:s4+s16], $0x80, s26, s16, $0xb8;
	[tilespmem:$0x1E800] =	vst v63  }
0x86: {  	_ =	swait.ge [sflag:s20], $0x4000  }
.Ltmp1:
0x87: {  	[sflag:s20] =	ssyncset.done $0x0;
	(pc) =	sbr.rel @p0 .LBB2_4-.Ltmp1, $4  }
0x88: {  	s25 =	sadd.s32 $0x1480, s25;
	[sflag:s20] =	ssyncadd.s32 $0xFFFFC000  }
0x89: {  	[spmem:s1] =	stream.indirect.scatter.add.f32 [tilespmem:s18], [sflag:$0x3], $0x80, s25, s16, $0xb8;
	[tilespmem:$0x1E800] =	vst v63  }
0x8a: {  	_ =	swait.ge [sflag:s14], $0x4000  }
0x8b: {  	s26 =	smov.u32 s30;
	s25 =	sshra.s32 s29, $0x2;
	[sflag:s14] =	ssyncset.done $0x0  }
0x8c: {  	s26 =	sadd.s32 $0x80, s25;
	[sflag:s14] =	ssyncadd.s32 $0xFFFFC000  }
0x8d: {  	[tilespmem:s18], [sflag:$0x2] =	stream.indirect.gather [hbm4b:s4+s16], $0x80, s26, s16, $0xb8;
	[tilespmem:$0x1E800] =	vst v63  }
0x8e: {  	_ =	swait.ge [sflag:s19], $0x4000  }
0x8f: {  	[sflag:s19] =	ssyncset.done $0x0  }
0x90: {  	s29 =	sadd.s32 $0x1400, s25;
	[sflag:s19] =	ssyncadd.s32 $0xFFFFC000  }
0x91: {  	[spmem:s1] =	stream.indirect.scatter.add.f32 [tilespmem:s17], [sflag:$0x3], $0x80, s29, s16, $0xb8;
	[tilespmem:$0x1E800] =	vst v63  }
0x92: {  	_ =	swait.ge [sflag:s14], $0x4000  }
0x93: {  	[sflag:s14] =	ssyncset.done $0x0  }
0x94: {  	s30 =	sadd.s32 $0x100, s25;
	[sflag:s14] =	ssyncadd.s32 $0xFFFFC000  }
0x95: {  	[tilespmem:s17], [sflag:$0x1] =	stream.indirect.gather [hbm4b:s4+s16], $0x80, s30, s16, $0xb8;
	[tilespmem:$0x1E800] =	vst v63  }
0x96: {  	_ =	swait.ge [sflag:s20], $0x4000  }
0x97: {  	[sflag:s20] =	ssyncset.done $0x0  }
0x98: {  	s31 =	sadd.s32 $0x1480, s25;
	[sflag:s20] =	ssyncadd.s32 $0xFFFFC000  }
0x99: {  	[spmem:s1] =	stream.indirect.scatter.add.f32 [tilespmem:s18], [sflag:$0x3], $0x80, s31, s16, $0xb8;
	[tilespmem:$0x1E800] =	vst v63  }
0x9a: {  	_ =	swait.ge [sflag:s14], $0x4000  }
0x9b: {  	[sflag:s14] =	ssyncset.done $0x0  }
0x9c: {  	[sflag:s14] =	ssyncadd.s32 $0xFFFFC000  }
0x9d: {  	[tilespmem:s18], [sflag:$0x2] =	stream.indirect.gather [hbm4b:s4+s16], $0x80, s21, s16, $0xb8;
	[tilespmem:$0x1E800] =	vst v63  }
0x9e: {  	_ =	swait.ge [sflag:s19], $0x4000  }
0x9f: {  	[sflag:s19] =	ssyncset.done $0x0  }
0xa0: {  	[sflag:s19] =	ssyncadd.s32 $0xFFFFC000  }
0xa1: {  	[spmem:s1] =	stream.indirect.scatter.add.f32 [tilespmem:s17], [sflag:$0x3], $0x80, s22, s16, $0xb8;
	[tilespmem:$0x1E800] =	vst v63  }
0xa2: {  	_ =	swait.ge [sflag:s14], $0x4000  }
0xa3: {  	[sflag:s14] =	ssyncset.done $0x0  }
0xa4: {  	[sflag:s14] =	ssyncadd.s32 $0xFFFFC000  }
0xa5: {  	_ =	swait.ge [sflag:s20], $0x4000  }
0xa6: {  	[sflag:s20] =	ssyncset.done $0x0  }
0xa7: {  	[sflag:s20] =	ssyncadd.s32 $0xFFFFC000  }
0xa8: {  	[spmem:s1] =	stream.indirect.scatter.add.f32 [tilespmem:s18], [sflag:$0x3], $0x80, s23, s16, $0xb8;
	[tilespmem:$0x1E800] =	vst v63  }
0xa9: {  	_ =	swait.ge [sflag:s14], $0x4000  }
0xaa: {  	s24 =	sadd.s32 $0x1, s24;
	[sflag:s14] =	ssyncset.done $0x0  }
0xab: {  	p0 =	sne.s32 s24, s12;
	[sflag:s14] =	ssyncadd.s32 $0xFFFFC000  }
.Ltmp2:
0xac: {  	[bflag:$0x0] =	sbarrier.arrive $0xFFFF;
	(pc) =	sbr.rel @p0 .LBB2_1-.Ltmp2, $4  }
0xad: {  	[hbm:s11], [sflag:s6] =	dma.local [spmem:s13], $0x2800  }
0xae: {  	_ =	swait.ge [sflag:s14], $0x2800  }
0xaf: {  	[sflag:s14] =	ssyncset.done $0x0  }
0xb0: {  	[sflag:s14] =	ssyncadd.s32 $0xFFFFD800  }
0xb1: {  	_ =	sfence.sel $0x180000  }
0xb2: {  	[bflag:$0x0] =	sbarrier.arrive $0xFFFF  }
0xb3: {  	p0 =	sne.s32 s2, $0x0;
	_ =	strace $0x90000053  }
0xb4: {  	s0 =	sadd.s32 @!p0 $0x100000, s0;
	[bflag:$0x2] =	sbarrier.arrive $0xFFFF  }
0xb5: {  	[sflag:s0] =	ssyncadd.tile.s32 @!p0 $0x1;
	_ =	shalt  }
.Lfunc_end2:
_tile_overlayer_lowered:
.L_overlay_start_2:
0xb6: {  	(tag) =	ssettag $0x2  }
0xb7: {  	s0 =	rddreg [dreg:$0x0];
	s2 =	stileid.u32  }
0xb8: {  	s1 =	rddreg [dreg:$0x1];
	p0 =	sne.s32 s2, $0x0  }
0xb9: {  	s3 =	rddreg [dreg:$0x2];
	[bflag:$0x3] =	sbarrier.arrive $0xFFFF;
	s2 =	simm.s32 @!p0 $0x1C03  }
0xba: {  	[timem:s3], [sflag:s2] =	dma.local @!p0 [hbm:s0], s1  }
0xbb: {  	s0 =	simm.s32 @!p0 $0x3  }
0xbc: {  	_ =	swait.ge @!p0 [sflag:s0], s1  }
0xbd: {  	s1 =	ssub.s32 @!p0 $0x0, s1;
	[sflag:s0] =	ssyncset.done @!p0 $0x0  }
0xbe: {  	[sflag:s0] =	ssyncadd.s32 @!p0 s1  }
0xbf: {  	[bflag:$0x3] =	sbarrier.arrive $0xFFFF  }
0xc0: {  	_ =	shalt  }

// kernel: kernel.29.cloned.1.call-start
scs
__scs_entry_jumppad:
0x0: {  	(pc) =	sbr.rel $0x88, $3  }
0x1: {  	(tag) =	ssettag $0x0;
	lr =	simm.s32 $0x1  }
0x2: {  	[smem:$0x3F96] =	sst lr;
	_ =	strace $0xD0000000  }
0x3: {  	_ = 	snop  }
0x4: {  	_ = 	snop  }
0x5: {  	_ = 	snop  }
0x6: {  	_ = 	snop  }
0x7: {  	_ = 	snop  }
__scs_overlays_trampoline_lowered:
0x8: {  	[smem:$0x3FA5] =	sst s0  }
0x9: {  	[smem:$0x3FA6] =	sst s1  }
0xa: {  	[smem:$0x3FA7] =	sst s2  }
0xb: {  	[smem:$0x3FA8] =	sst s3  }
0xc: {  	[smem:$0x3FA9] =	sst s4  }
0xd: {  	[smem:$0x3FAA] =	sst s5  }
0xe: {  	[smem:$0x3FAB] =	sst s6  }
0xf: {  	[smem:$0x3FAC] =	sst s7  }
0x10: {  	[smem:$0x3FAD] =	sst s8  }
0x11: {  	[smem:$0x3FAE] =	sst s9;
	s0 =	simm.s32 @!p0 $0x0  }
0x12: {  	s1 =	sld [smem:$0x3F94];
	s0 =	simm.s32 @p0 $0x1  }
0x13: {  	[smem:$0x3FAF] =	sst s0;
	s0 =	simm.s32 @!p1 $0x0  }
0x14: {  	s2 =	sld [smem:$0x3F93];
	s0 =	simm.s32 @p1 $0x1  }
0x15: {  	[smem:$0x3FB0] =	sst s0;
	s0 =	simm.s32 @!p2 $0x0  }
0x16: {  	s3 =	sld [smem:$0x3FDB];
	s0 =	simm.s32 @p2 $0x1  }
0x17: {  	s4 =	simm.s32 $0x1BF5;
	[smem:$0x3FB2] =	sst s0  }
0x18: {  	s0 =	sld [smem:$0x3F95];
	_ =	swait.ge [sflag:s4], $0x0  }
0x19: {  	s7 =	sld [smem:$0x3F96]  }
0x1a: {  	s8 =	sadd.s32 $0xFFFFE003, lr  }
0x1b: {  	s9 =	sadd.s32 $0xFFFFFEF7, lr;
	s5 =	simm.s32 $0xFFFFFFFF;
	p2 =	slt.u32 s8, $0xFFFFF086  }
0x1c: {  	p1 =	slt.u32 s9, $0xF7A;
	s5 =	simm.s32 @!p2 $0x0  }
0x1d: {  	s5 =	simm.s32 @p1 $0x1;
	p0 =	seq.s32 s7, s2  }
0x1e: {  	s7 =	smul.u32 @!p0 $0xF7A, s2;
	p2 =	seq.s32 @!p0 s5, $0x0  }
0x1f: {  	s9 =	smul.u32 $0xF7A, s1;
	s8 =	simm.s32 @!p0 $0x1BF5;
	p2 =	por !p2, p0  }
0x20: {  	[sflag:s8] =	ssyncset.s32 @!p0 $0xFFFFF086;
	s6 =	sadd.s32 @!p0 s3, s7;
	s7 =	simm.s32 @!p0 $0x108  }
0x21: {  	s3 =	sadd.s32 s3, s9;
	s6 =	sadd.s32 @!p0 $0x88, s6;
	s7 =	simm.s32 @p2 $0x1082  }
0x22: {  	[simem:s7], [sflag:s8] =	dma.local @!p0 [hbm:s6], $0xF7A  }
0x23: {  	s9 =	sor.u32 $0xD0000000, s2;
	s6 =	simm.s32 $0x108;
	_ =	swait.ge @!p0 [sflag:s8], $0x0  }
0x24: {  	s3 =	sadd.s32 $0x88, s3;
	s6 =	simm.s32 @!p1 $0x1082;
	[sflag:s4] =	ssyncset.s32 $0xFFFFF086  }
0x25: {  	[simem:s6], [sflag:s4] =	dma.local [hbm:s3], $0xF7A  }
0x26: {  	[smem:$0x3F96] =	sst s1;
	(tag) =	ssettag s2;
	_ =	strace s9  }
0x27: {  	s1 =	sld [smem:$0x3FA6]  }
0x28: {  	s2 =	sld [smem:$0x3FA7]  }
0x29: {  	s4 =	sld [smem:$0x3FA9]  }
0x2a: {  	p0 =	seq.s32 s5, $0x0;
	s5 =	sld [smem:$0x3FAA]  }
0x2b: {  	s6 =	sld [smem:$0x3FAB]  }
0x2c: {  	s7 =	sld [smem:$0x3FAC]  }
0x2d: {  	s3 =	simm.s32 $0x108;
	s8 =	sld [smem:$0x3FAD]  }
0x2e: {  	s3 =	simm.s32 @!p0 $0x1082;
	s9 =	sld [smem:$0x3FAE]  }
0x2f: {  	lr =	sadd.s32 s0, s3;
	s0 =	sld [smem:$0x3FA5]  }
0x30: {  	s3 =	sld [smem:$0x3FA8]  }
0x31: {  	[smem:$0x3FB1] =	sst s10  }
0x32: {  	s10 =	sld [smem:$0x3FAF];
	_ =	sdelay $0x3  }
0x33: {  	p0 =	seq.s32 s10, $0x1;
	s10 =	sld [smem:$0x3FB1];
	_ =	sdelay $0x3  }
0x34: {  	[smem:$0x3FB1] =	sst s10  }
0x35: {  	s10 =	sld [smem:$0x3FB0];
	_ =	sdelay $0x3  }
0x36: {  	p1 =	seq.s32 s10, $0x1;
	s10 =	sld [smem:$0x3FB1];
	_ =	sdelay $0x3  }
0x37: {  	[smem:$0x3FB1] =	sst s10  }
0x38: {  	s10 =	sld [smem:$0x3FB2]  }
0x39: {  	_ = 	snop;
	(pc) =	sbr.ind lr, $3  }
0x3a: {  	_ = 	snop  }
0x3b: {  	_ = 	snop  }
0x3c: {  	p2 =	seq.s32 s10, $0x1;
	s10 =	sld [smem:$0x3FB1]  }
0x3d: {  	_ =	shalt  }
0x3e: {  	_ =	shalt  }
0x3f: {  	_ =	shalt  }
0x40: {  	_ =	shalt  }
0x41: {  	_ =	shalt  }
0x42: {  	_ =	shalt  }
0x43: {  	_ =	shalt  }
0x44: {  	_ =	shalt  }
0x45: {  	_ =	shalt  }
0x46: {  	_ =	shalt  }
0x47: {  	_ =	shalt  }
0x48: {  	_ =	shalt  }
0x49: {  	_ =	shalt  }
0x4a: {  	_ =	shalt  }
0x4b: {  	_ =	shalt  }
0x4c: {  	_ =	shalt  }
0x4d: {  	_ =	shalt  }
0x4e: {  	_ =	shalt  }
0x4f: {  	_ =	shalt  }
0x50: {  	_ =	shalt  }
0x51: {  	_ =	shalt  }
0x52: {  	_ =	shalt  }
0x53: {  	_ =	shalt  }
0x54: {  	_ =	shalt  }
0x55: {  	_ =	shalt  }
0x56: {  	_ =	shalt  }
0x57: {  	_ =	shalt  }
0x58: {  	_ =	shalt  }
0x59: {  	_ =	shalt  }
0x5a: {  	_ =	shalt  }
0x5b: {  	_ =	shalt  }
0x5c: {  	_ =	shalt  }
0x5d: {  	_ =	shalt  }
0x5e: {  	_ =	shalt  }
0x5f: {  	_ =	shalt  }
0x60: {  	_ =	shalt  }
0x61: {  	_ =	shalt  }
0x62: {  	_ =	shalt  }
0x63: {  	_ =	shalt  }
0x64: {  	_ =	shalt  }
0x65: {  	_ =	shalt  }
0x66: {  	_ =	shalt  }
0x67: {  	_ =	shalt  }
0x68: {  	_ =	shalt  }
0x69: {  	_ =	shalt  }
0x6a: {  	_ =	shalt  }
0x6b: {  	_ =	shalt  }
0x6c: {  	_ =	shalt  }
0x6d: {  	_ =	shalt  }
0x6e: {  	_ =	shalt  }
0x6f: {  	_ =	shalt  }
0x70: {  	_ =	shalt  }
0x71: {  	_ =	shalt  }
0x72: {  	_ =	shalt  }
0x73: {  	_ =	shalt  }
0x74: {  	_ =	shalt  }
0x75: {  	_ =	shalt  }
0x76: {  	_ =	shalt  }
0x77: {  	_ =	shalt  }
0x78: {  	_ =	shalt  }
0x79: {  	_ =	shalt  }
0x7a: {  	_ =	shalt  }
0x7b: {  	_ =	shalt  }
0x7c: {  	_ =	shalt  }
0x7d: {  	_ =	shalt  }
0x7e: {  	_ =	shalt  }
0x7f: {  	_ =	shalt  }
0x80: {  	_ =	shalt  }
0x81: {  	_ =	shalt  }
0x82: {  	_ =	shalt  }
0x83: {  	_ =	shalt  }
0x84: {  	_ =	shalt  }
0x85: {  	_ =	shalt  }
0x86: {  	_ =	shalt  }
0x87: {  	_ =	shalt  }
.Lfunc_end0:
.L_simem_size_0:
called_computation.5_lowered:
.L_overlay_start_0:
0x88: {  	s2 =	sld [smem:$0x3FD9]  }
0x89: {  	s3 =	sld [smem:$0x3FFE];
	_ =	sdelay $0x1  }
0x8a: {  	s1 =	srdreg.scid  }
0x8b: {  	s0 =	sand.u32 $0x1, s1  }
0x8c: {  	s16 =	sshll.u32 s0, $0xA;
	s2 =	sadd.s32 s3, s2  }
0x8d: {  	s2 =	sadd.s32 s2, s16  }
0x8e: {  	[smem:$0x3FBD] =	sst s2  }
0x8f: {  	_ = 	snop  }
0x90: {  	(tm) =	ssettm $0x1  }
0x91: {  	s17 =	sld [smem:$0x3FFB];
	_ =	sdelay $0x3  }
0x92: {  	_ =	strace s17  }
0x93: {  	s2 =	sld [smem:$0x3FFC];
	_ =	sdelay $0x3  }
0x94: {  	_ =	strace s2  }
0x95: {  	s2 =	sld [smem:$0x3FFD];
	_ =	sdelay $0x3  }
0x96: {  	_ =	strace s2  }
0x97: {  	_ =	strace $0x8FFFFFFF  }
0x98: {  	s18 =	sld [smem:$0x3FDB];
	_ =	sdelay $0x1  }
0x99: {  	s19 =	simm.s32 $_scs_section_size  }
0x9a: {  	s4 =	simm.s32 $_size__tile_overlayer_lowered;
	s5 =	simm.s32 $_tile_overlayer_lowered  }
0x9b: {  	s22 =	simm.s32 $0x1BFF;
	s21 =	sshll.u32 s5, $0x1;
	s2 =	sadd.s32 s19, s18  }
0x9c: {  	s6 =	simm.s32 $0x0;
	s20 =	sshll.u32 s4, $0x1;
	s4 =	sadd.s32 s21, s2  }
0x9d: {  	[timem:s6], [sflag:s22] =	dma.local [hbm:s4], s20  }
0x9e: {  	_ =	swait.ge [sflag:s22], s20  }
0x9f: {  	s3 =	ssub.s32 $0x0, s20;
	[sflag:s22] =	ssyncset.done $0x0  }
0xa0: {  	[sflag:s22] =	ssyncadd.s32 s3;
	_ =	sdelay $0x1  }
0xa1: {  	s23 =	simm.s32 $0x1B8B  }
0xa2: {  	_ =	swait.ge [sflag:s23], $0x1  }
0xa3: {  	[sflag:s23] =	ssyncset.done $0x0  }
0xa4: {  	s25 =	simm.s32 $0x1B8E;
	s24 =	sld [smem:$0x3FFE];
	[sflag:s23] =	ssyncadd.s32 $0xFFFFFFFF  }
0xa5: {  	s26 =	simm.s32 $execute0_lowered;
	[smem:$0x3FD2] =	sst s25  }
0xa6: {  	s4 =	sshll.u32 s26, $0x1;
	_ =	strace $0x80000055;
	[dreg:$0x1] =	wrdreg $0xFFFFFFFF  }
0xa7: {  	s28 =	simm.s32 $_size_execute0_lowered;
	s2 =	sadd.s32 s2, s4;
	[dreg:$0x0] =	wrdreg $0x0  }
0xa8: {  	s4 =	sshll.u32 s28, $0x1;
	[dreg:$0x2] =	wrdreg s2  }
0xa9: {  	[dreg:$0x3] =	wrdreg s4  }
0xaa: {  	[dreg:$0x4] =	wrdreg $0xC0  }
0xab: {  	_ =	task [dreg:s6], $0x5FFFF  }
0xac: {  	[dreg:$0x1] =	wrdreg $0xFFFFFFFF  }
0xad: {  	[dreg:$0x0] =	wrdreg $0x60  }
0xae: {  	[dreg:$0x2] =	wrdreg s24  }
0xaf: {  	[dreg:$0x3] =	wrdreg $0xA8000  }
0xb0: {  	[dreg:$0x4] =	wrdreg $0x9  }
0xb1: {  	_ =	task.clear_ibuf [dreg:s6], $0x5FFFF;
	_ =	strace $0x90000055  }
0xb2: {  	s29 =	simm.s32 $0x9;
	_ =	strace $0x80000057  }
0xb3: {  	_ =	swait.ge [sflag:s29], $0x1  }
0xb4: {  	[sflag:s29] =	ssyncadd.s32 $0xFFFFFFFF  }
0xb5: {  	_ =	strace $0x90000057  }
0xb6: {  	_ =	sfence  }
0xb7: {  	s30 =	sld [smem:$0x0];
	_ =	sdelay $0x2  }
0xb8: {  	s31 =	sshll.u32 s1, $0xD;
	s1 =	sshrl.u32 s1, $0x2  }
0xb9: {  	s3 =	sand.u32 $0x4000, s31;
	s1 =	sadd.s32 s1, s30  }
0xba: {  	s0 =	sor.u32 s3, s0;
	s1 =	sshll.u32 s1, $0x11  }
0xbb: {  	s0 =	sor.u32 s1, s0  }
0xbc: {  	s0 =	sadd.s32 $0x8F2B, s0  }
0xbd: {  	[sflag:s0] =	ssyncadd.remote.s32 $0x1  }
0xbe: {  	_ =	sfence.sel $0xFFFF  }
0xbf: {  	[dreg:$0x0] =	wrdreg $0xFFFFFFFF;
	(pc) =	sbr.abs _section_cstart, $3  }
0xc0: {  	[dreg:$0x1] =	wrdreg $0xFFFFFFFF  }
0xc1: {  	_ =	task.clear_ibuf [dreg:s6], $0x2FFFF;
	_ =	strace $0x9FFFFFFF  }
0xc2: {  	(tm) =	ssettm $0x7FFFFFFF  }
0xc3: {  	_ =	shalt  }
tec
execute0_lowered:
.L_overlay_start_1:
0x0: {  	(tag) =	ssettag $0x1  }
0x1: {  	s6 =	rddreg [dreg:$0x0]  }
0x2: {  	s1 =	rddreg [dreg:$0x1]  }
0x3: {  	s2 =	srdreg.scid;
	s0 =	rddreg [dreg:$0x2]  }
0x4: {  	s3 =	simm.s32 $0x0;
	s15 =	simm.s32 $0x1400;
	s16 =	simm.s32 $0x80  }
0x5: {  	s17 =	simm.s32 $0x2800;
	s18 =	simm.s32 $0x6800;
	s19 =	simm.s32 $0x1  }
0x6: {  	s20 =	simm.s32 $0x2;
	s21 =	simm.s32 $0x1380;
	s22 =	simm.s32 $0x2700  }
0x7: {  	s5 =	sand.u32 $0x1, s2;
	s2 =	stileid.u32;
	[smem:$0x7FF] =	sst s3  }
0x8: {  	s4 =	sadd.s32 $0x5E00, s6;
	s9 =	sadd.s32 $0x47400, s6;
	s7 =	smul.u32 $0x140000, s5  }
0x9: {  	s10 =	sadd.s32 $0x51400, s6;
	s8 =	smul.u32 $0x14000, s2;
	_ =	strace $0x80000056  }
0xa: {  	s23 =	sshll.u32 s5, $0x4;
	s11 =	ssub.s32 $0x2, s5;
	s25 =	smul.u32 $0x50000, s2  }
0xb: {  	s5 =	sadd.s32 $0x5B400, s6;
	s28 =	sshll.u32 s2, $0x6;
	s24 =	sor.u32 s2, s23  }
0xc: {  	s12 =	sshrl.u32 s11, $0x1;
	s23 =	simm.s32 $0x2780;
	s7 =	sadd.s32 s8, s7  }
0xd: {  	s13 =	smul.u32 $0x2800, s24;
	s12 =	ssub.s32 s11, s12;
	s26 =	sshrl.u32 s25, $0x2  }
0xe: {  	s24 =	simm.s32 $0x0;
	s7 =	sshrl.u32 s7, $0x3;
	s30 =	sadd.s32 s26, s1  }
0xf: {  	s12 =	smax.u32 s12, $0x1;
	s14 =	sadd.s32 s7, s6;
	s29 =	sshrl.u32 s13, $0x3  }
0x10: {  	s6 =	sor.u32 $0x1C03, s28;
	s13 =	sshrl.u32 s30, $0x3;
	s31 =	sadd.s32 $0x280, s29  }
0x11: {  	s7 =	sadd.s32 s9, s29;
	s8 =	sadd.s32 s10, s29;
	s11 =	sadd.s32 $0x5DC00, s14  }
0x12: {  	s14 =	simm.s32 $0x3;
	s9 =	sadd.s32 s9, s31;
	s10 =	sadd.s32 s10, s31  }
.LBB2_1:
0x13: {  	[spmem:s13], [sflag:s6] =	dma.local [hbm:s5], $0x2800  }
0x14: {  	_ =	swait.ge [sflag:s14], $0x2800  }
0x15: {  	[sflag:s14] =	ssyncset.done $0x0  }
0x16: {  	[sflag:s14] =	ssyncadd.s32 $0xFFFFD800  }
0x17: {  	[bflag:$0x0] =	sbarrier.arrive $0xFFFF  }
0x18: {  	[tilespmem:s3], [sflag:$0x3] =	stream.linear.gather [hbm4b:s7+s3], $0x1400, $0x38;
	[tilespmem:$0x1E800] =	vst v63  }
0x19: {  	_ =	swait.ge [sflag:s14], $0x1400  }
0x1a: {  	[sflag:s14] =	ssyncset.done $0x0  }
0x1b: {  	[sflag:s14] =	ssyncadd.s32 $0xFFFFEC00  }
0x1c: {  	[tilespmem:s15], [sflag:$0x3] =	stream.linear.gather [hbm4b:s8+s3], $0x1400, $0x38;
	[tilespmem:$0x1E800] =	vst v63  }
0x1d: {  	_ =	swait.ge [sflag:s14], $0x1400  }
0x1e: {  	[sflag:s14] =	ssyncset.done $0x0  }
0x1f: {  	[sflag:s14] =	ssyncadd.s32 $0xFFFFEC00  }
0x20: {  	[tilespmem:s17], [sflag:$0x1] =	stream.indirect.gather [hbm4b:s4+s16], $0x80, s3, s16, $0xb8;
	[tilespmem:$0x1E800] =	vst v63  }
0x21: {  	s25 =	simm.s32 $0x80  }
0x22: {  	[tilespmem:s18], [sflag:$0x2] =	stream.indirect.gather [hbm4b:s4+s16], $0x80, s25, s16, $0xb8;
	[tilespmem:$0x1E800] =	vst v63  }
0x23: {  	_ =	swait.ge [sflag:s19], $0x4000  }
0x24: {  	[sflag:s19] =	ssyncset.done $0x0  }
0x25: {  	s29 =	simm.s32 $0x1400;
	[sflag:s19] =	ssyncadd.s32 $0xFFFFC000  }
0x26: {  	[spmem:s1] =	stream.indirect.scatter.add.f32 [tilespmem:s17], [sflag:$0x3], $0x80, s29, s16, $0xb8;
	[tilespmem:$0x1E800] =	vst v63  }
0x27: {  	_ =	swait.ge [sflag:s14], $0x4000  }
0x28: {  	[sflag:s14] =	ssyncset.done $0x0  }
0x29: {  	s30 =	simm.s32 $0x100;
	[sflag:s14] =	ssyncadd.s32 $0xFFFFC000  }
0x2a: {  	[tilespmem:s17], [sflag:$0x1] =	stream.indirect.gather [hbm4b:s4+s16], $0x80, s30, s16, $0xb8;
	[tilespmem:$0x1E800] =	vst v63  }
0x2b: {  	_ =	swait.ge [sflag:s20], $0x4000  }
0x2c: {  	[sflag:s20] =	ssyncset.done $0x0  }
0x2d: {  	s31 =	simm.s32 $0x1480;
	[sflag:s20] =	ssyncadd.s32 $0xFFFFC000  }
0x2e: {  	[spmem:s1] =	stream.indirect.scatter.add.f32 [tilespmem:s18], [sflag:$0x3], $0x80, s31, s16, $0xb8;
	[tilespmem:$0x1E800] =	vst v63  }
0x2f: {  	_ =	swait.ge [sflag:s14], $0x4000  }
0x30: {  	s26 =	simm.s32 $0x800;
	s25 =	simm.s32 $0x100;
	[sflag:s14] =	ssyncset.done $0x0  }
.LBB2_2:
0x31: {  	s28 =	sadd.s32 $0x80, s25  }
0x32: {  	[sflag:s14] =	ssyncadd.s32 $0xFFFFC000;
	s29 =	smov.u32 s26;
	s30 =	sadd.s32 $0x400, s26  }
0x33: {  	[tilespmem:s18], [sflag:$0x2] =	stream.indirect.gather [hbm4b:s4+s16], $0x80, s28, s16, $0xb8;
	[tilespmem:$0x1E800] =	vst v63  }
0x34: {  	p0 =	sne.s32 s26, $0x4800;
	_ =	swait.ge [sflag:s19], $0x4000  }
0x35: {  	[sflag:s19] =	ssyncset.done $0x0  }
0x36: {  	s26 =	sadd.s32 $0x1400, s25;
	[sflag:s19] =	ssyncadd.s32 $0xFFFFC000  }
0x37: {  	[spmem:s1] =	stream.indirect.scatter.add.f32 [tilespmem:s17], [sflag:$0x3], $0x80, s26, s16, $0xb8;
	[tilespmem:$0x1E800] =	vst v63  }
0x38: {  	_ =	swait.ge [sflag:s14], $0x4000  }
0x39: {  	[sflag:s14] =	ssyncset.done $0x0  }
0x3a: {  	s26 =	sadd.s32 $0x100, s25;
	[sflag:s14] =	ssyncadd.s32 $0xFFFFC000  }
0x3b: {  	[tilespmem:s17], [sflag:$0x1] =	stream.indirect.gather [hbm4b:s4+s16], $0x80, s26, s16, $0xb8;
	[tilespmem:$0x1E800] =	vst v63  }
0x3c: {  	_ =	swait.ge [sflag:s20], $0x4000  }
.Ltmp0:
0x3d: {  	[sflag:s20] =	ssyncset.done $0x0;
	(pc) =	sbr.rel @p0 .LBB2_2-.Ltmp0, $4  }
0x3e: {  	s25 =	sadd.s32 $0x1480, s25;
	[sflag:s20] =	ssyncadd.s32 $0xFFFFC000  }
0x3f: {  	[spmem:s1] =	stream.indirect.scatter.add.f32 [tilespmem:s18], [sflag:$0x3], $0x80, s25, s16, $0xb8;
	[tilespmem:$0x1E800] =	vst v63  }
0x40: {  	_ =	swait.ge [sflag:s14], $0x4000  }
0x41: {  	s26 =	smov.u32 s30;
	s25 =	sshra.s32 s29, $0x2;
	[sflag:s14] =	ssyncset.done $0x0  }
0x42: {  	s26 =	sadd.s32 $0x80, s25;
	[sflag:s14] =	ssyncadd.s32 $0xFFFFC000  }
0x43: {  	[tilespmem:s18], [sflag:$0x2] =	stream.indirect.gather [hbm4b:s4+s16], $0x80, s26, s16, $0xb8;
	[tilespmem:$0x1E800] =	vst v63  }
0x44: {  	_ =	swait.ge [sflag:s19], $0x4000  }
0x45: {  	[sflag:s19] =	ssyncset.done $0x0  }
0x46: {  	s29 =	sadd.s32 $0x1400, s25;
	[sflag:s19] =	ssyncadd.s32 $0xFFFFC000  }
0x47: {  	[spmem:s1] =	stream.indirect.scatter.add.f32 [tilespmem:s17], [sflag:$0x3], $0x80, s29, s16, $0xb8;
	[tilespmem:$0x1E800] =	vst v63  }
0x48: {  	_ =	swait.ge [sflag:s14], $0x4000  }
0x49: {  	[sflag:s14] =	ssyncset.done $0x0  }
0x4a: {  	s30 =	sadd.s32 $0x100, s25;
	[sflag:s14] =	ssyncadd.s32 $0xFFFFC000  }
0x4b: {  	[tilespmem:s17], [sflag:$0x1] =	stream.indirect.gather [hbm4b:s4+s16], $0x80, s30, s16, $0xb8;
	[tilespmem:$0x1E800] =	vst v63  }
0x4c: {  	_ =	swait.ge [sflag:s20], $0x4000  }
0x4d: {  	[sflag:s20] =	ssyncset.done $0x0  }
0x4e: {  	s31 =	sadd.s32 $0x1480, s25;
	[sflag:s20] =	ssyncadd.s32 $0xFFFFC000  }
0x4f: {  	[spmem:s1] =	stream.indirect.scatter.add.f32 [tilespmem:s18], [sflag:$0x3], $0x80, s31, s16, $0xb8;
	[tilespmem:$0x1E800] =	vst v63  }
0x50: {  	_ =	swait.ge [sflag:s14], $0x4000  }
0x51: {  	[sflag:s14] =	ssyncset.done $0x0  }
0x52: {  	[sflag:s14] =	ssyncadd.s32 $0xFFFFC000  }
0x53: {  	[tilespmem:s18], [sflag:$0x2] =	stream.indirect.gather [hbm4b:s4+s16], $0x80, s21, s16, $0xb8;
	[tilespmem:$0x1E800] =	vst v63  }
0x54: {  	_ =	swait.ge [sflag:s19], $0x4000  }
0x55: {  	[sflag:s19] =	ssyncset.done $0x0  }
0x56: {  	[sflag:s19] =	ssyncadd.s32 $0xFFFFC000  }
0x57: {  	[spmem:s1] =	stream.indirect.scatter.add.f32 [tilespmem:s17], [sflag:$0x3], $0x80, s22, s16, $0xb8;
	[tilespmem:$0x1E800] =	vst v63  }
0x58: {  	_ =	swait.ge [sflag:s14], $0x4000  }
0x59: {  	[sflag:s14] =	ssyncset.done $0x0  }
0x5a: {  	[sflag:s14] =	ssyncadd.s32 $0xFFFFC000  }
0x5b: {  	_ =	swait.ge [sflag:s20], $0x4000  }
0x5c: {  	[sflag:s20] =	ssyncset.done $0x0  }
0x5d: {  	[sflag:s20] =	ssyncadd.s32 $0xFFFFC000  }
0x5e: {  	[spmem:s1] =	stream.indirect.scatter.add.f32 [tilespmem:s18], [sflag:$0x3], $0x80, s23, s16, $0xb8;
	[tilespmem:$0x1E800] =	vst v63  }
0x5f: {  	_ =	swait.ge [sflag:s14], $0x4000  }
0x60: {  	[sflag:s14] =	ssyncset.done $0x0  }
0x61: {  	s26 =	simm.s32 $0x0;
	[sflag:s14] =	ssyncadd.s32 $0xFFFFC000  }
0x62: {  	[tilespmem:s26], [sflag:$0x3] =	stream.linear.gather [hbm4b:s9+s26], $0x1400, $0x38;
	[tilespmem:$0x1E800] =	vst v63  }
0x63: {  	_ =	swait.ge [sflag:s14], $0x1400  }
0x64: {  	[sflag:s14] =	ssyncset.done $0x0  }
0x65: {  	[sflag:s14] =	ssyncadd.s32 $0xFFFFEC00  }
0x66: {  	[tilespmem:s15], [sflag:$0x3] =	stream.linear.gather [hbm4b:s10+s26], $0x1400, $0x38;
	[tilespmem:$0x1E800] =	vst v63  }
0x67: {  	_ =	swait.ge [sflag:s14], $0x1400  }
0x68: {  	[sflag:s14] =	ssyncset.done $0x0  }
0x69: {  	[sflag:s14] =	ssyncadd.s32 $0xFFFFEC00  }
0x6a: {  	[tilespmem:s17], [sflag:$0x1] =	stream.indirect.gather [hbm4b:s4+s16], $0x80, s26, s16, $0xb8;
	[tilespmem:$0x1E800] =	vst v63  }
0x6b: {  	s28 =	simm.s32 $0x80  }
0x6c: {  	[tilespmem:s18], [sflag:$0x2] =	stream.indirect.gather [hbm4b:s4+s16], $0x80, s28, s16, $0xb8;
	[tilespmem:$0x1E800] =	vst v63  }
0x6d: {  	_ =	swait.ge [sflag:s19], $0x4000  }
0x6e: {  	[sflag:s19] =	ssyncset.done $0x0  }
0x6f: {  	s29 =	simm.s32 $0x1400;
	[sflag:s19] =	ssyncadd.s32 $0xFFFFC000  }
0x70: {  	[spmem:s1] =	stream.indirect.scatter.add.f32 [tilespmem:s17], [sflag:$0x3], $0x80, s29, s16, $0xb8;
	[tilespmem:$0x1E800] =	vst v63  }
0x71: {  	_ =	swait.ge [sflag:s14], $0x4000  }
0x72: {  	[sflag:s14] =	ssyncset.done $0x0  }
0x73: {  	s30 =	simm.s32 $0x100;
	[sflag:s14] =	ssyncadd.s32 $0xFFFFC000  }
0x74: {  	[tilespmem:s17], [sflag:$0x1] =	stream.indirect.gather [hbm4b:s4+s16], $0x80, s30, s16, $0xb8;
	[tilespmem:$0x1E800] =	vst v63  }
0x75: {  	_ =	swait.ge [sflag:s20], $0x4000  }
0x76: {  	[sflag:s20] =	ssyncset.done $0x0  }
0x77: {  	s31 =	simm.s32 $0x1480;
	[sflag:s20] =	ssyncadd.s32 $0xFFFFC000  }
0x78: {  	[spmem:s1] =	stream.indirect.scatter.add.f32 [tilespmem:s18], [sflag:$0x3], $0x80, s31, s16, $0xb8;
	[tilespmem:$0x1E800] =	vst v63  }
0x79: {  	_ =	swait.ge [sflag:s14], $0x4000  }
0x7a: {  	s25 =	simm.s32 $0x100;
	s26 =	simm.s32 $0x800;
	[sflag:s14] =	ssyncset.done $0x0  }
.LBB2_4:
0x7b: {  	s28 =	sadd.s32 $0x80, s25  }
0x7c: {  	[sflag:s14] =	ssyncadd.s32 $0xFFFFC000;
	s29 =	smov.u32 s26;
	s30 =	sadd.s32 $0x400, s26  }
0x7d: {  	[tilespmem:s18], [sflag:$0x2] =	stream.indirect.gather [hbm4b:s4+s16], $0x80, s28, s16, $0xb8;
	[tilespmem:$0x1E800] =	vst v63  }
0x7e: {  	p0 =	sne.s32 s26, $0x4800;
	_ =	swait.ge [sflag:s19], $0x4000  }
0x7f: {  	[sflag:s19] =	ssyncset.done $0x0  }
0x80: {  	s26 =	sadd.s32 $0x1400, s25;
	[sflag:s19] =	ssyncadd.s32 $0xFFFFC000  }
0x81: {  	[spmem:s1] =	stream.indirect.scatter.add.f32 [tilespmem:s17], [sflag:$0x3], $0x80, s26, s16, $0xb8;
	[tilespmem:$0x1E800] =	vst v63  }
0x82: {  	_ =	swait.ge [sflag:s14], $0x4000  }
0x83: {  	[sflag:s14] =	ssyncset.done $0x0  }
0x84: {  	s26 =	sadd.s32 $0x100, s25;
	[sflag:s14] =	ssyncadd.s32 $0xFFFFC000  }
0x85: {  	[tilespmem:s17], [sflag:$0x1] =	stream.indirect.gather [hbm4b:s4+s16], $0x80, s26, s16, $0xb8;
	[tilespmem:$0x1E800] =	vst v63  }
0x86: {  	_ =	swait.ge [sflag:s20], $0x4000  }
.Ltmp1:
0x87: {  	[sflag:s20] =	ssyncset.done $0x0;
	(pc) =	sbr.rel @p0 .LBB2_4-.Ltmp1, $4  }
0x88: {  	s25 =	sadd.s32 $0x1480, s25;
	[sflag:s20] =	ssyncadd.s32 $0xFFFFC000  }
0x89: {  	[spmem:s1] =	stream.indirect.scatter.add.f32 [tilespmem:s18], [sflag:$0x3], $0x80, s25, s16, $0xb8;
	[tilespmem:$0x1E800] =	vst v63  }
0x8a: {  	_ =	swait.ge [sflag:s14], $0x4000  }
0x8b: {  	s26 =	smov.u32 s30;
	s25 =	sshra.s32 s29, $0x2;
	[sflag:s14] =	ssyncset.done $0x0  }
0x8c: {  	s26 =	sadd.s32 $0x80, s25;
	[sflag:s14] =	ssyncadd.s32 $0xFFFFC000  }
0x8d: {  	[tilespmem:s18], [sflag:$0x2] =	stream.indirect.gather [hbm4b:s4+s16], $0x80, s26, s16, $0xb8;
	[tilespmem:$0x1E800] =	vst v63  }
0x8e: {  	_ =	swait.ge [sflag:s19], $0x4000  }
0x8f: {  	[sflag:s19] =	ssyncset.done $0x0  }
0x90: {  	s29 =	sadd.s32 $0x1400, s25;
	[sflag:s19] =	ssyncadd.s32 $0xFFFFC000  }
0x91: {  	[spmem:s1] =	stream.indirect.scatter.add.f32 [tilespmem:s17], [sflag:$0x3], $0x80, s29, s16, $0xb8;
	[tilespmem:$0x1E800] =	vst v63  }
0x92: {  	_ =	swait.ge [sflag:s14], $0x4000  }
0x93: {  	[sflag:s14] =	ssyncset.done $0x0  }
0x94: {  	s30 =	sadd.s32 $0x100, s25;
	[sflag:s14] =	ssyncadd.s32 $0xFFFFC000  }
0x95: {  	[tilespmem:s17], [sflag:$0x1] =	stream.indirect.gather [hbm4b:s4+s16], $0x80, s30, s16, $0xb8;
	[tilespmem:$0x1E800] =	vst v63  }
0x96: {  	_ =	swait.ge [sflag:s20], $0x4000  }
0x97: {  	[sflag:s20] =	ssyncset.done $0x0  }
0x98: {  	s31 =	sadd.s32 $0x1480, s25;
	[sflag:s20] =	ssyncadd.s32 $0xFFFFC000  }
0x99: {  	[spmem:s1] =	stream.indirect.scatter.add.f32 [tilespmem:s18], [sflag:$0x3], $0x80, s31, s16, $0xb8;
	[tilespmem:$0x1E800] =	vst v63  }
0x9a: {  	_ =	swait.ge [sflag:s14], $0x4000  }
0x9b: {  	[sflag:s14] =	ssyncset.done $0x0  }
0x9c: {  	[sflag:s14] =	ssyncadd.s32 $0xFFFFC000  }
0x9d: {  	[tilespmem:s18], [sflag:$0x2] =	stream.indirect.gather [hbm4b:s4+s16], $0x80, s21, s16, $0xb8;
	[tilespmem:$0x1E800] =	vst v63  }
0x9e: {  	_ =	swait.ge [sflag:s19], $0x4000  }
0x9f: {  	[sflag:s19] =	ssyncset.done $0x0  }
0xa0: {  	[sflag:s19] =	ssyncadd.s32 $0xFFFFC000  }
0xa1: {  	[spmem:s1] =	stream.indirect.scatter.add.f32 [tilespmem:s17], [sflag:$0x3], $0x80, s22, s16, $0xb8;
	[tilespmem:$0x1E800] =	vst v63  }
0xa2: {  	_ =	swait.ge [sflag:s14], $0x4000  }
0xa3: {  	[sflag:s14] =	ssyncset.done $0x0  }
0xa4: {  	[sflag:s14] =	ssyncadd.s32 $0xFFFFC000  }
0xa5: {  	_ =	swait.ge [sflag:s20], $0x4000  }
0xa6: {  	[sflag:s20] =	ssyncset.done $0x0  }
0xa7: {  	[sflag:s20] =	ssyncadd.s32 $0xFFFFC000  }
0xa8: {  	[spmem:s1] =	stream.indirect.scatter.add.f32 [tilespmem:s18], [sflag:$0x3], $0x80, s23, s16, $0xb8;
	[tilespmem:$0x1E800] =	vst v63  }
0xa9: {  	_ =	swait.ge [sflag:s14], $0x4000  }
0xaa: {  	s24 =	sadd.s32 $0x1, s24;
	[sflag:s14] =	ssyncset.done $0x0  }
0xab: {  	p0 =	sne.s32 s24, s12;
	[sflag:s14] =	ssyncadd.s32 $0xFFFFC000  }
.Ltmp2:
0xac: {  	[bflag:$0x0] =	sbarrier.arrive $0xFFFF;
	(pc) =	sbr.rel @p0 .LBB2_1-.Ltmp2, $4  }
0xad: {  	[hbm:s11], [sflag:s6] =	dma.local [spmem:s13], $0x2800  }
0xae: {  	_ =	swait.ge [sflag:s14], $0x2800  }
0xaf: {  	[sflag:s14] =	ssyncset.done $0x0  }
0xb0: {  	[sflag:s14] =	ssyncadd.s32 $0xFFFFD800  }
0xb1: {  	_ =	sfence.sel $0x180000  }
0xb2: {  	[bflag:$0x0] =	sbarrier.arrive $0xFFFF  }
0xb3: {  	p0 =	sne.s32 s2, $0x0;
	_ =	strace $0x90000056  }
0xb4: {  	s0 =	sadd.s32 @!p0 $0x100000, s0;
	[bflag:$0x2] =	sbarrier.arrive $0xFFFF  }
0xb5: {  	[sflag:s0] =	ssyncadd.tile.s32 @!p0 $0x1;
	_ =	shalt  }
.Lfunc_end2:
_tile_overlayer_lowered:
.L_overlay_start_2:
0xb6: {  	(tag) =	ssettag $0x2  }
0xb7: {  	s0 =	rddreg [dreg:$0x0];
	s2 =	stileid.u32  }
0xb8: {  	s1 =	rddreg [dreg:$0x1];
	p0 =	sne.s32 s2, $0x0  }
0xb9: {  	s3 =	rddreg [dreg:$0x2];
	[bflag:$0x3] =	sbarrier.arrive $0xFFFF;
	s2 =	simm.s32 @!p0 $0x1C03  }
0xba: {  	[timem:s3], [sflag:s2] =	dma.local @!p0 [hbm:s0], s1  }
0xbb: {  	s0 =	simm.s32 @!p0 $0x3  }
0xbc: {  	_ =	swait.ge @!p0 [sflag:s0], s1  }
0xbd: {  	s1 =	ssub.s32 @!p0 $0x0, s1;
	[sflag:s0] =	ssyncset.done @!p0 $0x0  }
0xbe: {  	[sflag:s0] =	ssyncadd.s32 @!p0 s1  }
0xbf: {  	[bflag:$0x3] =	sbarrier.arrive $0xFFFF  }
0xc0: {  	_ =	shalt  }

// kernel: kernel.32.cloned.1.call-start
scs
__scs_entry_jumppad:
0x0: {  	(pc) =	sbr.rel $0x88, $3  }
0x1: {  	(tag) =	ssettag $0x0;
	lr =	simm.s32 $0x1  }
0x2: {  	[smem:$0x3F96] =	sst lr;
	_ =	strace $0xD0000000  }
0x3: {  	_ = 	snop  }
0x4: {  	_ = 	snop  }
0x5: {  	_ = 	snop  }
0x6: {  	_ = 	snop  }
0x7: {  	_ = 	snop  }
__scs_overlays_trampoline_lowered:
0x8: {  	[smem:$0x3FA5] =	sst s0  }
0x9: {  	[smem:$0x3FA6] =	sst s1  }
0xa: {  	[smem:$0x3FA7] =	sst s2  }
0xb: {  	[smem:$0x3FA8] =	sst s3  }
0xc: {  	[smem:$0x3FA9] =	sst s4  }
0xd: {  	[smem:$0x3FAA] =	sst s5  }
0xe: {  	[smem:$0x3FAB] =	sst s6  }
0xf: {  	[smem:$0x3FAC] =	sst s7  }
0x10: {  	[smem:$0x3FAD] =	sst s8  }
0x11: {  	[smem:$0x3FAE] =	sst s9;
	s0 =	simm.s32 @!p0 $0x0  }
0x12: {  	s1 =	sld [smem:$0x3F94];
	s0 =	simm.s32 @p0 $0x1  }
0x13: {  	[smem:$0x3FAF] =	sst s0;
	s0 =	simm.s32 @!p1 $0x0  }
0x14: {  	s2 =	sld [smem:$0x3F93];
	s0 =	simm.s32 @p1 $0x1  }
0x15: {  	[smem:$0x3FB0] =	sst s0;
	s0 =	simm.s32 @!p2 $0x0  }
0x16: {  	s3 =	sld [smem:$0x3FDB];
	s0 =	simm.s32 @p2 $0x1  }
0x17: {  	s4 =	simm.s32 $0x1BF5;
	[smem:$0x3FB2] =	sst s0  }
0x18: {  	s0 =	sld [smem:$0x3F95];
	_ =	swait.ge [sflag:s4], $0x0  }
0x19: {  	s7 =	sld [smem:$0x3F96]  }
0x1a: {  	s8 =	sadd.s32 $0xFFFFE003, lr  }
0x1b: {  	s9 =	sadd.s32 $0xFFFFFEF7, lr;
	s5 =	simm.s32 $0xFFFFFFFF;
	p2 =	slt.u32 s8, $0xFFFFF086  }
0x1c: {  	p1 =	slt.u32 s9, $0xF7A;
	s5 =	simm.s32 @!p2 $0x0  }
0x1d: {  	s5 =	simm.s32 @p1 $0x1;
	p0 =	seq.s32 s7, s2  }
0x1e: {  	s7 =	smul.u32 @!p0 $0xF7A, s2;
	p2 =	seq.s32 @!p0 s5, $0x0  }
0x1f: {  	s9 =	smul.u32 $0xF7A, s1;
	s8 =	simm.s32 @!p0 $0x1BF5;
	p2 =	por !p2, p0  }
0x20: {  	[sflag:s8] =	ssyncset.s32 @!p0 $0xFFFFF086;
	s6 =	sadd.s32 @!p0 s3, s7;
	s7 =	simm.s32 @!p0 $0x108  }
0x21: {  	s3 =	sadd.s32 s3, s9;
	s6 =	sadd.s32 @!p0 $0x88, s6;
	s7 =	simm.s32 @p2 $0x1082  }
0x22: {  	[simem:s7], [sflag:s8] =	dma.local @!p0 [hbm:s6], $0xF7A  }
0x23: {  	s9 =	sor.u32 $0xD0000000, s2;
	s6 =	simm.s32 $0x108;
	_ =	swait.ge @!p0 [sflag:s8], $0x0  }
0x24: {  	s3 =	sadd.s32 $0x88, s3;
	s6 =	simm.s32 @!p1 $0x1082;
	[sflag:s4] =	ssyncset.s32 $0xFFFFF086  }
0x25: {  	[simem:s6], [sflag:s4] =	dma.local [hbm:s3], $0xF7A  }
0x26: {  	[smem:$0x3F96] =	sst s1;
	(tag) =	ssettag s2;
	_ =	strace s9  }
0x27: {  	s1 =	sld [smem:$0x3FA6]  }
0x28: {  	s2 =	sld [smem:$0x3FA7]  }
0x29: {  	s4 =	sld [smem:$0x3FA9]  }
0x2a: {  	p0 =	seq.s32 s5, $0x0;
	s5 =	sld [smem:$0x3FAA]  }
0x2b: {  	s6 =	sld [smem:$0x3FAB]  }
0x2c: {  	s7 =	sld [smem:$0x3FAC]  }
0x2d: {  	s3 =	simm.s32 $0x108;
	s8 =	sld [smem:$0x3FAD]  }
0x2e: {  	s3 =	simm.s32 @!p0 $0x1082;
	s9 =	sld [smem:$0x3FAE]  }
0x2f: {  	lr =	sadd.s32 s0, s3;
	s0 =	sld [smem:$0x3FA5]  }
0x30: {  	s3 =	sld [smem:$0x3FA8]  }
0x31: {  	[smem:$0x3FB1] =	sst s10  }
0x32: {  	s10 =	sld [smem:$0x3FAF];
	_ =	sdelay $0x3  }
0x33: {  	p0 =	seq.s32 s10, $0x1;
	s10 =	sld [smem:$0x3FB1];
	_ =	sdelay $0x3  }
0x34: {  	[smem:$0x3FB1] =	sst s10  }
0x35: {  	s10 =	sld [smem:$0x3FB0];
	_ =	sdelay $0x3  }
0x36: {  	p1 =	seq.s32 s10, $0x1;
	s10 =	sld [smem:$0x3FB1];
	_ =	sdelay $0x3  }
0x37: {  	[smem:$0x3FB1] =	sst s10  }
0x38: {  	s10 =	sld [smem:$0x3FB2]  }
0x39: {  	_ = 	snop;
	(pc) =	sbr.ind lr, $3  }
0x3a: {  	_ = 	snop  }
0x3b: {  	_ = 	snop  }
0x3c: {  	p2 =	seq.s32 s10, $0x1;
	s10 =	sld [smem:$0x3FB1]  }
0x3d: {  	_ =	shalt  }
0x3e: {  	_ =	shalt  }
0x3f: {  	_ =	shalt  }
0x40: {  	_ =	shalt  }
0x41: {  	_ =	shalt  }
0x42: {  	_ =	shalt  }
0x43: {  	_ =	shalt  }
0x44: {  	_ =	shalt  }
0x45: {  	_ =	shalt  }
0x46: {  	_ =	shalt  }
0x47: {  	_ =	shalt  }
0x48: {  	_ =	shalt  }
0x49: {  	_ =	shalt  }
0x4a: {  	_ =	shalt  }
0x4b: {  	_ =	shalt  }
0x4c: {  	_ =	shalt  }
0x4d: {  	_ =	shalt  }
0x4e: {  	_ =	shalt  }
0x4f: {  	_ =	shalt  }
0x50: {  	_ =	shalt  }
0x51: {  	_ =	shalt  }
0x52: {  	_ =	shalt  }
0x53: {  	_ =	shalt  }
0x54: {  	_ =	shalt  }
0x55: {  	_ =	shalt  }
0x56: {  	_ =	shalt  }
0x57: {  	_ =	shalt  }
0x58: {  	_ =	shalt  }
0x59: {  	_ =	shalt  }
0x5a: {  	_ =	shalt  }
0x5b: {  	_ =	shalt  }
0x5c: {  	_ =	shalt  }
0x5d: {  	_ =	shalt  }
0x5e: {  	_ =	shalt  }
0x5f: {  	_ =	shalt  }
0x60: {  	_ =	shalt  }
0x61: {  	_ =	shalt  }
0x62: {  	_ =	shalt  }
0x63: {  	_ =	shalt  }
0x64: {  	_ =	shalt  }
0x65: {  	_ =	shalt  }
0x66: {  	_ =	shalt  }
0x67: {  	_ =	shalt  }
0x68: {  	_ =	shalt  }
0x69: {  	_ =	shalt  }
0x6a: {  	_ =	shalt  }
0x6b: {  	_ =	shalt  }
0x6c: {  	_ =	shalt  }
0x6d: {  	_ =	shalt  }
0x6e: {  	_ =	shalt  }
0x6f: {  	_ =	shalt  }
0x70: {  	_ =	shalt  }
0x71: {  	_ =	shalt  }
0x72: {  	_ =	shalt  }
0x73: {  	_ =	shalt  }
0x74: {  	_ =	shalt  }
0x75: {  	_ =	shalt  }
0x76: {  	_ =	shalt  }
0x77: {  	_ =	shalt  }
0x78: {  	_ =	shalt  }
0x79: {  	_ =	shalt  }
0x7a: {  	_ =	shalt  }
0x7b: {  	_ =	shalt  }
0x7c: {  	_ =	shalt  }
0x7d: {  	_ =	shalt  }
0x7e: {  	_ =	shalt  }
0x7f: {  	_ =	shalt  }
0x80: {  	_ =	shalt  }
0x81: {  	_ =	shalt  }
0x82: {  	_ =	shalt  }
0x83: {  	_ =	shalt  }
0x84: {  	_ =	shalt  }
0x85: {  	_ =	shalt  }
0x86: {  	_ =	shalt  }
0x87: {  	_ =	shalt  }
.Lfunc_end0:
.L_simem_size_0:
called_computation.6_lowered:
.L_overlay_start_0:
0x88: {  	s2 =	sld [smem:$0x3FD9]  }
0x89: {  	s3 =	sld [smem:$0x3FFE];
	_ =	sdelay $0x1  }
0x8a: {  	s1 =	srdreg.scid  }
0x8b: {  	s0 =	sand.u32 $0x1, s1  }
0x8c: {  	s16 =	sshll.u32 s0, $0xA;
	s2 =	sadd.s32 s3, s2  }
0x8d: {  	s2 =	sadd.s32 s2, s16  }
0x8e: {  	[smem:$0x3FBD] =	sst s2  }
0x8f: {  	_ = 	snop  }
0x90: {  	(tm) =	ssettm $0x1  }
0x91: {  	s17 =	sld [smem:$0x3FFB];
	_ =	sdelay $0x3  }
0x92: {  	_ =	strace s17  }
0x93: {  	s2 =	sld [smem:$0x3FFC];
	_ =	sdelay $0x3  }
0x94: {  	_ =	strace s2  }
0x95: {  	s2 =	sld [smem:$0x3FFD];
	_ =	sdelay $0x3  }
0x96: {  	_ =	strace s2  }
0x97: {  	_ =	strace $0x8FFFFFFF  }
0x98: {  	s18 =	sld [smem:$0x3FDB];
	_ =	sdelay $0x1  }
0x99: {  	s19 =	simm.s32 $_scs_section_size  }
0x9a: {  	s4 =	simm.s32 $_size__tile_overlayer_lowered;
	s5 =	simm.s32 $_tile_overlayer_lowered  }
0x9b: {  	s22 =	simm.s32 $0x1BFF;
	s21 =	sshll.u32 s5, $0x1;
	s2 =	sadd.s32 s19, s18  }
0x9c: {  	s6 =	simm.s32 $0x0;
	s20 =	sshll.u32 s4, $0x1;
	s4 =	sadd.s32 s21, s2  }
0x9d: {  	[timem:s6], [sflag:s22] =	dma.local [hbm:s4], s20  }
0x9e: {  	_ =	swait.ge [sflag:s22], s20  }
0x9f: {  	s3 =	ssub.s32 $0x0, s20;
	[sflag:s22] =	ssyncset.done $0x0  }
0xa0: {  	[sflag:s22] =	ssyncadd.s32 s3;
	_ =	sdelay $0x1  }
0xa1: {  	s23 =	simm.s32 $0x1B8B  }
0xa2: {  	_ =	swait.ge [sflag:s23], $0x1  }
0xa3: {  	[sflag:s23] =	ssyncset.done $0x0  }
0xa4: {  	s25 =	simm.s32 $0x1B8E;
	s24 =	sld [smem:$0x3FFE];
	[sflag:s23] =	ssyncadd.s32 $0xFFFFFFFF  }
0xa5: {  	s26 =	simm.s32 $execute0_lowered;
	[smem:$0x3FD2] =	sst s25  }
0xa6: {  	s4 =	sshll.u32 s26, $0x1;
	_ =	strace $0x80000058;
	[dreg:$0x1] =	wrdreg $0xFFFFFFFF  }
0xa7: {  	s28 =	simm.s32 $_size_execute0_lowered;
	s2 =	sadd.s32 s2, s4;
	[dreg:$0x0] =	wrdreg $0x0  }
0xa8: {  	s4 =	sshll.u32 s28, $0x1;
	[dreg:$0x2] =	wrdreg s2  }
0xa9: {  	[dreg:$0x3] =	wrdreg s4  }
0xaa: {  	[dreg:$0x4] =	wrdreg $0xC0  }
0xab: {  	_ =	task [dreg:s6], $0x5FFFF  }
0xac: {  	[dreg:$0x1] =	wrdreg $0xFFFFFFFF  }
0xad: {  	[dreg:$0x0] =	wrdreg $0x60  }
0xae: {  	[dreg:$0x2] =	wrdreg s24  }
0xaf: {  	[dreg:$0x3] =	wrdreg $0xA8000  }
0xb0: {  	[dreg:$0x4] =	wrdreg $0x9  }
0xb1: {  	_ =	task.clear_ibuf [dreg:s6], $0x5FFFF;
	_ =	strace $0x90000058  }
0xb2: {  	s29 =	simm.s32 $0x9;
	_ =	strace $0x8000005A  }
0xb3: {  	_ =	swait.ge [sflag:s29], $0x1  }
0xb4: {  	[sflag:s29] =	ssyncadd.s32 $0xFFFFFFFF  }
0xb5: {  	_ =	strace $0x9000005A  }
0xb6: {  	_ =	sfence  }
0xb7: {  	s30 =	sld [smem:$0x0];
	_ =	sdelay $0x2  }
0xb8: {  	s31 =	sshll.u32 s1, $0xD;
	s1 =	sshrl.u32 s1, $0x2  }
0xb9: {  	s3 =	sand.u32 $0x4000, s31;
	s1 =	sadd.s32 s1, s30  }
0xba: {  	s0 =	sor.u32 s3, s0;
	s1 =	sshll.u32 s1, $0x11  }
0xbb: {  	s0 =	sor.u32 s1, s0  }
0xbc: {  	s0 =	sadd.s32 $0x8F2B, s0  }
0xbd: {  	[sflag:s0] =	ssyncadd.remote.s32 $0x1  }
0xbe: {  	_ =	sfence.sel $0xFFFF  }
0xbf: {  	[dreg:$0x0] =	wrdreg $0xFFFFFFFF;
	(pc) =	sbr.abs _section_cstart, $3  }
0xc0: {  	[dreg:$0x1] =	wrdreg $0xFFFFFFFF  }
0xc1: {  	_ =	task.clear_ibuf [dreg:s6], $0x2FFFF;
	_ =	strace $0x9FFFFFFF  }
0xc2: {  	(tm) =	ssettm $0x7FFFFFFF  }
0xc3: {  	_ =	shalt  }
tec
execute0_lowered:
.L_overlay_start_1:
0x0: {  	(tag) =	ssettag $0x1  }
0x1: {  	s6 =	rddreg [dreg:$0x0]  }
0x2: {  	s1 =	rddreg [dreg:$0x1]  }
0x3: {  	s2 =	srdreg.scid;
	s0 =	rddreg [dreg:$0x2]  }
0x4: {  	s3 =	simm.s32 $0x0;
	s15 =	simm.s32 $0x1400;
	s16 =	simm.s32 $0x80  }
0x5: {  	s17 =	simm.s32 $0x2800;
	s18 =	simm.s32 $0x6800;
	s19 =	simm.s32 $0x1  }
0x6: {  	s20 =	simm.s32 $0x2;
	s21 =	simm.s32 $0x1380;
	s22 =	simm.s32 $0x2700  }
0x7: {  	s5 =	sand.u32 $0x1, s2;
	s2 =	stileid.u32;
	[smem:$0x7FF] =	sst s3  }
0x8: {  	s4 =	sadd.s32 $0x5E00, s6;
	s9 =	sadd.s32 $0x47400, s6;
	s7 =	smul.u32 $0x140000, s5  }
0x9: {  	s10 =	sadd.s32 $0x51400, s6;
	s8 =	smul.u32 $0x14000, s2;
	_ =	strace $0x80000059  }
0xa: {  	s23 =	sshll.u32 s5, $0x4;
	s11 =	ssub.s32 $0x2, s5;
	s25 =	smul.u32 $0x50000, s2  }
0xb: {  	s5 =	sadd.s32 $0x5B400, s6;
	s28 =	sshll.u32 s2, $0x6;
	s24 =	sor.u32 s2, s23  }
0xc: {  	s12 =	sshrl.u32 s11, $0x1;
	s23 =	simm.s32 $0x2780;
	s7 =	sadd.s32 s8, s7  }
0xd: {  	s13 =	smul.u32 $0x2800, s24;
	s12 =	ssub.s32 s11, s12;
	s26 =	sshrl.u32 s25, $0x2  }
0xe: {  	s24 =	simm.s32 $0x0;
	s7 =	sshrl.u32 s7, $0x3;
	s30 =	sadd.s32 s26, s1  }
0xf: {  	s12 =	smax.u32 s12, $0x1;
	s14 =	sadd.s32 s7, s6;
	s29 =	sshrl.u32 s13, $0x3  }
0x10: {  	s6 =	sor.u32 $0x1C03, s28;
	s13 =	sshrl.u32 s30, $0x3;
	s31 =	sadd.s32 $0x280, s29  }
0x11: {  	s7 =	sadd.s32 s9, s29;
	s8 =	sadd.s32 s10, s29;
	s11 =	sadd.s32 $0x5DC00, s14  }
0x12: {  	s14 =	simm.s32 $0x3;
	s9 =	sadd.s32 s9, s31;
	s10 =	sadd.s32 s10, s31  }
.LBB2_1:
0x13: {  	[spmem:s13], [sflag:s6] =	dma.local [hbm:s5], $0x2800  }
0x14: {  	_ =	swait.ge [sflag:s14], $0x2800  }
0x15: {  	[sflag:s14] =	ssyncset.done $0x0  }
0x16: {  	[sflag:s14] =	ssyncadd.s32 $0xFFFFD800  }
0x17: {  	[bflag:$0x0] =	sbarrier.arrive $0xFFFF  }
0x18: {  	[tilespmem:s3], [sflag:$0x3] =	stream.linear.gather [hbm4b:s7+s3], $0x1400, $0x38;
	[tilespmem:$0x1E800] =	vst v63  }
0x19: {  	_ =	swait.ge [sflag:s14], $0x1400  }
0x1a: {  	[sflag:s14] =	ssyncset.done $0x0  }
0x1b: {  	[sflag:s14] =	ssyncadd.s32 $0xFFFFEC00  }
0x1c: {  	[tilespmem:s15], [sflag:$0x3] =	stream.linear.gather [hbm4b:s8+s3], $0x1400, $0x38;
	[tilespmem:$0x1E800] =	vst v63  }
0x1d: {  	_ =	swait.ge [sflag:s14], $0x1400  }
0x1e: {  	[sflag:s14] =	ssyncset.done $0x0  }
0x1f: {  	[sflag:s14] =	ssyncadd.s32 $0xFFFFEC00  }
0x20: {  	[tilespmem:s17], [sflag:$0x1] =	stream.indirect.gather [hbm4b:s4+s16], $0x80, s3, s16, $0xb8;
	[tilespmem:$0x1E800] =	vst v63  }
0x21: {  	s25 =	simm.s32 $0x80  }
0x22: {  	[tilespmem:s18], [sflag:$0x2] =	stream.indirect.gather [hbm4b:s4+s16], $0x80, s25, s16, $0xb8;
	[tilespmem:$0x1E800] =	vst v63  }
0x23: {  	_ =	swait.ge [sflag:s19], $0x4000  }
0x24: {  	[sflag:s19] =	ssyncset.done $0x0  }
0x25: {  	s29 =	simm.s32 $0x1400;
	[sflag:s19] =	ssyncadd.s32 $0xFFFFC000  }
0x26: {  	[spmem:s1] =	stream.indirect.scatter.add.f32 [tilespmem:s17], [sflag:$0x3], $0x80, s29, s16, $0xb8;
	[tilespmem:$0x1E800] =	vst v63  }
0x27: {  	_ =	swait.ge [sflag:s14], $0x4000  }
0x28: {  	[sflag:s14] =	ssyncset.done $0x0  }
0x29: {  	s30 =	simm.s32 $0x100;
	[sflag:s14] =	ssyncadd.s32 $0xFFFFC000  }
0x2a: {  	[tilespmem:s17], [sflag:$0x1] =	stream.indirect.gather [hbm4b:s4+s16], $0x80, s30, s16, $0xb8;
	[tilespmem:$0x1E800] =	vst v63  }
0x2b: {  	_ =	swait.ge [sflag:s20], $0x4000  }
0x2c: {  	[sflag:s20] =	ssyncset.done $0x0  }
0x2d: {  	s31 =	simm.s32 $0x1480;
	[sflag:s20] =	ssyncadd.s32 $0xFFFFC000  }
0x2e: {  	[spmem:s1] =	stream.indirect.scatter.add.f32 [tilespmem:s18], [sflag:$0x3], $0x80, s31, s16, $0xb8;
	[tilespmem:$0x1E800] =	vst v63  }
0x2f: {  	_ =	swait.ge [sflag:s14], $0x4000  }
0x30: {  	s26 =	simm.s32 $0x800;
	s25 =	simm.s32 $0x100;
	[sflag:s14] =	ssyncset.done $0x0  }
.LBB2_2:
0x31: {  	s28 =	sadd.s32 $0x80, s25  }
0x32: {  	[sflag:s14] =	ssyncadd.s32 $0xFFFFC000;
	s29 =	smov.u32 s26;
	s30 =	sadd.s32 $0x400, s26  }
0x33: {  	[tilespmem:s18], [sflag:$0x2] =	stream.indirect.gather [hbm4b:s4+s16], $0x80, s28, s16, $0xb8;
	[tilespmem:$0x1E800] =	vst v63  }
0x34: {  	p0 =	sne.s32 s26, $0x4800;
	_ =	swait.ge [sflag:s19], $0x4000  }
0x35: {  	[sflag:s19] =	ssyncset.done $0x0  }
0x36: {  	s26 =	sadd.s32 $0x1400, s25;
	[sflag:s19] =	ssyncadd.s32 $0xFFFFC000  }
0x37: {  	[spmem:s1] =	stream.indirect.scatter.add.f32 [tilespmem:s17], [sflag:$0x3], $0x80, s26, s16, $0xb8;
	[tilespmem:$0x1E800] =	vst v63  }
0x38: {  	_ =	swait.ge [sflag:s14], $0x4000  }
0x39: {  	[sflag:s14] =	ssyncset.done $0x0  }
0x3a: {  	s26 =	sadd.s32 $0x100, s25;
	[sflag:s14] =	ssyncadd.s32 $0xFFFFC000  }
0x3b: {  	[tilespmem:s17], [sflag:$0x1] =	stream.indirect.gather [hbm4b:s4+s16], $0x80, s26, s16, $0xb8;
	[tilespmem:$0x1E800] =	vst v63  }
0x3c: {  	_ =	swait.ge [sflag:s20], $0x4000  }
.Ltmp0:
0x3d: {  	[sflag:s20] =	ssyncset.done $0x0;
	(pc) =	sbr.rel @p0 .LBB2_2-.Ltmp0, $4  }
0x3e: {  	s25 =	sadd.s32 $0x1480, s25;
	[sflag:s20] =	ssyncadd.s32 $0xFFFFC000  }
0x3f: {  	[spmem:s1] =	stream.indirect.scatter.add.f32 [tilespmem:s18], [sflag:$0x3], $0x80, s25, s16, $0xb8;
	[tilespmem:$0x1E800] =	vst v63  }
0x40: {  	_ =	swait.ge [sflag:s14], $0x4000  }
0x41: {  	s26 =	smov.u32 s30;
	s25 =	sshra.s32 s29, $0x2;
	[sflag:s14] =	ssyncset.done $0x0  }
0x42: {  	s26 =	sadd.s32 $0x80, s25;
	[sflag:s14] =	ssyncadd.s32 $0xFFFFC000  }
0x43: {  	[tilespmem:s18], [sflag:$0x2] =	stream.indirect.gather [hbm4b:s4+s16], $0x80, s26, s16, $0xb8;
	[tilespmem:$0x1E800] =	vst v63  }
0x44: {  	_ =	swait.ge [sflag:s19], $0x4000  }
0x45: {  	[sflag:s19] =	ssyncset.done $0x0  }
0x46: {  	s29 =	sadd.s32 $0x1400, s25;
	[sflag:s19] =	ssyncadd.s32 $0xFFFFC000  }
0x47: {  	[spmem:s1] =	stream.indirect.scatter.add.f32 [tilespmem:s17], [sflag:$0x3], $0x80, s29, s16, $0xb8;
	[tilespmem:$0x1E800] =	vst v63  }
0x48: {  	_ =	swait.ge [sflag:s14], $0x4000  }
0x49: {  	[sflag:s14] =	ssyncset.done $0x0  }
0x4a: {  	s30 =	sadd.s32 $0x100, s25;
	[sflag:s14] =	ssyncadd.s32 $0xFFFFC000  }
0x4b: {  	[tilespmem:s17], [sflag:$0x1] =	stream.indirect.gather [hbm4b:s4+s16], $0x80, s30, s16, $0xb8;
	[tilespmem:$0x1E800] =	vst v63  }
0x4c: {  	_ =	swait.ge [sflag:s20], $0x4000  }
0x4d: {  	[sflag:s20] =	ssyncset.done $0x0  }
0x4e: {  	s31 =	sadd.s32 $0x1480, s25;
	[sflag:s20] =	ssyncadd.s32 $0xFFFFC000  }
0x4f: {  	[spmem:s1] =	stream.indirect.scatter.add.f32 [tilespmem:s18], [sflag:$0x3], $0x80, s31, s16, $0xb8;
	[tilespmem:$0x1E800] =	vst v63  }
0x50: {  	_ =	swait.ge [sflag:s14], $0x4000  }
0x51: {  	[sflag:s14] =	ssyncset.done $0x0  }
0x52: {  	[sflag:s14] =	ssyncadd.s32 $0xFFFFC000  }
0x53: {  	[tilespmem:s18], [sflag:$0x2] =	stream.indirect.gather [hbm4b:s4+s16], $0x80, s21, s16, $0xb8;
	[tilespmem:$0x1E800] =	vst v63  }
0x54: {  	_ =	swait.ge [sflag:s19], $0x4000  }
0x55: {  	[sflag:s19] =	ssyncset.done $0x0  }
0x56: {  	[sflag:s19] =	ssyncadd.s32 $0xFFFFC000  }
0x57: {  	[spmem:s1] =	stream.indirect.scatter.add.f32 [tilespmem:s17], [sflag:$0x3], $0x80, s22, s16, $0xb8;
	[tilespmem:$0x1E800] =	vst v63  }
0x58: {  	_ =	swait.ge [sflag:s14], $0x4000  }
0x59: {  	[sflag:s14] =	ssyncset.done $0x0  }
0x5a: {  	[sflag:s14] =	ssyncadd.s32 $0xFFFFC000  }
0x5b: {  	_ =	swait.ge [sflag:s20], $0x4000  }
0x5c: {  	[sflag:s20] =	ssyncset.done $0x0  }
0x5d: {  	[sflag:s20] =	ssyncadd.s32 $0xFFFFC000  }
0x5e: {  	[spmem:s1] =	stream.indirect.scatter.add.f32 [tilespmem:s18], [sflag:$0x3], $0x80, s23, s16, $0xb8;
	[tilespmem:$0x1E800] =	vst v63  }
0x5f: {  	_ =	swait.ge [sflag:s14], $0x4000  }
0x60: {  	[sflag:s14] =	ssyncset.done $0x0  }
0x61: {  	s26 =	simm.s32 $0x0;
	[sflag:s14] =	ssyncadd.s32 $0xFFFFC000  }
0x62: {  	[tilespmem:s26], [sflag:$0x3] =	stream.linear.gather [hbm4b:s9+s26], $0x1400, $0x38;
	[tilespmem:$0x1E800] =	vst v63  }
0x63: {  	_ =	swait.ge [sflag:s14], $0x1400  }
0x64: {  	[sflag:s14] =	ssyncset.done $0x0  }
0x65: {  	[sflag:s14] =	ssyncadd.s32 $0xFFFFEC00  }
0x66: {  	[tilespmem:s15], [sflag:$0x3] =	stream.linear.gather [hbm4b:s10+s26], $0x1400, $0x38;
	[tilespmem:$0x1E800] =	vst v63  }
0x67: {  	_ =	swait.ge [sflag:s14], $0x1400  }
0x68: {  	[sflag:s14] =	ssyncset.done $0x0  }
0x69: {  	[sflag:s14] =	ssyncadd.s32 $0xFFFFEC00  }
0x6a: {  	[tilespmem:s17], [sflag:$0x1] =	stream.indirect.gather [hbm4b:s4+s16], $0x80, s26, s16, $0xb8;
	[tilespmem:$0x1E800] =	vst v63  }
0x6b: {  	s28 =	simm.s32 $0x80  }
0x6c: {  	[tilespmem:s18], [sflag:$0x2] =	stream.indirect.gather [hbm4b:s4+s16], $0x80, s28, s16, $0xb8;
	[tilespmem:$0x1E800] =	vst v63  }
0x6d: {  	_ =	swait.ge [sflag:s19], $0x4000  }
0x6e: {  	[sflag:s19] =	ssyncset.done $0x0  }
0x6f: {  	s29 =	simm.s32 $0x1400;
	[sflag:s19] =	ssyncadd.s32 $0xFFFFC000  }
0x70: {  	[spmem:s1] =	stream.indirect.scatter.add.f32 [tilespmem:s17], [sflag:$0x3], $0x80, s29, s16, $0xb8;
	[tilespmem:$0x1E800] =	vst v63  }
0x71: {  	_ =	swait.ge [sflag:s14], $0x4000  }
0x72: {  	[sflag:s14] =	ssyncset.done $0x0  }
0x73: {  	s30 =	simm.s32 $0x100;
	[sflag:s14] =	ssyncadd.s32 $0xFFFFC000  }
0x74: {  	[tilespmem:s17], [sflag:$0x1] =	stream.indirect.gather [hbm4b:s4+s16], $0x80, s30, s16, $0xb8;
	[tilespmem:$0x1E800] =	vst v63  }
0x75: {  	_ =	swait.ge [sflag:s20], $0x4000  }
0x76: {  	[sflag:s20] =	ssyncset.done $0x0  }
0x77: {  	s31 =	simm.s32 $0x1480;
	[sflag:s20] =	ssyncadd.s32 $0xFFFFC000  }
0x78: {  	[spmem:s1] =	stream.indirect.scatter.add.f32 [tilespmem:s18], [sflag:$0x3], $0x80, s31, s16, $0xb8;
	[tilespmem:$0x1E800] =	vst v63  }
0x79: {  	_ =	swait.ge [sflag:s14], $0x4000  }
0x7a: {  	s25 =	simm.s32 $0x100;
	s26 =	simm.s32 $0x800;
	[sflag:s14] =	ssyncset.done $0x0  }
.LBB2_4:
0x7b: {  	s28 =	sadd.s32 $0x80, s25  }
0x7c: {  	[sflag:s14] =	ssyncadd.s32 $0xFFFFC000;
	s29 =	smov.u32 s26;
	s30 =	sadd.s32 $0x400, s26  }
0x7d: {  	[tilespmem:s18], [sflag:$0x2] =	stream.indirect.gather [hbm4b:s4+s16], $0x80, s28, s16, $0xb8;
	[tilespmem:$0x1E800] =	vst v63  }
0x7e: {  	p0 =	sne.s32 s26, $0x4800;
	_ =	swait.ge [sflag:s19], $0x4000  }
0x7f: {  	[sflag:s19] =	ssyncset.done $0x0  }
0x80: {  	s26 =	sadd.s32 $0x1400, s25;
	[sflag:s19] =	ssyncadd.s32 $0xFFFFC000  }
0x81: {  	[spmem:s1] =	stream.indirect.scatter.add.f32 [tilespmem:s17], [sflag:$0x3], $0x80, s26, s16, $0xb8;
	[tilespmem:$0x1E800] =	vst v63  }
0x82: {  	_ =	swait.ge [sflag:s14], $0x4000  }
0x83: {  	[sflag:s14] =	ssyncset.done $0x0  }
0x84: {  	s26 =	sadd.s32 $0x100, s25;
	[sflag:s14] =	ssyncadd.s32 $0xFFFFC000  }
0x85: {  	[tilespmem:s17], [sflag:$0x1] =	stream.indirect.gather [hbm4b:s4+s16], $0x80, s26, s16, $0xb8;
	[tilespmem:$0x1E800] =	vst v63  }
0x86: {  	_ =	swait.ge [sflag:s20], $0x4000  }
.Ltmp1:
0x87: {  	[sflag:s20] =	ssyncset.done $0x0;
	(pc) =	sbr.rel @p0 .LBB2_4-.Ltmp1, $4  }
0x88: {  	s25 =	sadd.s32 $0x1480, s25;
	[sflag:s20] =	ssyncadd.s32 $0xFFFFC000  }
0x89: {  	[spmem:s1] =	stream.indirect.scatter.add.f32 [tilespmem:s18], [sflag:$0x3], $0x80, s25, s16, $0xb8;
	[tilespmem:$0x1E800] =	vst v63  }
0x8a: {  	_ =	swait.ge [sflag:s14], $0x4000  }
0x8b: {  	s26 =	smov.u32 s30;
	s25 =	sshra.s32 s29, $0x2;
	[sflag:s14] =	ssyncset.done $0x0  }
0x8c: {  	s26 =	sadd.s32 $0x80, s25;
	[sflag:s14] =	ssyncadd.s32 $0xFFFFC000  }
0x8d: {  	[tilespmem:s18], [sflag:$0x2] =	stream.indirect.gather [hbm4b:s4+s16], $0x80, s26, s16, $0xb8;
	[tilespmem:$0x1E800] =	vst v63  }
0x8e: {  	_ =	swait.ge [sflag:s19], $0x4000  }
0x8f: {  	[sflag:s19] =	ssyncset.done $0x0  }
0x90: {  	s29 =	sadd.s32 $0x1400, s25;
	[sflag:s19] =	ssyncadd.s32 $0xFFFFC000  }
0x91: {  	[spmem:s1] =	stream.indirect.scatter.add.f32 [tilespmem:s17], [sflag:$0x3], $0x80, s29, s16, $0xb8;
	[tilespmem:$0x1E800] =	vst v63  }
0x92: {  	_ =	swait.ge [sflag:s14], $0x4000  }
0x93: {  	[sflag:s14] =	ssyncset.done $0x0  }
0x94: {  	s30 =	sadd.s32 $0x100, s25;
	[sflag:s14] =	ssyncadd.s32 $0xFFFFC000  }
0x95: {  	[tilespmem:s17], [sflag:$0x1] =	stream.indirect.gather [hbm4b:s4+s16], $0x80, s30, s16, $0xb8;
	[tilespmem:$0x1E800] =	vst v63  }
0x96: {  	_ =	swait.ge [sflag:s20], $0x4000  }
0x97: {  	[sflag:s20] =	ssyncset.done $0x0  }
0x98: {  	s31 =	sadd.s32 $0x1480, s25;
	[sflag:s20] =	ssyncadd.s32 $0xFFFFC000  }
0x99: {  	[spmem:s1] =	stream.indirect.scatter.add.f32 [tilespmem:s18], [sflag:$0x3], $0x80, s31, s16, $0xb8;
	[tilespmem:$0x1E800] =	vst v63  }
0x9a: {  	_ =	swait.ge [sflag:s14], $0x4000  }
0x9b: {  	[sflag:s14] =	ssyncset.done $0x0  }
0x9c: {  	[sflag:s14] =	ssyncadd.s32 $0xFFFFC000  }
0x9d: {  	[tilespmem:s18], [sflag:$0x2] =	stream.indirect.gather [hbm4b:s4+s16], $0x80, s21, s16, $0xb8;
	[tilespmem:$0x1E800] =	vst v63  }
0x9e: {  	_ =	swait.ge [sflag:s19], $0x4000  }
0x9f: {  	[sflag:s19] =	ssyncset.done $0x0  }
0xa0: {  	[sflag:s19] =	ssyncadd.s32 $0xFFFFC000  }
0xa1: {  	[spmem:s1] =	stream.indirect.scatter.add.f32 [tilespmem:s17], [sflag:$0x3], $0x80, s22, s16, $0xb8;
	[tilespmem:$0x1E800] =	vst v63  }
0xa2: {  	_ =	swait.ge [sflag:s14], $0x4000  }
0xa3: {  	[sflag:s14] =	ssyncset.done $0x0  }
0xa4: {  	[sflag:s14] =	ssyncadd.s32 $0xFFFFC000  }
0xa5: {  	_ =	swait.ge [sflag:s20], $0x4000  }
0xa6: {  	[sflag:s20] =	ssyncset.done $0x0  }
0xa7: {  	[sflag:s20] =	ssyncadd.s32 $0xFFFFC000  }
0xa8: {  	[spmem:s1] =	stream.indirect.scatter.add.f32 [tilespmem:s18], [sflag:$0x3], $0x80, s23, s16, $0xb8;
	[tilespmem:$0x1E800] =	vst v63  }
0xa9: {  	_ =	swait.ge [sflag:s14], $0x4000  }
0xaa: {  	s24 =	sadd.s32 $0x1, s24;
	[sflag:s14] =	ssyncset.done $0x0  }
0xab: {  	p0 =	sne.s32 s24, s12;
	[sflag:s14] =	ssyncadd.s32 $0xFFFFC000  }
.Ltmp2:
0xac: {  	[bflag:$0x0] =	sbarrier.arrive $0xFFFF;
	(pc) =	sbr.rel @p0 .LBB2_1-.Ltmp2, $4  }
0xad: {  	[hbm:s11], [sflag:s6] =	dma.local [spmem:s13], $0x2800  }
0xae: {  	_ =	swait.ge [sflag:s14], $0x2800  }
0xaf: {  	[sflag:s14] =	ssyncset.done $0x0  }
0xb0: {  	[sflag:s14] =	ssyncadd.s32 $0xFFFFD800  }
0xb1: {  	_ =	sfence.sel $0x180000  }
0xb2: {  	[bflag:$0x0] =	sbarrier.arrive $0xFFFF  }
0xb3: {  	p0 =	sne.s32 s2, $0x0;
	_ =	strace $0x90000059  }
0xb4: {  	s0 =	sadd.s32 @!p0 $0x100000, s0;
	[bflag:$0x2] =	sbarrier.arrive $0xFFFF  }
0xb5: {  	[sflag:s0] =	ssyncadd.tile.s32 @!p0 $0x1;
	_ =	shalt  }
.Lfunc_end2:
_tile_overlayer_lowered:
.L_overlay_start_2:
0xb6: {  	(tag) =	ssettag $0x2  }
0xb7: {  	s0 =	rddreg [dreg:$0x0];
	s2 =	stileid.u32  }
0xb8: {  	s1 =	rddreg [dreg:$0x1];
	p0 =	sne.s32 s2, $0x0  }
0xb9: {  	s3 =	rddreg [dreg:$0x2];
	[bflag:$0x3] =	sbarrier.arrive $0xFFFF;
	s2 =	simm.s32 @!p0 $0x1C03  }
0xba: {  	[timem:s3], [sflag:s2] =	dma.local @!p0 [hbm:s0], s1  }
0xbb: {  	s0 =	simm.s32 @!p0 $0x3  }
0xbc: {  	_ =	swait.ge @!p0 [sflag:s0], s1  }
0xbd: {  	s1 =	ssub.s32 @!p0 $0x0, s1;
	[sflag:s0] =	ssyncset.done @!p0 $0x0  }
0xbe: {  	[sflag:s0] =	ssyncadd.s32 @!p0 s1  }
0xbf: {  	[bflag:$0x3] =	sbarrier.arrive $0xFFFF  }
0xc0: {  	_ =	shalt  }

</sc_bundles>
